<compile_context>
chip_gen: v7x
topology: tpu7x:2x2x1
jax: 0.10.2.dev20260603
libtpu: 0.0.44.dev20260713+nightly
codegen_flags: <defaults>
</compile_context>

<pallas_src>
import functools

import jax
import jax.numpy as jnp
from jax import lax
from jax.experimental import pallas as pl
from jax.experimental.pallas import tpu as pltpu
from jax.experimental.pallas import tpu_sc as plsc

NC = 2
NS = 16
NW = NC * NS

RW = 3200
ROWCAP = 64
NEG = -1


@functools.partial(jax.jit, static_argnums=(2, 3, 4, 5))
def _sc_stream_gather(tabT, idx1d, F, V, D, B):
  vfloor = (V // 128) * 128
  tailv = V - vfloor

  mesh = plsc.VectorSubcoreMesh(
      core_axis_name="c", subcore_axis_name="s", num_cores=NC, num_subcores=NS)

  @functools.partial(
      pl.kernel,
      out_type=jax.ShapeDtypeStruct((F, B, 128), jnp.float32),
      mesh=mesh,
      compiler_params=pltpu.CompilerParams(
          use_tc_tiling_on_sc=True, needs_layout_passes=False),
      scratch_types=[
          pltpu.VMEM((B,), jnp.int32),
          pltpu.VMEM((D, RW), jnp.float32),
          pltpu.VMEM((ROWCAP, 128), jnp.float32),
          pltpu.VMEM((ROWCAP,), jnp.int32),
          pltpu.VMEM((D, tailv), jnp.float32),
          pltpu.VMEM((16,), jnp.int32),
          pltpu.SemaphoreType.DMA,
          pltpu.SemaphoreType.DMA,
      ],
  )
  def k(tab_hbm, tail_hbm, idx_hbm, out_hbm, idxv, ch, rowbuf, bbuf, cht,
        colst, sem, sem2):
    wid = lax.axis_index("s") * NC + lax.axis_index("c")

    def reset_bbuf():
      for jj in range(ROWCAP // 16):
        bbuf[pl.ds(jj * 16, 16)] = jnp.full((16,), NEG, jnp.int32)

    reset_bbuf()

    def do_flush(f):
      pltpu.async_copy(
          rowbuf,
          out_hbm.at[f].at[plsc.Indices(bbuf, ignored_value=NEG)],
          sem2,
      ).wait()
      reset_bbuf()
      return jnp.int32(0)

    def extract(f, chunk, v0, nv, nh0):
      iota16 = lax.iota(jnp.int32, 16)
      U = 8

      def one_vreg(nh, iv, m, cnt, jj):
        nh = lax.cond(nh >= ROWCAP - 16, lambda: do_flush(f), lambda: nh)
        plsc.store_compressed(colst.at[...], iv - v0, mask=m)
        cvec = colst[...]
        pos = nh + plsc.cumsum(m.astype(jnp.int32)) - 1
        plsc.store_scatter(bbuf.at[...], [pos], iota16 + jj * 16, mask=m)

        def hit_body(l, nh):
          colv = jnp.take(cvec, jnp.full((16,), l, jnp.int32))
          r = nh + l
          rowbuf[r, pl.ds(0, 16)] = plsc.load_gather(
              chunk.at[...], [iota16, colv])
          rowbuf[r, pl.ds(16, 16)] = plsc.load_gather(
              chunk.at[...], [iota16 + 16, colv])
          return nh

        lax.fori_loop(0, cnt, hit_body, nh)
        return nh + cnt

      def group_body(g, nh):
        ivs, ms = [], []
        for t in range(U):
          iv = idxv[pl.ds((g * U + t) * 16, 16)]
          ivs.append(iv)
          ms.append((iv >= v0) & (iv < v0 + nv))
        m_any = ms[0]
        for t in range(1, U):
          m_any = m_any | ms[t]
        any_cnt = plsc.all_reduce_population_count(m_any)[0]

        def with_hits(nh):
          for t in range(U):
            cnt = plsc.all_reduce_population_count(ms[t])[0]
            nh = lax.cond(
                cnt > 0,
                functools.partial(one_vreg, iv=ivs[t], m=ms[t], cnt=cnt,
                                  jj=g * U + t),
                lambda n: n, nh)
          return nh

        return lax.cond(any_cnt > 0, with_hits, lambda n: n, nh)

      return lax.fori_loop(0, B // 16 // U, group_body, nh0)

    def per_field(f, carry):
      pltpu.sync_copy(idx_hbm.at[pl.ds(f * B, B)], idxv)

      v0 = pl.multiple_of(jnp.minimum(wid * RW, vfloor - RW), 128)
      h1, h2 = 1664, RW - 1664
      c1 = pltpu.async_copy(tab_hbm.at[f, :, pl.ds(v0, h1)],
                            ch.at[:, pl.ds(0, h1)], sem)
      v0b = pl.multiple_of(v0 + h1, 128)
      c2 = pltpu.async_copy(tab_hbm.at[f, :, pl.ds(v0b, h2)],
                            ch.at[:, pl.ds(h1, h2)], sem2)
      c1.wait()
      c2.wait()
      nh = extract(f, ch, v0, RW, jnp.int32(0))

      @pl.when(f == wid)
      def _():
        pltpu.sync_copy(tail_hbm.at[f], cht)

      nh = lax.cond(f == wid,
                    lambda n: extract(f, cht, jnp.int32(vfloor), tailv, n),
                    lambda n: n, nh)

      lax.cond(nh > 0, lambda: do_flush(f), lambda: jnp.int32(0))
      return carry

    lax.fori_loop(0, F, per_field, 0)

  tail_slab = lax.slice_in_dim(tabT, vfloor, V, axis=2)
  return k(tabT, tail_slab, idx1d)


def _fm_body(raw_ref, wt_ref, rt_ref, w3_ref, bias_ref, out_ref):
  D = w3_ref.shape[2]
  u = raw_ref[:, :, :D] * wt_ref[...][:, :, None]
  m = jnp.einsum("fg,gbd->fbd", rt_ref[...], u,
                 preferred_element_type=jnp.float32)
  t = u * (m + w3_ref[...])
  out_ref[...] = jnp.sum(t, axis=(0, 2)) + bias_ref[0]


@jax.jit
def _fm(raw, wt, rt, W3, bias):
  F, B, _ = raw.shape
  D = W3.shape[2]
  Bc = 512
  return pl.pallas_call(
      _fm_body,
      grid=(B // Bc,),
      in_specs=[
          pl.BlockSpec((F, Bc, 128), lambda i: (0, i, 0)),
          pl.BlockSpec((F, Bc), lambda i: (0, i)),
          pl.BlockSpec((F, F), lambda i: (0, 0)),
          pl.BlockSpec((F, 1, D), lambda i: (0, 0, 0)),
          pl.BlockSpec(memory_space=pltpu.SMEM),
      ],
      out_specs=pl.BlockSpec((Bc,), lambda i: (i,)),
      out_shape=jax.ShapeDtypeStruct((B,), jnp.float32),
  )(raw, wt, rt, W3, bias)


def kernel(idxs, weights, tables, W, r, bias):
  F, B, L = idxs.shape
  V, D = tables.shape[1], tables.shape[2]

  tabT = jnp.swapaxes(tables, 1, 2)
  idx1d = idxs[..., 0].astype(jnp.int32).reshape(F * B)

  raw = _sc_stream_gather(tabT, idx1d, F, V, D, B)

  wt = weights[..., 0]
  rt = jnp.triu(r, 1)
  W3 = W.reshape(F, 1, D)
  return _fm(raw, wt, rt, W3, bias)

# --- scband reference (transcript-rebuilt; emitter-appended) ---
"""Pipeline reference for scband-fw-fm-83897891160139 (READ-ONLY COPY).

The authoritative reference and input builder live on the scoring server;
editing this copy changes nothing except your own understanding.
"""

import jax, jax.numpy as jnp
import numpy as np

F = 26
B = 4096
L = 1
V = 100000
D = 32


def setup_inputs(seed: int = 0) -> dict:
    key = jax.random.key(seed)
    k1, k2, k3, k4, k5 = jax.random.split(key, 5)
    idxs = jax.random.randint(k1, (F, B, L), 0, V)
    weights = jax.random.uniform(k2, (F, B, L), dtype=jnp.float32)
    tables = jax.random.normal(k3, (F, V, D), dtype=jnp.float32) * 0.01
    W = jax.random.normal(k4, (1, F * D), dtype=jnp.float32)
    r = jnp.triu(jax.random.normal(k5, (F, F), dtype=jnp.float32), 1)
    bias = jnp.zeros((1,), dtype=jnp.float32)
    return {"idxs": idxs, "weights": weights, "tables": tables, "W": W, "r": r, "bias": bias}


def reference(idxs, weights, tables, W, r, bias):
    # Per-field embedding gather: tables[f][idxs[f]] -> [F, B, L, D]
    emb = jax.vmap(lambda t, i: jnp.take(t, i, axis=0))(tables, idxs)
    # Weighted bag-sum over L (keepdim in torch, then cat over fields) -> [B, F, D]
    vecs = (emb * weights[..., None]).sum(axis=2)
    vecs = jnp.transpose(vecs, (1, 0, 2))
    rt = jnp.triu(r, 1)
    lin = (vecs.reshape(vecs.shape[0], -1) @ W.T)[:, 0]
    pwise = (jnp.matmul(vecs, jnp.swapaxes(vecs, -1, -2)) * rt).sum(axis=(-1, -2))
    return bias[0] + lin + pwise

if __name__ == "__main__":
    import jax
    _d = setup_inputs()
    print(jax.jit(kernel)(*tuple(_d.values())))

</pallas_src>

<mosaic_0001>
#map = affine_map<(d0, d1) -> (0, 0, 0)>
#map1 = affine_map<(d0, d1) -> (0)>
module attributes {stable_mosaic.version = 14 : i64} {
  func.func @k(%arg0: i32, %arg1: i32, %arg2: memref<26x32x100000xf32, #tpu.memory_space<hbm>>, %arg3: memref<26x32x32xf32, #tpu.memory_space<hbm>>, %arg4: memref<106496xi32, #tpu.memory_space<hbm>>, %arg5: memref<26x4096x128xf32, #tpu.memory_space<hbm>>, %arg6: memref<4096xi32, #tpu.memory_space<vmem>>, %arg7: memref<32x3200xf32, #tpu.memory_space<vmem>>, %arg8: memref<64x128xf32, #tpu.memory_space<vmem>>, %arg9: memref<64xi32, #tpu.memory_space<vmem>>, %arg10: memref<32x32xf32, #tpu.memory_space<vmem>>, %arg11: memref<16xi32, #tpu.memory_space<vmem>>, %arg12: memref<!tpu.dma_semaphore, #tpu.memory_space<semaphore_mem>>, %arg13: memref<!tpu.dma_semaphore, #tpu.memory_space<semaphore_mem>>) attributes {dimension_semantics = [#tpu.dimension_semantics<core_parallel>, #tpu.dimension_semantics<subcore_parallel>], iteration_bounds = array<i64: 2, 16>, scalar_prefetch = 0 : i64, scratch_operands = 8 : i64, tpu.core_type = #tpu.core_type<sc_vector_subcore>, window_params = [{transform_indices = #map}, {transform_indices = #map}, {transform_indices = #map1}, {transform_indices = #map}]} {
    %mul3A = arith.constant 2 : i32
    %mul3A_0 = arith.muli %arg1, %mul3A : i32
    %add3A = arith.addi %mul3A_0, %arg0 : i32
    %broadcast_in_dim3A = arith.constant -1 : i32
    %broadcast_in_dim3A_1 = vector.broadcast %broadcast_in_dim3A : i32 to vector<16xi32>
    %swap3A = arith.constant 0 : index
    %swap3A_2 = tpu.vector_load %arg9[%swap3A] {strides = array<i32>} : memref<64xi32, #tpu.memory_space<vmem>>, vector<16xi32>,
    tpu.vector_store %arg9[%swap3A], %broadcast_in_dim3A_1 {strides = array<i32>} : memref<64xi32, #tpu.memory_space<vmem>>, vector<16xi32>,
    %broadcast_in_dim3A_3 = arith.constant -1 : i32
    %broadcast_in_dim3A_4 = vector.broadcast %broadcast_in_dim3A_3 : i32 to vector<16xi32>
    %swap3A_5 = arith.constant 16 : index
    %swap3A_6 = tpu.vector_load %arg9[%swap3A_5] {strides = array<i32>} : memref<64xi32, #tpu.memory_space<vmem>>, vector<16xi32>,
    tpu.vector_store %arg9[%swap3A_5], %broadcast_in_dim3A_4 {strides = array<i32>} : memref<64xi32, #tpu.memory_space<vmem>>, vector<16xi32>,
    %broadcast_in_dim3A_7 = arith.constant -1 : i32
    %broadcast_in_dim3A_8 = vector.broadcast %broadcast_in_dim3A_7 : i32 to vector<16xi32>
    %swap3A_9 = arith.constant 32 : index
    %swap3A_10 = tpu.vector_load %arg9[%swap3A_9] {strides = array<i32>} : memref<64xi32, #tpu.memory_space<vmem>>, vector<16xi32>,
    tpu.vector_store %arg9[%swap3A_9], %broadcast_in_dim3A_8 {strides = array<i32>} : memref<64xi32, #tpu.memory_space<vmem>>, vector<16xi32>,
    %broadcast_in_dim3A_11 = arith.constant -1 : i32
    %broadcast_in_dim3A_12 = vector.broadcast %broadcast_in_dim3A_11 : i32 to vector<16xi32>
    %swap3A_13 = arith.constant 48 : index
    %swap3A_14 = tpu.vector_load %arg9[%swap3A_13] {strides = array<i32>} : memref<64xi32, #tpu.memory_space<vmem>>, vector<16xi32>,
    tpu.vector_store %arg9[%swap3A_13], %broadcast_in_dim3A_12 {strides = array<i32>} : memref<64xi32, #tpu.memory_space<vmem>>, vector<16xi32>,
    %scan3A = arith.constant 0 : i32
    %scan3A_15 = arith.constant 0 : i32
    %scan3A_16 = arith.constant 26 : i32
    %scan3A_17 = arith.addi %scan3A_15, %scan3A_16 : i32
    %scan3A_18 = arith.constant 1 : i32
    scf.for %scan3A_20 = %scan3A_15 to %scan3A_17 step %scan3A_18  : i32 {
      %mul3A_21 = arith.constant 4096 : i32
      %mul3A_22 = arith.muli %scan3A_20, %mul3A_21 : i32
      "tpu.region"() ({
        %run_scoped3A = tpu.sem_alloc : memref<!tpu.dma_semaphore, #tpu.memory_space<semaphore_mem>>
        %dma_start3A_93 = tpu.memref_slice %arg4[%mul3A_22] : memref<106496xi32, #tpu.memory_space<hbm>> -> memref<4096xi32, #tpu.memory_space<hbm>>
        %dma_start3A_94 = tpu.memref_slice %arg4[%mul3A_22] : memref<106496xi32, #tpu.memory_space<hbm>> -> memref<4096xi32, #tpu.memory_space<hbm>>
        tpu.enqueue_dma source(%dma_start3A_94 : memref<4096xi32, #tpu.memory_space<hbm>>) target(%arg6 : memref<4096xi32, #tpu.memory_space<vmem>>) target_semaphore(%run_scoped3A : memref<!tpu.dma_semaphore, #tpu.memory_space<semaphore_mem>>)
        %dma_wait3A_95 = tpu.memref_slice %arg4[%mul3A_22] : memref<106496xi32, #tpu.memory_space<hbm>> -> memref<4096xi32, #tpu.memory_space<hbm>>
        %dma_wait3A_96 = tpu.memref_slice %arg4[%mul3A_22] : memref<106496xi32, #tpu.memory_space<hbm>> -> memref<4096xi32, #tpu.memory_space<hbm>>
        tpu.wait_dma2 semaphore(%run_scoped3A : memref<!tpu.dma_semaphore, #tpu.memory_space<semaphore_mem>>) src(%dma_wait3A_96 : memref<4096xi32, #tpu.memory_space<hbm>>) dst(%arg6 : memref<4096xi32, #tpu.memory_space<vmem>>)
        tpu.yield
      }) : () -> ()
      %mul3A_23 = arith.constant 3200 : i32
      %mul3A_24 = arith.muli %add3A, %mul3A_23 : i32
      %min3A = arith.constant 96768 : i32
      %min3A_25 = arith.minsi %mul3A_24, %min3A : i32
      %multiple_of3A = tpu.assume_multiple %min3A_25, 128 : i32
      %dma_start3A = arith.constant 0 : i32
      %dma_start3A_26 = arith.constant 0 : i32
      %dma_start3A_27 = tpu.memref_slice %arg7[%dma_start3A, %dma_start3A_26] : memref<32x3200xf32, #tpu.memory_space<vmem>> -> memref<32x1664xf32, #tpu.memory_space<vmem>>
      %dma_start3A_28 = arith.constant 0 : i32
      %dma_start3A_29 = tpu.memref_slice %arg2[%scan3A_20, %dma_start3A_28, %multiple_of3A] : memref<26x32x100000xf32, #tpu.memory_space<hbm>> -> memref<1x32x1664xf32, #tpu.memory_space<hbm>>
      %dma_start3A_30 = tpu.memref_squeeze %dma_start3A_29 : memref<1x32x1664xf32, #tpu.memory_space<hbm>> -> memref<32x1664xf32, #tpu.memory_space<hbm>>
      %dma_start3A_31 = arith.constant 0 : i32
      %dma_start3A_32 = arith.constant 0 : i32
      %dma_start3A_33 = tpu.memref_slice %arg7[%dma_start3A_31, %dma_start3A_32] : memref<32x3200xf32, #tpu.memory_space<vmem>> -> memref<32x1664xf32, #tpu.memory_space<vmem>>
      %dma_start3A_34 = arith.constant 0 : i32
      %dma_start3A_35 = tpu.memref_slice %arg2[%scan3A_20, %dma_start3A_34, %multiple_of3A] : memref<26x32x100000xf32, #tpu.memory_space<hbm>> -> memref<1x32x1664xf32, #tpu.memory_space<hbm>>
      %dma_start3A_36 = tpu.memref_squeeze %dma_start3A_35 : memref<1x32x1664xf32, #tpu.memory_space<hbm>> -> memref<32x1664xf32, #tpu.memory_space<hbm>>
      tpu.enqueue_dma source(%dma_start3A_36 : memref<32x1664xf32, #tpu.memory_space<hbm>>) target(%dma_start3A_33 : memref<32x1664xf32, #tpu.memory_space<vmem>>) target_semaphore(%arg12 : memref<!tpu.dma_semaphore, #tpu.memory_space<semaphore_mem>>)
      %add3A_37 = arith.constant 1664 : i32
      %add3A_38 = arith.addi %multiple_of3A, %add3A_37 : i32
      %multiple_of3A_39 = tpu.assume_multiple %add3A_38, 128 : i32
      %dma_start3A_40 = arith.constant 0 : i32
      %dma_start3A_41 = arith.constant 1664 : i32
      %dma_start3A_42 = tpu.memref_slice %arg7[%dma_start3A_40, %dma_start3A_41] : memref<32x3200xf32, #tpu.memory_space<vmem>> -> memref<32x1536xf32, #tpu.memory_space<vmem>>
      %dma_start3A_43 = arith.constant 0 : i32
      %dma_start3A_44 = tpu.memref_slice %arg2[%scan3A_20, %dma_start3A_43, %multiple_of3A_39] : memref<26x32x100000xf32, #tpu.memory_space<hbm>> -> memref<1x32x1536xf32, #tpu.memory_space<hbm>>
      %dma_start3A_45 = tpu.memref_squeeze %dma_start3A_44 : memref<1x32x1536xf32, #tpu.memory_space<hbm>> -> memref<32x1536xf32, #tpu.memory_space<hbm>>
      %dma_start3A_46 = arith.constant 0 : i32
      %dma_start3A_47 = arith.constant 1664 : i32
      %dma_start3A_48 = tpu.memref_slice %arg7[%dma_start3A_46, %dma_start3A_47] : memref<32x3200xf32, #tpu.memory_space<vmem>> -> memref<32x1536xf32, #tpu.memory_space<vmem>>
      %dma_start3A_49 = arith.constant 0 : i32
      %dma_start3A_50 = tpu.memref_slice %arg2[%scan3A_20, %dma_start3A_49, %multiple_of3A_39] : memref<26x32x100000xf32, #tpu.memory_space<hbm>> -> memref<1x32x1536xf32, #tpu.memory_space<hbm>>
      %dma_start3A_51 = tpu.memref_squeeze %dma_start3A_50 : memref<1x32x1536xf32, #tpu.memory_space<hbm>> -> memref<32x1536xf32, #tpu.memory_space<hbm>>
      tpu.enqueue_dma source(%dma_start3A_51 : memref<32x1536xf32, #tpu.memory_space<hbm>>) target(%dma_start3A_48 : memref<32x1536xf32, #tpu.memory_space<vmem>>) target_semaphore(%arg13 : memref<!tpu.dma_semaphore, #tpu.memory_space<semaphore_mem>>)
      %dma_wait3A = arith.constant 0 : i32
      %dma_wait3A_52 = arith.constant 0 : i32
      %dma_wait3A_53 = tpu.memref_slice %arg7[%dma_wait3A, %dma_wait3A_52] : memref<32x3200xf32, #tpu.memory_space<vmem>> -> memref<32x1664xf32, #tpu.memory_space<vmem>>
      %dma_wait3A_54 = arith.constant 0 : i32
      %dma_wait3A_55 = tpu.memref_slice %arg2[%scan3A_20, %dma_wait3A_54, %multiple_of3A] : memref<26x32x100000xf32, #tpu.memory_space<hbm>> -> memref<1x32x1664xf32, #tpu.memory_space<hbm>>
      %dma_wait3A_56 = tpu.memref_squeeze %dma_wait3A_55 : memref<1x32x1664xf32, #tpu.memory_space<hbm>> -> memref<32x1664xf32, #tpu.memory_space<hbm>>
      %dma_wait3A_57 = arith.constant 0 : i32
      %dma_wait3A_58 = arith.constant 0 : i32
      %dma_wait3A_59 = tpu.memref_slice %arg7[%dma_wait3A_57, %dma_wait3A_58] : memref<32x3200xf32, #tpu.memory_space<vmem>> -> memref<32x1664xf32, #tpu.memory_space<vmem>>
      %dma_wait3A_60 = arith.constant 0 : i32
      %dma_wait3A_61 = tpu.memref_slice %arg2[%scan3A_20, %dma_wait3A_60, %multiple_of3A] : memref<26x32x100000xf32, #tpu.memory_space<hbm>> -> memref<1x32x1664xf32, #tpu.memory_space<hbm>>
      %dma_wait3A_62 = tpu.memref_squeeze %dma_wait3A_61 : memref<1x32x1664xf32, #tpu.memory_space<hbm>> -> memref<32x1664xf32, #tpu.memory_space<hbm>>
      tpu.wait_dma2 semaphore(%arg12 : memref<!tpu.dma_semaphore, #tpu.memory_space<semaphore_mem>>) src(%dma_wait3A_62 : memref<32x1664xf32, #tpu.memory_space<hbm>>) dst(%dma_wait3A_59 : memref<32x1664xf32, #tpu.memory_space<vmem>>)
      %dma_wait3A_63 = arith.constant 0 : i32
      %dma_wait3A_64 = arith.constant 1664 : i32
      %dma_wait3A_65 = tpu.memref_slice %arg7[%dma_wait3A_63, %dma_wait3A_64] : memref<32x3200xf32, #tpu.memory_space<vmem>> -> memref<32x1536xf32, #tpu.memory_space<vmem>>
      %dma_wait3A_66 = arith.constant 0 : i32
      %dma_wait3A_67 = tpu.memref_slice %arg2[%scan3A_20, %dma_wait3A_66, %multiple_of3A_39] : memref<26x32x100000xf32, #tpu.memory_space<hbm>> -> memref<1x32x1536xf32, #tpu.memory_space<hbm>>
      %dma_wait3A_68 = tpu.memref_squeeze %dma_wait3A_67 : memref<1x32x1536xf32, #tpu.memory_space<hbm>> -> memref<32x1536xf32, #tpu.memory_space<hbm>>
      %dma_wait3A_69 = arith.constant 0 : i32
      %dma_wait3A_70 = arith.constant 1664 : i32
      %dma_wait3A_71 = tpu.memref_slice %arg7[%dma_wait3A_69, %dma_wait3A_70] : memref<32x3200xf32, #tpu.memory_space<vmem>> -> memref<32x1536xf32, #tpu.memory_space<vmem>>
      %dma_wait3A_72 = arith.constant 0 : i32
      %dma_wait3A_73 = tpu.memref_slice %arg2[%scan3A_20, %dma_wait3A_72, %multiple_of3A_39] : memref<26x32x100000xf32, #tpu.memory_space<hbm>> -> memref<1x32x1536xf32, #tpu.memory_space<hbm>>
      %dma_wait3A_74 = tpu.memref_squeeze %dma_wait3A_73 : memref<1x32x1536xf32, #tpu.memory_space<hbm>> -> memref<32x1536xf32, #tpu.memory_space<hbm>>
      tpu.wait_dma2 semaphore(%arg13 : memref<!tpu.dma_semaphore, #tpu.memory_space<semaphore_mem>>) src(%dma_wait3A_74 : memref<32x1536xf32, #tpu.memory_space<hbm>>) dst(%dma_wait3A_71 : memref<32x1536xf32, #tpu.memory_space<vmem>>)
      %iota3A = tpu.iota {dimensions = array<i32: 0>} : vector<16xi32>
      %scan3A_75 = arith.constant 0 : i32
      %scan3A_76 = arith.constant 0 : i32
      %scan3A_77 = arith.constant 32 : i32
      %scan3A_78 = arith.addi %scan3A_76, %scan3A_77 : i32
      %scan3A_79 = arith.constant 1 : i32
      %scan3A_80 = scf.for %scan3A_93 = %scan3A_76 to %scan3A_78 step %scan3A_79 iter_args(%scan3A_94 = %scan3A_75) -> (i32)  : i32 {
        %mul3A_95 = arith.constant 8 : i32
        %mul3A_96 = arith.muli %scan3A_93, %mul3A_95 : i32
        %add3A_97 = arith.constant 0 : i32
        %add3A_98 = arith.addi %mul3A_96, %add3A_97 : i32
        %mul3A_99 = arith.constant 16 : i32
        %mul3A_100 = arith.muli %add3A_98, %mul3A_99 : i32
        %get3A = arith.index_cast %mul3A_100 : i32 to index
        %get3A_101 = tpu.vector_load %arg6[%get3A] {strides = array<i32>} : memref<4096xi32, #tpu.memory_space<vmem>>, vector<16xi32>,
        %ge3A = vector.broadcast %multiple_of3A : i32 to vector<16xi32>
        %ge3A_102 = arith.cmpi sge, %get3A_101, %ge3A : vector<16xi32>
        %add3A_103 = arith.constant 3200 : i32
        %add3A_104 = arith.addi %multiple_of3A, %add3A_103 : i32
        %lt3A = vector.broadcast %add3A_104 : i32 to vector<16xi32>
        %lt3A_105 = arith.cmpi slt, %get3A_101, %lt3A : vector<16xi32>
        %and3A = arith.andi %ge3A_102, %lt3A_105 : vector<16xi1>
        %mul3A_106 = arith.constant 8 : i32
        %mul3A_107 = arith.muli %scan3A_93, %mul3A_106 : i32
        %add3A_108 = arith.constant 1 : i32
        %add3A_109 = arith.addi %mul3A_107, %add3A_108 : i32
        %mul3A_110 = arith.constant 16 : i32
        %mul3A_111 = arith.muli %add3A_109, %mul3A_110 : i32
        %get3A_112 = arith.index_cast %mul3A_111 : i32 to index
        %get3A_113 = tpu.vector_load %arg6[%get3A_112] {strides = array<i32>} : memref<4096xi32, #tpu.memory_space<vmem>>, vector<16xi32>,
        %ge3A_114 = vector.broadcast %multiple_of3A : i32 to vector<16xi32>
        %ge3A_115 = arith.cmpi sge, %get3A_113, %ge3A_114 : vector<16xi32>
        %add3A_116 = arith.constant 3200 : i32
        %add3A_117 = arith.addi %multiple_of3A, %add3A_116 : i32
        %lt3A_118 = vector.broadcast %add3A_117 : i32 to vector<16xi32>
        %lt3A_119 = arith.cmpi slt, %get3A_113, %lt3A_118 : vector<16xi32>
        %and3A_120 = arith.andi %ge3A_115, %lt3A_119 : vector<16xi1>
        %mul3A_121 = arith.constant 8 : i32
        %mul3A_122 = arith.muli %scan3A_93, %mul3A_121 : i32
        %add3A_123 = arith.constant 2 : i32
        %add3A_124 = arith.addi %mul3A_122, %add3A_123 : i32
        %mul3A_125 = arith.constant 16 : i32
        %mul3A_126 = arith.muli %add3A_124, %mul3A_125 : i32
        %get3A_127 = arith.index_cast %mul3A_126 : i32 to index
        %get3A_128 = tpu.vector_load %arg6[%get3A_127] {strides = array<i32>} : memref<4096xi32, #tpu.memory_space<vmem>>, vector<16xi32>,
        %ge3A_129 = vector.broadcast %multiple_of3A : i32 to vector<16xi32>
        %ge3A_130 = arith.cmpi sge, %get3A_128, %ge3A_129 : vector<16xi32>
        %add3A_131 = arith.constant 3200 : i32
        %add3A_132 = arith.addi %multiple_of3A, %add3A_131 : i32
        %lt3A_133 = vector.broadcast %add3A_132 : i32 to vector<16xi32>
        %lt3A_134 = arith.cmpi slt, %get3A_128, %lt3A_133 : vector<16xi32>
        %and3A_135 = arith.andi %ge3A_130, %lt3A_134 : vector<16xi1>
        %mul3A_136 = arith.constant 8 : i32
        %mul3A_137 = arith.muli %scan3A_93, %mul3A_136 : i32
        %add3A_138 = arith.constant 3 : i32
        %add3A_139 = arith.addi %mul3A_137, %add3A_138 : i32
        %mul3A_140 = arith.constant 16 : i32
        %mul3A_141 = arith.muli %add3A_139, %mul3A_140 : i32
        %get3A_142 = arith.index_cast %mul3A_141 : i32 to index
        %get3A_143 = tpu.vector_load %arg6[%get3A_142] {strides = array<i32>} : memref<4096xi32, #tpu.memory_space<vmem>>, vector<16xi32>,
        %ge3A_144 = vector.broadcast %multiple_of3A : i32 to vector<16xi32>
        %ge3A_145 = arith.cmpi sge, %get3A_143, %ge3A_144 : vector<16xi32>
        %add3A_146 = arith.constant 3200 : i32
        %add3A_147 = arith.addi %multiple_of3A, %add3A_146 : i32
        %lt3A_148 = vector.broadcast %add3A_147 : i32 to vector<16xi32>
        %lt3A_149 = arith.cmpi slt, %get3A_143, %lt3A_148 : vector<16xi32>
        %and3A_150 = arith.andi %ge3A_145, %lt3A_149 : vector<16xi1>
        %mul3A_151 = arith.constant 8 : i32
        %mul3A_152 = arith.muli %scan3A_93, %mul3A_151 : i32
        %add3A_153 = arith.constant 4 : i32
        %add3A_154 = arith.addi %mul3A_152, %add3A_153 : i32
        %mul3A_155 = arith.constant 16 : i32
        %mul3A_156 = arith.muli %add3A_154, %mul3A_155 : i32
        %get3A_157 = arith.index_cast %mul3A_156 : i32 to index
        %get3A_158 = tpu.vector_load %arg6[%get3A_157] {strides = array<i32>} : memref<4096xi32, #tpu.memory_space<vmem>>, vector<16xi32>,
        %ge3A_159 = vector.broadcast %multiple_of3A : i32 to vector<16xi32>
        %ge3A_160 = arith.cmpi sge, %get3A_158, %ge3A_159 : vector<16xi32>
        %add3A_161 = arith.constant 3200 : i32
        %add3A_162 = arith.addi %multiple_of3A, %add3A_161 : i32
        %lt3A_163 = vector.broadcast %add3A_162 : i32 to vector<16xi32>
        %lt3A_164 = arith.cmpi slt, %get3A_158, %lt3A_163 : vector<16xi32>
        %and3A_165 = arith.andi %ge3A_160, %lt3A_164 : vector<16xi1>
        %mul3A_166 = arith.constant 8 : i32
        %mul3A_167 = arith.muli %scan3A_93, %mul3A_166 : i32
        %add3A_168 = arith.constant 5 : i32
        %add3A_169 = arith.addi %mul3A_167, %add3A_168 : i32
        %mul3A_170 = arith.constant 16 : i32
        %mul3A_171 = arith.muli %add3A_169, %mul3A_170 : i32
        %get3A_172 = arith.index_cast %mul3A_171 : i32 to index
        %get3A_173 = tpu.vector_load %arg6[%get3A_172] {strides = array<i32>} : memref<4096xi32, #tpu.memory_space<vmem>>, vector<16xi32>,
        %ge3A_174 = vector.broadcast %multiple_of3A : i32 to vector<16xi32>
        %ge3A_175 = arith.cmpi sge, %get3A_173, %ge3A_174 : vector<16xi32>
        %add3A_176 = arith.constant 3200 : i32
        %add3A_177 = arith.addi %multiple_of3A, %add3A_176 : i32
        %lt3A_178 = vector.broadcast %add3A_177 : i32 to vector<16xi32>
        %lt3A_179 = arith.cmpi slt, %get3A_173, %lt3A_178 : vector<16xi32>
        %and3A_180 = arith.andi %ge3A_175, %lt3A_179 : vector<16xi1>
        %mul3A_181 = arith.constant 8 : i32
        %mul3A_182 = arith.muli %scan3A_93, %mul3A_181 : i32
        %add3A_183 = arith.constant 6 : i32
        %add3A_184 = arith.addi %mul3A_182, %add3A_183 : i32
        %mul3A_185 = arith.constant 16 : i32
        %mul3A_186 = arith.muli %add3A_184, %mul3A_185 : i32
        %get3A_187 = arith.index_cast %mul3A_186 : i32 to index
        %get3A_188 = tpu.vector_load %arg6[%get3A_187] {strides = array<i32>} : memref<4096xi32, #tpu.memory_space<vmem>>, vector<16xi32>,
        %ge3A_189 = vector.broadcast %multiple_of3A : i32 to vector<16xi32>
        %ge3A_190 = arith.cmpi sge, %get3A_188, %ge3A_189 : vector<16xi32>
        %add3A_191 = arith.constant 3200 : i32
        %add3A_192 = arith.addi %multiple_of3A, %add3A_191 : i32
        %lt3A_193 = vector.broadcast %add3A_192 : i32 to vector<16xi32>
        %lt3A_194 = arith.cmpi slt, %get3A_188, %lt3A_193 : vector<16xi32>
        %and3A_195 = arith.andi %ge3A_190, %lt3A_194 : vector<16xi1>
        %mul3A_196 = arith.constant 8 : i32
        %mul3A_197 = arith.muli %scan3A_93, %mul3A_196 : i32
        %add3A_198 = arith.constant 7 : i32
        %add3A_199 = arith.addi %mul3A_197, %add3A_198 : i32
        %mul3A_200 = arith.constant 16 : i32
        %mul3A_201 = arith.muli %add3A_199, %mul3A_200 : i32
        %get3A_202 = arith.index_cast %mul3A_201 : i32 to index
        %get3A_203 = tpu.vector_load %arg6[%get3A_202] {strides = array<i32>} : memref<4096xi32, #tpu.memory_space<vmem>>, vector<16xi32>,
        %ge3A_204 = vector.broadcast %multiple_of3A : i32 to vector<16xi32>
        %ge3A_205 = arith.cmpi sge, %get3A_203, %ge3A_204 : vector<16xi32>
        %add3A_206 = arith.constant 3200 : i32
        %add3A_207 = arith.addi %multiple_of3A, %add3A_206 : i32
        %lt3A_208 = vector.broadcast %add3A_207 : i32 to vector<16xi32>
        %lt3A_209 = arith.cmpi slt, %get3A_203, %lt3A_208 : vector<16xi32>
        %and3A_210 = arith.andi %ge3A_205, %lt3A_209 : vector<16xi1>
        %or3A = arith.ori %and3A, %and3A_120 : vector<16xi1>
        %or3A_211 = arith.ori %or3A, %and3A_135 : vector<16xi1>
        %or3A_212 = arith.ori %or3A_211, %and3A_150 : vector<16xi1>
        %or3A_213 = arith.ori %or3A_212, %and3A_165 : vector<16xi1>
        %or3A_214 = arith.ori %or3A_213, %and3A_180 : vector<16xi1>
        %or3A_215 = arith.ori %or3A_214, %and3A_195 : vector<16xi1>
        %or3A_216 = arith.ori %or3A_215, %and3A_210 : vector<16xi1>
        %all_reduce_population_count3A = tpu.all_reduce %or3A_216 {dim = 0 : i64, kind = #tpu.reduction_kind<sum>} : vector<16xi1> -> vector<16xi32>
        %slice3A = vector.extract_strided_slice %all_reduce_population_count3A {offsets = [0], sizes = [1], strides = [1]} : vector<16xi32> to vector<1xi32>
        %squeeze3A = vector.extract %slice3A[0] : i32 from vector<1xi32>
        %gt3A_217 = arith.constant 0 : i32
        %gt3A_218 = arith.cmpi sgt, %squeeze3A, %gt3A_217 : i32
        %convert_element_type3A_219 = arith.extui %gt3A_218 : i1 to i32
        %cond3A_220 = arith.constant 0 : i32
        %cond3A_221 = arith.cmpi ne, %convert_element_type3A_219, %cond3A_220 : i32
        %cond3A_222 = scf.if %cond3A_221 -> (i32) {
          %all_reduce_population_count3A_223 = tpu.all_reduce %and3A {dim = 0 : i64, kind = #tpu.reduction_kind<sum>} : vector<16xi1> -> vector<16xi32>
          %slice3A_224 = vector.extract_strided_slice %all_reduce_population_count3A_223 {offsets = [0], sizes = [1], strides = [1]} : vector<16xi32> to vector<1xi32>
          %squeeze3A_225 = vector.extract %slice3A_224[0] : i32 from vector<1xi32>
          %gt3A_226 = arith.constant 0 : i32
          %gt3A_227 = arith.cmpi sgt, %squeeze3A_225, %gt3A_226 : i32
          %mul3A_228 = arith.constant 8 : i32
          %mul3A_229 = arith.muli %scan3A_93, %mul3A_228 : i32
          %add3A_230 = arith.constant 0 : i32
          %add3A_231 = arith.addi %mul3A_229, %add3A_230 : i32
          %convert_element_type3A_232 = arith.extui %gt3A_227 : i1 to i32
          %cond3A_233 = arith.constant 0 : i32
          %cond3A_234 = arith.cmpi ne, %convert_element_type3A_232, %cond3A_233 : i32
          %cond3A_235 = scf.if %cond3A_234 -> (i32) {
            %ge3A_327 = arith.constant 48 : i32
            %ge3A_328 = arith.cmpi sge, %scan3A_94, %ge3A_327 : i32
            %convert_element_type3A_329 = arith.extui %ge3A_328 : i1 to i32
            %cond3A_330 = arith.constant 0 : i32
            %cond3A_331 = arith.cmpi ne, %convert_element_type3A_329, %cond3A_330 : i32
            %cond3A_332 = scf.if %cond3A_331 -> (i32) {
              %dma_start3A_360 = arith.constant 0 : i32
              %dma_start3A_361 = arith.constant 0 : i32
              %dma_start3A_362 = tpu.memref_slice %arg5[%scan3A_20, %dma_start3A_360, %dma_start3A_361] : memref<26x4096x128xf32, #tpu.memory_space<hbm>> -> memref<1x4096x128xf32, #tpu.memory_space<hbm>>
              %dma_start3A_363 = tpu.memref_squeeze %dma_start3A_362 : memref<1x4096x128xf32, #tpu.memory_space<hbm>> -> memref<4096x128xf32, #tpu.memory_space<hbm>>
              %dma_start3A_364 = arith.constant 0 : i32
              %dma_start3A_365 = arith.constant 0 : i32
              %dma_start3A_366 = tpu.memref_slice %dma_start3A_363[%dma_start3A_364, %dma_start3A_365] : memref<4096x128xf32, #tpu.memory_space<hbm>> -> memref<4096x128xf32, #tpu.memory_space<hbm>>
              %dma_start3A_367 = arith.constant -1 : i32
              tpu.enqueue_indirect_dma source(%arg8 : memref<64x128xf32, #tpu.memory_space<vmem>>) target(%dma_start3A_366 : memref<4096x128xf32, #tpu.memory_space<hbm>>) offsets(%arg9 : memref<64xi32, #tpu.memory_space<vmem>>) offset_filter(%dma_start3A_367) semaphore(%arg13 : memref<!tpu.dma_semaphore, #tpu.memory_space<semaphore_mem>>)
              %dma_wait3A_368 = arith.constant 0 : i32
              %dma_wait3A_369 = arith.constant 0 : i32
              %dma_wait3A_370 = tpu.memref_slice %arg5[%scan3A_20, %dma_wait3A_368, %dma_wait3A_369] : memref<26x4096x128xf32, #tpu.memory_space<hbm>> -> memref<1x4096x128xf32, #tpu.memory_space<hbm>>
              %dma_wait3A_371 = tpu.memref_squeeze %dma_wait3A_370 : memref<1x4096x128xf32, #tpu.memory_space<hbm>> -> memref<4096x128xf32, #tpu.memory_space<hbm>>
              %dma_wait3A_372 = arith.constant 0 : i32
              %dma_wait3A_373 = arith.constant 0 : i32
              %dma_wait3A_374 = tpu.memref_slice %dma_wait3A_371[%dma_wait3A_372, %dma_wait3A_373] : memref<4096x128xf32, #tpu.memory_space<hbm>> -> memref<4096x128xf32, #tpu.memory_space<hbm>>
              tpu.wait_indirect_dma semaphore(%arg13 : memref<!tpu.dma_semaphore, #tpu.memory_space<semaphore_mem>>) src(%arg8 : memref<64x128xf32, #tpu.memory_space<vmem>>) dst(%dma_wait3A_374 : memref<4096x128xf32, #tpu.memory_space<hbm>>)
              %broadcast_in_dim3A_375 = arith.constant -1 : i32
              %broadcast_in_dim3A_376 = vector.broadcast %broadcast_in_dim3A_375 : i32 to vector<16xi32>
              %swap3A_377 = arith.constant 0 : index
              %swap3A_378 = tpu.vector_load %arg9[%swap3A_377] {strides = array<i32>} : memref<64xi32, #tpu.memory_space<vmem>>, vector<16xi32>,
              tpu.vector_store %arg9[%swap3A_377], %broadcast_in_dim3A_376 {strides = array<i32>} : memref<64xi32, #tpu.memory_space<vmem>>, vector<16xi32>,
              %broadcast_in_dim3A_379 = arith.constant -1 : i32
              %broadcast_in_dim3A_380 = vector.broadcast %broadcast_in_dim3A_379 : i32 to vector<16xi32>
              %swap3A_381 = arith.constant 16 : index
              %swap3A_382 = tpu.vector_load %arg9[%swap3A_381] {strides = array<i32>} : memref<64xi32, #tpu.memory_space<vmem>>, vector<16xi32>,
              tpu.vector_store %arg9[%swap3A_381], %broadcast_in_dim3A_380 {strides = array<i32>} : memref<64xi32, #tpu.memory_space<vmem>>, vector<16xi32>,
              %broadcast_in_dim3A_383 = arith.constant -1 : i32
              %broadcast_in_dim3A_384 = vector.broadcast %broadcast_in_dim3A_383 : i32 to vector<16xi32>
              %swap3A_385 = arith.constant 32 : index
              %swap3A_386 = tpu.vector_load %arg9[%swap3A_385] {strides = array<i32>} : memref<64xi32, #tpu.memory_space<vmem>>, vector<16xi32>,
              tpu.vector_store %arg9[%swap3A_385], %broadcast_in_dim3A_384 {strides = array<i32>} : memref<64xi32, #tpu.memory_space<vmem>>, vector<16xi32>,
              %broadcast_in_dim3A_387 = arith.constant -1 : i32
              %broadcast_in_dim3A_388 = vector.broadcast %broadcast_in_dim3A_387 : i32 to vector<16xi32>
              %swap3A_389 = arith.constant 48 : index
              %swap3A_390 = tpu.vector_load %arg9[%swap3A_389] {strides = array<i32>} : memref<64xi32, #tpu.memory_space<vmem>>, vector<16xi32>,
              tpu.vector_store %arg9[%swap3A_389], %broadcast_in_dim3A_388 {strides = array<i32>} : memref<64xi32, #tpu.memory_space<vmem>>, vector<16xi32>,
              %cond3A_391 = arith.constant 0 : i32
              scf.yield %cond3A_391 : i32
            } else {
              scf.yield %scan3A_94 : i32
            }
            %sub3A = vector.broadcast %multiple_of3A : i32 to vector<16xi32>
            %sub3A_333 = arith.subi %get3A_101, %sub3A : vector<16xi32>
            %swap3A_334 = arith.constant 0 : index
            %swap3A_335 = tpu.vector_load %arg11[%swap3A_334] masked %and3A {strides = array<i32>} : memref<16xi32, #tpu.memory_space<vmem>>, vector<16xi32>, vector<16xi1>
            tpu.vector_store %arg11[%swap3A_334], %sub3A_333 masked %and3A {strides = array<i32>} : memref<16xi32, #tpu.memory_space<vmem>>, vector<16xi32>, vector<16xi1>
            %get3A_336 = arith.constant 0 : index
            %get3A_337 = tpu.vector_load %arg11[%get3A_336] {strides = array<i32>} : memref<16xi32, #tpu.memory_space<vmem>>, vector<16xi32>,
            %convert_element_type3A_338 = arith.extui %and3A : vector<16xi1> to vector<16xi32>
            %broadcast_in_dim3A_339 = arith.constant true
            %broadcast_in_dim3A_340 = vector.broadcast %broadcast_in_dim3A_339 : i1 to vector<16xi1>
            %masked_cumsum3A = tpu.scan <sum>, %convert_element_type3A_338 masked %broadcast_in_dim3A_340 : vector<16xi32>, vector<16xi1> -> vector<16xi32>
            %add3A_341 = vector.broadcast %cond3A_332 : i32 to vector<16xi32>
            %add3A_342 = arith.addi %add3A_341, %masked_cumsum3A : vector<16xi32>
            %sub3A_343 = arith.constant 1 : i32
            %sub3A_344 = vector.broadcast %sub3A_343 : i32 to vector<16xi32>
            %sub3A_345 = arith.subi %add3A_342, %sub3A_344 : vector<16xi32>
            %mul3A_346 = arith.constant 16 : i32
            %mul3A_347 = arith.muli %add3A_231, %mul3A_346 : i32
            %add3A_348 = vector.broadcast %mul3A_347 : i32 to vector<16xi32>
            %add3A_349 = arith.addi %iota3A, %add3A_348 : vector<16xi32>
            %scatter3A = arith.constant 0 : i32
            %scatter3A_350 = tpu.memref_slice %arg9[%scatter3A] : memref<64xi32, #tpu.memory_space<vmem>> -> memref<64xi32, #tpu.memory_space<vmem>>
            tpu.vector_store_idx %scatter3A_350[%sub3A_345], %add3A_349 masked %and3A : memref<64xi32, #tpu.memory_space<vmem>>[vector<16xi32>], vector<16xi32>, vector<16xi1>
            %while3A = arith.constant 0 : i32
            %while3A_351 = arith.subi %squeeze3A_225, %while3A : i32
            %while3A_352 = arith.addi %while3A, %while3A_351 : i32
            %while3A_353 = arith.constant 1 : i32
            %while3A_354 = arith.divsi %while3A_351, %while3A_353 : i32
            %while3A_355 = arith.muli %while3A_354, %while3A_353 : i32
            %while3A_356 = arith.addi %while3A, %while3A_355 : i32
            %while3A_357 = arith.constant 1 : i32
            scf.for %while3A_360 = %while3A to %while3A_356 step %while3A_357  : i32 {
              %broadcast_in_dim3A_361 = vector.broadcast %while3A_360 : i32 to vector<16xi32>
              %lt3A_362 = arith.constant 0 : i32
              %lt3A_363 = vector.broadcast %lt3A_362 : i32 to vector<16xi32>
              %lt3A_364 = arith.cmpi slt, %broadcast_in_dim3A_361, %lt3A_363 : vector<16xi32>
              %add3A_365 = arith.constant 16 : i32
              %add3A_366 = vector.broadcast %add3A_365 : i32 to vector<16xi32>
              %add3A_367 = arith.addi %broadcast_in_dim3A_361, %add3A_366 : vector<16xi32>
              %select_n3A = arith.select %lt3A_364, %add3A_367, %broadcast_in_dim3A_361 : vector<16xi1>, vector<16xi32>
              %broadcast_in_dim3A_368 = vector.shape_cast %select_n3A : vector<16xi32> to vector<16x1xi32>
              %gather3A = vector.shape_cast %broadcast_in_dim3A_368 : vector<16x1xi32> to vector<16xi32>
              %gather3A_369 = tpu.dynamic_gather %get3A_337[%gather3A] in [0] : vector<16xi32>, vector<16xi32> -> vector<16xi32>
              %add3A_370 = arith.addi %cond3A_332, %while3A_360 : i32
              %gather3A_371 = arith.constant 0 : i32
              %gather3A_372 = arith.constant 0 : i32
              %gather3A_373 = tpu.memref_slice %arg7[%gather3A_371, %gather3A_372] : memref<32x3200xf32, #tpu.memory_space<vmem>> -> memref<32x3200xf32, #tpu.memory_space<vmem>>
              %gather3A_374 = tpu.vector_load_idx %gather3A_373[%iota3A, %gather3A_369] : memref<32x3200xf32, #tpu.memory_space<vmem>>[vector<16xi32>, vector<16xi32>], vector<16xf32>,
              %swap3A_375 = arith.index_cast %add3A_370 : i32 to index
              %swap3A_376 = arith.constant 0 : index
              %swap3A_377 = tpu.vector_load %arg8[%swap3A_375, %swap3A_376] {strides = array<i32>} : memref<64x128xf32, #tpu.memory_space<vmem>>, vector<16xf32>,
              tpu.vector_store %arg8[%swap3A_375, %swap3A_376], %gather3A_374 {strides = array<i32>} : memref<64x128xf32, #tpu.memory_space<vmem>>, vector<16xf32>,
              %add3A_378 = arith.constant 16 : i32
              %add3A_379 = vector.broadcast %add3A_378 : i32 to vector<16xi32>
              %add3A_380 = arith.addi %iota3A, %add3A_379 : vector<16xi32>
              %gather3A_381 = arith.constant 0 : i32
              %gather3A_382 = arith.constant 0 : i32
              %gather3A_383 = tpu.memref_slice %arg7[%gather3A_381, %gather3A_382] : memref<32x3200xf32, #tpu.memory_space<vmem>> -> memref<32x3200xf32, #tpu.memory_space<vmem>>
              %gather3A_384 = tpu.vector_load_idx %gather3A_383[%add3A_380, %gather3A_369] : memref<32x3200xf32, #tpu.memory_space<vmem>>[vector<16xi32>, vector<16xi32>], vector<16xf32>,
              %swap3A_385 = arith.index_cast %add3A_370 : i32 to index
              %swap3A_386 = arith.constant 16 : index
              %swap3A_387 = tpu.vector_load %arg8[%swap3A_385, %swap3A_386] {strides = array<i32>} : memref<64x128xf32, #tpu.memory_space<vmem>>, vector<16xf32>,
              tpu.vector_store %arg8[%swap3A_385, %swap3A_386], %gather3A_384 {strides = array<i32>} : memref<64x128xf32, #tpu.memory_space<vmem>>, vector<16xf32>,
            }
            %while3A_358 = arith.constant 1 : i32
            scf.for %while3A_360 = %while3A_356 to %while3A_352 step %while3A_358  : i32 {
              %broadcast_in_dim3A_361 = vector.broadcast %while3A_360 : i32 to vector<16xi32>
              %lt3A_362 = arith.constant 0 : i32
              %lt3A_363 = vector.broadcast %lt3A_362 : i32 to vector<16xi32>
              %lt3A_364 = arith.cmpi slt, %broadcast_in_dim3A_361, %lt3A_363 : vector<16xi32>
              %add3A_365 = arith.constant 16 : i32
              %add3A_366 = vector.broadcast %add3A_365 : i32 to vector<16xi32>
              %add3A_367 = arith.addi %broadcast_in_dim3A_361, %add3A_366 : vector<16xi32>
              %select_n3A = arith.select %lt3A_364, %add3A_367, %broadcast_in_dim3A_361 : vector<16xi1>, vector<16xi32>
              %broadcast_in_dim3A_368 = vector.shape_cast %select_n3A : vector<16xi32> to vector<16x1xi32>
              %gather3A = vector.shape_cast %broadcast_in_dim3A_368 : vector<16x1xi32> to vector<16xi32>
              %gather3A_369 = tpu.dynamic_gather %get3A_337[%gather3A] in [0] : vector<16xi32>, vector<16xi32> -> vector<16xi32>
              %add3A_370 = arith.addi %cond3A_332, %while3A_360 : i32
              %gather3A_371 = arith.constant 0 : i32
              %gather3A_372 = arith.constant 0 : i32
              %gather3A_373 = tpu.memref_slice %arg7[%gather3A_371, %gather3A_372] : memref<32x3200xf32, #tpu.memory_space<vmem>> -> memref<32x3200xf32, #tpu.memory_space<vmem>>
              %gather3A_374 = tpu.vector_load_idx %gather3A_373[%iota3A, %gather3A_369] : memref<32x3200xf32, #tpu.memory_space<vmem>>[vector<16xi32>, vector<16xi32>], vector<16xf32>,
              %swap3A_375 = arith.index_cast %add3A_370 : i32 to index
              %swap3A_376 = arith.constant 0 : index
              %swap3A_377 = tpu.vector_load %arg8[%swap3A_375, %swap3A_376] {strides = array<i32>} : memref<64x128xf32, #tpu.memory_space<vmem>>, vector<16xf32>,
              tpu.vector_store %arg8[%swap3A_375, %swap3A_376], %gather3A_374 {strides = array<i32>} : memref<64x128xf32, #tpu.memory_space<vmem>>, vector<16xf32>,
              %add3A_378 = arith.constant 16 : i32
              %add3A_379 = vector.broadcast %add3A_378 : i32 to vector<16xi32>
              %add3A_380 = arith.addi %iota3A, %add3A_379 : vector<16xi32>
              %gather3A_381 = arith.constant 0 : i32
              %gather3A_382 = arith.constant 0 : i32
              %gather3A_383 = tpu.memref_slice %arg7[%gather3A_381, %gather3A_382] : memref<32x3200xf32, #tpu.memory_space<vmem>> -> memref<32x3200xf32, #tpu.memory_space<vmem>>
              %gather3A_384 = tpu.vector_load_idx %gather3A_383[%add3A_380, %gather3A_369] : memref<32x3200xf32, #tpu.memory_space<vmem>>[vector<16xi32>, vector<16xi32>], vector<16xf32>,
              %swap3A_385 = arith.index_cast %add3A_370 : i32 to index
              %swap3A_386 = arith.constant 16 : index
              %swap3A_387 = tpu.vector_load %arg8[%swap3A_385, %swap3A_386] {strides = array<i32>} : memref<64x128xf32, #tpu.memory_space<vmem>>, vector<16xf32>,
              tpu.vector_store %arg8[%swap3A_385, %swap3A_386], %gather3A_384 {strides = array<i32>} : memref<64x128xf32, #tpu.memory_space<vmem>>, vector<16xf32>,
            }
            %add3A_359 = arith.addi %cond3A_332, %squeeze3A_225 : i32
            scf.yield %add3A_359 : i32
          } else {
            scf.yield %scan3A_94 : i32
          }
          %all_reduce_population_count3A_236 = tpu.all_reduce %and3A_120 {dim = 0 : i64, kind = #tpu.reduction_kind<sum>} : vector<16xi1> -> vector<16xi32>
          %slice3A_237 = vector.extract_strided_slice %all_reduce_population_count3A_236 {offsets = [0], sizes = [1], strides = [1]} : vector<16xi32> to vector<1xi32>
          %squeeze3A_238 = vector.extract %slice3A_237[0] : i32 from vector<1xi32>
          %gt3A_239 = arith.constant 0 : i32
          %gt3A_240 = arith.cmpi sgt, %squeeze3A_238, %gt3A_239 : i32
          %mul3A_241 = arith.constant 8 : i32
          %mul3A_242 = arith.muli %scan3A_93, %mul3A_241 : i32
          %add3A_243 = arith.constant 1 : i32
          %add3A_244 = arith.addi %mul3A_242, %add3A_243 : i32
          %convert_element_type3A_245 = arith.extui %gt3A_240 : i1 to i32
          %cond3A_246 = arith.constant 0 : i32
          %cond3A_247 = arith.cmpi ne, %convert_element_type3A_245, %cond3A_246 : i32
          %cond3A_248 = scf.if %cond3A_247 -> (i32) {
            %ge3A_327 = arith.constant 48 : i32
            %ge3A_328 = arith.cmpi sge, %cond3A_235, %ge3A_327 : i32
            %convert_element_type3A_329 = arith.extui %ge3A_328 : i1 to i32
            %cond3A_330 = arith.constant 0 : i32
            %cond3A_331 = arith.cmpi ne, %convert_element_type3A_329, %cond3A_330 : i32
            %cond3A_332 = scf.if %cond3A_331 -> (i32) {
              %dma_start3A_360 = arith.constant 0 : i32
              %dma_start3A_361 = arith.constant 0 : i32
              %dma_start3A_362 = tpu.memref_slice %arg5[%scan3A_20, %dma_start3A_360, %dma_start3A_361] : memref<26x4096x128xf32, #tpu.memory_space<hbm>> -> memref<1x4096x128xf32, #tpu.memory_space<hbm>>
              %dma_start3A_363 = tpu.memref_squeeze %dma_start3A_362 : memref<1x4096x128xf32, #tpu.memory_space<hbm>> -> memref<4096x128xf32, #tpu.memory_space<hbm>>
              %dma_start3A_364 = arith.constant 0 : i32
              %dma_start3A_365 = arith.constant 0 : i32
              %dma_start3A_366 = tpu.memref_slice %dma_start3A_363[%dma_start3A_364, %dma_start3A_365] : memref<4096x128xf32, #tpu.memory_space<hbm>> -> memref<4096x128xf32, #tpu.memory_space<hbm>>
              %dma_start3A_367 = arith.constant -1 : i32
              tpu.enqueue_indirect_dma source(%arg8 : memref<64x128xf32, #tpu.memory_space<vmem>>) target(%dma_start3A_366 : memref<4096x128xf32, #tpu.memory_space<hbm>>) offsets(%arg9 : memref<64xi32, #tpu.memory_space<vmem>>) offset_filter(%dma_start3A_367) semaphore(%arg13 : memref<!tpu.dma_semaphore, #tpu.memory_space<semaphore_mem>>)
              %dma_wait3A_368 = arith.constant 0 : i32
              %dma_wait3A_369 = arith.constant 0 : i32
              %dma_wait3A_370 = tpu.memref_slice %arg5[%scan3A_20, %dma_wait3A_368, %dma_wait3A_369] : memref<26x4096x128xf32, #tpu.memory_space<hbm>> -> memref<1x4096x128xf32, #tpu.memory_space<hbm>>
              %dma_wait3A_371 = tpu.memref_squeeze %dma_wait3A_370 : memref<1x4096x128xf32, #tpu.memory_space<hbm>> -> memref<4096x128xf32, #tpu.memory_space<hbm>>
              %dma_wait3A_372 = arith.constant 0 : i32
              %dma_wait3A_373 = arith.constant 0 : i32
              %dma_wait3A_374 = tpu.memref_slice %dma_wait3A_371[%dma_wait3A_372, %dma_wait3A_373] : memref<4096x128xf32, #tpu.memory_space<hbm>> -> memref<4096x128xf32, #tpu.memory_space<hbm>>
              tpu.wait_indirect_dma semaphore(%arg13 : memref<!tpu.dma_semaphore, #tpu.memory_space<semaphore_mem>>) src(%arg8 : memref<64x128xf32, #tpu.memory_space<vmem>>) dst(%dma_wait3A_374 : memref<4096x128xf32, #tpu.memory_space<hbm>>)
              %broadcast_in_dim3A_375 = arith.constant -1 : i32
              %broadcast_in_dim3A_376 = vector.broadcast %broadcast_in_dim3A_375 : i32 to vector<16xi32>
              %swap3A_377 = arith.constant 0 : index
              %swap3A_378 = tpu.vector_load %arg9[%swap3A_377] {strides = array<i32>} : memref<64xi32, #tpu.memory_space<vmem>>, vector<16xi32>,
              tpu.vector_store %arg9[%swap3A_377], %broadcast_in_dim3A_376 {strides = array<i32>} : memref<64xi32, #tpu.memory_space<vmem>>, vector<16xi32>,
              %broadcast_in_dim3A_379 = arith.constant -1 : i32
              %broadcast_in_dim3A_380 = vector.broadcast %broadcast_in_dim3A_379 : i32 to vector<16xi32>
              %swap3A_381 = arith.constant 16 : index
              %swap3A_382 = tpu.vector_load %arg9[%swap3A_381] {strides = array<i32>} : memref<64xi32, #tpu.memory_space<vmem>>, vector<16xi32>,
              tpu.vector_store %arg9[%swap3A_381], %broadcast_in_dim3A_380 {strides = array<i32>} : memref<64xi32, #tpu.memory_space<vmem>>, vector<16xi32>,
              %broadcast_in_dim3A_383 = arith.constant -1 : i32
              %broadcast_in_dim3A_384 = vector.broadcast %broadcast_in_dim3A_383 : i32 to vector<16xi32>
              %swap3A_385 = arith.constant 32 : index
              %swap3A_386 = tpu.vector_load %arg9[%swap3A_385] {strides = array<i32>} : memref<64xi32, #tpu.memory_space<vmem>>, vector<16xi32>,
              tpu.vector_store %arg9[%swap3A_385], %broadcast_in_dim3A_384 {strides = array<i32>} : memref<64xi32, #tpu.memory_space<vmem>>, vector<16xi32>,
              %broadcast_in_dim3A_387 = arith.constant -1 : i32
              %broadcast_in_dim3A_388 = vector.broadcast %broadcast_in_dim3A_387 : i32 to vector<16xi32>
              %swap3A_389 = arith.constant 48 : index
              %swap3A_390 = tpu.vector_load %arg9[%swap3A_389] {strides = array<i32>} : memref<64xi32, #tpu.memory_space<vmem>>, vector<16xi32>,
              tpu.vector_store %arg9[%swap3A_389], %broadcast_in_dim3A_388 {strides = array<i32>} : memref<64xi32, #tpu.memory_space<vmem>>, vector<16xi32>,
              %cond3A_391 = arith.constant 0 : i32
              scf.yield %cond3A_391 : i32
            } else {
              scf.yield %cond3A_235 : i32
            }
            %sub3A = vector.broadcast %multiple_of3A : i32 to vector<16xi32>
            %sub3A_333 = arith.subi %get3A_113, %sub3A : vector<16xi32>
            %swap3A_334 = arith.constant 0 : index
            %swap3A_335 = tpu.vector_load %arg11[%swap3A_334] masked %and3A_120 {strides = array<i32>} : memref<16xi32, #tpu.memory_space<vmem>>, vector<16xi32>, vector<16xi1>
            tpu.vector_store %arg11[%swap3A_334], %sub3A_333 masked %and3A_120 {strides = array<i32>} : memref<16xi32, #tpu.memory_space<vmem>>, vector<16xi32>, vector<16xi1>
            %get3A_336 = arith.constant 0 : index
            %get3A_337 = tpu.vector_load %arg11[%get3A_336] {strides = array<i32>} : memref<16xi32, #tpu.memory_space<vmem>>, vector<16xi32>,
            %convert_element_type3A_338 = arith.extui %and3A_120 : vector<16xi1> to vector<16xi32>
            %broadcast_in_dim3A_339 = arith.constant true
            %broadcast_in_dim3A_340 = vector.broadcast %broadcast_in_dim3A_339 : i1 to vector<16xi1>
            %masked_cumsum3A = tpu.scan <sum>, %convert_element_type3A_338 masked %broadcast_in_dim3A_340 : vector<16xi32>, vector<16xi1> -> vector<16xi32>
            %add3A_341 = vector.broadcast %cond3A_332 : i32 to vector<16xi32>
            %add3A_342 = arith.addi %add3A_341, %masked_cumsum3A : vector<16xi32>
            %sub3A_343 = arith.constant 1 : i32
            %sub3A_344 = vector.broadcast %sub3A_343 : i32 to vector<16xi32>
            %sub3A_345 = arith.subi %add3A_342, %sub3A_344 : vector<16xi32>
            %mul3A_346 = arith.constant 16 : i32
            %mul3A_347 = arith.muli %add3A_244, %mul3A_346 : i32
            %add3A_348 = vector.broadcast %mul3A_347 : i32 to vector<16xi32>
            %add3A_349 = arith.addi %iota3A, %add3A_348 : vector<16xi32>
            %scatter3A = arith.constant 0 : i32
            %scatter3A_350 = tpu.memref_slice %arg9[%scatter3A] : memref<64xi32, #tpu.memory_space<vmem>> -> memref<64xi32, #tpu.memory_space<vmem>>
            tpu.vector_store_idx %scatter3A_350[%sub3A_345], %add3A_349 masked %and3A_120 : memref<64xi32, #tpu.memory_space<vmem>>[vector<16xi32>], vector<16xi32>, vector<16xi1>
            %while3A = arith.constant 0 : i32
            %while3A_351 = arith.subi %squeeze3A_238, %while3A : i32
            %while3A_352 = arith.addi %while3A, %while3A_351 : i32
            %while3A_353 = arith.constant 1 : i32
            %while3A_354 = arith.divsi %while3A_351, %while3A_353 : i32
            %while3A_355 = arith.muli %while3A_354, %while3A_353 : i32
            %while3A_356 = arith.addi %while3A, %while3A_355 : i32
            %while3A_357 = arith.constant 1 : i32
            scf.for %while3A_360 = %while3A to %while3A_356 step %while3A_357  : i32 {
              %broadcast_in_dim3A_361 = vector.broadcast %while3A_360 : i32 to vector<16xi32>
              %lt3A_362 = arith.constant 0 : i32
              %lt3A_363 = vector.broadcast %lt3A_362 : i32 to vector<16xi32>
              %lt3A_364 = arith.cmpi slt, %broadcast_in_dim3A_361, %lt3A_363 : vector<16xi32>
              %add3A_365 = arith.constant 16 : i32
              %add3A_366 = vector.broadcast %add3A_365 : i32 to vector<16xi32>
              %add3A_367 = arith.addi %broadcast_in_dim3A_361, %add3A_366 : vector<16xi32>
              %select_n3A = arith.select %lt3A_364, %add3A_367, %broadcast_in_dim3A_361 : vector<16xi1>, vector<16xi32>
              %broadcast_in_dim3A_368 = vector.shape_cast %select_n3A : vector<16xi32> to vector<16x1xi32>
              %gather3A = vector.shape_cast %broadcast_in_dim3A_368 : vector<16x1xi32> to vector<16xi32>
              %gather3A_369 = tpu.dynamic_gather %get3A_337[%gather3A] in [0] : vector<16xi32>, vector<16xi32> -> vector<16xi32>
              %add3A_370 = arith.addi %cond3A_332, %while3A_360 : i32
              %gather3A_371 = arith.constant 0 : i32
              %gather3A_372 = arith.constant 0 : i32
              %gather3A_373 = tpu.memref_slice %arg7[%gather3A_371, %gather3A_372] : memref<32x3200xf32, #tpu.memory_space<vmem>> -> memref<32x3200xf32, #tpu.memory_space<vmem>>
              %gather3A_374 = tpu.vector_load_idx %gather3A_373[%iota3A, %gather3A_369] : memref<32x3200xf32, #tpu.memory_space<vmem>>[vector<16xi32>, vector<16xi32>], vector<16xf32>,
              %swap3A_375 = arith.index_cast %add3A_370 : i32 to index
              %swap3A_376 = arith.constant 0 : index
              %swap3A_377 = tpu.vector_load %arg8[%swap3A_375, %swap3A_376] {strides = array<i32>} : memref<64x128xf32, #tpu.memory_space<vmem>>, vector<16xf32>,
              tpu.vector_store %arg8[%swap3A_375, %swap3A_376], %gather3A_374 {strides = array<i32>} : memref<64x128xf32, #tpu.memory_space<vmem>>, vector<16xf32>,
              %add3A_378 = arith.constant 16 : i32
              %add3A_379 = vector.broadcast %add3A_378 : i32 to vector<16xi32>
              %add3A_380 = arith.addi %iota3A, %add3A_379 : vector<16xi32>
              %gather3A_381 = arith.constant 0 : i32
              %gather3A_382 = arith.constant 0 : i32
              %gather3A_383 = tpu.memref_slice %arg7[%gather3A_381, %gather3A_382] : memref<32x3200xf32, #tpu.memory_space<vmem>> -> memref<32x3200xf32, #tpu.memory_space<vmem>>
              %gather3A_384 = tpu.vector_load_idx %gather3A_383[%add3A_380, %gather3A_369] : memref<32x3200xf32, #tpu.memory_space<vmem>>[vector<16xi32>, vector<16xi32>], vector<16xf32>,
              %swap3A_385 = arith.index_cast %add3A_370 : i32 to index
              %swap3A_386 = arith.constant 16 : index
              %swap3A_387 = tpu.vector_load %arg8[%swap3A_385, %swap3A_386] {strides = array<i32>} : memref<64x128xf32, #tpu.memory_space<vmem>>, vector<16xf32>,
              tpu.vector_store %arg8[%swap3A_385, %swap3A_386], %gather3A_384 {strides = array<i32>} : memref<64x128xf32, #tpu.memory_space<vmem>>, vector<16xf32>,
            }
            %while3A_358 = arith.constant 1 : i32
            scf.for %while3A_360 = %while3A_356 to %while3A_352 step %while3A_358  : i32 {
              %broadcast_in_dim3A_361 = vector.broadcast %while3A_360 : i32 to vector<16xi32>
              %lt3A_362 = arith.constant 0 : i32
              %lt3A_363 = vector.broadcast %lt3A_362 : i32 to vector<16xi32>
              %lt3A_364 = arith.cmpi slt, %broadcast_in_dim3A_361, %lt3A_363 : vector<16xi32>
              %add3A_365 = arith.constant 16 : i32
              %add3A_366 = vector.broadcast %add3A_365 : i32 to vector<16xi32>
              %add3A_367 = arith.addi %broadcast_in_dim3A_361, %add3A_366 : vector<16xi32>
              %select_n3A = arith.select %lt3A_364, %add3A_367, %broadcast_in_dim3A_361 : vector<16xi1>, vector<16xi32>
              %broadcast_in_dim3A_368 = vector.shape_cast %select_n3A : vector<16xi32> to vector<16x1xi32>
              %gather3A = vector.shape_cast %broadcast_in_dim3A_368 : vector<16x1xi32> to vector<16xi32>
              %gather3A_369 = tpu.dynamic_gather %get3A_337[%gather3A] in [0] : vector<16xi32>, vector<16xi32> -> vector<16xi32>
              %add3A_370 = arith.addi %cond3A_332, %while3A_360 : i32
              %gather3A_371 = arith.constant 0 : i32
              %gather3A_372 = arith.constant 0 : i32
              %gather3A_373 = tpu.memref_slice %arg7[%gather3A_371, %gather3A_372] : memref<32x3200xf32, #tpu.memory_space<vmem>> -> memref<32x3200xf32, #tpu.memory_space<vmem>>
              %gather3A_374 = tpu.vector_load_idx %gather3A_373[%iota3A, %gather3A_369] : memref<32x3200xf32, #tpu.memory_space<vmem>>[vector<16xi32>, vector<16xi32>], vector<16xf32>,
              %swap3A_375 = arith.index_cast %add3A_370 : i32 to index
              %swap3A_376 = arith.constant 0 : index
              %swap3A_377 = tpu.vector_load %arg8[%swap3A_375, %swap3A_376] {strides = array<i32>} : memref<64x128xf32, #tpu.memory_space<vmem>>, vector<16xf32>,
              tpu.vector_store %arg8[%swap3A_375, %swap3A_376], %gather3A_374 {strides = array<i32>} : memref<64x128xf32, #tpu.memory_space<vmem>>, vector<16xf32>,
              %add3A_378 = arith.constant 16 : i32
              %add3A_379 = vector.broadcast %add3A_378 : i32 to vector<16xi32>
              %add3A_380 = arith.addi %iota3A, %add3A_379 : vector<16xi32>
              %gather3A_381 = arith.constant 0 : i32
              %gather3A_382 = arith.constant 0 : i32
              %gather3A_383 = tpu.memref_slice %arg7[%gather3A_381, %gather3A_382] : memref<32x3200xf32, #tpu.memory_space<vmem>> -> memref<32x3200xf32, #tpu.memory_space<vmem>>
              %gather3A_384 = tpu.vector_load_idx %gather3A_383[%add3A_380, %gather3A_369] : memref<32x3200xf32, #tpu.memory_space<vmem>>[vector<16xi32>, vector<16xi32>], vector<16xf32>,
              %swap3A_385 = arith.index_cast %add3A_370 : i32 to index
              %swap3A_386 = arith.constant 16 : index
              %swap3A_387 = tpu.vector_load %arg8[%swap3A_385, %swap3A_386] {strides = array<i32>} : memref<64x128xf32, #tpu.memory_space<vmem>>, vector<16xf32>,
              tpu.vector_store %arg8[%swap3A_385, %swap3A_386], %gather3A_384 {strides = array<i32>} : memref<64x128xf32, #tpu.memory_space<vmem>>, vector<16xf32>,
            }
            %add3A_359 = arith.addi %cond3A_332, %squeeze3A_238 : i32
            scf.yield %add3A_359 : i32
          } else {
            scf.yield %cond3A_235 : i32
          }
          %all_reduce_population_count3A_249 = tpu.all_reduce %and3A_135 {dim = 0 : i64, kind = #tpu.reduction_kind<sum>} : vector<16xi1> -> vector<16xi32>
          %slice3A_250 = vector.extract_strided_slice %all_reduce_population_count3A_249 {offsets = [0], sizes = [1], strides = [1]} : vector<16xi32> to vector<1xi32>
          %squeeze3A_251 = vector.extract %slice3A_250[0] : i32 from vector<1xi32>
          %gt3A_252 = arith.constant 0 : i32
          %gt3A_253 = arith.cmpi sgt, %squeeze3A_251, %gt3A_252 : i32
          %mul3A_254 = arith.constant 8 : i32
          %mul3A_255 = arith.muli %scan3A_93, %mul3A_254 : i32
          %add3A_256 = arith.constant 2 : i32
          %add3A_257 = arith.addi %mul3A_255, %add3A_256 : i32
          %convert_element_type3A_258 = arith.extui %gt3A_253 : i1 to i32
          %cond3A_259 = arith.constant 0 : i32
          %cond3A_260 = arith.cmpi ne, %convert_element_type3A_258, %cond3A_259 : i32
          %cond3A_261 = scf.if %cond3A_260 -> (i32) {
            %ge3A_327 = arith.constant 48 : i32
            %ge3A_328 = arith.cmpi sge, %cond3A_248, %ge3A_327 : i32
            %convert_element_type3A_329 = arith.extui %ge3A_328 : i1 to i32
            %cond3A_330 = arith.constant 0 : i32
            %cond3A_331 = arith.cmpi ne, %convert_element_type3A_329, %cond3A_330 : i32
            %cond3A_332 = scf.if %cond3A_331 -> (i32) {
              %dma_start3A_360 = arith.constant 0 : i32
              %dma_start3A_361 = arith.constant 0 : i32
              %dma_start3A_362 = tpu.memref_slice %arg5[%scan3A_20, %dma_start3A_360, %dma_start3A_361] : memref<26x4096x128xf32, #tpu.memory_space<hbm>> -> memref<1x4096x128xf32, #tpu.memory_space<hbm>>
              %dma_start3A_363 = tpu.memref_squeeze %dma_start3A_362 : memref<1x4096x128xf32, #tpu.memory_space<hbm>> -> memref<4096x128xf32, #tpu.memory_space<hbm>>
              %dma_start3A_364 = arith.constant 0 : i32
              %dma_start3A_365 = arith.constant 0 : i32
              %dma_start3A_366 = tpu.memref_slice %dma_start3A_363[%dma_start3A_364, %dma_start3A_365] : memref<4096x128xf32, #tpu.memory_space<hbm>> -> memref<4096x128xf32, #tpu.memory_space<hbm>>
              %dma_start3A_367 = arith.constant -1 : i32
              tpu.enqueue_indirect_dma source(%arg8 : memref<64x128xf32, #tpu.memory_space<vmem>>) target(%dma_start3A_366 : memref<4096x128xf32, #tpu.memory_space<hbm>>) offsets(%arg9 : memref<64xi32, #tpu.memory_space<vmem>>) offset_filter(%dma_start3A_367) semaphore(%arg13 : memref<!tpu.dma_semaphore, #tpu.memory_space<semaphore_mem>>)
              %dma_wait3A_368 = arith.constant 0 : i32
              %dma_wait3A_369 = arith.constant 0 : i32
              %dma_wait3A_370 = tpu.memref_slice %arg5[%scan3A_20, %dma_wait3A_368, %dma_wait3A_369] : memref<26x4096x128xf32, #tpu.memory_space<hbm>> -> memref<1x4096x128xf32, #tpu.memory_space<hbm>>
              %dma_wait3A_371 = tpu.memref_squeeze %dma_wait3A_370 : memref<1x4096x128xf32, #tpu.memory_space<hbm>> -> memref<4096x128xf32, #tpu.memory_space<hbm>>
              %dma_wait3A_372 = arith.constant 0 : i32
              %dma_wait3A_373 = arith.constant 0 : i32
              %dma_wait3A_374 = tpu.memref_slice %dma_wait3A_371[%dma_wait3A_372, %dma_wait3A_373] : memref<4096x128xf32, #tpu.memory_space<hbm>> -> memref<4096x128xf32, #tpu.memory_space<hbm>>
              tpu.wait_indirect_dma semaphore(%arg13 : memref<!tpu.dma_semaphore, #tpu.memory_space<semaphore_mem>>) src(%arg8 : memref<64x128xf32, #tpu.memory_space<vmem>>) dst(%dma_wait3A_374 : memref<4096x128xf32, #tpu.memory_space<hbm>>)
              %broadcast_in_dim3A_375 = arith.constant -1 : i32
              %broadcast_in_dim3A_376 = vector.broadcast %broadcast_in_dim3A_375 : i32 to vector<16xi32>
              %swap3A_377 = arith.constant 0 : index
              %swap3A_378 = tpu.vector_load %arg9[%swap3A_377] {strides = array<i32>} : memref<64xi32, #tpu.memory_space<vmem>>, vector<16xi32>,
              tpu.vector_store %arg9[%swap3A_377], %broadcast_in_dim3A_376 {strides = array<i32>} : memref<64xi32, #tpu.memory_space<vmem>>, vector<16xi32>,
              %broadcast_in_dim3A_379 = arith.constant -1 : i32
              %broadcast_in_dim3A_380 = vector.broadcast %broadcast_in_dim3A_379 : i32 to vector<16xi32>
              %swap3A_381 = arith.constant 16 : index
              %swap3A_382 = tpu.vector_load %arg9[%swap3A_381] {strides = array<i32>} : memref<64xi32, #tpu.memory_space<vmem>>, vector<16xi32>,
              tpu.vector_store %arg9[%swap3A_381], %broadcast_in_dim3A_380 {strides = array<i32>} : memref<64xi32, #tpu.memory_space<vmem>>, vector<16xi32>,
              %broadcast_in_dim3A_383 = arith.constant -1 : i32
              %broadcast_in_dim3A_384 = vector.broadcast %broadcast_in_dim3A_383 : i32 to vector<16xi32>
              %swap3A_385 = arith.constant 32 : index
              %swap3A_386 = tpu.vector_load %arg9[%swap3A_385] {strides = array<i32>} : memref<64xi32, #tpu.memory_space<vmem>>, vector<16xi32>,
              tpu.vector_store %arg9[%swap3A_385], %broadcast_in_dim3A_384 {strides = array<i32>} : memref<64xi32, #tpu.memory_space<vmem>>, vector<16xi32>,
              %broadcast_in_dim3A_387 = arith.constant -1 : i32
              %broadcast_in_dim3A_388 = vector.broadcast %broadcast_in_dim3A_387 : i32 to vector<16xi32>
              %swap3A_389 = arith.constant 48 : index
              %swap3A_390 = tpu.vector_load %arg9[%swap3A_389] {strides = array<i32>} : memref<64xi32, #tpu.memory_space<vmem>>, vector<16xi32>,
              tpu.vector_store %arg9[%swap3A_389], %broadcast_in_dim3A_388 {strides = array<i32>} : memref<64xi32, #tpu.memory_space<vmem>>, vector<16xi32>,
              %cond3A_391 = arith.constant 0 : i32
              scf.yield %cond3A_391 : i32
            } else {
              scf.yield %cond3A_248 : i32
            }
            %sub3A = vector.broadcast %multiple_of3A : i32 to vector<16xi32>
            %sub3A_333 = arith.subi %get3A_128, %sub3A : vector<16xi32>
            %swap3A_334 = arith.constant 0 : index
            %swap3A_335 = tpu.vector_load %arg11[%swap3A_334] masked %and3A_135 {strides = array<i32>} : memref<16xi32, #tpu.memory_space<vmem>>, vector<16xi32>, vector<16xi1>
            tpu.vector_store %arg11[%swap3A_334], %sub3A_333 masked %and3A_135 {strides = array<i32>} : memref<16xi32, #tpu.memory_space<vmem>>, vector<16xi32>, vector<16xi1>
            %get3A_336 = arith.constant 0 : index
            %get3A_337 = tpu.vector_load %arg11[%get3A_336] {strides = array<i32>} : memref<16xi32, #tpu.memory_space<vmem>>, vector<16xi32>,
            %convert_element_type3A_338 = arith.extui %and3A_135 : vector<16xi1> to vector<16xi32>
            %broadcast_in_dim3A_339 = arith.constant true
            %broadcast_in_dim3A_340 = vector.broadcast %broadcast_in_dim3A_339 : i1 to vector<16xi1>
            %masked_cumsum3A = tpu.scan <sum>, %convert_element_type3A_338 masked %broadcast_in_dim3A_340 : vector<16xi32>, vector<16xi1> -> vector<16xi32>
            %add3A_341 = vector.broadcast %cond3A_332 : i32 to vector<16xi32>
            %add3A_342 = arith.addi %add3A_341, %masked_cumsum3A : vector<16xi32>
            %sub3A_343 = arith.constant 1 : i32
            %sub3A_344 = vector.broadcast %sub3A_343 : i32 to vector<16xi32>
            %sub3A_345 = arith.subi %add3A_342, %sub3A_344 : vector<16xi32>
            %mul3A_346 = arith.constant 16 : i32
            %mul3A_347 = arith.muli %add3A_257, %mul3A_346 : i32
            %add3A_348 = vector.broadcast %mul3A_347 : i32 to vector<16xi32>
            %add3A_349 = arith.addi %iota3A, %add3A_348 : vector<16xi32>
            %scatter3A = arith.constant 0 : i32
            %scatter3A_350 = tpu.memref_slice %arg9[%scatter3A] : memref<64xi32, #tpu.memory_space<vmem>> -> memref<64xi32, #tpu.memory_space<vmem>>
            tpu.vector_store_idx %scatter3A_350[%sub3A_345], %add3A_349 masked %and3A_135 : memref<64xi32, #tpu.memory_space<vmem>>[vector<16xi32>], vector<16xi32>, vector<16xi1>
            %while3A = arith.constant 0 : i32
            %while3A_351 = arith.subi %squeeze3A_251, %while3A : i32
            %while3A_352 = arith.addi %while3A, %while3A_351 : i32
            %while3A_353 = arith.constant 1 : i32
            %while3A_354 = arith.divsi %while3A_351, %while3A_353 : i32
            %while3A_355 = arith.muli %while3A_354, %while3A_353 : i32
            %while3A_356 = arith.addi %while3A, %while3A_355 : i32
            %while3A_357 = arith.constant 1 : i32
            scf.for %while3A_360 = %while3A to %while3A_356 step %while3A_357  : i32 {
              %broadcast_in_dim3A_361 = vector.broadcast %while3A_360 : i32 to vector<16xi32>
              %lt3A_362 = arith.constant 0 : i32
              %lt3A_363 = vector.broadcast %lt3A_362 : i32 to vector<16xi32>
              %lt3A_364 = arith.cmpi slt, %broadcast_in_dim3A_361, %lt3A_363 : vector<16xi32>
              %add3A_365 = arith.constant 16 : i32
              %add3A_366 = vector.broadcast %add3A_365 : i32 to vector<16xi32>
              %add3A_367 = arith.addi %broadcast_in_dim3A_361, %add3A_366 : vector<16xi32>
              %select_n3A = arith.select %lt3A_364, %add3A_367, %broadcast_in_dim3A_361 : vector<16xi1>, vector<16xi32>
              %broadcast_in_dim3A_368 = vector.shape_cast %select_n3A : vector<16xi32> to vector<16x1xi32>
              %gather3A = vector.shape_cast %broadcast_in_dim3A_368 : vector<16x1xi32> to vector<16xi32>
              %gather3A_369 = tpu.dynamic_gather %get3A_337[%gather3A] in [0] : vector<16xi32>, vector<16xi32> -> vector<16xi32>
              %add3A_370 = arith.addi %cond3A_332, %while3A_360 : i32
              %gather3A_371 = arith.constant 0 : i32
              %gather3A_372 = arith.constant 0 : i32
              %gather3A_373 = tpu.memref_slice %arg7[%gather3A_371, %gather3A_372] : memref<32x3200xf32, #tpu.memory_space<vmem>> -> memref<32x3200xf32, #tpu.memory_space<vmem>>
              %gather3A_374 = tpu.vector_load_idx %gather3A_373[%iota3A, %gather3A_369] : memref<32x3200xf32, #tpu.memory_space<vmem>>[vector<16xi32>, vector<16xi32>], vector<16xf32>,
              %swap3A_375 = arith.index_cast %add3A_370 : i32 to index
              %swap3A_376 = arith.constant 0 : index
              %swap3A_377 = tpu.vector_load %arg8[%swap3A_375, %swap3A_376] {strides = array<i32>} : memref<64x128xf32, #tpu.memory_space<vmem>>, vector<16xf32>,
              tpu.vector_store %arg8[%swap3A_375, %swap3A_376], %gather3A_374 {strides = array<i32>} : memref<64x128xf32, #tpu.memory_space<vmem>>, vector<16xf32>,
              %add3A_378 = arith.constant 16 : i32
              %add3A_379 = vector.broadcast %add3A_378 : i32 to vector<16xi32>
              %add3A_380 = arith.addi %iota3A, %add3A_379 : vector<16xi32>
              %gather3A_381 = arith.constant 0 : i32
              %gather3A_382 = arith.constant 0 : i32
              %gather3A_383 = tpu.memref_slice %arg7[%gather3A_381, %gather3A_382] : memref<32x3200xf32, #tpu.memory_space<vmem>> -> memref<32x3200xf32, #tpu.memory_space<vmem>>
              %gather3A_384 = tpu.vector_load_idx %gather3A_383[%add3A_380, %gather3A_369] : memref<32x3200xf32, #tpu.memory_space<vmem>>[vector<16xi32>, vector<16xi32>], vector<16xf32>,
              %swap3A_385 = arith.index_cast %add3A_370 : i32 to index
              %swap3A_386 = arith.constant 16 : index
              %swap3A_387 = tpu.vector_load %arg8[%swap3A_385, %swap3A_386] {strides = array<i32>} : memref<64x128xf32, #tpu.memory_space<vmem>>, vector<16xf32>,
              tpu.vector_store %arg8[%swap3A_385, %swap3A_386], %gather3A_384 {strides = array<i32>} : memref<64x128xf32, #tpu.memory_space<vmem>>, vector<16xf32>,
            }
            %while3A_358 = arith.constant 1 : i32
            scf.for %while3A_360 = %while3A_356 to %while3A_352 step %while3A_358  : i32 {
              %broadcast_in_dim3A_361 = vector.broadcast %while3A_360 : i32 to vector<16xi32>
              %lt3A_362 = arith.constant 0 : i32
              %lt3A_363 = vector.broadcast %lt3A_362 : i32 to vector<16xi32>
              %lt3A_364 = arith.cmpi slt, %broadcast_in_dim3A_361, %lt3A_363 : vector<16xi32>
              %add3A_365 = arith.constant 16 : i32
              %add3A_366 = vector.broadcast %add3A_365 : i32 to vector<16xi32>
              %add3A_367 = arith.addi %broadcast_in_dim3A_361, %add3A_366 : vector<16xi32>
              %select_n3A = arith.select %lt3A_364, %add3A_367, %broadcast_in_dim3A_361 : vector<16xi1>, vector<16xi32>
              %broadcast_in_dim3A_368 = vector.shape_cast %select_n3A : vector<16xi32> to vector<16x1xi32>
              %gather3A = vector.shape_cast %broadcast_in_dim3A_368 : vector<16x1xi32> to vector<16xi32>
              %gather3A_369 = tpu.dynamic_gather %get3A_337[%gather3A] in [0] : vector<16xi32>, vector<16xi32> -> vector<16xi32>
              %add3A_370 = arith.addi %cond3A_332, %while3A_360 : i32
              %gather3A_371 = arith.constant 0 : i32
              %gather3A_372 = arith.constant 0 : i32
              %gather3A_373 = tpu.memref_slice %arg7[%gather3A_371, %gather3A_372] : memref<32x3200xf32, #tpu.memory_space<vmem>> -> memref<32x3200xf32, #tpu.memory_space<vmem>>
              %gather3A_374 = tpu.vector_load_idx %gather3A_373[%iota3A, %gather3A_369] : memref<32x3200xf32, #tpu.memory_space<vmem>>[vector<16xi32>, vector<16xi32>], vector<16xf32>,
              %swap3A_375 = arith.index_cast %add3A_370 : i32 to index
              %swap3A_376 = arith.constant 0 : index
              %swap3A_377 = tpu.vector_load %arg8[%swap3A_375, %swap3A_376] {strides = array<i32>} : memref<64x128xf32, #tpu.memory_space<vmem>>, vector<16xf32>,
              tpu.vector_store %arg8[%swap3A_375, %swap3A_376], %gather3A_374 {strides = array<i32>} : memref<64x128xf32, #tpu.memory_space<vmem>>, vector<16xf32>,
              %add3A_378 = arith.constant 16 : i32
              %add3A_379 = vector.broadcast %add3A_378 : i32 to vector<16xi32>
              %add3A_380 = arith.addi %iota3A, %add3A_379 : vector<16xi32>
              %gather3A_381 = arith.constant 0 : i32
              %gather3A_382 = arith.constant 0 : i32
              %gather3A_383 = tpu.memref_slice %arg7[%gather3A_381, %gather3A_382] : memref<32x3200xf32, #tpu.memory_space<vmem>> -> memref<32x3200xf32, #tpu.memory_space<vmem>>
              %gather3A_384 = tpu.vector_load_idx %gather3A_383[%add3A_380, %gather3A_369] : memref<32x3200xf32, #tpu.memory_space<vmem>>[vector<16xi32>, vector<16xi32>], vector<16xf32>,
              %swap3A_385 = arith.index_cast %add3A_370 : i32 to index
              %swap3A_386 = arith.constant 16 : index
              %swap3A_387 = tpu.vector_load %arg8[%swap3A_385, %swap3A_386] {strides = array<i32>} : memref<64x128xf32, #tpu.memory_space<vmem>>, vector<16xf32>,
              tpu.vector_store %arg8[%swap3A_385, %swap3A_386], %gather3A_384 {strides = array<i32>} : memref<64x128xf32, #tpu.memory_space<vmem>>, vector<16xf32>,
            }
            %add3A_359 = arith.addi %cond3A_332, %squeeze3A_251 : i32
            scf.yield %add3A_359 : i32
          } else {
            scf.yield %cond3A_248 : i32
          }
          %all_reduce_population_count3A_262 = tpu.all_reduce %and3A_150 {dim = 0 : i64, kind = #tpu.reduction_kind<sum>} : vector<16xi1> -> vector<16xi32>
          %slice3A_263 = vector.extract_strided_slice %all_reduce_population_count3A_262 {offsets = [0], sizes = [1], strides = [1]} : vector<16xi32> to vector<1xi32>
          %squeeze3A_264 = vector.extract %slice3A_263[0] : i32 from vector<1xi32>
          %gt3A_265 = arith.constant 0 : i32
          %gt3A_266 = arith.cmpi sgt, %squeeze3A_264, %gt3A_265 : i32
          %mul3A_267 = arith.constant 8 : i32
          %mul3A_268 = arith.muli %scan3A_93, %mul3A_267 : i32
          %add3A_269 = arith.constant 3 : i32
          %add3A_270 = arith.addi %mul3A_268, %add3A_269 : i32
          %convert_element_type3A_271 = arith.extui %gt3A_266 : i1 to i32
          %cond3A_272 = arith.constant 0 : i32
          %cond3A_273 = arith.cmpi ne, %convert_element_type3A_271, %cond3A_272 : i32
          %cond3A_274 = scf.if %cond3A_273 -> (i32) {
            %ge3A_327 = arith.constant 48 : i32
            %ge3A_328 = arith.cmpi sge, %cond3A_261, %ge3A_327 : i32
            %convert_element_type3A_329 = arith.extui %ge3A_328 : i1 to i32
            %cond3A_330 = arith.constant 0 : i32
            %cond3A_331 = arith.cmpi ne, %convert_element_type3A_329, %cond3A_330 : i32
            %cond3A_332 = scf.if %cond3A_331 -> (i32) {
              %dma_start3A_360 = arith.constant 0 : i32
              %dma_start3A_361 = arith.constant 0 : i32
              %dma_start3A_362 = tpu.memref_slice %arg5[%scan3A_20, %dma_start3A_360, %dma_start3A_361] : memref<26x4096x128xf32, #tpu.memory_space<hbm>> -> memref<1x4096x128xf32, #tpu.memory_space<hbm>>
              %dma_start3A_363 = tpu.memref_squeeze %dma_start3A_362 : memref<1x4096x128xf32, #tpu.memory_space<hbm>> -> memref<4096x128xf32, #tpu.memory_space<hbm>>
              %dma_start3A_364 = arith.constant 0 : i32
              %dma_start3A_365 = arith.constant 0 : i32
              %dma_start3A_366 = tpu.memref_slice %dma_start3A_363[%dma_start3A_364, %dma_start3A_365] : memref<4096x128xf32, #tpu.memory_space<hbm>> -> memref<4096x128xf32, #tpu.memory_space<hbm>>
              %dma_start3A_367 = arith.constant -1 : i32
              tpu.enqueue_indirect_dma source(%arg8 : memref<64x128xf32, #tpu.memory_space<vmem>>) target(%dma_start3A_366 : memref<4096x128xf32, #tpu.memory_space<hbm>>) offsets(%arg9 : memref<64xi32, #tpu.memory_space<vmem>>) offset_filter(%dma_start3A_367) semaphore(%arg13 : memref<!tpu.dma_semaphore, #tpu.memory_space<semaphore_mem>>)
              %dma_wait3A_368 = arith.constant 0 : i32
              %dma_wait3A_369 = arith.constant 0 : i32
              %dma_wait3A_370 = tpu.memref_slice %arg5[%scan3A_20, %dma_wait3A_368, %dma_wait3A_369] : memref<26x4096x128xf32, #tpu.memory_space<hbm>> -> memref<1x4096x128xf32, #tpu.memory_space<hbm>>
              %dma_wait3A_371 = tpu.memref_squeeze %dma_wait3A_370 : memref<1x4096x128xf32, #tpu.memory_space<hbm>> -> memref<4096x128xf32, #tpu.memory_space<hbm>>
              %dma_wait3A_372 = arith.constant 0 : i32
              %dma_wait3A_373 = arith.constant 0 : i32
              %dma_wait3A_374 = tpu.memref_slice %dma_wait3A_371[%dma_wait3A_372, %dma_wait3A_373] : memref<4096x128xf32, #tpu.memory_space<hbm>> -> memref<4096x128xf32, #tpu.memory_space<hbm>>
              tpu.wait_indirect_dma semaphore(%arg13 : memref<!tpu.dma_semaphore, #tpu.memory_space<semaphore_mem>>) src(%arg8 : memref<64x128xf32, #tpu.memory_space<vmem>>) dst(%dma_wait3A_374 : memref<4096x128xf32, #tpu.memory_space<hbm>>)
              %broadcast_in_dim3A_375 = arith.constant -1 : i32
              %broadcast_in_dim3A_376 = vector.broadcast %broadcast_in_dim3A_375 : i32 to vector<16xi32>
              %swap3A_377 = arith.constant 0 : index
              %swap3A_378 = tpu.vector_load %arg9[%swap3A_377] {strides = array<i32>} : memref<64xi32, #tpu.memory_space<vmem>>, vector<16xi32>,
              tpu.vector_store %arg9[%swap3A_377], %broadcast_in_dim3A_376 {strides = array<i32>} : memref<64xi32, #tpu.memory_space<vmem>>, vector<16xi32>,
              %broadcast_in_dim3A_379 = arith.constant -1 : i32
              %broadcast_in_dim3A_380 = vector.broadcast %broadcast_in_dim3A_379 : i32 to vector<16xi32>
              %swap3A_381 = arith.constant 16 : index
              %swap3A_382 = tpu.vector_load %arg9[%swap3A_381] {strides = array<i32>} : memref<64xi32, #tpu.memory_space<vmem>>, vector<16xi32>,
              tpu.vector_store %arg9[%swap3A_381], %broadcast_in_dim3A_380 {strides = array<i32>} : memref<64xi32, #tpu.memory_space<vmem>>, vector<16xi32>,
              %broadcast_in_dim3A_383 = arith.constant -1 : i32
              %broadcast_in_dim3A_384 = vector.broadcast %broadcast_in_dim3A_383 : i32 to vector<16xi32>
              %swap3A_385 = arith.constant 32 : index
              %swap3A_386 = tpu.vector_load %arg9[%swap3A_385] {strides = array<i32>} : memref<64xi32, #tpu.memory_space<vmem>>, vector<16xi32>,
              tpu.vector_store %arg9[%swap3A_385], %broadcast_in_dim3A_384 {strides = array<i32>} : memref<64xi32, #tpu.memory_space<vmem>>, vector<16xi32>,
              %broadcast_in_dim3A_387 = arith.constant -1 : i32
              %broadcast_in_dim3A_388 = vector.broadcast %broadcast_in_dim3A_387 : i32 to vector<16xi32>
              %swap3A_389 = arith.constant 48 : index
              %swap3A_390 = tpu.vector_load %arg9[%swap3A_389] {strides = array<i32>} : memref<64xi32, #tpu.memory_space<vmem>>, vector<16xi32>,
              tpu.vector_store %arg9[%swap3A_389], %broadcast_in_dim3A_388 {strides = array<i32>} : memref<64xi32, #tpu.memory_space<vmem>>, vector<16xi32>,
              %cond3A_391 = arith.constant 0 : i32
              scf.yield %cond3A_391 : i32
            } else {
              scf.yield %cond3A_261 : i32
            }
            %sub3A = vector.broadcast %multiple_of3A : i32 to vector<16xi32>
            %sub3A_333 = arith.subi %get3A_143, %sub3A : vector<16xi32>
            %swap3A_334 = arith.constant 0 : index
            %swap3A_335 = tpu.vector_load %arg11[%swap3A_334] masked %and3A_150 {strides = array<i32>} : memref<16xi32, #tpu.memory_space<vmem>>, vector<16xi32>, vector<16xi1>
            tpu.vector_store %arg11[%swap3A_334], %sub3A_333 masked %and3A_150 {strides = array<i32>} : memref<16xi32, #tpu.memory_space<vmem>>, vector<16xi32>, vector<16xi1>
            %get3A_336 = arith.constant 0 : index
            %get3A_337 = tpu.vector_load %arg11[%get3A_336] {strides = array<i32>} : memref<16xi32, #tpu.memory_space<vmem>>, vector<16xi32>,
            %convert_element_type3A_338 = arith.extui %and3A_150 : vector<16xi1> to vector<16xi32>
            %broadcast_in_dim3A_339 = arith.constant true
            %broadcast_in_dim3A_340 = vector.broadcast %broadcast_in_dim3A_339 : i1 to vector<16xi1>
            %masked_cumsum3A = tpu.scan <sum>, %convert_element_type3A_338 masked %broadcast_in_dim3A_340 : vector<16xi32>, vector<16xi1> -> vector<16xi32>
            %add3A_341 = vector.broadcast %cond3A_332 : i32 to vector<16xi32>
            %add3A_342 = arith.addi %add3A_341, %masked_cumsum3A : vector<16xi32>
            %sub3A_343 = arith.constant 1 : i32
            %sub3A_344 = vector.broadcast %sub3A_343 : i32 to vector<16xi32>
            %sub3A_345 = arith.subi %add3A_342, %sub3A_344 : vector<16xi32>
            %mul3A_346 = arith.constant 16 : i32
            %mul3A_347 = arith.muli %add3A_270, %mul3A_346 : i32
            %add3A_348 = vector.broadcast %mul3A_347 : i32 to vector<16xi32>
            %add3A_349 = arith.addi %iota3A, %add3A_348 : vector<16xi32>
            %scatter3A = arith.constant 0 : i32
            %scatter3A_350 = tpu.memref_slice %arg9[%scatter3A] : memref<64xi32, #tpu.memory_space<vmem>> -> memref<64xi32, #tpu.memory_space<vmem>>
            tpu.vector_store_idx %scatter3A_350[%sub3A_345], %add3A_349 masked %and3A_150 : memref<64xi32, #tpu.memory_space<vmem>>[vector<16xi32>], vector<16xi32>, vector<16xi1>
            %while3A = arith.constant 0 : i32
            %while3A_351 = arith.subi %squeeze3A_264, %while3A : i32
            %while3A_352 = arith.addi %while3A, %while3A_351 : i32
            %while3A_353 = arith.constant 1 : i32
            %while3A_354 = arith.divsi %while3A_351, %while3A_353 : i32
            %while3A_355 = arith.muli %while3A_354, %while3A_353 : i32
            %while3A_356 = arith.addi %while3A, %while3A_355 : i32
            %while3A_357 = arith.constant 1 : i32
            scf.for %while3A_360 = %while3A to %while3A_356 step %while3A_357  : i32 {
              %broadcast_in_dim3A_361 = vector.broadcast %while3A_360 : i32 to vector<16xi32>
              %lt3A_362 = arith.constant 0 : i32
              %lt3A_363 = vector.broadcast %lt3A_362 : i32 to vector<16xi32>
              %lt3A_364 = arith.cmpi slt, %broadcast_in_dim3A_361, %lt3A_363 : vector<16xi32>
              %add3A_365 = arith.constant 16 : i32
              %add3A_366 = vector.broadcast %add3A_365 : i32 to vector<16xi32>
              %add3A_367 = arith.addi %broadcast_in_dim3A_361, %add3A_366 : vector<16xi32>
              %select_n3A = arith.select %lt3A_364, %add3A_367, %broadcast_in_dim3A_361 : vector<16xi1>, vector<16xi32>
              %broadcast_in_dim3A_368 = vector.shape_cast %select_n3A : vector<16xi32> to vector<16x1xi32>
              %gather3A = vector.shape_cast %broadcast_in_dim3A_368 : vector<16x1xi32> to vector<16xi32>
              %gather3A_369 = tpu.dynamic_gather %get3A_337[%gather3A] in [0] : vector<16xi32>, vector<16xi32> -> vector<16xi32>
              %add3A_370 = arith.addi %cond3A_332, %while3A_360 : i32
              %gather3A_371 = arith.constant 0 : i32
              %gather3A_372 = arith.constant 0 : i32
              %gather3A_373 = tpu.memref_slice %arg7[%gather3A_371, %gather3A_372] : memref<32x3200xf32, #tpu.memory_space<vmem>> -> memref<32x3200xf32, #tpu.memory_space<vmem>>
              %gather3A_374 = tpu.vector_load_idx %gather3A_373[%iota3A, %gather3A_369] : memref<32x3200xf32, #tpu.memory_space<vmem>>[vector<16xi32>, vector<16xi32>], vector<16xf32>,
              %swap3A_375 = arith.index_cast %add3A_370 : i32 to index
              %swap3A_376 = arith.constant 0 : index
              %swap3A_377 = tpu.vector_load %arg8[%swap3A_375, %swap3A_376] {strides = array<i32>} : memref<64x128xf32, #tpu.memory_space<vmem>>, vector<16xf32>,
              tpu.vector_store %arg8[%swap3A_375, %swap3A_376], %gather3A_374 {strides = array<i32>} : memref<64x128xf32, #tpu.memory_space<vmem>>, vector<16xf32>,
              %add3A_378 = arith.constant 16 : i32
              %add3A_379 = vector.broadcast %add3A_378 : i32 to vector<16xi32>
              %add3A_380 = arith.addi %iota3A, %add3A_379 : vector<16xi32>
              %gather3A_381 = arith.constant 0 : i32
              %gather3A_382 = arith.constant 0 : i32
              %gather3A_383 = tpu.memref_slice %arg7[%gather3A_381, %gather3A_382] : memref<32x3200xf32, #tpu.memory_space<vmem>> -> memref<32x3200xf32, #tpu.memory_space<vmem>>
              %gather3A_384 = tpu.vector_load_idx %gather3A_383[%add3A_380, %gather3A_369] : memref<32x3200xf32, #tpu.memory_space<vmem>>[vector<16xi32>, vector<16xi32>], vector<16xf32>,
              %swap3A_385 = arith.index_cast %add3A_370 : i32 to index
              %swap3A_386 = arith.constant 16 : index
              %swap3A_387 = tpu.vector_load %arg8[%swap3A_385, %swap3A_386] {strides = array<i32>} : memref<64x128xf32, #tpu.memory_space<vmem>>, vector<16xf32>,
              tpu.vector_store %arg8[%swap3A_385, %swap3A_386], %gather3A_384 {strides = array<i32>} : memref<64x128xf32, #tpu.memory_space<vmem>>, vector<16xf32>,
            }
            %while3A_358 = arith.constant 1 : i32
            scf.for %while3A_360 = %while3A_356 to %while3A_352 step %while3A_358  : i32 {
              %broadcast_in_dim3A_361 = vector.broadcast %while3A_360 : i32 to vector<16xi32>
              %lt3A_362 = arith.constant 0 : i32
              %lt3A_363 = vector.broadcast %lt3A_362 : i32 to vector<16xi32>
              %lt3A_364 = arith.cmpi slt, %broadcast_in_dim3A_361, %lt3A_363 : vector<16xi32>
              %add3A_365 = arith.constant 16 : i32
              %add3A_366 = vector.broadcast %add3A_365 : i32 to vector<16xi32>
              %add3A_367 = arith.addi %broadcast_in_dim3A_361, %add3A_366 : vector<16xi32>
              %select_n3A = arith.select %lt3A_364, %add3A_367, %broadcast_in_dim3A_361 : vector<16xi1>, vector<16xi32>
              %broadcast_in_dim3A_368 = vector.shape_cast %select_n3A : vector<16xi32> to vector<16x1xi32>
              %gather3A = vector.shape_cast %broadcast_in_dim3A_368 : vector<16x1xi32> to vector<16xi32>
              %gather3A_369 = tpu.dynamic_gather %get3A_337[%gather3A] in [0] : vector<16xi32>, vector<16xi32> -> vector<16xi32>
              %add3A_370 = arith.addi %cond3A_332, %while3A_360 : i32
              %gather3A_371 = arith.constant 0 : i32
              %gather3A_372 = arith.constant 0 : i32
              %gather3A_373 = tpu.memref_slice %arg7[%gather3A_371, %gather3A_372] : memref<32x3200xf32, #tpu.memory_space<vmem>> -> memref<32x3200xf32, #tpu.memory_space<vmem>>
              %gather3A_374 = tpu.vector_load_idx %gather3A_373[%iota3A, %gather3A_369] : memref<32x3200xf32, #tpu.memory_space<vmem>>[vector<16xi32>, vector<16xi32>], vector<16xf32>,
              %swap3A_375 = arith.index_cast %add3A_370 : i32 to index
              %swap3A_376 = arith.constant 0 : index
              %swap3A_377 = tpu.vector_load %arg8[%swap3A_375, %swap3A_376] {strides = array<i32>} : memref<64x128xf32, #tpu.memory_space<vmem>>, vector<16xf32>,
              tpu.vector_store %arg8[%swap3A_375, %swap3A_376], %gather3A_374 {strides = array<i32>} : memref<64x128xf32, #tpu.memory_space<vmem>>, vector<16xf32>,
              %add3A_378 = arith.constant 16 : i32
              %add3A_379 = vector.broadcast %add3A_378 : i32 to vector<16xi32>
              %add3A_380 = arith.addi %iota3A, %add3A_379 : vector<16xi32>
              %gather3A_381 = arith.constant 0 : i32
              %gather3A_382 = arith.constant 0 : i32
              %gather3A_383 = tpu.memref_slice %arg7[%gather3A_381, %gather3A_382] : memref<32x3200xf32, #tpu.memory_space<vmem>> -> memref<32x3200xf32, #tpu.memory_space<vmem>>
              %gather3A_384 = tpu.vector_load_idx %gather3A_383[%add3A_380, %gather3A_369] : memref<32x3200xf32, #tpu.memory_space<vmem>>[vector<16xi32>, vector<16xi32>], vector<16xf32>,
              %swap3A_385 = arith.index_cast %add3A_370 : i32 to index
              %swap3A_386 = arith.constant 16 : index
              %swap3A_387 = tpu.vector_load %arg8[%swap3A_385, %swap3A_386] {strides = array<i32>} : memref<64x128xf32, #tpu.memory_space<vmem>>, vector<16xf32>,
              tpu.vector_store %arg8[%swap3A_385, %swap3A_386], %gather3A_384 {strides = array<i32>} : memref<64x128xf32, #tpu.memory_space<vmem>>, vector<16xf32>,
            }
            %add3A_359 = arith.addi %cond3A_332, %squeeze3A_264 : i32
            scf.yield %add3A_359 : i32
          } else {
            scf.yield %cond3A_261 : i32
          }
          %all_reduce_population_count3A_275 = tpu.all_reduce %and3A_165 {dim = 0 : i64, kind = #tpu.reduction_kind<sum>} : vector<16xi1> -> vector<16xi32>
          %slice3A_276 = vector.extract_strided_slice %all_reduce_population_count3A_275 {offsets = [0], sizes = [1], strides = [1]} : vector<16xi32> to vector<1xi32>
          %squeeze3A_277 = vector.extract %slice3A_276[0] : i32 from vector<1xi32>
          %gt3A_278 = arith.constant 0 : i32
          %gt3A_279 = arith.cmpi sgt, %squeeze3A_277, %gt3A_278 : i32
          %mul3A_280 = arith.constant 8 : i32
          %mul3A_281 = arith.muli %scan3A_93, %mul3A_280 : i32
          %add3A_282 = arith.constant 4 : i32
          %add3A_283 = arith.addi %mul3A_281, %add3A_282 : i32
          %convert_element_type3A_284 = arith.extui %gt3A_279 : i1 to i32
          %cond3A_285 = arith.constant 0 : i32
          %cond3A_286 = arith.cmpi ne, %convert_element_type3A_284, %cond3A_285 : i32
          %cond3A_287 = scf.if %cond3A_286 -> (i32) {
            %ge3A_327 = arith.constant 48 : i32
            %ge3A_328 = arith.cmpi sge, %cond3A_274, %ge3A_327 : i32
            %convert_element_type3A_329 = arith.extui %ge3A_328 : i1 to i32
            %cond3A_330 = arith.constant 0 : i32
            %cond3A_331 = arith.cmpi ne, %convert_element_type3A_329, %cond3A_330 : i32
            %cond3A_332 = scf.if %cond3A_331 -> (i32) {
              %dma_start3A_360 = arith.constant 0 : i32
              %dma_start3A_361 = arith.constant 0 : i32
              %dma_start3A_362 = tpu.memref_slice %arg5[%scan3A_20, %dma_start3A_360, %dma_start3A_361] : memref<26x4096x128xf32, #tpu.memory_space<hbm>> -> memref<1x4096x128xf32, #tpu.memory_space<hbm>>
              %dma_start3A_363 = tpu.memref_squeeze %dma_start3A_362 : memref<1x4096x128xf32, #tpu.memory_space<hbm>> -> memref<4096x128xf32, #tpu.memory_space<hbm>>
              %dma_start3A_364 = arith.constant 0 : i32
              %dma_start3A_365 = arith.constant 0 : i32
              %dma_start3A_366 = tpu.memref_slice %dma_start3A_363[%dma_start3A_364, %dma_start3A_365] : memref<4096x128xf32, #tpu.memory_space<hbm>> -> memref<4096x128xf32, #tpu.memory_space<hbm>>
              %dma_start3A_367 = arith.constant -1 : i32
              tpu.enqueue_indirect_dma source(%arg8 : memref<64x128xf32, #tpu.memory_space<vmem>>) target(%dma_start3A_366 : memref<4096x128xf32, #tpu.memory_space<hbm>>) offsets(%arg9 : memref<64xi32, #tpu.memory_space<vmem>>) offset_filter(%dma_start3A_367) semaphore(%arg13 : memref<!tpu.dma_semaphore, #tpu.memory_space<semaphore_mem>>)
              %dma_wait3A_368 = arith.constant 0 : i32
              %dma_wait3A_369 = arith.constant 0 : i32
              %dma_wait3A_370 = tpu.memref_slice %arg5[%scan3A_20, %dma_wait3A_368, %dma_wait3A_369] : memref<26x4096x128xf32, #tpu.memory_space<hbm>> -> memref<1x4096x128xf32, #tpu.memory_space<hbm>>
              %dma_wait3A_371 = tpu.memref_squeeze %dma_wait3A_370 : memref<1x4096x128xf32, #tpu.memory_space<hbm>> -> memref<4096x128xf32, #tpu.memory_space<hbm>>
              %dma_wait3A_372 = arith.constant 0 : i32
              %dma_wait3A_373 = arith.constant 0 : i32
              %dma_wait3A_374 = tpu.memref_slice %dma_wait3A_371[%dma_wait3A_372, %dma_wait3A_373] : memref<4096x128xf32, #tpu.memory_space<hbm>> -> memref<4096x128xf32, #tpu.memory_space<hbm>>
              tpu.wait_indirect_dma semaphore(%arg13 : memref<!tpu.dma_semaphore, #tpu.memory_space<semaphore_mem>>) src(%arg8 : memref<64x128xf32, #tpu.memory_space<vmem>>) dst(%dma_wait3A_374 : memref<4096x128xf32, #tpu.memory_space<hbm>>)
              %broadcast_in_dim3A_375 = arith.constant -1 : i32
              %broadcast_in_dim3A_376 = vector.broadcast %broadcast_in_dim3A_375 : i32 to vector<16xi32>
              %swap3A_377 = arith.constant 0 : index
              %swap3A_378 = tpu.vector_load %arg9[%swap3A_377] {strides = array<i32>} : memref<64xi32, #tpu.memory_space<vmem>>, vector<16xi32>,
              tpu.vector_store %arg9[%swap3A_377], %broadcast_in_dim3A_376 {strides = array<i32>} : memref<64xi32, #tpu.memory_space<vmem>>, vector<16xi32>,
              %broadcast_in_dim3A_379 = arith.constant -1 : i32
              %broadcast_in_dim3A_380 = vector.broadcast %broadcast_in_dim3A_379 : i32 to vector<16xi32>
              %swap3A_381 = arith.constant 16 : index
              %swap3A_382 = tpu.vector_load %arg9[%swap3A_381] {strides = array<i32>} : memref<64xi32, #tpu.memory_space<vmem>>, vector<16xi32>,
              tpu.vector_store %arg9[%swap3A_381], %broadcast_in_dim3A_380 {strides = array<i32>} : memref<64xi32, #tpu.memory_space<vmem>>, vector<16xi32>,
              %broadcast_in_dim3A_383 = arith.constant -1 : i32
              %broadcast_in_dim3A_384 = vector.broadcast %broadcast_in_dim3A_383 : i32 to vector<16xi32>
              %swap3A_385 = arith.constant 32 : index
              %swap3A_386 = tpu.vector_load %arg9[%swap3A_385] {strides = array<i32>} : memref<64xi32, #tpu.memory_space<vmem>>, vector<16xi32>,
              tpu.vector_store %arg9[%swap3A_385], %broadcast_in_dim3A_384 {strides = array<i32>} : memref<64xi32, #tpu.memory_space<vmem>>, vector<16xi32>,
              %broadcast_in_dim3A_387 = arith.constant -1 : i32
              %broadcast_in_dim3A_388 = vector.broadcast %broadcast_in_dim3A_387 : i32 to vector<16xi32>
              %swap3A_389 = arith.constant 48 : index
              %swap3A_390 = tpu.vector_load %arg9[%swap3A_389] {strides = array<i32>} : memref<64xi32, #tpu.memory_space<vmem>>, vector<16xi32>,
              tpu.vector_store %arg9[%swap3A_389], %broadcast_in_dim3A_388 {strides = array<i32>} : memref<64xi32, #tpu.memory_space<vmem>>, vector<16xi32>,
              %cond3A_391 = arith.constant 0 : i32
              scf.yield %cond3A_391 : i32
            } else {
              scf.yield %cond3A_274 : i32
            }
            %sub3A = vector.broadcast %multiple_of3A : i32 to vector<16xi32>
            %sub3A_333 = arith.subi %get3A_158, %sub3A : vector<16xi32>
            %swap3A_334 = arith.constant 0 : index
            %swap3A_335 = tpu.vector_load %arg11[%swap3A_334] masked %and3A_165 {strides = array<i32>} : memref<16xi32, #tpu.memory_space<vmem>>, vector<16xi32>, vector<16xi1>
            tpu.vector_store %arg11[%swap3A_334], %sub3A_333 masked %and3A_165 {strides = array<i32>} : memref<16xi32, #tpu.memory_space<vmem>>, vector<16xi32>, vector<16xi1>
            %get3A_336 = arith.constant 0 : index
            %get3A_337 = tpu.vector_load %arg11[%get3A_336] {strides = array<i32>} : memref<16xi32, #tpu.memory_space<vmem>>, vector<16xi32>,
            %convert_element_type3A_338 = arith.extui %and3A_165 : vector<16xi1> to vector<16xi32>
            %broadcast_in_dim3A_339 = arith.constant true
            %broadcast_in_dim3A_340 = vector.broadcast %broadcast_in_dim3A_339 : i1 to vector<16xi1>
            %masked_cumsum3A = tpu.scan <sum>, %convert_element_type3A_338 masked %broadcast_in_dim3A_340 : vector<16xi32>, vector<16xi1> -> vector<16xi32>
            %add3A_341 = vector.broadcast %cond3A_332 : i32 to vector<16xi32>
            %add3A_342 = arith.addi %add3A_341, %masked_cumsum3A : vector<16xi32>
            %sub3A_343 = arith.constant 1 : i32
            %sub3A_344 = vector.broadcast %sub3A_343 : i32 to vector<16xi32>
            %sub3A_345 = arith.subi %add3A_342, %sub3A_344 : vector<16xi32>
            %mul3A_346 = arith.constant 16 : i32
            %mul3A_347 = arith.muli %add3A_283, %mul3A_346 : i32
            %add3A_348 = vector.broadcast %mul3A_347 : i32 to vector<16xi32>
            %add3A_349 = arith.addi %iota3A, %add3A_348 : vector<16xi32>
            %scatter3A = arith.constant 0 : i32
            %scatter3A_350 = tpu.memref_slice %arg9[%scatter3A] : memref<64xi32, #tpu.memory_space<vmem>> -> memref<64xi32, #tpu.memory_space<vmem>>
            tpu.vector_store_idx %scatter3A_350[%sub3A_345], %add3A_349 masked %and3A_165 : memref<64xi32, #tpu.memory_space<vmem>>[vector<16xi32>], vector<16xi32>, vector<16xi1>
            %while3A = arith.constant 0 : i32
            %while3A_351 = arith.subi %squeeze3A_277, %while3A : i32
            %while3A_352 = arith.addi %while3A, %while3A_351 : i32
            %while3A_353 = arith.constant 1 : i32
            %while3A_354 = arith.divsi %while3A_351, %while3A_353 : i32
            %while3A_355 = arith.muli %while3A_354, %while3A_353 : i32
            %while3A_356 = arith.addi %while3A, %while3A_355 : i32
            %while3A_357 = arith.constant 1 : i32
            scf.for %while3A_360 = %while3A to %while3A_356 step %while3A_357  : i32 {
              %broadcast_in_dim3A_361 = vector.broadcast %while3A_360 : i32 to vector<16xi32>
              %lt3A_362 = arith.constant 0 : i32
              %lt3A_363 = vector.broadcast %lt3A_362 : i32 to vector<16xi32>
              %lt3A_364 = arith.cmpi slt, %broadcast_in_dim3A_361, %lt3A_363 : vector<16xi32>
              %add3A_365 = arith.constant 16 : i32
              %add3A_366 = vector.broadcast %add3A_365 : i32 to vector<16xi32>
              %add3A_367 = arith.addi %broadcast_in_dim3A_361, %add3A_366 : vector<16xi32>
              %select_n3A = arith.select %lt3A_364, %add3A_367, %broadcast_in_dim3A_361 : vector<16xi1>, vector<16xi32>
              %broadcast_in_dim3A_368 = vector.shape_cast %select_n3A : vector<16xi32> to vector<16x1xi32>
              %gather3A = vector.shape_cast %broadcast_in_dim3A_368 : vector<16x1xi32> to vector<16xi32>
              %gather3A_369 = tpu.dynamic_gather %get3A_337[%gather3A] in [0] : vector<16xi32>, vector<16xi32> -> vector<16xi32>
              %add3A_370 = arith.addi %cond3A_332, %while3A_360 : i32
              %gather3A_371 = arith.constant 0 : i32
              %gather3A_372 = arith.constant 0 : i32
              %gather3A_373 = tpu.memref_slice %arg7[%gather3A_371, %gather3A_372] : memref<32x3200xf32, #tpu.memory_space<vmem>> -> memref<32x3200xf32, #tpu.memory_space<vmem>>
              %gather3A_374 = tpu.vector_load_idx %gather3A_373[%iota3A, %gather3A_369] : memref<32x3200xf32, #tpu.memory_space<vmem>>[vector<16xi32>, vector<16xi32>], vector<16xf32>,
              %swap3A_375 = arith.index_cast %add3A_370 : i32 to index
              %swap3A_376 = arith.constant 0 : index
              %swap3A_377 = tpu.vector_load %arg8[%swap3A_375, %swap3A_376] {strides = array<i32>} : memref<64x128xf32, #tpu.memory_space<vmem>>, vector<16xf32>,
              tpu.vector_store %arg8[%swap3A_375, %swap3A_376], %gather3A_374 {strides = array<i32>} : memref<64x128xf32, #tpu.memory_space<vmem>>, vector<16xf32>,
              %add3A_378 = arith.constant 16 : i32
              %add3A_379 = vector.broadcast %add3A_378 : i32 to vector<16xi32>
              %add3A_380 = arith.addi %iota3A, %add3A_379 : vector<16xi32>
              %gather3A_381 = arith.constant 0 : i32
              %gather3A_382 = arith.constant 0 : i32
              %gather3A_383 = tpu.memref_slice %arg7[%gather3A_381, %gather3A_382] : memref<32x3200xf32, #tpu.memory_space<vmem>> -> memref<32x3200xf32, #tpu.memory_space<vmem>>
              %gather3A_384 = tpu.vector_load_idx %gather3A_383[%add3A_380, %gather3A_369] : memref<32x3200xf32, #tpu.memory_space<vmem>>[vector<16xi32>, vector<16xi32>], vector<16xf32>,
              %swap3A_385 = arith.index_cast %add3A_370 : i32 to index
              %swap3A_386 = arith.constant 16 : index
              %swap3A_387 = tpu.vector_load %arg8[%swap3A_385, %swap3A_386] {strides = array<i32>} : memref<64x128xf32, #tpu.memory_space<vmem>>, vector<16xf32>,
              tpu.vector_store %arg8[%swap3A_385, %swap3A_386], %gather3A_384 {strides = array<i32>} : memref<64x128xf32, #tpu.memory_space<vmem>>, vector<16xf32>,
            }
            %while3A_358 = arith.constant 1 : i32
            scf.for %while3A_360 = %while3A_356 to %while3A_352 step %while3A_358  : i32 {
              %broadcast_in_dim3A_361 = vector.broadcast %while3A_360 : i32 to vector<16xi32>
              %lt3A_362 = arith.constant 0 : i32
              %lt3A_363 = vector.broadcast %lt3A_362 : i32 to vector<16xi32>
              %lt3A_364 = arith.cmpi slt, %broadcast_in_dim3A_361, %lt3A_363 : vector<16xi32>
              %add3A_365 = arith.constant 16 : i32
              %add3A_366 = vector.broadcast %add3A_365 : i32 to vector<16xi32>
              %add3A_367 = arith.addi %broadcast_in_dim3A_361, %add3A_366 : vector<16xi32>
              %select_n3A = arith.select %lt3A_364, %add3A_367, %broadcast_in_dim3A_361 : vector<16xi1>, vector<16xi32>
              %broadcast_in_dim3A_368 = vector.shape_cast %select_n3A : vector<16xi32> to vector<16x1xi32>
              %gather3A = vector.shape_cast %broadcast_in_dim3A_368 : vector<16x1xi32> to vector<16xi32>
              %gather3A_369 = tpu.dynamic_gather %get3A_337[%gather3A] in [0] : vector<16xi32>, vector<16xi32> -> vector<16xi32>
              %add3A_370 = arith.addi %cond3A_332, %while3A_360 : i32
              %gather3A_371 = arith.constant 0 : i32
              %gather3A_372 = arith.constant 0 : i32
              %gather3A_373 = tpu.memref_slice %arg7[%gather3A_371, %gather3A_372] : memref<32x3200xf32, #tpu.memory_space<vmem>> -> memref<32x3200xf32, #tpu.memory_space<vmem>>
              %gather3A_374 = tpu.vector_load_idx %gather3A_373[%iota3A, %gather3A_369] : memref<32x3200xf32, #tpu.memory_space<vmem>>[vector<16xi32>, vector<16xi32>], vector<16xf32>,
              %swap3A_375 = arith.index_cast %add3A_370 : i32 to index
              %swap3A_376 = arith.constant 0 : index
              %swap3A_377 = tpu.vector_load %arg8[%swap3A_375, %swap3A_376] {strides = array<i32>} : memref<64x128xf32, #tpu.memory_space<vmem>>, vector<16xf32>,
              tpu.vector_store %arg8[%swap3A_375, %swap3A_376], %gather3A_374 {strides = array<i32>} : memref<64x128xf32, #tpu.memory_space<vmem>>, vector<16xf32>,
              %add3A_378 = arith.constant 16 : i32
              %add3A_379 = vector.broadcast %add3A_378 : i32 to vector<16xi32>
              %add3A_380 = arith.addi %iota3A, %add3A_379 : vector<16xi32>
              %gather3A_381 = arith.constant 0 : i32
              %gather3A_382 = arith.constant 0 : i32
              %gather3A_383 = tpu.memref_slice %arg7[%gather3A_381, %gather3A_382] : memref<32x3200xf32, #tpu.memory_space<vmem>> -> memref<32x3200xf32, #tpu.memory_space<vmem>>
              %gather3A_384 = tpu.vector_load_idx %gather3A_383[%add3A_380, %gather3A_369] : memref<32x3200xf32, #tpu.memory_space<vmem>>[vector<16xi32>, vector<16xi32>], vector<16xf32>,
              %swap3A_385 = arith.index_cast %add3A_370 : i32 to index
              %swap3A_386 = arith.constant 16 : index
              %swap3A_387 = tpu.vector_load %arg8[%swap3A_385, %swap3A_386] {strides = array<i32>} : memref<64x128xf32, #tpu.memory_space<vmem>>, vector<16xf32>,
              tpu.vector_store %arg8[%swap3A_385, %swap3A_386], %gather3A_384 {strides = array<i32>} : memref<64x128xf32, #tpu.memory_space<vmem>>, vector<16xf32>,
            }
            %add3A_359 = arith.addi %cond3A_332, %squeeze3A_277 : i32
            scf.yield %add3A_359 : i32
          } else {
            scf.yield %cond3A_274 : i32
          }
          %all_reduce_population_count3A_288 = tpu.all_reduce %and3A_180 {dim = 0 : i64, kind = #tpu.reduction_kind<sum>} : vector<16xi1> -> vector<16xi32>
          %slice3A_289 = vector.extract_strided_slice %all_reduce_population_count3A_288 {offsets = [0], sizes = [1], strides = [1]} : vector<16xi32> to vector<1xi32>
          %squeeze3A_290 = vector.extract %slice3A_289[0] : i32 from vector<1xi32>
          %gt3A_291 = arith.constant 0 : i32
          %gt3A_292 = arith.cmpi sgt, %squeeze3A_290, %gt3A_291 : i32
          %mul3A_293 = arith.constant 8 : i32
          %mul3A_294 = arith.muli %scan3A_93, %mul3A_293 : i32
          %add3A_295 = arith.constant 5 : i32
          %add3A_296 = arith.addi %mul3A_294, %add3A_295 : i32
          %convert_element_type3A_297 = arith.extui %gt3A_292 : i1 to i32
          %cond3A_298 = arith.constant 0 : i32
          %cond3A_299 = arith.cmpi ne, %convert_element_type3A_297, %cond3A_298 : i32
          %cond3A_300 = scf.if %cond3A_299 -> (i32) {
            %ge3A_327 = arith.constant 48 : i32
            %ge3A_328 = arith.cmpi sge, %cond3A_287, %ge3A_327 : i32
            %convert_element_type3A_329 = arith.extui %ge3A_328 : i1 to i32
            %cond3A_330 = arith.constant 0 : i32
            %cond3A_331 = arith.cmpi ne, %convert_element_type3A_329, %cond3A_330 : i32
            %cond3A_332 = scf.if %cond3A_331 -> (i32) {
              %dma_start3A_360 = arith.constant 0 : i32
              %dma_start3A_361 = arith.constant 0 : i32
              %dma_start3A_362 = tpu.memref_slice %arg5[%scan3A_20, %dma_start3A_360, %dma_start3A_361] : memref<26x4096x128xf32, #tpu.memory_space<hbm>> -> memref<1x4096x128xf32, #tpu.memory_space<hbm>>
              %dma_start3A_363 = tpu.memref_squeeze %dma_start3A_362 : memref<1x4096x128xf32, #tpu.memory_space<hbm>> -> memref<4096x128xf32, #tpu.memory_space<hbm>>
              %dma_start3A_364 = arith.constant 0 : i32
              %dma_start3A_365 = arith.constant 0 : i32
              %dma_start3A_366 = tpu.memref_slice %dma_start3A_363[%dma_start3A_364, %dma_start3A_365] : memref<4096x128xf32, #tpu.memory_space<hbm>> -> memref<4096x128xf32, #tpu.memory_space<hbm>>
              %dma_start3A_367 = arith.constant -1 : i32
              tpu.enqueue_indirect_dma source(%arg8 : memref<64x128xf32, #tpu.memory_space<vmem>>) target(%dma_start3A_366 : memref<4096x128xf32, #tpu.memory_space<hbm>>) offsets(%arg9 : memref<64xi32, #tpu.memory_space<vmem>>) offset_filter(%dma_start3A_367) semaphore(%arg13 : memref<!tpu.dma_semaphore, #tpu.memory_space<semaphore_mem>>)
              %dma_wait3A_368 = arith.constant 0 : i32
              %dma_wait3A_369 = arith.constant 0 : i32
              %dma_wait3A_370 = tpu.memref_slice %arg5[%scan3A_20, %dma_wait3A_368, %dma_wait3A_369] : memref<26x4096x128xf32, #tpu.memory_space<hbm>> -> memref<1x4096x128xf32, #tpu.memory_space<hbm>>
              %dma_wait3A_371 = tpu.memref_squeeze %dma_wait3A_370 : memref<1x4096x128xf32, #tpu.memory_space<hbm>> -> memref<4096x128xf32, #tpu.memory_space<hbm>>
              %dma_wait3A_372 = arith.constant 0 : i32
              %dma_wait3A_373 = arith.constant 0 : i32
              %dma_wait3A_374 = tpu.memref_slice %dma_wait3A_371[%dma_wait3A_372, %dma_wait3A_373] : memref<4096x128xf32, #tpu.memory_space<hbm>> -> memref<4096x128xf32, #tpu.memory_space<hbm>>
              tpu.wait_indirect_dma semaphore(%arg13 : memref<!tpu.dma_semaphore, #tpu.memory_space<semaphore_mem>>) src(%arg8 : memref<64x128xf32, #tpu.memory_space<vmem>>) dst(%dma_wait3A_374 : memref<4096x128xf32, #tpu.memory_space<hbm>>)
              %broadcast_in_dim3A_375 = arith.constant -1 : i32
              %broadcast_in_dim3A_376 = vector.broadcast %broadcast_in_dim3A_375 : i32 to vector<16xi32>
              %swap3A_377 = arith.constant 0 : index
              %swap3A_378 = tpu.vector_load %arg9[%swap3A_377] {strides = array<i32>} : memref<64xi32, #tpu.memory_space<vmem>>, vector<16xi32>,
              tpu.vector_store %arg9[%swap3A_377], %broadcast_in_dim3A_376 {strides = array<i32>} : memref<64xi32, #tpu.memory_space<vmem>>, vector<16xi32>,
              %broadcast_in_dim3A_379 = arith.constant -1 : i32
              %broadcast_in_dim3A_380 = vector.broadcast %broadcast_in_dim3A_379 : i32 to vector<16xi32>
              %swap3A_381 = arith.constant 16 : index
              %swap3A_382 = tpu.vector_load %arg9[%swap3A_381] {strides = array<i32>} : memref<64xi32, #tpu.memory_space<vmem>>, vector<16xi32>,
              tpu.vector_store %arg9[%swap3A_381], %broadcast_in_dim3A_380 {strides = array<i32>} : memref<64xi32, #tpu.memory_space<vmem>>, vector<16xi32>,
              %broadcast_in_dim3A_383 = arith.constant -1 : i32
              %broadcast_in_dim3A_384 = vector.broadcast %broadcast_in_dim3A_383 : i32 to vector<16xi32>
              %swap3A_385 = arith.constant 32 : index
              %swap3A_386 = tpu.vector_load %arg9[%swap3A_385] {strides = array<i32>} : memref<64xi32, #tpu.memory_space<vmem>>, vector<16xi32>,
              tpu.vector_store %arg9[%swap3A_385], %broadcast_in_dim3A_384 {strides = array<i32>} : memref<64xi32, #tpu.memory_space<vmem>>, vector<16xi32>,
              %broadcast_in_dim3A_387 = arith.constant -1 : i32
              %broadcast_in_dim3A_388 = vector.broadcast %broadcast_in_dim3A_387 : i32 to vector<16xi32>
              %swap3A_389 = arith.constant 48 : index
              %swap3A_390 = tpu.vector_load %arg9[%swap3A_389] {strides = array<i32>} : memref<64xi32, #tpu.memory_space<vmem>>, vector<16xi32>,
              tpu.vector_store %arg9[%swap3A_389], %broadcast_in_dim3A_388 {strides = array<i32>} : memref<64xi32, #tpu.memory_space<vmem>>, vector<16xi32>,
              %cond3A_391 = arith.constant 0 : i32
              scf.yield %cond3A_391 : i32
            } else {
              scf.yield %cond3A_287 : i32
            }
            %sub3A = vector.broadcast %multiple_of3A : i32 to vector<16xi32>
            %sub3A_333 = arith.subi %get3A_173, %sub3A : vector<16xi32>
            %swap3A_334 = arith.constant 0 : index
            %swap3A_335 = tpu.vector_load %arg11[%swap3A_334] masked %and3A_180 {strides = array<i32>} : memref<16xi32, #tpu.memory_space<vmem>>, vector<16xi32>, vector<16xi1>
            tpu.vector_store %arg11[%swap3A_334], %sub3A_333 masked %and3A_180 {strides = array<i32>} : memref<16xi32, #tpu.memory_space<vmem>>, vector<16xi32>, vector<16xi1>
            %get3A_336 = arith.constant 0 : index
            %get3A_337 = tpu.vector_load %arg11[%get3A_336] {strides = array<i32>} : memref<16xi32, #tpu.memory_space<vmem>>, vector<16xi32>,
            %convert_element_type3A_338 = arith.extui %and3A_180 : vector<16xi1> to vector<16xi32>
            %broadcast_in_dim3A_339 = arith.constant true
            %broadcast_in_dim3A_340 = vector.broadcast %broadcast_in_dim3A_339 : i1 to vector<16xi1>
            %masked_cumsum3A = tpu.scan <sum>, %convert_element_type3A_338 masked %broadcast_in_dim3A_340 : vector<16xi32>, vector<16xi1> -> vector<16xi32>
            %add3A_341 = vector.broadcast %cond3A_332 : i32 to vector<16xi32>
            %add3A_342 = arith.addi %add3A_341, %masked_cumsum3A : vector<16xi32>
            %sub3A_343 = arith.constant 1 : i32
            %sub3A_344 = vector.broadcast %sub3A_343 : i32 to vector<16xi32>
            %sub3A_345 = arith.subi %add3A_342, %sub3A_344 : vector<16xi32>
            %mul3A_346 = arith.constant 16 : i32
            %mul3A_347 = arith.muli %add3A_296, %mul3A_346 : i32
            %add3A_348 = vector.broadcast %mul3A_347 : i32 to vector<16xi32>
            %add3A_349 = arith.addi %iota3A, %add3A_348 : vector<16xi32>
            %scatter3A = arith.constant 0 : i32
            %scatter3A_350 = tpu.memref_slice %arg9[%scatter3A] : memref<64xi32, #tpu.memory_space<vmem>> -> memref<64xi32, #tpu.memory_space<vmem>>
            tpu.vector_store_idx %scatter3A_350[%sub3A_345], %add3A_349 masked %and3A_180 : memref<64xi32, #tpu.memory_space<vmem>>[vector<16xi32>], vector<16xi32>, vector<16xi1>
            %while3A = arith.constant 0 : i32
            %while3A_351 = arith.subi %squeeze3A_290, %while3A : i32
            %while3A_352 = arith.addi %while3A, %while3A_351 : i32
            %while3A_353 = arith.constant 1 : i32
            %while3A_354 = arith.divsi %while3A_351, %while3A_353 : i32
            %while3A_355 = arith.muli %while3A_354, %while3A_353 : i32
            %while3A_356 = arith.addi %while3A, %while3A_355 : i32
            %while3A_357 = arith.constant 1 : i32
            scf.for %while3A_360 = %while3A to %while3A_356 step %while3A_357  : i32 {
              %broadcast_in_dim3A_361 = vector.broadcast %while3A_360 : i32 to vector<16xi32>
              %lt3A_362 = arith.constant 0 : i32
              %lt3A_363 = vector.broadcast %lt3A_362 : i32 to vector<16xi32>
              %lt3A_364 = arith.cmpi slt, %broadcast_in_dim3A_361, %lt3A_363 : vector<16xi32>
              %add3A_365 = arith.constant 16 : i32
              %add3A_366 = vector.broadcast %add3A_365 : i32 to vector<16xi32>
              %add3A_367 = arith.addi %broadcast_in_dim3A_361, %add3A_366 : vector<16xi32>
              %select_n3A = arith.select %lt3A_364, %add3A_367, %broadcast_in_dim3A_361 : vector<16xi1>, vector<16xi32>
              %broadcast_in_dim3A_368 = vector.shape_cast %select_n3A : vector<16xi32> to vector<16x1xi32>
              %gather3A = vector.shape_cast %broadcast_in_dim3A_368 : vector<16x1xi32> to vector<16xi32>
              %gather3A_369 = tpu.dynamic_gather %get3A_337[%gather3A] in [0] : vector<16xi32>, vector<16xi32> -> vector<16xi32>
              %add3A_370 = arith.addi %cond3A_332, %while3A_360 : i32
              %gather3A_371 = arith.constant 0 : i32
              %gather3A_372 = arith.constant 0 : i32
              %gather3A_373 = tpu.memref_slice %arg7[%gather3A_371, %gather3A_372] : memref<32x3200xf32, #tpu.memory_space<vmem>> -> memref<32x3200xf32, #tpu.memory_space<vmem>>
              %gather3A_374 = tpu.vector_load_idx %gather3A_373[%iota3A, %gather3A_369] : memref<32x3200xf32, #tpu.memory_space<vmem>>[vector<16xi32>, vector<16xi32>], vector<16xf32>,
              %swap3A_375 = arith.index_cast %add3A_370 : i32 to index
              %swap3A_376 = arith.constant 0 : index
              %swap3A_377 = tpu.vector_load %arg8[%swap3A_375, %swap3A_376] {strides = array<i32>} : memref<64x128xf32, #tpu.memory_space<vmem>>, vector<16xf32>,
              tpu.vector_store %arg8[%swap3A_375, %swap3A_376], %gather3A_374 {strides = array<i32>} : memref<64x128xf32, #tpu.memory_space<vmem>>, vector<16xf32>,
              %add3A_378 = arith.constant 16 : i32
              %add3A_379 = vector.broadcast %add3A_378 : i32 to vector<16xi32>
              %add3A_380 = arith.addi %iota3A, %add3A_379 : vector<16xi32>
              %gather3A_381 = arith.constant 0 : i32
              %gather3A_382 = arith.constant 0 : i32
              %gather3A_383 = tpu.memref_slice %arg7[%gather3A_381, %gather3A_382] : memref<32x3200xf32, #tpu.memory_space<vmem>> -> memref<32x3200xf32, #tpu.memory_space<vmem>>
              %gather3A_384 = tpu.vector_load_idx %gather3A_383[%add3A_380, %gather3A_369] : memref<32x3200xf32, #tpu.memory_space<vmem>>[vector<16xi32>, vector<16xi32>], vector<16xf32>,
              %swap3A_385 = arith.index_cast %add3A_370 : i32 to index
              %swap3A_386 = arith.constant 16 : index
              %swap3A_387 = tpu.vector_load %arg8[%swap3A_385, %swap3A_386] {strides = array<i32>} : memref<64x128xf32, #tpu.memory_space<vmem>>, vector<16xf32>,
              tpu.vector_store %arg8[%swap3A_385, %swap3A_386], %gather3A_384 {strides = array<i32>} : memref<64x128xf32, #tpu.memory_space<vmem>>, vector<16xf32>,
            }
            %while3A_358 = arith.constant 1 : i32
            scf.for %while3A_360 = %while3A_356 to %while3A_352 step %while3A_358  : i32 {
              %broadcast_in_dim3A_361 = vector.broadcast %while3A_360 : i32 to vector<16xi32>
              %lt3A_362 = arith.constant 0 : i32
              %lt3A_363 = vector.broadcast %lt3A_362 : i32 to vector<16xi32>
              %lt3A_364 = arith.cmpi slt, %broadcast_in_dim3A_361, %lt3A_363 : vector<16xi32>
              %add3A_365 = arith.constant 16 : i32
              %add3A_366 = vector.broadcast %add3A_365 : i32 to vector<16xi32>
              %add3A_367 = arith.addi %broadcast_in_dim3A_361, %add3A_366 : vector<16xi32>
              %select_n3A = arith.select %lt3A_364, %add3A_367, %broadcast_in_dim3A_361 : vector<16xi1>, vector<16xi32>
              %broadcast_in_dim3A_368 = vector.shape_cast %select_n3A : vector<16xi32> to vector<16x1xi32>
              %gather3A = vector.shape_cast %broadcast_in_dim3A_368 : vector<16x1xi32> to vector<16xi32>
              %gather3A_369 = tpu.dynamic_gather %get3A_337[%gather3A] in [0] : vector<16xi32>, vector<16xi32> -> vector<16xi32>
              %add3A_370 = arith.addi %cond3A_332, %while3A_360 : i32
              %gather3A_371 = arith.constant 0 : i32
              %gather3A_372 = arith.constant 0 : i32
              %gather3A_373 = tpu.memref_slice %arg7[%gather3A_371, %gather3A_372] : memref<32x3200xf32, #tpu.memory_space<vmem>> -> memref<32x3200xf32, #tpu.memory_space<vmem>>
              %gather3A_374 = tpu.vector_load_idx %gather3A_373[%iota3A, %gather3A_369] : memref<32x3200xf32, #tpu.memory_space<vmem>>[vector<16xi32>, vector<16xi32>], vector<16xf32>,
              %swap3A_375 = arith.index_cast %add3A_370 : i32 to index
              %swap3A_376 = arith.constant 0 : index
              %swap3A_377 = tpu.vector_load %arg8[%swap3A_375, %swap3A_376] {strides = array<i32>} : memref<64x128xf32, #tpu.memory_space<vmem>>, vector<16xf32>,
              tpu.vector_store %arg8[%swap3A_375, %swap3A_376], %gather3A_374 {strides = array<i32>} : memref<64x128xf32, #tpu.memory_space<vmem>>, vector<16xf32>,
              %add3A_378 = arith.constant 16 : i32
              %add3A_379 = vector.broadcast %add3A_378 : i32 to vector<16xi32>
              %add3A_380 = arith.addi %iota3A, %add3A_379 : vector<16xi32>
              %gather3A_381 = arith.constant 0 : i32
              %gather3A_382 = arith.constant 0 : i32
              %gather3A_383 = tpu.memref_slice %arg7[%gather3A_381, %gather3A_382] : memref<32x3200xf32, #tpu.memory_space<vmem>> -> memref<32x3200xf32, #tpu.memory_space<vmem>>
              %gather3A_384 = tpu.vector_load_idx %gather3A_383[%add3A_380, %gather3A_369] : memref<32x3200xf32, #tpu.memory_space<vmem>>[vector<16xi32>, vector<16xi32>], vector<16xf32>,
              %swap3A_385 = arith.index_cast %add3A_370 : i32 to index
              %swap3A_386 = arith.constant 16 : index
              %swap3A_387 = tpu.vector_load %arg8[%swap3A_385, %swap3A_386] {strides = array<i32>} : memref<64x128xf32, #tpu.memory_space<vmem>>, vector<16xf32>,
              tpu.vector_store %arg8[%swap3A_385, %swap3A_386], %gather3A_384 {strides = array<i32>} : memref<64x128xf32, #tpu.memory_space<vmem>>, vector<16xf32>,
            }
            %add3A_359 = arith.addi %cond3A_332, %squeeze3A_290 : i32
            scf.yield %add3A_359 : i32
          } else {
            scf.yield %cond3A_287 : i32
          }
          %all_reduce_population_count3A_301 = tpu.all_reduce %and3A_195 {dim = 0 : i64, kind = #tpu.reduction_kind<sum>} : vector<16xi1> -> vector<16xi32>
          %slice3A_302 = vector.extract_strided_slice %all_reduce_population_count3A_301 {offsets = [0], sizes = [1], strides = [1]} : vector<16xi32> to vector<1xi32>
          %squeeze3A_303 = vector.extract %slice3A_302[0] : i32 from vector<1xi32>
          %gt3A_304 = arith.constant 0 : i32
          %gt3A_305 = arith.cmpi sgt, %squeeze3A_303, %gt3A_304 : i32
          %mul3A_306 = arith.constant 8 : i32
          %mul3A_307 = arith.muli %scan3A_93, %mul3A_306 : i32
          %add3A_308 = arith.constant 6 : i32
          %add3A_309 = arith.addi %mul3A_307, %add3A_308 : i32
          %convert_element_type3A_310 = arith.extui %gt3A_305 : i1 to i32
          %cond3A_311 = arith.constant 0 : i32
          %cond3A_312 = arith.cmpi ne, %convert_element_type3A_310, %cond3A_311 : i32
          %cond3A_313 = scf.if %cond3A_312 -> (i32) {
            %ge3A_327 = arith.constant 48 : i32
            %ge3A_328 = arith.cmpi sge, %cond3A_300, %ge3A_327 : i32
            %convert_element_type3A_329 = arith.extui %ge3A_328 : i1 to i32
            %cond3A_330 = arith.constant 0 : i32
            %cond3A_331 = arith.cmpi ne, %convert_element_type3A_329, %cond3A_330 : i32
            %cond3A_332 = scf.if %cond3A_331 -> (i32) {
              %dma_start3A_360 = arith.constant 0 : i32
              %dma_start3A_361 = arith.constant 0 : i32
              %dma_start3A_362 = tpu.memref_slice %arg5[%scan3A_20, %dma_start3A_360, %dma_start3A_361] : memref<26x4096x128xf32, #tpu.memory_space<hbm>> -> memref<1x4096x128xf32, #tpu.memory_space<hbm>>
              %dma_start3A_363 = tpu.memref_squeeze %dma_start3A_362 : memref<1x4096x128xf32, #tpu.memory_space<hbm>> -> memref<4096x128xf32, #tpu.memory_space<hbm>>
              %dma_start3A_364 = arith.constant 0 : i32
              %dma_start3A_365 = arith.constant 0 : i32
              %dma_start3A_366 = tpu.memref_slice %dma_start3A_363[%dma_start3A_364, %dma_start3A_365] : memref<4096x128xf32, #tpu.memory_space<hbm>> -> memref<4096x128xf32, #tpu.memory_space<hbm>>
              %dma_start3A_367 = arith.constant -1 : i32
              tpu.enqueue_indirect_dma source(%arg8 : memref<64x128xf32, #tpu.memory_space<vmem>>) target(%dma_start3A_366 : memref<4096x128xf32, #tpu.memory_space<hbm>>) offsets(%arg9 : memref<64xi32, #tpu.memory_space<vmem>>) offset_filter(%dma_start3A_367) semaphore(%arg13 : memref<!tpu.dma_semaphore, #tpu.memory_space<semaphore_mem>>)
              %dma_wait3A_368 = arith.constant 0 : i32
              %dma_wait3A_369 = arith.constant 0 : i32
              %dma_wait3A_370 = tpu.memref_slice %arg5[%scan3A_20, %dma_wait3A_368, %dma_wait3A_369] : memref<26x4096x128xf32, #tpu.memory_space<hbm>> -> memref<1x4096x128xf32, #tpu.memory_space<hbm>>
              %dma_wait3A_371 = tpu.memref_squeeze %dma_wait3A_370 : memref<1x4096x128xf32, #tpu.memory_space<hbm>> -> memref<4096x128xf32, #tpu.memory_space<hbm>>
              %dma_wait3A_372 = arith.constant 0 : i32
              %dma_wait3A_373 = arith.constant 0 : i32
              %dma_wait3A_374 = tpu.memref_slice %dma_wait3A_371[%dma_wait3A_372, %dma_wait3A_373] : memref<4096x128xf32, #tpu.memory_space<hbm>> -> memref<4096x128xf32, #tpu.memory_space<hbm>>
              tpu.wait_indirect_dma semaphore(%arg13 : memref<!tpu.dma_semaphore, #tpu.memory_space<semaphore_mem>>) src(%arg8 : memref<64x128xf32, #tpu.memory_space<vmem>>) dst(%dma_wait3A_374 : memref<4096x128xf32, #tpu.memory_space<hbm>>)
              %broadcast_in_dim3A_375 = arith.constant -1 : i32
              %broadcast_in_dim3A_376 = vector.broadcast %broadcast_in_dim3A_375 : i32 to vector<16xi32>
              %swap3A_377 = arith.constant 0 : index
              %swap3A_378 = tpu.vector_load %arg9[%swap3A_377] {strides = array<i32>} : memref<64xi32, #tpu.memory_space<vmem>>, vector<16xi32>,
              tpu.vector_store %arg9[%swap3A_377], %broadcast_in_dim3A_376 {strides = array<i32>} : memref<64xi32, #tpu.memory_space<vmem>>, vector<16xi32>,
              %broadcast_in_dim3A_379 = arith.constant -1 : i32
              %broadcast_in_dim3A_380 = vector.broadcast %broadcast_in_dim3A_379 : i32 to vector<16xi32>
              %swap3A_381 = arith.constant 16 : index
              %swap3A_382 = tpu.vector_load %arg9[%swap3A_381] {strides = array<i32>} : memref<64xi32, #tpu.memory_space<vmem>>, vector<16xi32>,
              tpu.vector_store %arg9[%swap3A_381], %broadcast_in_dim3A_380 {strides = array<i32>} : memref<64xi32, #tpu.memory_space<vmem>>, vector<16xi32>,
              %broadcast_in_dim3A_383 = arith.constant -1 : i32
              %broadcast_in_dim3A_384 = vector.broadcast %broadcast_in_dim3A_383 : i32 to vector<16xi32>
              %swap3A_385 = arith.constant 32 : index
              %swap3A_386 = tpu.vector_load %arg9[%swap3A_385] {strides = array<i32>} : memref<64xi32, #tpu.memory_space<vmem>>, vector<16xi32>,
              tpu.vector_store %arg9[%swap3A_385], %broadcast_in_dim3A_384 {strides = array<i32>} : memref<64xi32, #tpu.memory_space<vmem>>, vector<16xi32>,
              %broadcast_in_dim3A_387 = arith.constant -1 : i32
              %broadcast_in_dim3A_388 = vector.broadcast %broadcast_in_dim3A_387 : i32 to vector<16xi32>
              %swap3A_389 = arith.constant 48 : index
              %swap3A_390 = tpu.vector_load %arg9[%swap3A_389] {strides = array<i32>} : memref<64xi32, #tpu.memory_space<vmem>>, vector<16xi32>,
              tpu.vector_store %arg9[%swap3A_389], %broadcast_in_dim3A_388 {strides = array<i32>} : memref<64xi32, #tpu.memory_space<vmem>>, vector<16xi32>,
              %cond3A_391 = arith.constant 0 : i32
              scf.yield %cond3A_391 : i32
            } else {
              scf.yield %cond3A_300 : i32
            }
            %sub3A = vector.broadcast %multiple_of3A : i32 to vector<16xi32>
            %sub3A_333 = arith.subi %get3A_188, %sub3A : vector<16xi32>
            %swap3A_334 = arith.constant 0 : index
            %swap3A_335 = tpu.vector_load %arg11[%swap3A_334] masked %and3A_195 {strides = array<i32>} : memref<16xi32, #tpu.memory_space<vmem>>, vector<16xi32>, vector<16xi1>
            tpu.vector_store %arg11[%swap3A_334], %sub3A_333 masked %and3A_195 {strides = array<i32>} : memref<16xi32, #tpu.memory_space<vmem>>, vector<16xi32>, vector<16xi1>
            %get3A_336 = arith.constant 0 : index
            %get3A_337 = tpu.vector_load %arg11[%get3A_336] {strides = array<i32>} : memref<16xi32, #tpu.memory_space<vmem>>, vector<16xi32>,
            %convert_element_type3A_338 = arith.extui %and3A_195 : vector<16xi1> to vector<16xi32>
            %broadcast_in_dim3A_339 = arith.constant true
            %broadcast_in_dim3A_340 = vector.broadcast %broadcast_in_dim3A_339 : i1 to vector<16xi1>
            %masked_cumsum3A = tpu.scan <sum>, %convert_element_type3A_338 masked %broadcast_in_dim3A_340 : vector<16xi32>, vector<16xi1> -> vector<16xi32>
            %add3A_341 = vector.broadcast %cond3A_332 : i32 to vector<16xi32>
            %add3A_342 = arith.addi %add3A_341, %masked_cumsum3A : vector<16xi32>
            %sub3A_343 = arith.constant 1 : i32
            %sub3A_344 = vector.broadcast %sub3A_343 : i32 to vector<16xi32>
            %sub3A_345 = arith.subi %add3A_342, %sub3A_344 : vector<16xi32>
            %mul3A_346 = arith.constant 16 : i32
            %mul3A_347 = arith.muli %add3A_309, %mul3A_346 : i32
            %add3A_348 = vector.broadcast %mul3A_347 : i32 to vector<16xi32>
            %add3A_349 = arith.addi %iota3A, %add3A_348 : vector<16xi32>
            %scatter3A = arith.constant 0 : i32
            %scatter3A_350 = tpu.memref_slice %arg9[%scatter3A] : memref<64xi32, #tpu.memory_space<vmem>> -> memref<64xi32, #tpu.memory_space<vmem>>
            tpu.vector_store_idx %scatter3A_350[%sub3A_345], %add3A_349 masked %and3A_195 : memref<64xi32, #tpu.memory_space<vmem>>[vector<16xi32>], vector<16xi32>, vector<16xi1>
            %while3A = arith.constant 0 : i32
            %while3A_351 = arith.subi %squeeze3A_303, %while3A : i32
            %while3A_352 = arith.addi %while3A, %while3A_351 : i32
            %while3A_353 = arith.constant 1 : i32
            %while3A_354 = arith.divsi %while3A_351, %while3A_353 : i32
            %while3A_355 = arith.muli %while3A_354, %while3A_353 : i32
            %while3A_356 = arith.addi %while3A, %while3A_355 : i32
            %while3A_357 = arith.constant 1 : i32
            scf.for %while3A_360 = %while3A to %while3A_356 step %while3A_357  : i32 {
              %broadcast_in_dim3A_361 = vector.broadcast %while3A_360 : i32 to vector<16xi32>
              %lt3A_362 = arith.constant 0 : i32
              %lt3A_363 = vector.broadcast %lt3A_362 : i32 to vector<16xi32>
              %lt3A_364 = arith.cmpi slt, %broadcast_in_dim3A_361, %lt3A_363 : vector<16xi32>
              %add3A_365 = arith.constant 16 : i32
              %add3A_366 = vector.broadcast %add3A_365 : i32 to vector<16xi32>
              %add3A_367 = arith.addi %broadcast_in_dim3A_361, %add3A_366 : vector<16xi32>
              %select_n3A = arith.select %lt3A_364, %add3A_367, %broadcast_in_dim3A_361 : vector<16xi1>, vector<16xi32>
              %broadcast_in_dim3A_368 = vector.shape_cast %select_n3A : vector<16xi32> to vector<16x1xi32>
              %gather3A = vector.shape_cast %broadcast_in_dim3A_368 : vector<16x1xi32> to vector<16xi32>
              %gather3A_369 = tpu.dynamic_gather %get3A_337[%gather3A] in [0] : vector<16xi32>, vector<16xi32> -> vector<16xi32>
              %add3A_370 = arith.addi %cond3A_332, %while3A_360 : i32
              %gather3A_371 = arith.constant 0 : i32
              %gather3A_372 = arith.constant 0 : i32
              %gather3A_373 = tpu.memref_slice %arg7[%gather3A_371, %gather3A_372] : memref<32x3200xf32, #tpu.memory_space<vmem>> -> memref<32x3200xf32, #tpu.memory_space<vmem>>
              %gather3A_374 = tpu.vector_load_idx %gather3A_373[%iota3A, %gather3A_369] : memref<32x3200xf32, #tpu.memory_space<vmem>>[vector<16xi32>, vector<16xi32>], vector<16xf32>,
              %swap3A_375 = arith.index_cast %add3A_370 : i32 to index
              %swap3A_376 = arith.constant 0 : index
              %swap3A_377 = tpu.vector_load %arg8[%swap3A_375, %swap3A_376] {strides = array<i32>} : memref<64x128xf32, #tpu.memory_space<vmem>>, vector<16xf32>,
              tpu.vector_store %arg8[%swap3A_375, %swap3A_376], %gather3A_374 {strides = array<i32>} : memref<64x128xf32, #tpu.memory_space<vmem>>, vector<16xf32>,
              %add3A_378 = arith.constant 16 : i32
              %add3A_379 = vector.broadcast %add3A_378 : i32 to vector<16xi32>
              %add3A_380 = arith.addi %iota3A, %add3A_379 : vector<16xi32>
              %gather3A_381 = arith.constant 0 : i32
              %gather3A_382 = arith.constant 0 : i32
              %gather3A_383 = tpu.memref_slice %arg7[%gather3A_381, %gather3A_382] : memref<32x3200xf32, #tpu.memory_space<vmem>> -> memref<32x3200xf32, #tpu.memory_space<vmem>>
              %gather3A_384 = tpu.vector_load_idx %gather3A_383[%add3A_380, %gather3A_369] : memref<32x3200xf32, #tpu.memory_space<vmem>>[vector<16xi32>, vector<16xi32>], vector<16xf32>,
              %swap3A_385 = arith.index_cast %add3A_370 : i32 to index
              %swap3A_386 = arith.constant 16 : index
              %swap3A_387 = tpu.vector_load %arg8[%swap3A_385, %swap3A_386] {strides = array<i32>} : memref<64x128xf32, #tpu.memory_space<vmem>>, vector<16xf32>,
              tpu.vector_store %arg8[%swap3A_385, %swap3A_386], %gather3A_384 {strides = array<i32>} : memref<64x128xf32, #tpu.memory_space<vmem>>, vector<16xf32>,
            }
            %while3A_358 = arith.constant 1 : i32
            scf.for %while3A_360 = %while3A_356 to %while3A_352 step %while3A_358  : i32 {
              %broadcast_in_dim3A_361 = vector.broadcast %while3A_360 : i32 to vector<16xi32>
              %lt3A_362 = arith.constant 0 : i32
              %lt3A_363 = vector.broadcast %lt3A_362 : i32 to vector<16xi32>
              %lt3A_364 = arith.cmpi slt, %broadcast_in_dim3A_361, %lt3A_363 : vector<16xi32>
              %add3A_365 = arith.constant 16 : i32
              %add3A_366 = vector.broadcast %add3A_365 : i32 to vector<16xi32>
              %add3A_367 = arith.addi %broadcast_in_dim3A_361, %add3A_366 : vector<16xi32>
              %select_n3A = arith.select %lt3A_364, %add3A_367, %broadcast_in_dim3A_361 : vector<16xi1>, vector<16xi32>
              %broadcast_in_dim3A_368 = vector.shape_cast %select_n3A : vector<16xi32> to vector<16x1xi32>
              %gather3A = vector.shape_cast %broadcast_in_dim3A_368 : vector<16x1xi32> to vector<16xi32>
              %gather3A_369 = tpu.dynamic_gather %get3A_337[%gather3A] in [0] : vector<16xi32>, vector<16xi32> -> vector<16xi32>
              %add3A_370 = arith.addi %cond3A_332, %while3A_360 : i32
              %gather3A_371 = arith.constant 0 : i32
              %gather3A_372 = arith.constant 0 : i32
              %gather3A_373 = tpu.memref_slice %arg7[%gather3A_371, %gather3A_372] : memref<32x3200xf32, #tpu.memory_space<vmem>> -> memref<32x3200xf32, #tpu.memory_space<vmem>>
              %gather3A_374 = tpu.vector_load_idx %gather3A_373[%iota3A, %gather3A_369] : memref<32x3200xf32, #tpu.memory_space<vmem>>[vector<16xi32>, vector<16xi32>], vector<16xf32>,
              %swap3A_375 = arith.index_cast %add3A_370 : i32 to index
              %swap3A_376 = arith.constant 0 : index
              %swap3A_377 = tpu.vector_load %arg8[%swap3A_375, %swap3A_376] {strides = array<i32>} : memref<64x128xf32, #tpu.memory_space<vmem>>, vector<16xf32>,
              tpu.vector_store %arg8[%swap3A_375, %swap3A_376], %gather3A_374 {strides = array<i32>} : memref<64x128xf32, #tpu.memory_space<vmem>>, vector<16xf32>,
              %add3A_378 = arith.constant 16 : i32
              %add3A_379 = vector.broadcast %add3A_378 : i32 to vector<16xi32>
              %add3A_380 = arith.addi %iota3A, %add3A_379 : vector<16xi32>
              %gather3A_381 = arith.constant 0 : i32
              %gather3A_382 = arith.constant 0 : i32
              %gather3A_383 = tpu.memref_slice %arg7[%gather3A_381, %gather3A_382] : memref<32x3200xf32, #tpu.memory_space<vmem>> -> memref<32x3200xf32, #tpu.memory_space<vmem>>
              %gather3A_384 = tpu.vector_load_idx %gather3A_383[%add3A_380, %gather3A_369] : memref<32x3200xf32, #tpu.memory_space<vmem>>[vector<16xi32>, vector<16xi32>], vector<16xf32>,
              %swap3A_385 = arith.index_cast %add3A_370 : i32 to index
              %swap3A_386 = arith.constant 16 : index
              %swap3A_387 = tpu.vector_load %arg8[%swap3A_385, %swap3A_386] {strides = array<i32>} : memref<64x128xf32, #tpu.memory_space<vmem>>, vector<16xf32>,
              tpu.vector_store %arg8[%swap3A_385, %swap3A_386], %gather3A_384 {strides = array<i32>} : memref<64x128xf32, #tpu.memory_space<vmem>>, vector<16xf32>,
            }
            %add3A_359 = arith.addi %cond3A_332, %squeeze3A_303 : i32
            scf.yield %add3A_359 : i32
          } else {
            scf.yield %cond3A_300 : i32
          }
          %all_reduce_population_count3A_314 = tpu.all_reduce %and3A_210 {dim = 0 : i64, kind = #tpu.reduction_kind<sum>} : vector<16xi1> -> vector<16xi32>
          %slice3A_315 = vector.extract_strided_slice %all_reduce_population_count3A_314 {offsets = [0], sizes = [1], strides = [1]} : vector<16xi32> to vector<1xi32>
          %squeeze3A_316 = vector.extract %slice3A_315[0] : i32 from vector<1xi32>
          %gt3A_317 = arith.constant 0 : i32
          %gt3A_318 = arith.cmpi sgt, %squeeze3A_316, %gt3A_317 : i32
          %mul3A_319 = arith.constant 8 : i32
          %mul3A_320 = arith.muli %scan3A_93, %mul3A_319 : i32
          %add3A_321 = arith.constant 7 : i32
          %add3A_322 = arith.addi %mul3A_320, %add3A_321 : i32
          %convert_element_type3A_323 = arith.extui %gt3A_318 : i1 to i32
          %cond3A_324 = arith.constant 0 : i32
          %cond3A_325 = arith.cmpi ne, %convert_element_type3A_323, %cond3A_324 : i32
          %cond3A_326 = scf.if %cond3A_325 -> (i32) {
            %ge3A_327 = arith.constant 48 : i32
            %ge3A_328 = arith.cmpi sge, %cond3A_313, %ge3A_327 : i32
            %convert_element_type3A_329 = arith.extui %ge3A_328 : i1 to i32
            %cond3A_330 = arith.constant 0 : i32
            %cond3A_331 = arith.cmpi ne, %convert_element_type3A_329, %cond3A_330 : i32
            %cond3A_332 = scf.if %cond3A_331 -> (i32) {
              %dma_start3A_360 = arith.constant 0 : i32
              %dma_start3A_361 = arith.constant 0 : i32
              %dma_start3A_362 = tpu.memref_slice %arg5[%scan3A_20, %dma_start3A_360, %dma_start3A_361] : memref<26x4096x128xf32, #tpu.memory_space<hbm>> -> memref<1x4096x128xf32, #tpu.memory_space<hbm>>
              %dma_start3A_363 = tpu.memref_squeeze %dma_start3A_362 : memref<1x4096x128xf32, #tpu.memory_space<hbm>> -> memref<4096x128xf32, #tpu.memory_space<hbm>>
              %dma_start3A_364 = arith.constant 0 : i32
              %dma_start3A_365 = arith.constant 0 : i32
              %dma_start3A_366 = tpu.memref_slice %dma_start3A_363[%dma_start3A_364, %dma_start3A_365] : memref<4096x128xf32, #tpu.memory_space<hbm>> -> memref<4096x128xf32, #tpu.memory_space<hbm>>
              %dma_start3A_367 = arith.constant -1 : i32
              tpu.enqueue_indirect_dma source(%arg8 : memref<64x128xf32, #tpu.memory_space<vmem>>) target(%dma_start3A_366 : memref<4096x128xf32, #tpu.memory_space<hbm>>) offsets(%arg9 : memref<64xi32, #tpu.memory_space<vmem>>) offset_filter(%dma_start3A_367) semaphore(%arg13 : memref<!tpu.dma_semaphore, #tpu.memory_space<semaphore_mem>>)
              %dma_wait3A_368 = arith.constant 0 : i32
              %dma_wait3A_369 = arith.constant 0 : i32
              %dma_wait3A_370 = tpu.memref_slice %arg5[%scan3A_20, %dma_wait3A_368, %dma_wait3A_369] : memref<26x4096x128xf32, #tpu.memory_space<hbm>> -> memref<1x4096x128xf32, #tpu.memory_space<hbm>>
              %dma_wait3A_371 = tpu.memref_squeeze %dma_wait3A_370 : memref<1x4096x128xf32, #tpu.memory_space<hbm>> -> memref<4096x128xf32, #tpu.memory_space<hbm>>
              %dma_wait3A_372 = arith.constant 0 : i32
              %dma_wait3A_373 = arith.constant 0 : i32
              %dma_wait3A_374 = tpu.memref_slice %dma_wait3A_371[%dma_wait3A_372, %dma_wait3A_373] : memref<4096x128xf32, #tpu.memory_space<hbm>> -> memref<4096x128xf32, #tpu.memory_space<hbm>>
              tpu.wait_indirect_dma semaphore(%arg13 : memref<!tpu.dma_semaphore, #tpu.memory_space<semaphore_mem>>) src(%arg8 : memref<64x128xf32, #tpu.memory_space<vmem>>) dst(%dma_wait3A_374 : memref<4096x128xf32, #tpu.memory_space<hbm>>)
              %broadcast_in_dim3A_375 = arith.constant -1 : i32
              %broadcast_in_dim3A_376 = vector.broadcast %broadcast_in_dim3A_375 : i32 to vector<16xi32>
              %swap3A_377 = arith.constant 0 : index
              %swap3A_378 = tpu.vector_load %arg9[%swap3A_377] {strides = array<i32>} : memref<64xi32, #tpu.memory_space<vmem>>, vector<16xi32>,
              tpu.vector_store %arg9[%swap3A_377], %broadcast_in_dim3A_376 {strides = array<i32>} : memref<64xi32, #tpu.memory_space<vmem>>, vector<16xi32>,
              %broadcast_in_dim3A_379 = arith.constant -1 : i32
              %broadcast_in_dim3A_380 = vector.broadcast %broadcast_in_dim3A_379 : i32 to vector<16xi32>
              %swap3A_381 = arith.constant 16 : index
              %swap3A_382 = tpu.vector_load %arg9[%swap3A_381] {strides = array<i32>} : memref<64xi32, #tpu.memory_space<vmem>>, vector<16xi32>,
              tpu.vector_store %arg9[%swap3A_381], %broadcast_in_dim3A_380 {strides = array<i32>} : memref<64xi32, #tpu.memory_space<vmem>>, vector<16xi32>,
              %broadcast_in_dim3A_383 = arith.constant -1 : i32
              %broadcast_in_dim3A_384 = vector.broadcast %broadcast_in_dim3A_383 : i32 to vector<16xi32>
              %swap3A_385 = arith.constant 32 : index
              %swap3A_386 = tpu.vector_load %arg9[%swap3A_385] {strides = array<i32>} : memref<64xi32, #tpu.memory_space<vmem>>, vector<16xi32>,
              tpu.vector_store %arg9[%swap3A_385], %broadcast_in_dim3A_384 {strides = array<i32>} : memref<64xi32, #tpu.memory_space<vmem>>, vector<16xi32>,
              %broadcast_in_dim3A_387 = arith.constant -1 : i32
              %broadcast_in_dim3A_388 = vector.broadcast %broadcast_in_dim3A_387 : i32 to vector<16xi32>
              %swap3A_389 = arith.constant 48 : index
              %swap3A_390 = tpu.vector_load %arg9[%swap3A_389] {strides = array<i32>} : memref<64xi32, #tpu.memory_space<vmem>>, vector<16xi32>,
              tpu.vector_store %arg9[%swap3A_389], %broadcast_in_dim3A_388 {strides = array<i32>} : memref<64xi32, #tpu.memory_space<vmem>>, vector<16xi32>,
              %cond3A_391 = arith.constant 0 : i32
              scf.yield %cond3A_391 : i32
            } else {
              scf.yield %cond3A_313 : i32
            }
            %sub3A = vector.broadcast %multiple_of3A : i32 to vector<16xi32>
            %sub3A_333 = arith.subi %get3A_203, %sub3A : vector<16xi32>
            %swap3A_334 = arith.constant 0 : index
            %swap3A_335 = tpu.vector_load %arg11[%swap3A_334] masked %and3A_210 {strides = array<i32>} : memref<16xi32, #tpu.memory_space<vmem>>, vector<16xi32>, vector<16xi1>
            tpu.vector_store %arg11[%swap3A_334], %sub3A_333 masked %and3A_210 {strides = array<i32>} : memref<16xi32, #tpu.memory_space<vmem>>, vector<16xi32>, vector<16xi1>
            %get3A_336 = arith.constant 0 : index
            %get3A_337 = tpu.vector_load %arg11[%get3A_336] {strides = array<i32>} : memref<16xi32, #tpu.memory_space<vmem>>, vector<16xi32>,
            %convert_element_type3A_338 = arith.extui %and3A_210 : vector<16xi1> to vector<16xi32>
            %broadcast_in_dim3A_339 = arith.constant true
            %broadcast_in_dim3A_340 = vector.broadcast %broadcast_in_dim3A_339 : i1 to vector<16xi1>
            %masked_cumsum3A = tpu.scan <sum>, %convert_element_type3A_338 masked %broadcast_in_dim3A_340 : vector<16xi32>, vector<16xi1> -> vector<16xi32>
            %add3A_341 = vector.broadcast %cond3A_332 : i32 to vector<16xi32>
            %add3A_342 = arith.addi %add3A_341, %masked_cumsum3A : vector<16xi32>
            %sub3A_343 = arith.constant 1 : i32
            %sub3A_344 = vector.broadcast %sub3A_343 : i32 to vector<16xi32>
            %sub3A_345 = arith.subi %add3A_342, %sub3A_344 : vector<16xi32>
            %mul3A_346 = arith.constant 16 : i32
            %mul3A_347 = arith.muli %add3A_322, %mul3A_346 : i32
            %add3A_348 = vector.broadcast %mul3A_347 : i32 to vector<16xi32>
            %add3A_349 = arith.addi %iota3A, %add3A_348 : vector<16xi32>
            %scatter3A = arith.constant 0 : i32
            %scatter3A_350 = tpu.memref_slice %arg9[%scatter3A] : memref<64xi32, #tpu.memory_space<vmem>> -> memref<64xi32, #tpu.memory_space<vmem>>
            tpu.vector_store_idx %scatter3A_350[%sub3A_345], %add3A_349 masked %and3A_210 : memref<64xi32, #tpu.memory_space<vmem>>[vector<16xi32>], vector<16xi32>, vector<16xi1>
            %while3A = arith.constant 0 : i32
            %while3A_351 = arith.subi %squeeze3A_316, %while3A : i32
            %while3A_352 = arith.addi %while3A, %while3A_351 : i32
            %while3A_353 = arith.constant 1 : i32
            %while3A_354 = arith.divsi %while3A_351, %while3A_353 : i32
            %while3A_355 = arith.muli %while3A_354, %while3A_353 : i32
            %while3A_356 = arith.addi %while3A, %while3A_355 : i32
            %while3A_357 = arith.constant 1 : i32
            scf.for %while3A_360 = %while3A to %while3A_356 step %while3A_357  : i32 {
              %broadcast_in_dim3A_361 = vector.broadcast %while3A_360 : i32 to vector<16xi32>
              %lt3A_362 = arith.constant 0 : i32
              %lt3A_363 = vector.broadcast %lt3A_362 : i32 to vector<16xi32>
              %lt3A_364 = arith.cmpi slt, %broadcast_in_dim3A_361, %lt3A_363 : vector<16xi32>
              %add3A_365 = arith.constant 16 : i32
              %add3A_366 = vector.broadcast %add3A_365 : i32 to vector<16xi32>
              %add3A_367 = arith.addi %broadcast_in_dim3A_361, %add3A_366 : vector<16xi32>
              %select_n3A = arith.select %lt3A_364, %add3A_367, %broadcast_in_dim3A_361 : vector<16xi1>, vector<16xi32>
              %broadcast_in_dim3A_368 = vector.shape_cast %select_n3A : vector<16xi32> to vector<16x1xi32>
              %gather3A = vector.shape_cast %broadcast_in_dim3A_368 : vector<16x1xi32> to vector<16xi32>
              %gather3A_369 = tpu.dynamic_gather %get3A_337[%gather3A] in [0] : vector<16xi32>, vector<16xi32> -> vector<16xi32>
              %add3A_370 = arith.addi %cond3A_332, %while3A_360 : i32
              %gather3A_371 = arith.constant 0 : i32
              %gather3A_372 = arith.constant 0 : i32
              %gather3A_373 = tpu.memref_slice %arg7[%gather3A_371, %gather3A_372] : memref<32x3200xf32, #tpu.memory_space<vmem>> -> memref<32x3200xf32, #tpu.memory_space<vmem>>
              %gather3A_374 = tpu.vector_load_idx %gather3A_373[%iota3A, %gather3A_369] : memref<32x3200xf32, #tpu.memory_space<vmem>>[vector<16xi32>, vector<16xi32>], vector<16xf32>,
              %swap3A_375 = arith.index_cast %add3A_370 : i32 to index
              %swap3A_376 = arith.constant 0 : index
              %swap3A_377 = tpu.vector_load %arg8[%swap3A_375, %swap3A_376] {strides = array<i32>} : memref<64x128xf32, #tpu.memory_space<vmem>>, vector<16xf32>,
              tpu.vector_store %arg8[%swap3A_375, %swap3A_376], %gather3A_374 {strides = array<i32>} : memref<64x128xf32, #tpu.memory_space<vmem>>, vector<16xf32>,
              %add3A_378 = arith.constant 16 : i32
              %add3A_379 = vector.broadcast %add3A_378 : i32 to vector<16xi32>
              %add3A_380 = arith.addi %iota3A, %add3A_379 : vector<16xi32>
              %gather3A_381 = arith.constant 0 : i32
              %gather3A_382 = arith.constant 0 : i32
              %gather3A_383 = tpu.memref_slice %arg7[%gather3A_381, %gather3A_382] : memref<32x3200xf32, #tpu.memory_space<vmem>> -> memref<32x3200xf32, #tpu.memory_space<vmem>>
              %gather3A_384 = tpu.vector_load_idx %gather3A_383[%add3A_380, %gather3A_369] : memref<32x3200xf32, #tpu.memory_space<vmem>>[vector<16xi32>, vector<16xi32>], vector<16xf32>,
              %swap3A_385 = arith.index_cast %add3A_370 : i32 to index
              %swap3A_386 = arith.constant 16 : index
              %swap3A_387 = tpu.vector_load %arg8[%swap3A_385, %swap3A_386] {strides = array<i32>} : memref<64x128xf32, #tpu.memory_space<vmem>>, vector<16xf32>,
              tpu.vector_store %arg8[%swap3A_385, %swap3A_386], %gather3A_384 {strides = array<i32>} : memref<64x128xf32, #tpu.memory_space<vmem>>, vector<16xf32>,
            }
            %while3A_358 = arith.constant 1 : i32
            scf.for %while3A_360 = %while3A_356 to %while3A_352 step %while3A_358  : i32 {
              %broadcast_in_dim3A_361 = vector.broadcast %while3A_360 : i32 to vector<16xi32>
              %lt3A_362 = arith.constant 0 : i32
              %lt3A_363 = vector.broadcast %lt3A_362 : i32 to vector<16xi32>
              %lt3A_364 = arith.cmpi slt, %broadcast_in_dim3A_361, %lt3A_363 : vector<16xi32>
              %add3A_365 = arith.constant 16 : i32
              %add3A_366 = vector.broadcast %add3A_365 : i32 to vector<16xi32>
              %add3A_367 = arith.addi %broadcast_in_dim3A_361, %add3A_366 : vector<16xi32>
              %select_n3A = arith.select %lt3A_364, %add3A_367, %broadcast_in_dim3A_361 : vector<16xi1>, vector<16xi32>
              %broadcast_in_dim3A_368 = vector.shape_cast %select_n3A : vector<16xi32> to vector<16x1xi32>
              %gather3A = vector.shape_cast %broadcast_in_dim3A_368 : vector<16x1xi32> to vector<16xi32>
              %gather3A_369 = tpu.dynamic_gather %get3A_337[%gather3A] in [0] : vector<16xi32>, vector<16xi32> -> vector<16xi32>
              %add3A_370 = arith.addi %cond3A_332, %while3A_360 : i32
              %gather3A_371 = arith.constant 0 : i32
              %gather3A_372 = arith.constant 0 : i32
              %gather3A_373 = tpu.memref_slice %arg7[%gather3A_371, %gather3A_372] : memref<32x3200xf32, #tpu.memory_space<vmem>> -> memref<32x3200xf32, #tpu.memory_space<vmem>>
              %gather3A_374 = tpu.vector_load_idx %gather3A_373[%iota3A, %gather3A_369] : memref<32x3200xf32, #tpu.memory_space<vmem>>[vector<16xi32>, vector<16xi32>], vector<16xf32>,
              %swap3A_375 = arith.index_cast %add3A_370 : i32 to index
              %swap3A_376 = arith.constant 0 : index
              %swap3A_377 = tpu.vector_load %arg8[%swap3A_375, %swap3A_376] {strides = array<i32>} : memref<64x128xf32, #tpu.memory_space<vmem>>, vector<16xf32>,
              tpu.vector_store %arg8[%swap3A_375, %swap3A_376], %gather3A_374 {strides = array<i32>} : memref<64x128xf32, #tpu.memory_space<vmem>>, vector<16xf32>,
              %add3A_378 = arith.constant 16 : i32
              %add3A_379 = vector.broadcast %add3A_378 : i32 to vector<16xi32>
              %add3A_380 = arith.addi %iota3A, %add3A_379 : vector<16xi32>
              %gather3A_381 = arith.constant 0 : i32
              %gather3A_382 = arith.constant 0 : i32
              %gather3A_383 = tpu.memref_slice %arg7[%gather3A_381, %gather3A_382] : memref<32x3200xf32, #tpu.memory_space<vmem>> -> memref<32x3200xf32, #tpu.memory_space<vmem>>
              %gather3A_384 = tpu.vector_load_idx %gather3A_383[%add3A_380, %gather3A_369] : memref<32x3200xf32, #tpu.memory_space<vmem>>[vector<16xi32>, vector<16xi32>], vector<16xf32>,
              %swap3A_385 = arith.index_cast %add3A_370 : i32 to index
              %swap3A_386 = arith.constant 16 : index
              %swap3A_387 = tpu.vector_load %arg8[%swap3A_385, %swap3A_386] {strides = array<i32>} : memref<64x128xf32, #tpu.memory_space<vmem>>, vector<16xf32>,
              tpu.vector_store %arg8[%swap3A_385, %swap3A_386], %gather3A_384 {strides = array<i32>} : memref<64x128xf32, #tpu.memory_space<vmem>>, vector<16xf32>,
            }
            %add3A_359 = arith.addi %cond3A_332, %squeeze3A_316 : i32
            scf.yield %add3A_359 : i32
          } else {
            scf.yield %cond3A_313 : i32
          }
          scf.yield %cond3A_326 : i32
        } else {
          scf.yield %scan3A_94 : i32
        }
        scf.yield %cond3A_222 : i32
      }
      %scan3A_81 = arith.constant 32 : i32
      %eq3A = arith.cmpi eq, %scan3A_20, %add3A : i32
      %convert_element_type3A = arith.extui %eq3A : i1 to i32
      %cond3A = arith.constant 0 : i32
      %cond3A_82 = arith.cmpi ne, %convert_element_type3A, %cond3A : i32
      scf.if %cond3A_82 {
        "tpu.region"() ({
          %run_scoped3A = tpu.sem_alloc : memref<!tpu.dma_semaphore, #tpu.memory_space<semaphore_mem>>
          %dma_start3A_93 = arith.constant 0 : i32
          %dma_start3A_94 = arith.constant 0 : i32
          %dma_start3A_95 = tpu.memref_slice %arg3[%scan3A_20, %dma_start3A_93, %dma_start3A_94] : memref<26x32x32xf32, #tpu.memory_space<hbm>> -> memref<1x32x32xf32, #tpu.memory_space<hbm>>
          %dma_start3A_96 = tpu.memref_squeeze %dma_start3A_95 : memref<1x32x32xf32, #tpu.memory_space<hbm>> -> memref<32x32xf32, #tpu.memory_space<hbm>>
          %dma_start3A_97 = arith.constant 0 : i32
          %dma_start3A_98 = arith.constant 0 : i32
          %dma_start3A_99 = tpu.memref_slice %arg3[%scan3A_20, %dma_start3A_97, %dma_start3A_98] : memref<26x32x32xf32, #tpu.memory_space<hbm>> -> memref<1x32x32xf32, #tpu.memory_space<hbm>>
          %dma_start3A_100 = tpu.memref_squeeze %dma_start3A_99 : memref<1x32x32xf32, #tpu.memory_space<hbm>> -> memref<32x32xf32, #tpu.memory_space<hbm>>
          tpu.enqueue_dma source(%dma_start3A_100 : memref<32x32xf32, #tpu.memory_space<hbm>>) target(%arg10 : memref<32x32xf32, #tpu.memory_space<vmem>>) target_semaphore(%run_scoped3A : memref<!tpu.dma_semaphore, #tpu.memory_space<semaphore_mem>>)
          %dma_wait3A_101 = arith.constant 0 : i32
          %dma_wait3A_102 = arith.constant 0 : i32
          %dma_wait3A_103 = tpu.memref_slice %arg3[%scan3A_20, %dma_wait3A_101, %dma_wait3A_102] : memref<26x32x32xf32, #tpu.memory_space<hbm>> -> memref<1x32x32xf32, #tpu.memory_space<hbm>>
          %dma_wait3A_104 = tpu.memref_squeeze %dma_wait3A_103 : memref<1x32x32xf32, #tpu.memory_space<hbm>> -> memref<32x32xf32, #tpu.memory_space<hbm>>
          %dma_wait3A_105 = arith.constant 0 : i32
          %dma_wait3A_106 = arith.constant 0 : i32
          %dma_wait3A_107 = tpu.memref_slice %arg3[%scan3A_20, %dma_wait3A_105, %dma_wait3A_106] : memref<26x32x32xf32, #tpu.memory_space<hbm>> -> memref<1x32x32xf32, #tpu.memory_space<hbm>>
          %dma_wait3A_108 = tpu.memref_squeeze %dma_wait3A_107 : memref<1x32x32xf32, #tpu.memory_space<hbm>> -> memref<32x32xf32, #tpu.memory_space<hbm>>
          tpu.wait_dma2 semaphore(%run_scoped3A : memref<!tpu.dma_semaphore, #tpu.memory_space<semaphore_mem>>) src(%dma_wait3A_108 : memref<32x32xf32, #tpu.memory_space<hbm>>) dst(%arg10 : memref<32x32xf32, #tpu.memory_space<vmem>>)
          tpu.yield
        }) : () -> ()
      } else {
      }
      %eq3A_83 = arith.cmpi eq, %scan3A_20, %add3A : i32
      %convert_element_type3A_84 = arith.extui %eq3A_83 : i1 to i32
      %cond3A_85 = arith.constant 0 : i32
      %cond3A_86 = arith.cmpi ne, %convert_element_type3A_84, %cond3A_85 : i32
      %cond3A_87 = scf.if %cond3A_86 -> (i32) {
        %iota3A_93 = tpu.iota {dimensions = array<i32: 0>} : vector<16xi32>
        %scan3A_94 = arith.constant 99968 : i32
        %scan3A_95 = arith.constant 0 : i32
        %scan3A_96 = arith.constant 32 : i32
        %scan3A_97 = arith.addi %scan3A_95, %scan3A_96 : i32
        %scan3A_98 = arith.constant 1 : i32
        %scan3A_99 = scf.for %scan3A_101 = %scan3A_95 to %scan3A_97 step %scan3A_98 iter_args(%scan3A_102 = %scan3A_80) -> (i32)  : i32 {
          %mul3A_103 = arith.constant 8 : i32
          %mul3A_104 = arith.muli %scan3A_101, %mul3A_103 : i32
          %add3A_105 = arith.constant 0 : i32
          %add3A_106 = arith.addi %mul3A_104, %add3A_105 : i32
          %mul3A_107 = arith.constant 16 : i32
          %mul3A_108 = arith.muli %add3A_106, %mul3A_107 : i32
          %get3A = arith.index_cast %mul3A_108 : i32 to index
          %get3A_109 = tpu.vector_load %arg6[%get3A] {strides = array<i32>} : memref<4096xi32, #tpu.memory_space<vmem>>, vector<16xi32>,
          %ge3A = vector.broadcast %scan3A_94 : i32 to vector<16xi32>
          %ge3A_110 = arith.cmpi sge, %get3A_109, %ge3A : vector<16xi32>
          %add3A_111 = arith.constant 32 : i32
          %add3A_112 = arith.addi %scan3A_94, %add3A_111 : i32
          %lt3A = vector.broadcast %add3A_112 : i32 to vector<16xi32>
          %lt3A_113 = arith.cmpi slt, %get3A_109, %lt3A : vector<16xi32>
          %and3A = arith.andi %ge3A_110, %lt3A_113 : vector<16xi1>
          %mul3A_114 = arith.constant 8 : i32
          %mul3A_115 = arith.muli %scan3A_101, %mul3A_114 : i32
          %add3A_116 = arith.constant 1 : i32
          %add3A_117 = arith.addi %mul3A_115, %add3A_116 : i32
          %mul3A_118 = arith.constant 16 : i32
          %mul3A_119 = arith.muli %add3A_117, %mul3A_118 : i32
          %get3A_120 = arith.index_cast %mul3A_119 : i32 to index
          %get3A_121 = tpu.vector_load %arg6[%get3A_120] {strides = array<i32>} : memref<4096xi32, #tpu.memory_space<vmem>>, vector<16xi32>,
          %ge3A_122 = vector.broadcast %scan3A_94 : i32 to vector<16xi32>
          %ge3A_123 = arith.cmpi sge, %get3A_121, %ge3A_122 : vector<16xi32>
          %add3A_124 = arith.constant 32 : i32
          %add3A_125 = arith.addi %scan3A_94, %add3A_124 : i32
          %lt3A_126 = vector.broadcast %add3A_125 : i32 to vector<16xi32>
          %lt3A_127 = arith.cmpi slt, %get3A_121, %lt3A_126 : vector<16xi32>
          %and3A_128 = arith.andi %ge3A_123, %lt3A_127 : vector<16xi1>
          %mul3A_129 = arith.constant 8 : i32
          %mul3A_130 = arith.muli %scan3A_101, %mul3A_129 : i32
          %add3A_131 = arith.constant 2 : i32
          %add3A_132 = arith.addi %mul3A_130, %add3A_131 : i32
          %mul3A_133 = arith.constant 16 : i32
          %mul3A_134 = arith.muli %add3A_132, %mul3A_133 : i32
          %get3A_135 = arith.index_cast %mul3A_134 : i32 to index
          %get3A_136 = tpu.vector_load %arg6[%get3A_135] {strides = array<i32>} : memref<4096xi32, #tpu.memory_space<vmem>>, vector<16xi32>,
          %ge3A_137 = vector.broadcast %scan3A_94 : i32 to vector<16xi32>
          %ge3A_138 = arith.cmpi sge, %get3A_136, %ge3A_137 : vector<16xi32>
          %add3A_139 = arith.constant 32 : i32
          %add3A_140 = arith.addi %scan3A_94, %add3A_139 : i32
          %lt3A_141 = vector.broadcast %add3A_140 : i32 to vector<16xi32>
          %lt3A_142 = arith.cmpi slt, %get3A_136, %lt3A_141 : vector<16xi32>
          %and3A_143 = arith.andi %ge3A_138, %lt3A_142 : vector<16xi1>
          %mul3A_144 = arith.constant 8 : i32
          %mul3A_145 = arith.muli %scan3A_101, %mul3A_144 : i32
          %add3A_146 = arith.constant 3 : i32
          %add3A_147 = arith.addi %mul3A_145, %add3A_146 : i32
          %mul3A_148 = arith.constant 16 : i32
          %mul3A_149 = arith.muli %add3A_147, %mul3A_148 : i32
          %get3A_150 = arith.index_cast %mul3A_149 : i32 to index
          %get3A_151 = tpu.vector_load %arg6[%get3A_150] {strides = array<i32>} : memref<4096xi32, #tpu.memory_space<vmem>>, vector<16xi32>,
          %ge3A_152 = vector.broadcast %scan3A_94 : i32 to vector<16xi32>
          %ge3A_153 = arith.cmpi sge, %get3A_151, %ge3A_152 : vector<16xi32>
          %add3A_154 = arith.constant 32 : i32
          %add3A_155 = arith.addi %scan3A_94, %add3A_154 : i32
          %lt3A_156 = vector.broadcast %add3A_155 : i32 to vector<16xi32>
          %lt3A_157 = arith.cmpi slt, %get3A_151, %lt3A_156 : vector<16xi32>
          %and3A_158 = arith.andi %ge3A_153, %lt3A_157 : vector<16xi1>
          %mul3A_159 = arith.constant 8 : i32
          %mul3A_160 = arith.muli %scan3A_101, %mul3A_159 : i32
          %add3A_161 = arith.constant 4 : i32
          %add3A_162 = arith.addi %mul3A_160, %add3A_161 : i32
          %mul3A_163 = arith.constant 16 : i32
          %mul3A_164 = arith.muli %add3A_162, %mul3A_163 : i32
          %get3A_165 = arith.index_cast %mul3A_164 : i32 to index
          %get3A_166 = tpu.vector_load %arg6[%get3A_165] {strides = array<i32>} : memref<4096xi32, #tpu.memory_space<vmem>>, vector<16xi32>,
          %ge3A_167 = vector.broadcast %scan3A_94 : i32 to vector<16xi32>
          %ge3A_168 = arith.cmpi sge, %get3A_166, %ge3A_167 : vector<16xi32>
          %add3A_169 = arith.constant 32 : i32
          %add3A_170 = arith.addi %scan3A_94, %add3A_169 : i32
          %lt3A_171 = vector.broadcast %add3A_170 : i32 to vector<16xi32>
          %lt3A_172 = arith.cmpi slt, %get3A_166, %lt3A_171 : vector<16xi32>
          %and3A_173 = arith.andi %ge3A_168, %lt3A_172 : vector<16xi1>
          %mul3A_174 = arith.constant 8 : i32
          %mul3A_175 = arith.muli %scan3A_101, %mul3A_174 : i32
          %add3A_176 = arith.constant 5 : i32
          %add3A_177 = arith.addi %mul3A_175, %add3A_176 : i32
          %mul3A_178 = arith.constant 16 : i32
          %mul3A_179 = arith.muli %add3A_177, %mul3A_178 : i32
          %get3A_180 = arith.index_cast %mul3A_179 : i32 to index
          %get3A_181 = tpu.vector_load %arg6[%get3A_180] {strides = array<i32>} : memref<4096xi32, #tpu.memory_space<vmem>>, vector<16xi32>,
          %ge3A_182 = vector.broadcast %scan3A_94 : i32 to vector<16xi32>
          %ge3A_183 = arith.cmpi sge, %get3A_181, %ge3A_182 : vector<16xi32>
          %add3A_184 = arith.constant 32 : i32
          %add3A_185 = arith.addi %scan3A_94, %add3A_184 : i32
          %lt3A_186 = vector.broadcast %add3A_185 : i32 to vector<16xi32>
          %lt3A_187 = arith.cmpi slt, %get3A_181, %lt3A_186 : vector<16xi32>
          %and3A_188 = arith.andi %ge3A_183, %lt3A_187 : vector<16xi1>
          %mul3A_189 = arith.constant 8 : i32
          %mul3A_190 = arith.muli %scan3A_101, %mul3A_189 : i32
          %add3A_191 = arith.constant 6 : i32
          %add3A_192 = arith.addi %mul3A_190, %add3A_191 : i32
          %mul3A_193 = arith.constant 16 : i32
          %mul3A_194 = arith.muli %add3A_192, %mul3A_193 : i32
          %get3A_195 = arith.index_cast %mul3A_194 : i32 to index
          %get3A_196 = tpu.vector_load %arg6[%get3A_195] {strides = array<i32>} : memref<4096xi32, #tpu.memory_space<vmem>>, vector<16xi32>,
          %ge3A_197 = vector.broadcast %scan3A_94 : i32 to vector<16xi32>
          %ge3A_198 = arith.cmpi sge, %get3A_196, %ge3A_197 : vector<16xi32>
          %add3A_199 = arith.constant 32 : i32
          %add3A_200 = arith.addi %scan3A_94, %add3A_199 : i32
          %lt3A_201 = vector.broadcast %add3A_200 : i32 to vector<16xi32>
          %lt3A_202 = arith.cmpi slt, %get3A_196, %lt3A_201 : vector<16xi32>
          %and3A_203 = arith.andi %ge3A_198, %lt3A_202 : vector<16xi1>
          %mul3A_204 = arith.constant 8 : i32
          %mul3A_205 = arith.muli %scan3A_101, %mul3A_204 : i32
          %add3A_206 = arith.constant 7 : i32
          %add3A_207 = arith.addi %mul3A_205, %add3A_206 : i32
          %mul3A_208 = arith.constant 16 : i32
          %mul3A_209 = arith.muli %add3A_207, %mul3A_208 : i32
          %get3A_210 = arith.index_cast %mul3A_209 : i32 to index
          %get3A_211 = tpu.vector_load %arg6[%get3A_210] {strides = array<i32>} : memref<4096xi32, #tpu.memory_space<vmem>>, vector<16xi32>,
          %ge3A_212 = vector.broadcast %scan3A_94 : i32 to vector<16xi32>
          %ge3A_213 = arith.cmpi sge, %get3A_211, %ge3A_212 : vector<16xi32>
          %add3A_214 = arith.constant 32 : i32
          %add3A_215 = arith.addi %scan3A_94, %add3A_214 : i32
          %lt3A_216 = vector.broadcast %add3A_215 : i32 to vector<16xi32>
          %lt3A_217 = arith.cmpi slt, %get3A_211, %lt3A_216 : vector<16xi32>
          %and3A_218 = arith.andi %ge3A_213, %lt3A_217 : vector<16xi1>
          %or3A = arith.ori %and3A, %and3A_128 : vector<16xi1>
          %or3A_219 = arith.ori %or3A, %and3A_143 : vector<16xi1>
          %or3A_220 = arith.ori %or3A_219, %and3A_158 : vector<16xi1>
          %or3A_221 = arith.ori %or3A_220, %and3A_173 : vector<16xi1>
          %or3A_222 = arith.ori %or3A_221, %and3A_188 : vector<16xi1>
          %or3A_223 = arith.ori %or3A_222, %and3A_203 : vector<16xi1>
          %or3A_224 = arith.ori %or3A_223, %and3A_218 : vector<16xi1>
          %all_reduce_population_count3A = tpu.all_reduce %or3A_224 {dim = 0 : i64, kind = #tpu.reduction_kind<sum>} : vector<16xi1> -> vector<16xi32>
          %slice3A = vector.extract_strided_slice %all_reduce_population_count3A {offsets = [0], sizes = [1], strides = [1]} : vector<16xi32> to vector<1xi32>
          %squeeze3A = vector.extract %slice3A[0] : i32 from vector<1xi32>
          %gt3A_225 = arith.constant 0 : i32
          %gt3A_226 = arith.cmpi sgt, %squeeze3A, %gt3A_225 : i32
          %convert_element_type3A_227 = arith.extui %gt3A_226 : i1 to i32
          %cond3A_228 = arith.constant 0 : i32
          %cond3A_229 = arith.cmpi ne, %convert_element_type3A_227, %cond3A_228 : i32
          %cond3A_230 = scf.if %cond3A_229 -> (i32) {
            %all_reduce_population_count3A_231 = tpu.all_reduce %and3A {dim = 0 : i64, kind = #tpu.reduction_kind<sum>} : vector<16xi1> -> vector<16xi32>
            %slice3A_232 = vector.extract_strided_slice %all_reduce_population_count3A_231 {offsets = [0], sizes = [1], strides = [1]} : vector<16xi32> to vector<1xi32>
            %squeeze3A_233 = vector.extract %slice3A_232[0] : i32 from vector<1xi32>
            %gt3A_234 = arith.constant 0 : i32
            %gt3A_235 = arith.cmpi sgt, %squeeze3A_233, %gt3A_234 : i32
            %mul3A_236 = arith.constant 8 : i32
            %mul3A_237 = arith.muli %scan3A_101, %mul3A_236 : i32
            %add3A_238 = arith.constant 0 : i32
            %add3A_239 = arith.addi %mul3A_237, %add3A_238 : i32
            %convert_element_type3A_240 = arith.extui %gt3A_235 : i1 to i32
            %cond3A_241 = arith.constant 0 : i32
            %cond3A_242 = arith.cmpi ne, %convert_element_type3A_240, %cond3A_241 : i32
            %cond3A_243 = scf.if %cond3A_242 -> (i32) {
              %ge3A_335 = arith.constant 48 : i32
              %ge3A_336 = arith.cmpi sge, %scan3A_102, %ge3A_335 : i32
              %convert_element_type3A_337 = arith.extui %ge3A_336 : i1 to i32
              %cond3A_338 = arith.constant 0 : i32
              %cond3A_339 = arith.cmpi ne, %convert_element_type3A_337, %cond3A_338 : i32
              %cond3A_340 = scf.if %cond3A_339 -> (i32) {
                %dma_start3A_368 = arith.constant 0 : i32
                %dma_start3A_369 = arith.constant 0 : i32
                %dma_start3A_370 = tpu.memref_slice %arg5[%scan3A_20, %dma_start3A_368, %dma_start3A_369] : memref<26x4096x128xf32, #tpu.memory_space<hbm>> -> memref<1x4096x128xf32, #tpu.memory_space<hbm>>
                %dma_start3A_371 = tpu.memref_squeeze %dma_start3A_370 : memref<1x4096x128xf32, #tpu.memory_space<hbm>> -> memref<4096x128xf32, #tpu.memory_space<hbm>>
                %dma_start3A_372 = arith.constant 0 : i32
                %dma_start3A_373 = arith.constant 0 : i32
                %dma_start3A_374 = tpu.memref_slice %dma_start3A_371[%dma_start3A_372, %dma_start3A_373] : memref<4096x128xf32, #tpu.memory_space<hbm>> -> memref<4096x128xf32, #tpu.memory_space<hbm>>
                %dma_start3A_375 = arith.constant -1 : i32
                tpu.enqueue_indirect_dma source(%arg8 : memref<64x128xf32, #tpu.memory_space<vmem>>) target(%dma_start3A_374 : memref<4096x128xf32, #tpu.memory_space<hbm>>) offsets(%arg9 : memref<64xi32, #tpu.memory_space<vmem>>) offset_filter(%dma_start3A_375) semaphore(%arg13 : memref<!tpu.dma_semaphore, #tpu.memory_space<semaphore_mem>>)
                %dma_wait3A_376 = arith.constant 0 : i32
                %dma_wait3A_377 = arith.constant 0 : i32
                %dma_wait3A_378 = tpu.memref_slice %arg5[%scan3A_20, %dma_wait3A_376, %dma_wait3A_377] : memref<26x4096x128xf32, #tpu.memory_space<hbm>> -> memref<1x4096x128xf32, #tpu.memory_space<hbm>>
                %dma_wait3A_379 = tpu.memref_squeeze %dma_wait3A_378 : memref<1x4096x128xf32, #tpu.memory_space<hbm>> -> memref<4096x128xf32, #tpu.memory_space<hbm>>
                %dma_wait3A_380 = arith.constant 0 : i32
                %dma_wait3A_381 = arith.constant 0 : i32
                %dma_wait3A_382 = tpu.memref_slice %dma_wait3A_379[%dma_wait3A_380, %dma_wait3A_381] : memref<4096x128xf32, #tpu.memory_space<hbm>> -> memref<4096x128xf32, #tpu.memory_space<hbm>>
                tpu.wait_indirect_dma semaphore(%arg13 : memref<!tpu.dma_semaphore, #tpu.memory_space<semaphore_mem>>) src(%arg8 : memref<64x128xf32, #tpu.memory_space<vmem>>) dst(%dma_wait3A_382 : memref<4096x128xf32, #tpu.memory_space<hbm>>)
                %broadcast_in_dim3A_383 = arith.constant -1 : i32
                %broadcast_in_dim3A_384 = vector.broadcast %broadcast_in_dim3A_383 : i32 to vector<16xi32>
                %swap3A_385 = arith.constant 0 : index
                %swap3A_386 = tpu.vector_load %arg9[%swap3A_385] {strides = array<i32>} : memref<64xi32, #tpu.memory_space<vmem>>, vector<16xi32>,
                tpu.vector_store %arg9[%swap3A_385], %broadcast_in_dim3A_384 {strides = array<i32>} : memref<64xi32, #tpu.memory_space<vmem>>, vector<16xi32>,
                %broadcast_in_dim3A_387 = arith.constant -1 : i32
                %broadcast_in_dim3A_388 = vector.broadcast %broadcast_in_dim3A_387 : i32 to vector<16xi32>
                %swap3A_389 = arith.constant 16 : index
                %swap3A_390 = tpu.vector_load %arg9[%swap3A_389] {strides = array<i32>} : memref<64xi32, #tpu.memory_space<vmem>>, vector<16xi32>,
                tpu.vector_store %arg9[%swap3A_389], %broadcast_in_dim3A_388 {strides = array<i32>} : memref<64xi32, #tpu.memory_space<vmem>>, vector<16xi32>,
                %broadcast_in_dim3A_391 = arith.constant -1 : i32
                %broadcast_in_dim3A_392 = vector.broadcast %broadcast_in_dim3A_391 : i32 to vector<16xi32>
                %swap3A_393 = arith.constant 32 : index
                %swap3A_394 = tpu.vector_load %arg9[%swap3A_393] {strides = array<i32>} : memref<64xi32, #tpu.memory_space<vmem>>, vector<16xi32>,
                tpu.vector_store %arg9[%swap3A_393], %broadcast_in_dim3A_392 {strides = array<i32>} : memref<64xi32, #tpu.memory_space<vmem>>, vector<16xi32>,
                %broadcast_in_dim3A_395 = arith.constant -1 : i32
                %broadcast_in_dim3A_396 = vector.broadcast %broadcast_in_dim3A_395 : i32 to vector<16xi32>
                %swap3A_397 = arith.constant 48 : index
                %swap3A_398 = tpu.vector_load %arg9[%swap3A_397] {strides = array<i32>} : memref<64xi32, #tpu.memory_space<vmem>>, vector<16xi32>,
                tpu.vector_store %arg9[%swap3A_397], %broadcast_in_dim3A_396 {strides = array<i32>} : memref<64xi32, #tpu.memory_space<vmem>>, vector<16xi32>,
                %cond3A_399 = arith.constant 0 : i32
                scf.yield %cond3A_399 : i32
              } else {
                scf.yield %scan3A_102 : i32
              }
              %sub3A = vector.broadcast %scan3A_94 : i32 to vector<16xi32>
              %sub3A_341 = arith.subi %get3A_109, %sub3A : vector<16xi32>
              %swap3A_342 = arith.constant 0 : index
              %swap3A_343 = tpu.vector_load %arg11[%swap3A_342] masked %and3A {strides = array<i32>} : memref<16xi32, #tpu.memory_space<vmem>>, vector<16xi32>, vector<16xi1>
              tpu.vector_store %arg11[%swap3A_342], %sub3A_341 masked %and3A {strides = array<i32>} : memref<16xi32, #tpu.memory_space<vmem>>, vector<16xi32>, vector<16xi1>
              %get3A_344 = arith.constant 0 : index
              %get3A_345 = tpu.vector_load %arg11[%get3A_344] {strides = array<i32>} : memref<16xi32, #tpu.memory_space<vmem>>, vector<16xi32>,
              %convert_element_type3A_346 = arith.extui %and3A : vector<16xi1> to vector<16xi32>
              %broadcast_in_dim3A_347 = arith.constant true
              %broadcast_in_dim3A_348 = vector.broadcast %broadcast_in_dim3A_347 : i1 to vector<16xi1>
              %masked_cumsum3A = tpu.scan <sum>, %convert_element_type3A_346 masked %broadcast_in_dim3A_348 : vector<16xi32>, vector<16xi1> -> vector<16xi32>
              %add3A_349 = vector.broadcast %cond3A_340 : i32 to vector<16xi32>
              %add3A_350 = arith.addi %add3A_349, %masked_cumsum3A : vector<16xi32>
              %sub3A_351 = arith.constant 1 : i32
              %sub3A_352 = vector.broadcast %sub3A_351 : i32 to vector<16xi32>
              %sub3A_353 = arith.subi %add3A_350, %sub3A_352 : vector<16xi32>
              %mul3A_354 = arith.constant 16 : i32
              %mul3A_355 = arith.muli %add3A_239, %mul3A_354 : i32
              %add3A_356 = vector.broadcast %mul3A_355 : i32 to vector<16xi32>
              %add3A_357 = arith.addi %iota3A_93, %add3A_356 : vector<16xi32>
              %scatter3A = arith.constant 0 : i32
              %scatter3A_358 = tpu.memref_slice %arg9[%scatter3A] : memref<64xi32, #tpu.memory_space<vmem>> -> memref<64xi32, #tpu.memory_space<vmem>>
              tpu.vector_store_idx %scatter3A_358[%sub3A_353], %add3A_357 masked %and3A : memref<64xi32, #tpu.memory_space<vmem>>[vector<16xi32>], vector<16xi32>, vector<16xi1>
              %while3A = arith.constant 0 : i32
              %while3A_359 = arith.subi %squeeze3A_233, %while3A : i32
              %while3A_360 = arith.addi %while3A, %while3A_359 : i32
              %while3A_361 = arith.constant 1 : i32
              %while3A_362 = arith.divsi %while3A_359, %while3A_361 : i32
              %while3A_363 = arith.muli %while3A_362, %while3A_361 : i32
              %while3A_364 = arith.addi %while3A, %while3A_363 : i32
              %while3A_365 = arith.constant 1 : i32
              scf.for %while3A_368 = %while3A to %while3A_364 step %while3A_365  : i32 {
                %broadcast_in_dim3A_369 = vector.broadcast %while3A_368 : i32 to vector<16xi32>
                %lt3A_370 = arith.constant 0 : i32
                %lt3A_371 = vector.broadcast %lt3A_370 : i32 to vector<16xi32>
                %lt3A_372 = arith.cmpi slt, %broadcast_in_dim3A_369, %lt3A_371 : vector<16xi32>
                %add3A_373 = arith.constant 16 : i32
                %add3A_374 = vector.broadcast %add3A_373 : i32 to vector<16xi32>
                %add3A_375 = arith.addi %broadcast_in_dim3A_369, %add3A_374 : vector<16xi32>
                %select_n3A = arith.select %lt3A_372, %add3A_375, %broadcast_in_dim3A_369 : vector<16xi1>, vector<16xi32>
                %broadcast_in_dim3A_376 = vector.shape_cast %select_n3A : vector<16xi32> to vector<16x1xi32>
                %gather3A = vector.shape_cast %broadcast_in_dim3A_376 : vector<16x1xi32> to vector<16xi32>
                %gather3A_377 = tpu.dynamic_gather %get3A_345[%gather3A] in [0] : vector<16xi32>, vector<16xi32> -> vector<16xi32>
                %add3A_378 = arith.addi %cond3A_340, %while3A_368 : i32
                %gather3A_379 = arith.constant 0 : i32
                %gather3A_380 = arith.constant 0 : i32
                %gather3A_381 = tpu.memref_slice %arg10[%gather3A_379, %gather3A_380] : memref<32x32xf32, #tpu.memory_space<vmem>> -> memref<32x32xf32, #tpu.memory_space<vmem>>
                %gather3A_382 = tpu.vector_load_idx %gather3A_381[%iota3A_93, %gather3A_377] : memref<32x32xf32, #tpu.memory_space<vmem>>[vector<16xi32>, vector<16xi32>], vector<16xf32>,
                %swap3A_383 = arith.index_cast %add3A_378 : i32 to index
                %swap3A_384 = arith.constant 0 : index
                %swap3A_385 = tpu.vector_load %arg8[%swap3A_383, %swap3A_384] {strides = array<i32>} : memref<64x128xf32, #tpu.memory_space<vmem>>, vector<16xf32>,
                tpu.vector_store %arg8[%swap3A_383, %swap3A_384], %gather3A_382 {strides = array<i32>} : memref<64x128xf32, #tpu.memory_space<vmem>>, vector<16xf32>,
                %add3A_386 = arith.constant 16 : i32
                %add3A_387 = vector.broadcast %add3A_386 : i32 to vector<16xi32>
                %add3A_388 = arith.addi %iota3A_93, %add3A_387 : vector<16xi32>
                %gather3A_389 = arith.constant 0 : i32
                %gather3A_390 = arith.constant 0 : i32
                %gather3A_391 = tpu.memref_slice %arg10[%gather3A_389, %gather3A_390] : memref<32x32xf32, #tpu.memory_space<vmem>> -> memref<32x32xf32, #tpu.memory_space<vmem>>
                %gather3A_392 = tpu.vector_load_idx %gather3A_391[%add3A_388, %gather3A_377] : memref<32x32xf32, #tpu.memory_space<vmem>>[vector<16xi32>, vector<16xi32>], vector<16xf32>,
                %swap3A_393 = arith.index_cast %add3A_378 : i32 to index
                %swap3A_394 = arith.constant 16 : index
                %swap3A_395 = tpu.vector_load %arg8[%swap3A_393, %swap3A_394] {strides = array<i32>} : memref<64x128xf32, #tpu.memory_space<vmem>>, vector<16xf32>,
                tpu.vector_store %arg8[%swap3A_393, %swap3A_394], %gather3A_392 {strides = array<i32>} : memref<64x128xf32, #tpu.memory_space<vmem>>, vector<16xf32>,
              }
              %while3A_366 = arith.constant 1 : i32
              scf.for %while3A_368 = %while3A_364 to %while3A_360 step %while3A_366  : i32 {
                %broadcast_in_dim3A_369 = vector.broadcast %while3A_368 : i32 to vector<16xi32>
                %lt3A_370 = arith.constant 0 : i32
                %lt3A_371 = vector.broadcast %lt3A_370 : i32 to vector<16xi32>
                %lt3A_372 = arith.cmpi slt, %broadcast_in_dim3A_369, %lt3A_371 : vector<16xi32>
                %add3A_373 = arith.constant 16 : i32
                %add3A_374 = vector.broadcast %add3A_373 : i32 to vector<16xi32>
                %add3A_375 = arith.addi %broadcast_in_dim3A_369, %add3A_374 : vector<16xi32>
                %select_n3A = arith.select %lt3A_372, %add3A_375, %broadcast_in_dim3A_369 : vector<16xi1>, vector<16xi32>
                %broadcast_in_dim3A_376 = vector.shape_cast %select_n3A : vector<16xi32> to vector<16x1xi32>
                %gather3A = vector.shape_cast %broadcast_in_dim3A_376 : vector<16x1xi32> to vector<16xi32>
                %gather3A_377 = tpu.dynamic_gather %get3A_345[%gather3A] in [0] : vector<16xi32>, vector<16xi32> -> vector<16xi32>
                %add3A_378 = arith.addi %cond3A_340, %while3A_368 : i32
                %gather3A_379 = arith.constant 0 : i32
                %gather3A_380 = arith.constant 0 : i32
                %gather3A_381 = tpu.memref_slice %arg10[%gather3A_379, %gather3A_380] : memref<32x32xf32, #tpu.memory_space<vmem>> -> memref<32x32xf32, #tpu.memory_space<vmem>>
                %gather3A_382 = tpu.vector_load_idx %gather3A_381[%iota3A_93, %gather3A_377] : memref<32x32xf32, #tpu.memory_space<vmem>>[vector<16xi32>, vector<16xi32>], vector<16xf32>,
                %swap3A_383 = arith.index_cast %add3A_378 : i32 to index
                %swap3A_384 = arith.constant 0 : index
                %swap3A_385 = tpu.vector_load %arg8[%swap3A_383, %swap3A_384] {strides = array<i32>} : memref<64x128xf32, #tpu.memory_space<vmem>>, vector<16xf32>,
                tpu.vector_store %arg8[%swap3A_383, %swap3A_384], %gather3A_382 {strides = array<i32>} : memref<64x128xf32, #tpu.memory_space<vmem>>, vector<16xf32>,
                %add3A_386 = arith.constant 16 : i32
                %add3A_387 = vector.broadcast %add3A_386 : i32 to vector<16xi32>
                %add3A_388 = arith.addi %iota3A_93, %add3A_387 : vector<16xi32>
                %gather3A_389 = arith.constant 0 : i32
                %gather3A_390 = arith.constant 0 : i32
                %gather3A_391 = tpu.memref_slice %arg10[%gather3A_389, %gather3A_390] : memref<32x32xf32, #tpu.memory_space<vmem>> -> memref<32x32xf32, #tpu.memory_space<vmem>>
                %gather3A_392 = tpu.vector_load_idx %gather3A_391[%add3A_388, %gather3A_377] : memref<32x32xf32, #tpu.memory_space<vmem>>[vector<16xi32>, vector<16xi32>], vector<16xf32>,
                %swap3A_393 = arith.index_cast %add3A_378 : i32 to index
                %swap3A_394 = arith.constant 16 : index
                %swap3A_395 = tpu.vector_load %arg8[%swap3A_393, %swap3A_394] {strides = array<i32>} : memref<64x128xf32, #tpu.memory_space<vmem>>, vector<16xf32>,
                tpu.vector_store %arg8[%swap3A_393, %swap3A_394], %gather3A_392 {strides = array<i32>} : memref<64x128xf32, #tpu.memory_space<vmem>>, vector<16xf32>,
              }
              %add3A_367 = arith.addi %cond3A_340, %squeeze3A_233 : i32
              scf.yield %add3A_367 : i32
            } else {
              scf.yield %scan3A_102 : i32
            }
            %all_reduce_population_count3A_244 = tpu.all_reduce %and3A_128 {dim = 0 : i64, kind = #tpu.reduction_kind<sum>} : vector<16xi1> -> vector<16xi32>
            %slice3A_245 = vector.extract_strided_slice %all_reduce_population_count3A_244 {offsets = [0], sizes = [1], strides = [1]} : vector<16xi32> to vector<1xi32>
            %squeeze3A_246 = vector.extract %slice3A_245[0] : i32 from vector<1xi32>
            %gt3A_247 = arith.constant 0 : i32
            %gt3A_248 = arith.cmpi sgt, %squeeze3A_246, %gt3A_247 : i32
            %mul3A_249 = arith.constant 8 : i32
            %mul3A_250 = arith.muli %scan3A_101, %mul3A_249 : i32
            %add3A_251 = arith.constant 1 : i32
            %add3A_252 = arith.addi %mul3A_250, %add3A_251 : i32
            %convert_element_type3A_253 = arith.extui %gt3A_248 : i1 to i32
            %cond3A_254 = arith.constant 0 : i32
            %cond3A_255 = arith.cmpi ne, %convert_element_type3A_253, %cond3A_254 : i32
            %cond3A_256 = scf.if %cond3A_255 -> (i32) {
              %ge3A_335 = arith.constant 48 : i32
              %ge3A_336 = arith.cmpi sge, %cond3A_243, %ge3A_335 : i32
              %convert_element_type3A_337 = arith.extui %ge3A_336 : i1 to i32
              %cond3A_338 = arith.constant 0 : i32
              %cond3A_339 = arith.cmpi ne, %convert_element_type3A_337, %cond3A_338 : i32
              %cond3A_340 = scf.if %cond3A_339 -> (i32) {
                %dma_start3A_368 = arith.constant 0 : i32
                %dma_start3A_369 = arith.constant 0 : i32
                %dma_start3A_370 = tpu.memref_slice %arg5[%scan3A_20, %dma_start3A_368, %dma_start3A_369] : memref<26x4096x128xf32, #tpu.memory_space<hbm>> -> memref<1x4096x128xf32, #tpu.memory_space<hbm>>
                %dma_start3A_371 = tpu.memref_squeeze %dma_start3A_370 : memref<1x4096x128xf32, #tpu.memory_space<hbm>> -> memref<4096x128xf32, #tpu.memory_space<hbm>>
                %dma_start3A_372 = arith.constant 0 : i32
                %dma_start3A_373 = arith.constant 0 : i32
                %dma_start3A_374 = tpu.memref_slice %dma_start3A_371[%dma_start3A_372, %dma_start3A_373] : memref<4096x128xf32, #tpu.memory_space<hbm>> -> memref<4096x128xf32, #tpu.memory_space<hbm>>
                %dma_start3A_375 = arith.constant -1 : i32
                tpu.enqueue_indirect_dma source(%arg8 : memref<64x128xf32, #tpu.memory_space<vmem>>) target(%dma_start3A_374 : memref<4096x128xf32, #tpu.memory_space<hbm>>) offsets(%arg9 : memref<64xi32, #tpu.memory_space<vmem>>) offset_filter(%dma_start3A_375) semaphore(%arg13 : memref<!tpu.dma_semaphore, #tpu.memory_space<semaphore_mem>>)
                %dma_wait3A_376 = arith.constant 0 : i32
                %dma_wait3A_377 = arith.constant 0 : i32
                %dma_wait3A_378 = tpu.memref_slice %arg5[%scan3A_20, %dma_wait3A_376, %dma_wait3A_377] : memref<26x4096x128xf32, #tpu.memory_space<hbm>> -> memref<1x4096x128xf32, #tpu.memory_space<hbm>>
                %dma_wait3A_379 = tpu.memref_squeeze %dma_wait3A_378 : memref<1x4096x128xf32, #tpu.memory_space<hbm>> -> memref<4096x128xf32, #tpu.memory_space<hbm>>
                %dma_wait3A_380 = arith.constant 0 : i32
                %dma_wait3A_381 = arith.constant 0 : i32
                %dma_wait3A_382 = tpu.memref_slice %dma_wait3A_379[%dma_wait3A_380, %dma_wait3A_381] : memref<4096x128xf32, #tpu.memory_space<hbm>> -> memref<4096x128xf32, #tpu.memory_space<hbm>>
                tpu.wait_indirect_dma semaphore(%arg13 : memref<!tpu.dma_semaphore, #tpu.memory_space<semaphore_mem>>) src(%arg8 : memref<64x128xf32, #tpu.memory_space<vmem>>) dst(%dma_wait3A_382 : memref<4096x128xf32, #tpu.memory_space<hbm>>)
                %broadcast_in_dim3A_383 = arith.constant -1 : i32
                %broadcast_in_dim3A_384 = vector.broadcast %broadcast_in_dim3A_383 : i32 to vector<16xi32>
                %swap3A_385 = arith.constant 0 : index
                %swap3A_386 = tpu.vector_load %arg9[%swap3A_385] {strides = array<i32>} : memref<64xi32, #tpu.memory_space<vmem>>, vector<16xi32>,
                tpu.vector_store %arg9[%swap3A_385], %broadcast_in_dim3A_384 {strides = array<i32>} : memref<64xi32, #tpu.memory_space<vmem>>, vector<16xi32>,
                %broadcast_in_dim3A_387 = arith.constant -1 : i32
                %broadcast_in_dim3A_388 = vector.broadcast %broadcast_in_dim3A_387 : i32 to vector<16xi32>
                %swap3A_389 = arith.constant 16 : index
                %swap3A_390 = tpu.vector_load %arg9[%swap3A_389] {strides = array<i32>} : memref<64xi32, #tpu.memory_space<vmem>>, vector<16xi32>,
                tpu.vector_store %arg9[%swap3A_389], %broadcast_in_dim3A_388 {strides = array<i32>} : memref<64xi32, #tpu.memory_space<vmem>>, vector<16xi32>,
                %broadcast_in_dim3A_391 = arith.constant -1 : i32
                %broadcast_in_dim3A_392 = vector.broadcast %broadcast_in_dim3A_391 : i32 to vector<16xi32>
                %swap3A_393 = arith.constant 32 : index
                %swap3A_394 = tpu.vector_load %arg9[%swap3A_393] {strides = array<i32>} : memref<64xi32, #tpu.memory_space<vmem>>, vector<16xi32>,
                tpu.vector_store %arg9[%swap3A_393], %broadcast_in_dim3A_392 {strides = array<i32>} : memref<64xi32, #tpu.memory_space<vmem>>, vector<16xi32>,
                %broadcast_in_dim3A_395 = arith.constant -1 : i32
                %broadcast_in_dim3A_396 = vector.broadcast %broadcast_in_dim3A_395 : i32 to vector<16xi32>
                %swap3A_397 = arith.constant 48 : index
                %swap3A_398 = tpu.vector_load %arg9[%swap3A_397] {strides = array<i32>} : memref<64xi32, #tpu.memory_space<vmem>>, vector<16xi32>,
                tpu.vector_store %arg9[%swap3A_397], %broadcast_in_dim3A_396 {strides = array<i32>} : memref<64xi32, #tpu.memory_space<vmem>>, vector<16xi32>,
                %cond3A_399 = arith.constant 0 : i32
                scf.yield %cond3A_399 : i32
              } else {
                scf.yield %cond3A_243 : i32
              }
              %sub3A = vector.broadcast %scan3A_94 : i32 to vector<16xi32>
              %sub3A_341 = arith.subi %get3A_121, %sub3A : vector<16xi32>
              %swap3A_342 = arith.constant 0 : index
              %swap3A_343 = tpu.vector_load %arg11[%swap3A_342] masked %and3A_128 {strides = array<i32>} : memref<16xi32, #tpu.memory_space<vmem>>, vector<16xi32>, vector<16xi1>
              tpu.vector_store %arg11[%swap3A_342], %sub3A_341 masked %and3A_128 {strides = array<i32>} : memref<16xi32, #tpu.memory_space<vmem>>, vector<16xi32>, vector<16xi1>
              %get3A_344 = arith.constant 0 : index
              %get3A_345 = tpu.vector_load %arg11[%get3A_344] {strides = array<i32>} : memref<16xi32, #tpu.memory_space<vmem>>, vector<16xi32>,
              %convert_element_type3A_346 = arith.extui %and3A_128 : vector<16xi1> to vector<16xi32>
              %broadcast_in_dim3A_347 = arith.constant true
              %broadcast_in_dim3A_348 = vector.broadcast %broadcast_in_dim3A_347 : i1 to vector<16xi1>
              %masked_cumsum3A = tpu.scan <sum>, %convert_element_type3A_346 masked %broadcast_in_dim3A_348 : vector<16xi32>, vector<16xi1> -> vector<16xi32>
              %add3A_349 = vector.broadcast %cond3A_340 : i32 to vector<16xi32>
              %add3A_350 = arith.addi %add3A_349, %masked_cumsum3A : vector<16xi32>
              %sub3A_351 = arith.constant 1 : i32
              %sub3A_352 = vector.broadcast %sub3A_351 : i32 to vector<16xi32>
              %sub3A_353 = arith.subi %add3A_350, %sub3A_352 : vector<16xi32>
              %mul3A_354 = arith.constant 16 : i32
              %mul3A_355 = arith.muli %add3A_252, %mul3A_354 : i32
              %add3A_356 = vector.broadcast %mul3A_355 : i32 to vector<16xi32>
              %add3A_357 = arith.addi %iota3A_93, %add3A_356 : vector<16xi32>
              %scatter3A = arith.constant 0 : i32
              %scatter3A_358 = tpu.memref_slice %arg9[%scatter3A] : memref<64xi32, #tpu.memory_space<vmem>> -> memref<64xi32, #tpu.memory_space<vmem>>
              tpu.vector_store_idx %scatter3A_358[%sub3A_353], %add3A_357 masked %and3A_128 : memref<64xi32, #tpu.memory_space<vmem>>[vector<16xi32>], vector<16xi32>, vector<16xi1>
              %while3A = arith.constant 0 : i32
              %while3A_359 = arith.subi %squeeze3A_246, %while3A : i32
              %while3A_360 = arith.addi %while3A, %while3A_359 : i32
              %while3A_361 = arith.constant 1 : i32
              %while3A_362 = arith.divsi %while3A_359, %while3A_361 : i32
              %while3A_363 = arith.muli %while3A_362, %while3A_361 : i32
              %while3A_364 = arith.addi %while3A, %while3A_363 : i32
              %while3A_365 = arith.constant 1 : i32
              scf.for %while3A_368 = %while3A to %while3A_364 step %while3A_365  : i32 {
                %broadcast_in_dim3A_369 = vector.broadcast %while3A_368 : i32 to vector<16xi32>
                %lt3A_370 = arith.constant 0 : i32
                %lt3A_371 = vector.broadcast %lt3A_370 : i32 to vector<16xi32>
                %lt3A_372 = arith.cmpi slt, %broadcast_in_dim3A_369, %lt3A_371 : vector<16xi32>
                %add3A_373 = arith.constant 16 : i32
                %add3A_374 = vector.broadcast %add3A_373 : i32 to vector<16xi32>
                %add3A_375 = arith.addi %broadcast_in_dim3A_369, %add3A_374 : vector<16xi32>
                %select_n3A = arith.select %lt3A_372, %add3A_375, %broadcast_in_dim3A_369 : vector<16xi1>, vector<16xi32>
                %broadcast_in_dim3A_376 = vector.shape_cast %select_n3A : vector<16xi32> to vector<16x1xi32>
                %gather3A = vector.shape_cast %broadcast_in_dim3A_376 : vector<16x1xi32> to vector<16xi32>
                %gather3A_377 = tpu.dynamic_gather %get3A_345[%gather3A] in [0] : vector<16xi32>, vector<16xi32> -> vector<16xi32>
                %add3A_378 = arith.addi %cond3A_340, %while3A_368 : i32
                %gather3A_379 = arith.constant 0 : i32
                %gather3A_380 = arith.constant 0 : i32
                %gather3A_381 = tpu.memref_slice %arg10[%gather3A_379, %gather3A_380] : memref<32x32xf32, #tpu.memory_space<vmem>> -> memref<32x32xf32, #tpu.memory_space<vmem>>
                %gather3A_382 = tpu.vector_load_idx %gather3A_381[%iota3A_93, %gather3A_377] : memref<32x32xf32, #tpu.memory_space<vmem>>[vector<16xi32>, vector<16xi32>], vector<16xf32>,
                %swap3A_383 = arith.index_cast %add3A_378 : i32 to index
                %swap3A_384 = arith.constant 0 : index
                %swap3A_385 = tpu.vector_load %arg8[%swap3A_383, %swap3A_384] {strides = array<i32>} : memref<64x128xf32, #tpu.memory_space<vmem>>, vector<16xf32>,
                tpu.vector_store %arg8[%swap3A_383, %swap3A_384], %gather3A_382 {strides = array<i32>} : memref<64x128xf32, #tpu.memory_space<vmem>>, vector<16xf32>,
                %add3A_386 = arith.constant 16 : i32
                %add3A_387 = vector.broadcast %add3A_386 : i32 to vector<16xi32>
                %add3A_388 = arith.addi %iota3A_93, %add3A_387 : vector<16xi32>
                %gather3A_389 = arith.constant 0 : i32
                %gather3A_390 = arith.constant 0 : i32
                %gather3A_391 = tpu.memref_slice %arg10[%gather3A_389, %gather3A_390] : memref<32x32xf32, #tpu.memory_space<vmem>> -> memref<32x32xf32, #tpu.memory_space<vmem>>
                %gather3A_392 = tpu.vector_load_idx %gather3A_391[%add3A_388, %gather3A_377] : memref<32x32xf32, #tpu.memory_space<vmem>>[vector<16xi32>, vector<16xi32>], vector<16xf32>,
                %swap3A_393 = arith.index_cast %add3A_378 : i32 to index
                %swap3A_394 = arith.constant 16 : index
                %swap3A_395 = tpu.vector_load %arg8[%swap3A_393, %swap3A_394] {strides = array<i32>} : memref<64x128xf32, #tpu.memory_space<vmem>>, vector<16xf32>,
                tpu.vector_store %arg8[%swap3A_393, %swap3A_394], %gather3A_392 {strides = array<i32>} : memref<64x128xf32, #tpu.memory_space<vmem>>, vector<16xf32>,
              }
              %while3A_366 = arith.constant 1 : i32
              scf.for %while3A_368 = %while3A_364 to %while3A_360 step %while3A_366  : i32 {
                %broadcast_in_dim3A_369 = vector.broadcast %while3A_368 : i32 to vector<16xi32>
                %lt3A_370 = arith.constant 0 : i32
                %lt3A_371 = vector.broadcast %lt3A_370 : i32 to vector<16xi32>
                %lt3A_372 = arith.cmpi slt, %broadcast_in_dim3A_369, %lt3A_371 : vector<16xi32>
                %add3A_373 = arith.constant 16 : i32
                %add3A_374 = vector.broadcast %add3A_373 : i32 to vector<16xi32>
                %add3A_375 = arith.addi %broadcast_in_dim3A_369, %add3A_374 : vector<16xi32>
                %select_n3A = arith.select %lt3A_372, %add3A_375, %broadcast_in_dim3A_369 : vector<16xi1>, vector<16xi32>
                %broadcast_in_dim3A_376 = vector.shape_cast %select_n3A : vector<16xi32> to vector<16x1xi32>
                %gather3A = vector.shape_cast %broadcast_in_dim3A_376 : vector<16x1xi32> to vector<16xi32>
                %gather3A_377 = tpu.dynamic_gather %get3A_345[%gather3A] in [0] : vector<16xi32>, vector<16xi32> -> vector<16xi32>
                %add3A_378 = arith.addi %cond3A_340, %while3A_368 : i32
                %gather3A_379 = arith.constant 0 : i32
                %gather3A_380 = arith.constant 0 : i32
                %gather3A_381 = tpu.memref_slice %arg10[%gather3A_379, %gather3A_380] : memref<32x32xf32, #tpu.memory_space<vmem>> -> memref<32x32xf32, #tpu.memory_space<vmem>>
                %gather3A_382 = tpu.vector_load_idx %gather3A_381[%iota3A_93, %gather3A_377] : memref<32x32xf32, #tpu.memory_space<vmem>>[vector<16xi32>, vector<16xi32>], vector<16xf32>,
                %swap3A_383 = arith.index_cast %add3A_378 : i32 to index
                %swap3A_384 = arith.constant 0 : index
                %swap3A_385 = tpu.vector_load %arg8[%swap3A_383, %swap3A_384] {strides = array<i32>} : memref<64x128xf32, #tpu.memory_space<vmem>>, vector<16xf32>,
                tpu.vector_store %arg8[%swap3A_383, %swap3A_384], %gather3A_382 {strides = array<i32>} : memref<64x128xf32, #tpu.memory_space<vmem>>, vector<16xf32>,
                %add3A_386 = arith.constant 16 : i32
                %add3A_387 = vector.broadcast %add3A_386 : i32 to vector<16xi32>
                %add3A_388 = arith.addi %iota3A_93, %add3A_387 : vector<16xi32>
                %gather3A_389 = arith.constant 0 : i32
                %gather3A_390 = arith.constant 0 : i32
                %gather3A_391 = tpu.memref_slice %arg10[%gather3A_389, %gather3A_390] : memref<32x32xf32, #tpu.memory_space<vmem>> -> memref<32x32xf32, #tpu.memory_space<vmem>>
                %gather3A_392 = tpu.vector_load_idx %gather3A_391[%add3A_388, %gather3A_377] : memref<32x32xf32, #tpu.memory_space<vmem>>[vector<16xi32>, vector<16xi32>], vector<16xf32>,
                %swap3A_393 = arith.index_cast %add3A_378 : i32 to index
                %swap3A_394 = arith.constant 16 : index
                %swap3A_395 = tpu.vector_load %arg8[%swap3A_393, %swap3A_394] {strides = array<i32>} : memref<64x128xf32, #tpu.memory_space<vmem>>, vector<16xf32>,
                tpu.vector_store %arg8[%swap3A_393, %swap3A_394], %gather3A_392 {strides = array<i32>} : memref<64x128xf32, #tpu.memory_space<vmem>>, vector<16xf32>,
              }
              %add3A_367 = arith.addi %cond3A_340, %squeeze3A_246 : i32
              scf.yield %add3A_367 : i32
            } else {
              scf.yield %cond3A_243 : i32
            }
            %all_reduce_population_count3A_257 = tpu.all_reduce %and3A_143 {dim = 0 : i64, kind = #tpu.reduction_kind<sum>} : vector<16xi1> -> vector<16xi32>
            %slice3A_258 = vector.extract_strided_slice %all_reduce_population_count3A_257 {offsets = [0], sizes = [1], strides = [1]} : vector<16xi32> to vector<1xi32>
            %squeeze3A_259 = vector.extract %slice3A_258[0] : i32 from vector<1xi32>
            %gt3A_260 = arith.constant 0 : i32
            %gt3A_261 = arith.cmpi sgt, %squeeze3A_259, %gt3A_260 : i32
            %mul3A_262 = arith.constant 8 : i32
            %mul3A_263 = arith.muli %scan3A_101, %mul3A_262 : i32
            %add3A_264 = arith.constant 2 : i32
            %add3A_265 = arith.addi %mul3A_263, %add3A_264 : i32
            %convert_element_type3A_266 = arith.extui %gt3A_261 : i1 to i32
            %cond3A_267 = arith.constant 0 : i32
            %cond3A_268 = arith.cmpi ne, %convert_element_type3A_266, %cond3A_267 : i32
            %cond3A_269 = scf.if %cond3A_268 -> (i32) {
              %ge3A_335 = arith.constant 48 : i32
              %ge3A_336 = arith.cmpi sge, %cond3A_256, %ge3A_335 : i32
              %convert_element_type3A_337 = arith.extui %ge3A_336 : i1 to i32
              %cond3A_338 = arith.constant 0 : i32
              %cond3A_339 = arith.cmpi ne, %convert_element_type3A_337, %cond3A_338 : i32
              %cond3A_340 = scf.if %cond3A_339 -> (i32) {
                %dma_start3A_368 = arith.constant 0 : i32
                %dma_start3A_369 = arith.constant 0 : i32
                %dma_start3A_370 = tpu.memref_slice %arg5[%scan3A_20, %dma_start3A_368, %dma_start3A_369] : memref<26x4096x128xf32, #tpu.memory_space<hbm>> -> memref<1x4096x128xf32, #tpu.memory_space<hbm>>
                %dma_start3A_371 = tpu.memref_squeeze %dma_start3A_370 : memref<1x4096x128xf32, #tpu.memory_space<hbm>> -> memref<4096x128xf32, #tpu.memory_space<hbm>>
                %dma_start3A_372 = arith.constant 0 : i32
                %dma_start3A_373 = arith.constant 0 : i32
                %dma_start3A_374 = tpu.memref_slice %dma_start3A_371[%dma_start3A_372, %dma_start3A_373] : memref<4096x128xf32, #tpu.memory_space<hbm>> -> memref<4096x128xf32, #tpu.memory_space<hbm>>
                %dma_start3A_375 = arith.constant -1 : i32
                tpu.enqueue_indirect_dma source(%arg8 : memref<64x128xf32, #tpu.memory_space<vmem>>) target(%dma_start3A_374 : memref<4096x128xf32, #tpu.memory_space<hbm>>) offsets(%arg9 : memref<64xi32, #tpu.memory_space<vmem>>) offset_filter(%dma_start3A_375) semaphore(%arg13 : memref<!tpu.dma_semaphore, #tpu.memory_space<semaphore_mem>>)
                %dma_wait3A_376 = arith.constant 0 : i32
                %dma_wait3A_377 = arith.constant 0 : i32
                %dma_wait3A_378 = tpu.memref_slice %arg5[%scan3A_20, %dma_wait3A_376, %dma_wait3A_377] : memref<26x4096x128xf32, #tpu.memory_space<hbm>> -> memref<1x4096x128xf32, #tpu.memory_space<hbm>>
                %dma_wait3A_379 = tpu.memref_squeeze %dma_wait3A_378 : memref<1x4096x128xf32, #tpu.memory_space<hbm>> -> memref<4096x128xf32, #tpu.memory_space<hbm>>
                %dma_wait3A_380 = arith.constant 0 : i32
                %dma_wait3A_381 = arith.constant 0 : i32
                %dma_wait3A_382 = tpu.memref_slice %dma_wait3A_379[%dma_wait3A_380, %dma_wait3A_381] : memref<4096x128xf32, #tpu.memory_space<hbm>> -> memref<4096x128xf32, #tpu.memory_space<hbm>>
                tpu.wait_indirect_dma semaphore(%arg13 : memref<!tpu.dma_semaphore, #tpu.memory_space<semaphore_mem>>) src(%arg8 : memref<64x128xf32, #tpu.memory_space<vmem>>) dst(%dma_wait3A_382 : memref<4096x128xf32, #tpu.memory_space<hbm>>)
                %broadcast_in_dim3A_383 = arith.constant -1 : i32
                %broadcast_in_dim3A_384 = vector.broadcast %broadcast_in_dim3A_383 : i32 to vector<16xi32>
                %swap3A_385 = arith.constant 0 : index
                %swap3A_386 = tpu.vector_load %arg9[%swap3A_385] {strides = array<i32>} : memref<64xi32, #tpu.memory_space<vmem>>, vector<16xi32>,
                tpu.vector_store %arg9[%swap3A_385], %broadcast_in_dim3A_384 {strides = array<i32>} : memref<64xi32, #tpu.memory_space<vmem>>, vector<16xi32>,
                %broadcast_in_dim3A_387 = arith.constant -1 : i32
                %broadcast_in_dim3A_388 = vector.broadcast %broadcast_in_dim3A_387 : i32 to vector<16xi32>
                %swap3A_389 = arith.constant 16 : index
                %swap3A_390 = tpu.vector_load %arg9[%swap3A_389] {strides = array<i32>} : memref<64xi32, #tpu.memory_space<vmem>>, vector<16xi32>,
                tpu.vector_store %arg9[%swap3A_389], %broadcast_in_dim3A_388 {strides = array<i32>} : memref<64xi32, #tpu.memory_space<vmem>>, vector<16xi32>,
                %broadcast_in_dim3A_391 = arith.constant -1 : i32
                %broadcast_in_dim3A_392 = vector.broadcast %broadcast_in_dim3A_391 : i32 to vector<16xi32>
                %swap3A_393 = arith.constant 32 : index
                %swap3A_394 = tpu.vector_load %arg9[%swap3A_393] {strides = array<i32>} : memref<64xi32, #tpu.memory_space<vmem>>, vector<16xi32>,
                tpu.vector_store %arg9[%swap3A_393], %broadcast_in_dim3A_392 {strides = array<i32>} : memref<64xi32, #tpu.memory_space<vmem>>, vector<16xi32>,
                %broadcast_in_dim3A_395 = arith.constant -1 : i32
                %broadcast_in_dim3A_396 = vector.broadcast %broadcast_in_dim3A_395 : i32 to vector<16xi32>
                %swap3A_397 = arith.constant 48 : index
                %swap3A_398 = tpu.vector_load %arg9[%swap3A_397] {strides = array<i32>} : memref<64xi32, #tpu.memory_space<vmem>>, vector<16xi32>,
                tpu.vector_store %arg9[%swap3A_397], %broadcast_in_dim3A_396 {strides = array<i32>} : memref<64xi32, #tpu.memory_space<vmem>>, vector<16xi32>,
                %cond3A_399 = arith.constant 0 : i32
                scf.yield %cond3A_399 : i32
              } else {
                scf.yield %cond3A_256 : i32
              }
              %sub3A = vector.broadcast %scan3A_94 : i32 to vector<16xi32>
              %sub3A_341 = arith.subi %get3A_136, %sub3A : vector<16xi32>
              %swap3A_342 = arith.constant 0 : index
              %swap3A_343 = tpu.vector_load %arg11[%swap3A_342] masked %and3A_143 {strides = array<i32>} : memref<16xi32, #tpu.memory_space<vmem>>, vector<16xi32>, vector<16xi1>
              tpu.vector_store %arg11[%swap3A_342], %sub3A_341 masked %and3A_143 {strides = array<i32>} : memref<16xi32, #tpu.memory_space<vmem>>, vector<16xi32>, vector<16xi1>
              %get3A_344 = arith.constant 0 : index
              %get3A_345 = tpu.vector_load %arg11[%get3A_344] {strides = array<i32>} : memref<16xi32, #tpu.memory_space<vmem>>, vector<16xi32>,
              %convert_element_type3A_346 = arith.extui %and3A_143 : vector<16xi1> to vector<16xi32>
              %broadcast_in_dim3A_347 = arith.constant true
              %broadcast_in_dim3A_348 = vector.broadcast %broadcast_in_dim3A_347 : i1 to vector<16xi1>
              %masked_cumsum3A = tpu.scan <sum>, %convert_element_type3A_346 masked %broadcast_in_dim3A_348 : vector<16xi32>, vector<16xi1> -> vector<16xi32>
              %add3A_349 = vector.broadcast %cond3A_340 : i32 to vector<16xi32>
              %add3A_350 = arith.addi %add3A_349, %masked_cumsum3A : vector<16xi32>
              %sub3A_351 = arith.constant 1 : i32
              %sub3A_352 = vector.broadcast %sub3A_351 : i32 to vector<16xi32>
              %sub3A_353 = arith.subi %add3A_350, %sub3A_352 : vector<16xi32>
              %mul3A_354 = arith.constant 16 : i32
              %mul3A_355 = arith.muli %add3A_265, %mul3A_354 : i32
              %add3A_356 = vector.broadcast %mul3A_355 : i32 to vector<16xi32>
              %add3A_357 = arith.addi %iota3A_93, %add3A_356 : vector<16xi32>
              %scatter3A = arith.constant 0 : i32
              %scatter3A_358 = tpu.memref_slice %arg9[%scatter3A] : memref<64xi32, #tpu.memory_space<vmem>> -> memref<64xi32, #tpu.memory_space<vmem>>
              tpu.vector_store_idx %scatter3A_358[%sub3A_353], %add3A_357 masked %and3A_143 : memref<64xi32, #tpu.memory_space<vmem>>[vector<16xi32>], vector<16xi32>, vector<16xi1>
              %while3A = arith.constant 0 : i32
              %while3A_359 = arith.subi %squeeze3A_259, %while3A : i32
              %while3A_360 = arith.addi %while3A, %while3A_359 : i32
              %while3A_361 = arith.constant 1 : i32
              %while3A_362 = arith.divsi %while3A_359, %while3A_361 : i32
              %while3A_363 = arith.muli %while3A_362, %while3A_361 : i32
              %while3A_364 = arith.addi %while3A, %while3A_363 : i32
              %while3A_365 = arith.constant 1 : i32
              scf.for %while3A_368 = %while3A to %while3A_364 step %while3A_365  : i32 {
                %broadcast_in_dim3A_369 = vector.broadcast %while3A_368 : i32 to vector<16xi32>
                %lt3A_370 = arith.constant 0 : i32
                %lt3A_371 = vector.broadcast %lt3A_370 : i32 to vector<16xi32>
                %lt3A_372 = arith.cmpi slt, %broadcast_in_dim3A_369, %lt3A_371 : vector<16xi32>
                %add3A_373 = arith.constant 16 : i32
                %add3A_374 = vector.broadcast %add3A_373 : i32 to vector<16xi32>
                %add3A_375 = arith.addi %broadcast_in_dim3A_369, %add3A_374 : vector<16xi32>
                %select_n3A = arith.select %lt3A_372, %add3A_375, %broadcast_in_dim3A_369 : vector<16xi1>, vector<16xi32>
                %broadcast_in_dim3A_376 = vector.shape_cast %select_n3A : vector<16xi32> to vector<16x1xi32>
                %gather3A = vector.shape_cast %broadcast_in_dim3A_376 : vector<16x1xi32> to vector<16xi32>
                %gather3A_377 = tpu.dynamic_gather %get3A_345[%gather3A] in [0] : vector<16xi32>, vector<16xi32> -> vector<16xi32>
                %add3A_378 = arith.addi %cond3A_340, %while3A_368 : i32
                %gather3A_379 = arith.constant 0 : i32
                %gather3A_380 = arith.constant 0 : i32
                %gather3A_381 = tpu.memref_slice %arg10[%gather3A_379, %gather3A_380] : memref<32x32xf32, #tpu.memory_space<vmem>> -> memref<32x32xf32, #tpu.memory_space<vmem>>
                %gather3A_382 = tpu.vector_load_idx %gather3A_381[%iota3A_93, %gather3A_377] : memref<32x32xf32, #tpu.memory_space<vmem>>[vector<16xi32>, vector<16xi32>], vector<16xf32>,
                %swap3A_383 = arith.index_cast %add3A_378 : i32 to index
                %swap3A_384 = arith.constant 0 : index
                %swap3A_385 = tpu.vector_load %arg8[%swap3A_383, %swap3A_384] {strides = array<i32>} : memref<64x128xf32, #tpu.memory_space<vmem>>, vector<16xf32>,
                tpu.vector_store %arg8[%swap3A_383, %swap3A_384], %gather3A_382 {strides = array<i32>} : memref<64x128xf32, #tpu.memory_space<vmem>>, vector<16xf32>,
                %add3A_386 = arith.constant 16 : i32
                %add3A_387 = vector.broadcast %add3A_386 : i32 to vector<16xi32>
                %add3A_388 = arith.addi %iota3A_93, %add3A_387 : vector<16xi32>
                %gather3A_389 = arith.constant 0 : i32
                %gather3A_390 = arith.constant 0 : i32
                %gather3A_391 = tpu.memref_slice %arg10[%gather3A_389, %gather3A_390] : memref<32x32xf32, #tpu.memory_space<vmem>> -> memref<32x32xf32, #tpu.memory_space<vmem>>
                %gather3A_392 = tpu.vector_load_idx %gather3A_391[%add3A_388, %gather3A_377] : memref<32x32xf32, #tpu.memory_space<vmem>>[vector<16xi32>, vector<16xi32>], vector<16xf32>,
                %swap3A_393 = arith.index_cast %add3A_378 : i32 to index
                %swap3A_394 = arith.constant 16 : index
                %swap3A_395 = tpu.vector_load %arg8[%swap3A_393, %swap3A_394] {strides = array<i32>} : memref<64x128xf32, #tpu.memory_space<vmem>>, vector<16xf32>,
                tpu.vector_store %arg8[%swap3A_393, %swap3A_394], %gather3A_392 {strides = array<i32>} : memref<64x128xf32, #tpu.memory_space<vmem>>, vector<16xf32>,
              }
              %while3A_366 = arith.constant 1 : i32
              scf.for %while3A_368 = %while3A_364 to %while3A_360 step %while3A_366  : i32 {
                %broadcast_in_dim3A_369 = vector.broadcast %while3A_368 : i32 to vector<16xi32>
                %lt3A_370 = arith.constant 0 : i32
                %lt3A_371 = vector.broadcast %lt3A_370 : i32 to vector<16xi32>
                %lt3A_372 = arith.cmpi slt, %broadcast_in_dim3A_369, %lt3A_371 : vector<16xi32>
                %add3A_373 = arith.constant 16 : i32
                %add3A_374 = vector.broadcast %add3A_373 : i32 to vector<16xi32>
                %add3A_375 = arith.addi %broadcast_in_dim3A_369, %add3A_374 : vector<16xi32>
                %select_n3A = arith.select %lt3A_372, %add3A_375, %broadcast_in_dim3A_369 : vector<16xi1>, vector<16xi32>
                %broadcast_in_dim3A_376 = vector.shape_cast %select_n3A : vector<16xi32> to vector<16x1xi32>
                %gather3A = vector.shape_cast %broadcast_in_dim3A_376 : vector<16x1xi32> to vector<16xi32>
                %gather3A_377 = tpu.dynamic_gather %get3A_345[%gather3A] in [0] : vector<16xi32>, vector<16xi32> -> vector<16xi32>
                %add3A_378 = arith.addi %cond3A_340, %while3A_368 : i32
                %gather3A_379 = arith.constant 0 : i32
                %gather3A_380 = arith.constant 0 : i32
                %gather3A_381 = tpu.memref_slice %arg10[%gather3A_379, %gather3A_380] : memref<32x32xf32, #tpu.memory_space<vmem>> -> memref<32x32xf32, #tpu.memory_space<vmem>>
                %gather3A_382 = tpu.vector_load_idx %gather3A_381[%iota3A_93, %gather3A_377] : memref<32x32xf32, #tpu.memory_space<vmem>>[vector<16xi32>, vector<16xi32>], vector<16xf32>,
                %swap3A_383 = arith.index_cast %add3A_378 : i32 to index
                %swap3A_384 = arith.constant 0 : index
                %swap3A_385 = tpu.vector_load %arg8[%swap3A_383, %swap3A_384] {strides = array<i32>} : memref<64x128xf32, #tpu.memory_space<vmem>>, vector<16xf32>,
                tpu.vector_store %arg8[%swap3A_383, %swap3A_384], %gather3A_382 {strides = array<i32>} : memref<64x128xf32, #tpu.memory_space<vmem>>, vector<16xf32>,
                %add3A_386 = arith.constant 16 : i32
                %add3A_387 = vector.broadcast %add3A_386 : i32 to vector<16xi32>
                %add3A_388 = arith.addi %iota3A_93, %add3A_387 : vector<16xi32>
                %gather3A_389 = arith.constant 0 : i32
                %gather3A_390 = arith.constant 0 : i32
                %gather3A_391 = tpu.memref_slice %arg10[%gather3A_389, %gather3A_390] : memref<32x32xf32, #tpu.memory_space<vmem>> -> memref<32x32xf32, #tpu.memory_space<vmem>>
                %gather3A_392 = tpu.vector_load_idx %gather3A_391[%add3A_388, %gather3A_377] : memref<32x32xf32, #tpu.memory_space<vmem>>[vector<16xi32>, vector<16xi32>], vector<16xf32>,
                %swap3A_393 = arith.index_cast %add3A_378 : i32 to index
                %swap3A_394 = arith.constant 16 : index
                %swap3A_395 = tpu.vector_load %arg8[%swap3A_393, %swap3A_394] {strides = array<i32>} : memref<64x128xf32, #tpu.memory_space<vmem>>, vector<16xf32>,
                tpu.vector_store %arg8[%swap3A_393, %swap3A_394], %gather3A_392 {strides = array<i32>} : memref<64x128xf32, #tpu.memory_space<vmem>>, vector<16xf32>,
              }
              %add3A_367 = arith.addi %cond3A_340, %squeeze3A_259 : i32
              scf.yield %add3A_367 : i32
            } else {
              scf.yield %cond3A_256 : i32
            }
            %all_reduce_population_count3A_270 = tpu.all_reduce %and3A_158 {dim = 0 : i64, kind = #tpu.reduction_kind<sum>} : vector<16xi1> -> vector<16xi32>
            %slice3A_271 = vector.extract_strided_slice %all_reduce_population_count3A_270 {offsets = [0], sizes = [1], strides = [1]} : vector<16xi32> to vector<1xi32>
            %squeeze3A_272 = vector.extract %slice3A_271[0] : i32 from vector<1xi32>
            %gt3A_273 = arith.constant 0 : i32
            %gt3A_274 = arith.cmpi sgt, %squeeze3A_272, %gt3A_273 : i32
            %mul3A_275 = arith.constant 8 : i32
            %mul3A_276 = arith.muli %scan3A_101, %mul3A_275 : i32
            %add3A_277 = arith.constant 3 : i32
            %add3A_278 = arith.addi %mul3A_276, %add3A_277 : i32
            %convert_element_type3A_279 = arith.extui %gt3A_274 : i1 to i32
            %cond3A_280 = arith.constant 0 : i32
            %cond3A_281 = arith.cmpi ne, %convert_element_type3A_279, %cond3A_280 : i32
            %cond3A_282 = scf.if %cond3A_281 -> (i32) {
              %ge3A_335 = arith.constant 48 : i32
              %ge3A_336 = arith.cmpi sge, %cond3A_269, %ge3A_335 : i32
              %convert_element_type3A_337 = arith.extui %ge3A_336 : i1 to i32
              %cond3A_338 = arith.constant 0 : i32
              %cond3A_339 = arith.cmpi ne, %convert_element_type3A_337, %cond3A_338 : i32
              %cond3A_340 = scf.if %cond3A_339 -> (i32) {
                %dma_start3A_368 = arith.constant 0 : i32
                %dma_start3A_369 = arith.constant 0 : i32
                %dma_start3A_370 = tpu.memref_slice %arg5[%scan3A_20, %dma_start3A_368, %dma_start3A_369] : memref<26x4096x128xf32, #tpu.memory_space<hbm>> -> memref<1x4096x128xf32, #tpu.memory_space<hbm>>
                %dma_start3A_371 = tpu.memref_squeeze %dma_start3A_370 : memref<1x4096x128xf32, #tpu.memory_space<hbm>> -> memref<4096x128xf32, #tpu.memory_space<hbm>>
                %dma_start3A_372 = arith.constant 0 : i32
                %dma_start3A_373 = arith.constant 0 : i32
                %dma_start3A_374 = tpu.memref_slice %dma_start3A_371[%dma_start3A_372, %dma_start3A_373] : memref<4096x128xf32, #tpu.memory_space<hbm>> -> memref<4096x128xf32, #tpu.memory_space<hbm>>
                %dma_start3A_375 = arith.constant -1 : i32
                tpu.enqueue_indirect_dma source(%arg8 : memref<64x128xf32, #tpu.memory_space<vmem>>) target(%dma_start3A_374 : memref<4096x128xf32, #tpu.memory_space<hbm>>) offsets(%arg9 : memref<64xi32, #tpu.memory_space<vmem>>) offset_filter(%dma_start3A_375) semaphore(%arg13 : memref<!tpu.dma_semaphore, #tpu.memory_space<semaphore_mem>>)
                %dma_wait3A_376 = arith.constant 0 : i32
                %dma_wait3A_377 = arith.constant 0 : i32
                %dma_wait3A_378 = tpu.memref_slice %arg5[%scan3A_20, %dma_wait3A_376, %dma_wait3A_377] : memref<26x4096x128xf32, #tpu.memory_space<hbm>> -> memref<1x4096x128xf32, #tpu.memory_space<hbm>>
                %dma_wait3A_379 = tpu.memref_squeeze %dma_wait3A_378 : memref<1x4096x128xf32, #tpu.memory_space<hbm>> -> memref<4096x128xf32, #tpu.memory_space<hbm>>
                %dma_wait3A_380 = arith.constant 0 : i32
                %dma_wait3A_381 = arith.constant 0 : i32
                %dma_wait3A_382 = tpu.memref_slice %dma_wait3A_379[%dma_wait3A_380, %dma_wait3A_381] : memref<4096x128xf32, #tpu.memory_space<hbm>> -> memref<4096x128xf32, #tpu.memory_space<hbm>>
                tpu.wait_indirect_dma semaphore(%arg13 : memref<!tpu.dma_semaphore, #tpu.memory_space<semaphore_mem>>) src(%arg8 : memref<64x128xf32, #tpu.memory_space<vmem>>) dst(%dma_wait3A_382 : memref<4096x128xf32, #tpu.memory_space<hbm>>)
                %broadcast_in_dim3A_383 = arith.constant -1 : i32
                %broadcast_in_dim3A_384 = vector.broadcast %broadcast_in_dim3A_383 : i32 to vector<16xi32>
                %swap3A_385 = arith.constant 0 : index
                %swap3A_386 = tpu.vector_load %arg9[%swap3A_385] {strides = array<i32>} : memref<64xi32, #tpu.memory_space<vmem>>, vector<16xi32>,
                tpu.vector_store %arg9[%swap3A_385], %broadcast_in_dim3A_384 {strides = array<i32>} : memref<64xi32, #tpu.memory_space<vmem>>, vector<16xi32>,
                %broadcast_in_dim3A_387 = arith.constant -1 : i32
                %broadcast_in_dim3A_388 = vector.broadcast %broadcast_in_dim3A_387 : i32 to vector<16xi32>
                %swap3A_389 = arith.constant 16 : index
                %swap3A_390 = tpu.vector_load %arg9[%swap3A_389] {strides = array<i32>} : memref<64xi32, #tpu.memory_space<vmem>>, vector<16xi32>,
                tpu.vector_store %arg9[%swap3A_389], %broadcast_in_dim3A_388 {strides = array<i32>} : memref<64xi32, #tpu.memory_space<vmem>>, vector<16xi32>,
                %broadcast_in_dim3A_391 = arith.constant -1 : i32
                %broadcast_in_dim3A_392 = vector.broadcast %broadcast_in_dim3A_391 : i32 to vector<16xi32>
                %swap3A_393 = arith.constant 32 : index
                %swap3A_394 = tpu.vector_load %arg9[%swap3A_393] {strides = array<i32>} : memref<64xi32, #tpu.memory_space<vmem>>, vector<16xi32>,
                tpu.vector_store %arg9[%swap3A_393], %broadcast_in_dim3A_392 {strides = array<i32>} : memref<64xi32, #tpu.memory_space<vmem>>, vector<16xi32>,
                %broadcast_in_dim3A_395 = arith.constant -1 : i32
                %broadcast_in_dim3A_396 = vector.broadcast %broadcast_in_dim3A_395 : i32 to vector<16xi32>
                %swap3A_397 = arith.constant 48 : index
                %swap3A_398 = tpu.vector_load %arg9[%swap3A_397] {strides = array<i32>} : memref<64xi32, #tpu.memory_space<vmem>>, vector<16xi32>,
                tpu.vector_store %arg9[%swap3A_397], %broadcast_in_dim3A_396 {strides = array<i32>} : memref<64xi32, #tpu.memory_space<vmem>>, vector<16xi32>,
                %cond3A_399 = arith.constant 0 : i32
                scf.yield %cond3A_399 : i32
              } else {
                scf.yield %cond3A_269 : i32
              }
              %sub3A = vector.broadcast %scan3A_94 : i32 to vector<16xi32>
              %sub3A_341 = arith.subi %get3A_151, %sub3A : vector<16xi32>
              %swap3A_342 = arith.constant 0 : index
              %swap3A_343 = tpu.vector_load %arg11[%swap3A_342] masked %and3A_158 {strides = array<i32>} : memref<16xi32, #tpu.memory_space<vmem>>, vector<16xi32>, vector<16xi1>
              tpu.vector_store %arg11[%swap3A_342], %sub3A_341 masked %and3A_158 {strides = array<i32>} : memref<16xi32, #tpu.memory_space<vmem>>, vector<16xi32>, vector<16xi1>
              %get3A_344 = arith.constant 0 : index
              %get3A_345 = tpu.vector_load %arg11[%get3A_344] {strides = array<i32>} : memref<16xi32, #tpu.memory_space<vmem>>, vector<16xi32>,
              %convert_element_type3A_346 = arith.extui %and3A_158 : vector<16xi1> to vector<16xi32>
              %broadcast_in_dim3A_347 = arith.constant true
              %broadcast_in_dim3A_348 = vector.broadcast %broadcast_in_dim3A_347 : i1 to vector<16xi1>
              %masked_cumsum3A = tpu.scan <sum>, %convert_element_type3A_346 masked %broadcast_in_dim3A_348 : vector<16xi32>, vector<16xi1> -> vector<16xi32>
              %add3A_349 = vector.broadcast %cond3A_340 : i32 to vector<16xi32>
              %add3A_350 = arith.addi %add3A_349, %masked_cumsum3A : vector<16xi32>
              %sub3A_351 = arith.constant 1 : i32
              %sub3A_352 = vector.broadcast %sub3A_351 : i32 to vector<16xi32>
              %sub3A_353 = arith.subi %add3A_350, %sub3A_352 : vector<16xi32>
              %mul3A_354 = arith.constant 16 : i32
              %mul3A_355 = arith.muli %add3A_278, %mul3A_354 : i32
              %add3A_356 = vector.broadcast %mul3A_355 : i32 to vector<16xi32>
              %add3A_357 = arith.addi %iota3A_93, %add3A_356 : vector<16xi32>
              %scatter3A = arith.constant 0 : i32
              %scatter3A_358 = tpu.memref_slice %arg9[%scatter3A] : memref<64xi32, #tpu.memory_space<vmem>> -> memref<64xi32, #tpu.memory_space<vmem>>
              tpu.vector_store_idx %scatter3A_358[%sub3A_353], %add3A_357 masked %and3A_158 : memref<64xi32, #tpu.memory_space<vmem>>[vector<16xi32>], vector<16xi32>, vector<16xi1>
              %while3A = arith.constant 0 : i32
              %while3A_359 = arith.subi %squeeze3A_272, %while3A : i32
              %while3A_360 = arith.addi %while3A, %while3A_359 : i32
              %while3A_361 = arith.constant 1 : i32
              %while3A_362 = arith.divsi %while3A_359, %while3A_361 : i32
              %while3A_363 = arith.muli %while3A_362, %while3A_361 : i32
              %while3A_364 = arith.addi %while3A, %while3A_363 : i32
              %while3A_365 = arith.constant 1 : i32
              scf.for %while3A_368 = %while3A to %while3A_364 step %while3A_365  : i32 {
                %broadcast_in_dim3A_369 = vector.broadcast %while3A_368 : i32 to vector<16xi32>
                %lt3A_370 = arith.constant 0 : i32
                %lt3A_371 = vector.broadcast %lt3A_370 : i32 to vector<16xi32>
                %lt3A_372 = arith.cmpi slt, %broadcast_in_dim3A_369, %lt3A_371 : vector<16xi32>
                %add3A_373 = arith.constant 16 : i32
                %add3A_374 = vector.broadcast %add3A_373 : i32 to vector<16xi32>
                %add3A_375 = arith.addi %broadcast_in_dim3A_369, %add3A_374 : vector<16xi32>
                %select_n3A = arith.select %lt3A_372, %add3A_375, %broadcast_in_dim3A_369 : vector<16xi1>, vector<16xi32>
                %broadcast_in_dim3A_376 = vector.shape_cast %select_n3A : vector<16xi32> to vector<16x1xi32>
                %gather3A = vector.shape_cast %broadcast_in_dim3A_376 : vector<16x1xi32> to vector<16xi32>
                %gather3A_377 = tpu.dynamic_gather %get3A_345[%gather3A] in [0] : vector<16xi32>, vector<16xi32> -> vector<16xi32>
                %add3A_378 = arith.addi %cond3A_340, %while3A_368 : i32
                %gather3A_379 = arith.constant 0 : i32
                %gather3A_380 = arith.constant 0 : i32
                %gather3A_381 = tpu.memref_slice %arg10[%gather3A_379, %gather3A_380] : memref<32x32xf32, #tpu.memory_space<vmem>> -> memref<32x32xf32, #tpu.memory_space<vmem>>
                %gather3A_382 = tpu.vector_load_idx %gather3A_381[%iota3A_93, %gather3A_377] : memref<32x32xf32, #tpu.memory_space<vmem>>[vector<16xi32>, vector<16xi32>], vector<16xf32>,
                %swap3A_383 = arith.index_cast %add3A_378 : i32 to index
                %swap3A_384 = arith.constant 0 : index
                %swap3A_385 = tpu.vector_load %arg8[%swap3A_383, %swap3A_384] {strides = array<i32>} : memref<64x128xf32, #tpu.memory_space<vmem>>, vector<16xf32>,
                tpu.vector_store %arg8[%swap3A_383, %swap3A_384], %gather3A_382 {strides = array<i32>} : memref<64x128xf32, #tpu.memory_space<vmem>>, vector<16xf32>,
                %add3A_386 = arith.constant 16 : i32
                %add3A_387 = vector.broadcast %add3A_386 : i32 to vector<16xi32>
                %add3A_388 = arith.addi %iota3A_93, %add3A_387 : vector<16xi32>
                %gather3A_389 = arith.constant 0 : i32
                %gather3A_390 = arith.constant 0 : i32
                %gather3A_391 = tpu.memref_slice %arg10[%gather3A_389, %gather3A_390] : memref<32x32xf32, #tpu.memory_space<vmem>> -> memref<32x32xf32, #tpu.memory_space<vmem>>
                %gather3A_392 = tpu.vector_load_idx %gather3A_391[%add3A_388, %gather3A_377] : memref<32x32xf32, #tpu.memory_space<vmem>>[vector<16xi32>, vector<16xi32>], vector<16xf32>,
                %swap3A_393 = arith.index_cast %add3A_378 : i32 to index
                %swap3A_394 = arith.constant 16 : index
                %swap3A_395 = tpu.vector_load %arg8[%swap3A_393, %swap3A_394] {strides = array<i32>} : memref<64x128xf32, #tpu.memory_space<vmem>>, vector<16xf32>,
                tpu.vector_store %arg8[%swap3A_393, %swap3A_394], %gather3A_392 {strides = array<i32>} : memref<64x128xf32, #tpu.memory_space<vmem>>, vector<16xf32>,
              }
              %while3A_366 = arith.constant 1 : i32
              scf.for %while3A_368 = %while3A_364 to %while3A_360 step %while3A_366  : i32 {
                %broadcast_in_dim3A_369 = vector.broadcast %while3A_368 : i32 to vector<16xi32>
                %lt3A_370 = arith.constant 0 : i32
                %lt3A_371 = vector.broadcast %lt3A_370 : i32 to vector<16xi32>
                %lt3A_372 = arith.cmpi slt, %broadcast_in_dim3A_369, %lt3A_371 : vector<16xi32>
                %add3A_373 = arith.constant 16 : i32
                %add3A_374 = vector.broadcast %add3A_373 : i32 to vector<16xi32>
                %add3A_375 = arith.addi %broadcast_in_dim3A_369, %add3A_374 : vector<16xi32>
                %select_n3A = arith.select %lt3A_372, %add3A_375, %broadcast_in_dim3A_369 : vector<16xi1>, vector<16xi32>
                %broadcast_in_dim3A_376 = vector.shape_cast %select_n3A : vector<16xi32> to vector<16x1xi32>
                %gather3A = vector.shape_cast %broadcast_in_dim3A_376 : vector<16x1xi32> to vector<16xi32>
                %gather3A_377 = tpu.dynamic_gather %get3A_345[%gather3A] in [0] : vector<16xi32>, vector<16xi32> -> vector<16xi32>
                %add3A_378 = arith.addi %cond3A_340, %while3A_368 : i32
                %gather3A_379 = arith.constant 0 : i32
                %gather3A_380 = arith.constant 0 : i32
                %gather3A_381 = tpu.memref_slice %arg10[%gather3A_379, %gather3A_380] : memref<32x32xf32, #tpu.memory_space<vmem>> -> memref<32x32xf32, #tpu.memory_space<vmem>>
                %gather3A_382 = tpu.vector_load_idx %gather3A_381[%iota3A_93, %gather3A_377] : memref<32x32xf32, #tpu.memory_space<vmem>>[vector<16xi32>, vector<16xi32>], vector<16xf32>,
                %swap3A_383 = arith.index_cast %add3A_378 : i32 to index
                %swap3A_384 = arith.constant 0 : index
                %swap3A_385 = tpu.vector_load %arg8[%swap3A_383, %swap3A_384] {strides = array<i32>} : memref<64x128xf32, #tpu.memory_space<vmem>>, vector<16xf32>,
                tpu.vector_store %arg8[%swap3A_383, %swap3A_384], %gather3A_382 {strides = array<i32>} : memref<64x128xf32, #tpu.memory_space<vmem>>, vector<16xf32>,
                %add3A_386 = arith.constant 16 : i32
                %add3A_387 = vector.broadcast %add3A_386 : i32 to vector<16xi32>
                %add3A_388 = arith.addi %iota3A_93, %add3A_387 : vector<16xi32>
                %gather3A_389 = arith.constant 0 : i32
                %gather3A_390 = arith.constant 0 : i32
                %gather3A_391 = tpu.memref_slice %arg10[%gather3A_389, %gather3A_390] : memref<32x32xf32, #tpu.memory_space<vmem>> -> memref<32x32xf32, #tpu.memory_space<vmem>>
                %gather3A_392 = tpu.vector_load_idx %gather3A_391[%add3A_388, %gather3A_377] : memref<32x32xf32, #tpu.memory_space<vmem>>[vector<16xi32>, vector<16xi32>], vector<16xf32>,
                %swap3A_393 = arith.index_cast %add3A_378 : i32 to index
                %swap3A_394 = arith.constant 16 : index
                %swap3A_395 = tpu.vector_load %arg8[%swap3A_393, %swap3A_394] {strides = array<i32>} : memref<64x128xf32, #tpu.memory_space<vmem>>, vector<16xf32>,
                tpu.vector_store %arg8[%swap3A_393, %swap3A_394], %gather3A_392 {strides = array<i32>} : memref<64x128xf32, #tpu.memory_space<vmem>>, vector<16xf32>,
              }
              %add3A_367 = arith.addi %cond3A_340, %squeeze3A_272 : i32
              scf.yield %add3A_367 : i32
            } else {
              scf.yield %cond3A_269 : i32
            }
            %all_reduce_population_count3A_283 = tpu.all_reduce %and3A_173 {dim = 0 : i64, kind = #tpu.reduction_kind<sum>} : vector<16xi1> -> vector<16xi32>
            %slice3A_284 = vector.extract_strided_slice %all_reduce_population_count3A_283 {offsets = [0], sizes = [1], strides = [1]} : vector<16xi32> to vector<1xi32>
            %squeeze3A_285 = vector.extract %slice3A_284[0] : i32 from vector<1xi32>
            %gt3A_286 = arith.constant 0 : i32
            %gt3A_287 = arith.cmpi sgt, %squeeze3A_285, %gt3A_286 : i32
            %mul3A_288 = arith.constant 8 : i32
            %mul3A_289 = arith.muli %scan3A_101, %mul3A_288 : i32
            %add3A_290 = arith.constant 4 : i32
            %add3A_291 = arith.addi %mul3A_289, %add3A_290 : i32
            %convert_element_type3A_292 = arith.extui %gt3A_287 : i1 to i32
            %cond3A_293 = arith.constant 0 : i32
            %cond3A_294 = arith.cmpi ne, %convert_element_type3A_292, %cond3A_293 : i32
            %cond3A_295 = scf.if %cond3A_294 -> (i32) {
              %ge3A_335 = arith.constant 48 : i32
              %ge3A_336 = arith.cmpi sge, %cond3A_282, %ge3A_335 : i32
              %convert_element_type3A_337 = arith.extui %ge3A_336 : i1 to i32
              %cond3A_338 = arith.constant 0 : i32
              %cond3A_339 = arith.cmpi ne, %convert_element_type3A_337, %cond3A_338 : i32
              %cond3A_340 = scf.if %cond3A_339 -> (i32) {
                %dma_start3A_368 = arith.constant 0 : i32
                %dma_start3A_369 = arith.constant 0 : i32
                %dma_start3A_370 = tpu.memref_slice %arg5[%scan3A_20, %dma_start3A_368, %dma_start3A_369] : memref<26x4096x128xf32, #tpu.memory_space<hbm>> -> memref<1x4096x128xf32, #tpu.memory_space<hbm>>
                %dma_start3A_371 = tpu.memref_squeeze %dma_start3A_370 : memref<1x4096x128xf32, #tpu.memory_space<hbm>> -> memref<4096x128xf32, #tpu.memory_space<hbm>>
                %dma_start3A_372 = arith.constant 0 : i32
                %dma_start3A_373 = arith.constant 0 : i32
                %dma_start3A_374 = tpu.memref_slice %dma_start3A_371[%dma_start3A_372, %dma_start3A_373] : memref<4096x128xf32, #tpu.memory_space<hbm>> -> memref<4096x128xf32, #tpu.memory_space<hbm>>
                %dma_start3A_375 = arith.constant -1 : i32
                tpu.enqueue_indirect_dma source(%arg8 : memref<64x128xf32, #tpu.memory_space<vmem>>) target(%dma_start3A_374 : memref<4096x128xf32, #tpu.memory_space<hbm>>) offsets(%arg9 : memref<64xi32, #tpu.memory_space<vmem>>) offset_filter(%dma_start3A_375) semaphore(%arg13 : memref<!tpu.dma_semaphore, #tpu.memory_space<semaphore_mem>>)
                %dma_wait3A_376 = arith.constant 0 : i32
                %dma_wait3A_377 = arith.constant 0 : i32
                %dma_wait3A_378 = tpu.memref_slice %arg5[%scan3A_20, %dma_wait3A_376, %dma_wait3A_377] : memref<26x4096x128xf32, #tpu.memory_space<hbm>> -> memref<1x4096x128xf32, #tpu.memory_space<hbm>>
                %dma_wait3A_379 = tpu.memref_squeeze %dma_wait3A_378 : memref<1x4096x128xf32, #tpu.memory_space<hbm>> -> memref<4096x128xf32, #tpu.memory_space<hbm>>
                %dma_wait3A_380 = arith.constant 0 : i32
                %dma_wait3A_381 = arith.constant 0 : i32
                %dma_wait3A_382 = tpu.memref_slice %dma_wait3A_379[%dma_wait3A_380, %dma_wait3A_381] : memref<4096x128xf32, #tpu.memory_space<hbm>> -> memref<4096x128xf32, #tpu.memory_space<hbm>>
                tpu.wait_indirect_dma semaphore(%arg13 : memref<!tpu.dma_semaphore, #tpu.memory_space<semaphore_mem>>) src(%arg8 : memref<64x128xf32, #tpu.memory_space<vmem>>) dst(%dma_wait3A_382 : memref<4096x128xf32, #tpu.memory_space<hbm>>)
                %broadcast_in_dim3A_383 = arith.constant -1 : i32
                %broadcast_in_dim3A_384 = vector.broadcast %broadcast_in_dim3A_383 : i32 to vector<16xi32>
                %swap3A_385 = arith.constant 0 : index
                %swap3A_386 = tpu.vector_load %arg9[%swap3A_385] {strides = array<i32>} : memref<64xi32, #tpu.memory_space<vmem>>, vector<16xi32>,
                tpu.vector_store %arg9[%swap3A_385], %broadcast_in_dim3A_384 {strides = array<i32>} : memref<64xi32, #tpu.memory_space<vmem>>, vector<16xi32>,
                %broadcast_in_dim3A_387 = arith.constant -1 : i32
                %broadcast_in_dim3A_388 = vector.broadcast %broadcast_in_dim3A_387 : i32 to vector<16xi32>
                %swap3A_389 = arith.constant 16 : index
                %swap3A_390 = tpu.vector_load %arg9[%swap3A_389] {strides = array<i32>} : memref<64xi32, #tpu.memory_space<vmem>>, vector<16xi32>,
                tpu.vector_store %arg9[%swap3A_389], %broadcast_in_dim3A_388 {strides = array<i32>} : memref<64xi32, #tpu.memory_space<vmem>>, vector<16xi32>,
                %broadcast_in_dim3A_391 = arith.constant -1 : i32
                %broadcast_in_dim3A_392 = vector.broadcast %broadcast_in_dim3A_391 : i32 to vector<16xi32>
                %swap3A_393 = arith.constant 32 : index
                %swap3A_394 = tpu.vector_load %arg9[%swap3A_393] {strides = array<i32>} : memref<64xi32, #tpu.memory_space<vmem>>, vector<16xi32>,
                tpu.vector_store %arg9[%swap3A_393], %broadcast_in_dim3A_392 {strides = array<i32>} : memref<64xi32, #tpu.memory_space<vmem>>, vector<16xi32>,
                %broadcast_in_dim3A_395 = arith.constant -1 : i32
                %broadcast_in_dim3A_396 = vector.broadcast %broadcast_in_dim3A_395 : i32 to vector<16xi32>
                %swap3A_397 = arith.constant 48 : index
                %swap3A_398 = tpu.vector_load %arg9[%swap3A_397] {strides = array<i32>} : memref<64xi32, #tpu.memory_space<vmem>>, vector<16xi32>,
                tpu.vector_store %arg9[%swap3A_397], %broadcast_in_dim3A_396 {strides = array<i32>} : memref<64xi32, #tpu.memory_space<vmem>>, vector<16xi32>,
                %cond3A_399 = arith.constant 0 : i32
                scf.yield %cond3A_399 : i32
              } else {
                scf.yield %cond3A_282 : i32
              }
              %sub3A = vector.broadcast %scan3A_94 : i32 to vector<16xi32>
              %sub3A_341 = arith.subi %get3A_166, %sub3A : vector<16xi32>
              %swap3A_342 = arith.constant 0 : index
              %swap3A_343 = tpu.vector_load %arg11[%swap3A_342] masked %and3A_173 {strides = array<i32>} : memref<16xi32, #tpu.memory_space<vmem>>, vector<16xi32>, vector<16xi1>
              tpu.vector_store %arg11[%swap3A_342], %sub3A_341 masked %and3A_173 {strides = array<i32>} : memref<16xi32, #tpu.memory_space<vmem>>, vector<16xi32>, vector<16xi1>
              %get3A_344 = arith.constant 0 : index
              %get3A_345 = tpu.vector_load %arg11[%get3A_344] {strides = array<i32>} : memref<16xi32, #tpu.memory_space<vmem>>, vector<16xi32>,
              %convert_element_type3A_346 = arith.extui %and3A_173 : vector<16xi1> to vector<16xi32>
              %broadcast_in_dim3A_347 = arith.constant true
              %broadcast_in_dim3A_348 = vector.broadcast %broadcast_in_dim3A_347 : i1 to vector<16xi1>
              %masked_cumsum3A = tpu.scan <sum>, %convert_element_type3A_346 masked %broadcast_in_dim3A_348 : vector<16xi32>, vector<16xi1> -> vector<16xi32>
              %add3A_349 = vector.broadcast %cond3A_340 : i32 to vector<16xi32>
              %add3A_350 = arith.addi %add3A_349, %masked_cumsum3A : vector<16xi32>
              %sub3A_351 = arith.constant 1 : i32
              %sub3A_352 = vector.broadcast %sub3A_351 : i32 to vector<16xi32>
              %sub3A_353 = arith.subi %add3A_350, %sub3A_352 : vector<16xi32>
              %mul3A_354 = arith.constant 16 : i32
              %mul3A_355 = arith.muli %add3A_291, %mul3A_354 : i32
              %add3A_356 = vector.broadcast %mul3A_355 : i32 to vector<16xi32>
              %add3A_357 = arith.addi %iota3A_93, %add3A_356 : vector<16xi32>
              %scatter3A = arith.constant 0 : i32
              %scatter3A_358 = tpu.memref_slice %arg9[%scatter3A] : memref<64xi32, #tpu.memory_space<vmem>> -> memref<64xi32, #tpu.memory_space<vmem>>
              tpu.vector_store_idx %scatter3A_358[%sub3A_353], %add3A_357 masked %and3A_173 : memref<64xi32, #tpu.memory_space<vmem>>[vector<16xi32>], vector<16xi32>, vector<16xi1>
              %while3A = arith.constant 0 : i32
              %while3A_359 = arith.subi %squeeze3A_285, %while3A : i32
              %while3A_360 = arith.addi %while3A, %while3A_359 : i32
              %while3A_361 = arith.constant 1 : i32
              %while3A_362 = arith.divsi %while3A_359, %while3A_361 : i32
              %while3A_363 = arith.muli %while3A_362, %while3A_361 : i32
              %while3A_364 = arith.addi %while3A, %while3A_363 : i32
              %while3A_365 = arith.constant 1 : i32
              scf.for %while3A_368 = %while3A to %while3A_364 step %while3A_365  : i32 {
                %broadcast_in_dim3A_369 = vector.broadcast %while3A_368 : i32 to vector<16xi32>
                %lt3A_370 = arith.constant 0 : i32
                %lt3A_371 = vector.broadcast %lt3A_370 : i32 to vector<16xi32>
                %lt3A_372 = arith.cmpi slt, %broadcast_in_dim3A_369, %lt3A_371 : vector<16xi32>
                %add3A_373 = arith.constant 16 : i32
                %add3A_374 = vector.broadcast %add3A_373 : i32 to vector<16xi32>
                %add3A_375 = arith.addi %broadcast_in_dim3A_369, %add3A_374 : vector<16xi32>
                %select_n3A = arith.select %lt3A_372, %add3A_375, %broadcast_in_dim3A_369 : vector<16xi1>, vector<16xi32>
                %broadcast_in_dim3A_376 = vector.shape_cast %select_n3A : vector<16xi32> to vector<16x1xi32>
                %gather3A = vector.shape_cast %broadcast_in_dim3A_376 : vector<16x1xi32> to vector<16xi32>
                %gather3A_377 = tpu.dynamic_gather %get3A_345[%gather3A] in [0] : vector<16xi32>, vector<16xi32> -> vector<16xi32>
                %add3A_378 = arith.addi %cond3A_340, %while3A_368 : i32
                %gather3A_379 = arith.constant 0 : i32
                %gather3A_380 = arith.constant 0 : i32
                %gather3A_381 = tpu.memref_slice %arg10[%gather3A_379, %gather3A_380] : memref<32x32xf32, #tpu.memory_space<vmem>> -> memref<32x32xf32, #tpu.memory_space<vmem>>
                %gather3A_382 = tpu.vector_load_idx %gather3A_381[%iota3A_93, %gather3A_377] : memref<32x32xf32, #tpu.memory_space<vmem>>[vector<16xi32>, vector<16xi32>], vector<16xf32>,
                %swap3A_383 = arith.index_cast %add3A_378 : i32 to index
                %swap3A_384 = arith.constant 0 : index
                %swap3A_385 = tpu.vector_load %arg8[%swap3A_383, %swap3A_384] {strides = array<i32>} : memref<64x128xf32, #tpu.memory_space<vmem>>, vector<16xf32>,
                tpu.vector_store %arg8[%swap3A_383, %swap3A_384], %gather3A_382 {strides = array<i32>} : memref<64x128xf32, #tpu.memory_space<vmem>>, vector<16xf32>,
                %add3A_386 = arith.constant 16 : i32
                %add3A_387 = vector.broadcast %add3A_386 : i32 to vector<16xi32>
                %add3A_388 = arith.addi %iota3A_93, %add3A_387 : vector<16xi32>
                %gather3A_389 = arith.constant 0 : i32
                %gather3A_390 = arith.constant 0 : i32
                %gather3A_391 = tpu.memref_slice %arg10[%gather3A_389, %gather3A_390] : memref<32x32xf32, #tpu.memory_space<vmem>> -> memref<32x32xf32, #tpu.memory_space<vmem>>
                %gather3A_392 = tpu.vector_load_idx %gather3A_391[%add3A_388, %gather3A_377] : memref<32x32xf32, #tpu.memory_space<vmem>>[vector<16xi32>, vector<16xi32>], vector<16xf32>,
                %swap3A_393 = arith.index_cast %add3A_378 : i32 to index
                %swap3A_394 = arith.constant 16 : index
                %swap3A_395 = tpu.vector_load %arg8[%swap3A_393, %swap3A_394] {strides = array<i32>} : memref<64x128xf32, #tpu.memory_space<vmem>>, vector<16xf32>,
                tpu.vector_store %arg8[%swap3A_393, %swap3A_394], %gather3A_392 {strides = array<i32>} : memref<64x128xf32, #tpu.memory_space<vmem>>, vector<16xf32>,
              }
              %while3A_366 = arith.constant 1 : i32
              scf.for %while3A_368 = %while3A_364 to %while3A_360 step %while3A_366  : i32 {
                %broadcast_in_dim3A_369 = vector.broadcast %while3A_368 : i32 to vector<16xi32>
                %lt3A_370 = arith.constant 0 : i32
                %lt3A_371 = vector.broadcast %lt3A_370 : i32 to vector<16xi32>
                %lt3A_372 = arith.cmpi slt, %broadcast_in_dim3A_369, %lt3A_371 : vector<16xi32>
                %add3A_373 = arith.constant 16 : i32
                %add3A_374 = vector.broadcast %add3A_373 : i32 to vector<16xi32>
                %add3A_375 = arith.addi %broadcast_in_dim3A_369, %add3A_374 : vector<16xi32>
                %select_n3A = arith.select %lt3A_372, %add3A_375, %broadcast_in_dim3A_369 : vector<16xi1>, vector<16xi32>
                %broadcast_in_dim3A_376 = vector.shape_cast %select_n3A : vector<16xi32> to vector<16x1xi32>
                %gather3A = vector.shape_cast %broadcast_in_dim3A_376 : vector<16x1xi32> to vector<16xi32>
                %gather3A_377 = tpu.dynamic_gather %get3A_345[%gather3A] in [0] : vector<16xi32>, vector<16xi32> -> vector<16xi32>
                %add3A_378 = arith.addi %cond3A_340, %while3A_368 : i32
                %gather3A_379 = arith.constant 0 : i32
                %gather3A_380 = arith.constant 0 : i32
                %gather3A_381 = tpu.memref_slice %arg10[%gather3A_379, %gather3A_380] : memref<32x32xf32, #tpu.memory_space<vmem>> -> memref<32x32xf32, #tpu.memory_space<vmem>>
                %gather3A_382 = tpu.vector_load_idx %gather3A_381[%iota3A_93, %gather3A_377] : memref<32x32xf32, #tpu.memory_space<vmem>>[vector<16xi32>, vector<16xi32>], vector<16xf32>,
                %swap3A_383 = arith.index_cast %add3A_378 : i32 to index
                %swap3A_384 = arith.constant 0 : index
                %swap3A_385 = tpu.vector_load %arg8[%swap3A_383, %swap3A_384] {strides = array<i32>} : memref<64x128xf32, #tpu.memory_space<vmem>>, vector<16xf32>,
                tpu.vector_store %arg8[%swap3A_383, %swap3A_384], %gather3A_382 {strides = array<i32>} : memref<64x128xf32, #tpu.memory_space<vmem>>, vector<16xf32>,
                %add3A_386 = arith.constant 16 : i32
                %add3A_387 = vector.broadcast %add3A_386 : i32 to vector<16xi32>
                %add3A_388 = arith.addi %iota3A_93, %add3A_387 : vector<16xi32>
                %gather3A_389 = arith.constant 0 : i32
                %gather3A_390 = arith.constant 0 : i32
                %gather3A_391 = tpu.memref_slice %arg10[%gather3A_389, %gather3A_390] : memref<32x32xf32, #tpu.memory_space<vmem>> -> memref<32x32xf32, #tpu.memory_space<vmem>>
                %gather3A_392 = tpu.vector_load_idx %gather3A_391[%add3A_388, %gather3A_377] : memref<32x32xf32, #tpu.memory_space<vmem>>[vector<16xi32>, vector<16xi32>], vector<16xf32>,
                %swap3A_393 = arith.index_cast %add3A_378 : i32 to index
                %swap3A_394 = arith.constant 16 : index
                %swap3A_395 = tpu.vector_load %arg8[%swap3A_393, %swap3A_394] {strides = array<i32>} : memref<64x128xf32, #tpu.memory_space<vmem>>, vector<16xf32>,
                tpu.vector_store %arg8[%swap3A_393, %swap3A_394], %gather3A_392 {strides = array<i32>} : memref<64x128xf32, #tpu.memory_space<vmem>>, vector<16xf32>,
              }
              %add3A_367 = arith.addi %cond3A_340, %squeeze3A_285 : i32
              scf.yield %add3A_367 : i32
            } else {
              scf.yield %cond3A_282 : i32
            }
            %all_reduce_population_count3A_296 = tpu.all_reduce %and3A_188 {dim = 0 : i64, kind = #tpu.reduction_kind<sum>} : vector<16xi1> -> vector<16xi32>
            %slice3A_297 = vector.extract_strided_slice %all_reduce_population_count3A_296 {offsets = [0], sizes = [1], strides = [1]} : vector<16xi32> to vector<1xi32>
            %squeeze3A_298 = vector.extract %slice3A_297[0] : i32 from vector<1xi32>
            %gt3A_299 = arith.constant 0 : i32
            %gt3A_300 = arith.cmpi sgt, %squeeze3A_298, %gt3A_299 : i32
            %mul3A_301 = arith.constant 8 : i32
            %mul3A_302 = arith.muli %scan3A_101, %mul3A_301 : i32
            %add3A_303 = arith.constant 5 : i32
            %add3A_304 = arith.addi %mul3A_302, %add3A_303 : i32
            %convert_element_type3A_305 = arith.extui %gt3A_300 : i1 to i32
            %cond3A_306 = arith.constant 0 : i32
            %cond3A_307 = arith.cmpi ne, %convert_element_type3A_305, %cond3A_306 : i32
            %cond3A_308 = scf.if %cond3A_307 -> (i32) {
              %ge3A_335 = arith.constant 48 : i32
              %ge3A_336 = arith.cmpi sge, %cond3A_295, %ge3A_335 : i32
              %convert_element_type3A_337 = arith.extui %ge3A_336 : i1 to i32
              %cond3A_338 = arith.constant 0 : i32
              %cond3A_339 = arith.cmpi ne, %convert_element_type3A_337, %cond3A_338 : i32
              %cond3A_340 = scf.if %cond3A_339 -> (i32) {
                %dma_start3A_368 = arith.constant 0 : i32
                %dma_start3A_369 = arith.constant 0 : i32
                %dma_start3A_370 = tpu.memref_slice %arg5[%scan3A_20, %dma_start3A_368, %dma_start3A_369] : memref<26x4096x128xf32, #tpu.memory_space<hbm>> -> memref<1x4096x128xf32, #tpu.memory_space<hbm>>
                %dma_start3A_371 = tpu.memref_squeeze %dma_start3A_370 : memref<1x4096x128xf32, #tpu.memory_space<hbm>> -> memref<4096x128xf32, #tpu.memory_space<hbm>>
                %dma_start3A_372 = arith.constant 0 : i32
                %dma_start3A_373 = arith.constant 0 : i32
                %dma_start3A_374 = tpu.memref_slice %dma_start3A_371[%dma_start3A_372, %dma_start3A_373] : memref<4096x128xf32, #tpu.memory_space<hbm>> -> memref<4096x128xf32, #tpu.memory_space<hbm>>
                %dma_start3A_375 = arith.constant -1 : i32
                tpu.enqueue_indirect_dma source(%arg8 : memref<64x128xf32, #tpu.memory_space<vmem>>) target(%dma_start3A_374 : memref<4096x128xf32, #tpu.memory_space<hbm>>) offsets(%arg9 : memref<64xi32, #tpu.memory_space<vmem>>) offset_filter(%dma_start3A_375) semaphore(%arg13 : memref<!tpu.dma_semaphore, #tpu.memory_space<semaphore_mem>>)
                %dma_wait3A_376 = arith.constant 0 : i32
                %dma_wait3A_377 = arith.constant 0 : i32
                %dma_wait3A_378 = tpu.memref_slice %arg5[%scan3A_20, %dma_wait3A_376, %dma_wait3A_377] : memref<26x4096x128xf32, #tpu.memory_space<hbm>> -> memref<1x4096x128xf32, #tpu.memory_space<hbm>>
                %dma_wait3A_379 = tpu.memref_squeeze %dma_wait3A_378 : memref<1x4096x128xf32, #tpu.memory_space<hbm>> -> memref<4096x128xf32, #tpu.memory_space<hbm>>
                %dma_wait3A_380 = arith.constant 0 : i32
                %dma_wait3A_381 = arith.constant 0 : i32
                %dma_wait3A_382 = tpu.memref_slice %dma_wait3A_379[%dma_wait3A_380, %dma_wait3A_381] : memref<4096x128xf32, #tpu.memory_space<hbm>> -> memref<4096x128xf32, #tpu.memory_space<hbm>>
                tpu.wait_indirect_dma semaphore(%arg13 : memref<!tpu.dma_semaphore, #tpu.memory_space<semaphore_mem>>) src(%arg8 : memref<64x128xf32, #tpu.memory_space<vmem>>) dst(%dma_wait3A_382 : memref<4096x128xf32, #tpu.memory_space<hbm>>)
                %broadcast_in_dim3A_383 = arith.constant -1 : i32
                %broadcast_in_dim3A_384 = vector.broadcast %broadcast_in_dim3A_383 : i32 to vector<16xi32>
                %swap3A_385 = arith.constant 0 : index
                %swap3A_386 = tpu.vector_load %arg9[%swap3A_385] {strides = array<i32>} : memref<64xi32, #tpu.memory_space<vmem>>, vector<16xi32>,
                tpu.vector_store %arg9[%swap3A_385], %broadcast_in_dim3A_384 {strides = array<i32>} : memref<64xi32, #tpu.memory_space<vmem>>, vector<16xi32>,
                %broadcast_in_dim3A_387 = arith.constant -1 : i32
                %broadcast_in_dim3A_388 = vector.broadcast %broadcast_in_dim3A_387 : i32 to vector<16xi32>
                %swap3A_389 = arith.constant 16 : index
                %swap3A_390 = tpu.vector_load %arg9[%swap3A_389] {strides = array<i32>} : memref<64xi32, #tpu.memory_space<vmem>>, vector<16xi32>,
                tpu.vector_store %arg9[%swap3A_389], %broadcast_in_dim3A_388 {strides = array<i32>} : memref<64xi32, #tpu.memory_space<vmem>>, vector<16xi32>,
                %broadcast_in_dim3A_391 = arith.constant -1 : i32
                %broadcast_in_dim3A_392 = vector.broadcast %broadcast_in_dim3A_391 : i32 to vector<16xi32>
                %swap3A_393 = arith.constant 32 : index
                %swap3A_394 = tpu.vector_load %arg9[%swap3A_393] {strides = array<i32>} : memref<64xi32, #tpu.memory_space<vmem>>, vector<16xi32>,
                tpu.vector_store %arg9[%swap3A_393], %broadcast_in_dim3A_392 {strides = array<i32>} : memref<64xi32, #tpu.memory_space<vmem>>, vector<16xi32>,
                %broadcast_in_dim3A_395 = arith.constant -1 : i32
                %broadcast_in_dim3A_396 = vector.broadcast %broadcast_in_dim3A_395 : i32 to vector<16xi32>
                %swap3A_397 = arith.constant 48 : index
                %swap3A_398 = tpu.vector_load %arg9[%swap3A_397] {strides = array<i32>} : memref<64xi32, #tpu.memory_space<vmem>>, vector<16xi32>,
                tpu.vector_store %arg9[%swap3A_397], %broadcast_in_dim3A_396 {strides = array<i32>} : memref<64xi32, #tpu.memory_space<vmem>>, vector<16xi32>,
                %cond3A_399 = arith.constant 0 : i32
                scf.yield %cond3A_399 : i32
              } else {
                scf.yield %cond3A_295 : i32
              }
              %sub3A = vector.broadcast %scan3A_94 : i32 to vector<16xi32>
              %sub3A_341 = arith.subi %get3A_181, %sub3A : vector<16xi32>
              %swap3A_342 = arith.constant 0 : index
              %swap3A_343 = tpu.vector_load %arg11[%swap3A_342] masked %and3A_188 {strides = array<i32>} : memref<16xi32, #tpu.memory_space<vmem>>, vector<16xi32>, vector<16xi1>
              tpu.vector_store %arg11[%swap3A_342], %sub3A_341 masked %and3A_188 {strides = array<i32>} : memref<16xi32, #tpu.memory_space<vmem>>, vector<16xi32>, vector<16xi1>
              %get3A_344 = arith.constant 0 : index
              %get3A_345 = tpu.vector_load %arg11[%get3A_344] {strides = array<i32>} : memref<16xi32, #tpu.memory_space<vmem>>, vector<16xi32>,
              %convert_element_type3A_346 = arith.extui %and3A_188 : vector<16xi1> to vector<16xi32>
              %broadcast_in_dim3A_347 = arith.constant true
              %broadcast_in_dim3A_348 = vector.broadcast %broadcast_in_dim3A_347 : i1 to vector<16xi1>
              %masked_cumsum3A = tpu.scan <sum>, %convert_element_type3A_346 masked %broadcast_in_dim3A_348 : vector<16xi32>, vector<16xi1> -> vector<16xi32>
              %add3A_349 = vector.broadcast %cond3A_340 : i32 to vector<16xi32>
              %add3A_350 = arith.addi %add3A_349, %masked_cumsum3A : vector<16xi32>
              %sub3A_351 = arith.constant 1 : i32
              %sub3A_352 = vector.broadcast %sub3A_351 : i32 to vector<16xi32>
              %sub3A_353 = arith.subi %add3A_350, %sub3A_352 : vector<16xi32>
              %mul3A_354 = arith.constant 16 : i32
              %mul3A_355 = arith.muli %add3A_304, %mul3A_354 : i32
              %add3A_356 = vector.broadcast %mul3A_355 : i32 to vector<16xi32>
              %add3A_357 = arith.addi %iota3A_93, %add3A_356 : vector<16xi32>
              %scatter3A = arith.constant 0 : i32
              %scatter3A_358 = tpu.memref_slice %arg9[%scatter3A] : memref<64xi32, #tpu.memory_space<vmem>> -> memref<64xi32, #tpu.memory_space<vmem>>
              tpu.vector_store_idx %scatter3A_358[%sub3A_353], %add3A_357 masked %and3A_188 : memref<64xi32, #tpu.memory_space<vmem>>[vector<16xi32>], vector<16xi32>, vector<16xi1>
              %while3A = arith.constant 0 : i32
              %while3A_359 = arith.subi %squeeze3A_298, %while3A : i32
              %while3A_360 = arith.addi %while3A, %while3A_359 : i32
              %while3A_361 = arith.constant 1 : i32
              %while3A_362 = arith.divsi %while3A_359, %while3A_361 : i32
              %while3A_363 = arith.muli %while3A_362, %while3A_361 : i32
              %while3A_364 = arith.addi %while3A, %while3A_363 : i32
              %while3A_365 = arith.constant 1 : i32
              scf.for %while3A_368 = %while3A to %while3A_364 step %while3A_365  : i32 {
                %broadcast_in_dim3A_369 = vector.broadcast %while3A_368 : i32 to vector<16xi32>
                %lt3A_370 = arith.constant 0 : i32
                %lt3A_371 = vector.broadcast %lt3A_370 : i32 to vector<16xi32>
                %lt3A_372 = arith.cmpi slt, %broadcast_in_dim3A_369, %lt3A_371 : vector<16xi32>
                %add3A_373 = arith.constant 16 : i32
                %add3A_374 = vector.broadcast %add3A_373 : i32 to vector<16xi32>
                %add3A_375 = arith.addi %broadcast_in_dim3A_369, %add3A_374 : vector<16xi32>
                %select_n3A = arith.select %lt3A_372, %add3A_375, %broadcast_in_dim3A_369 : vector<16xi1>, vector<16xi32>
                %broadcast_in_dim3A_376 = vector.shape_cast %select_n3A : vector<16xi32> to vector<16x1xi32>
                %gather3A = vector.shape_cast %broadcast_in_dim3A_376 : vector<16x1xi32> to vector<16xi32>
                %gather3A_377 = tpu.dynamic_gather %get3A_345[%gather3A] in [0] : vector<16xi32>, vector<16xi32> -> vector<16xi32>
                %add3A_378 = arith.addi %cond3A_340, %while3A_368 : i32
                %gather3A_379 = arith.constant 0 : i32
                %gather3A_380 = arith.constant 0 : i32
                %gather3A_381 = tpu.memref_slice %arg10[%gather3A_379, %gather3A_380] : memref<32x32xf32, #tpu.memory_space<vmem>> -> memref<32x32xf32, #tpu.memory_space<vmem>>
                %gather3A_382 = tpu.vector_load_idx %gather3A_381[%iota3A_93, %gather3A_377] : memref<32x32xf32, #tpu.memory_space<vmem>>[vector<16xi32>, vector<16xi32>], vector<16xf32>,
                %swap3A_383 = arith.index_cast %add3A_378 : i32 to index
                %swap3A_384 = arith.constant 0 : index
                %swap3A_385 = tpu.vector_load %arg8[%swap3A_383, %swap3A_384] {strides = array<i32>} : memref<64x128xf32, #tpu.memory_space<vmem>>, vector<16xf32>,
                tpu.vector_store %arg8[%swap3A_383, %swap3A_384], %gather3A_382 {strides = array<i32>} : memref<64x128xf32, #tpu.memory_space<vmem>>, vector<16xf32>,
                %add3A_386 = arith.constant 16 : i32
                %add3A_387 = vector.broadcast %add3A_386 : i32 to vector<16xi32>
                %add3A_388 = arith.addi %iota3A_93, %add3A_387 : vector<16xi32>
                %gather3A_389 = arith.constant 0 : i32
                %gather3A_390 = arith.constant 0 : i32
                %gather3A_391 = tpu.memref_slice %arg10[%gather3A_389, %gather3A_390] : memref<32x32xf32, #tpu.memory_space<vmem>> -> memref<32x32xf32, #tpu.memory_space<vmem>>
                %gather3A_392 = tpu.vector_load_idx %gather3A_391[%add3A_388, %gather3A_377] : memref<32x32xf32, #tpu.memory_space<vmem>>[vector<16xi32>, vector<16xi32>], vector<16xf32>,
                %swap3A_393 = arith.index_cast %add3A_378 : i32 to index
                %swap3A_394 = arith.constant 16 : index
                %swap3A_395 = tpu.vector_load %arg8[%swap3A_393, %swap3A_394] {strides = array<i32>} : memref<64x128xf32, #tpu.memory_space<vmem>>, vector<16xf32>,
                tpu.vector_store %arg8[%swap3A_393, %swap3A_394], %gather3A_392 {strides = array<i32>} : memref<64x128xf32, #tpu.memory_space<vmem>>, vector<16xf32>,
              }
              %while3A_366 = arith.constant 1 : i32
              scf.for %while3A_368 = %while3A_364 to %while3A_360 step %while3A_366  : i32 {
                %broadcast_in_dim3A_369 = vector.broadcast %while3A_368 : i32 to vector<16xi32>
                %lt3A_370 = arith.constant 0 : i32
                %lt3A_371 = vector.broadcast %lt3A_370 : i32 to vector<16xi32>
                %lt3A_372 = arith.cmpi slt, %broadcast_in_dim3A_369, %lt3A_371 : vector<16xi32>
                %add3A_373 = arith.constant 16 : i32
                %add3A_374 = vector.broadcast %add3A_373 : i32 to vector<16xi32>
                %add3A_375 = arith.addi %broadcast_in_dim3A_369, %add3A_374 : vector<16xi32>
                %select_n3A = arith.select %lt3A_372, %add3A_375, %broadcast_in_dim3A_369 : vector<16xi1>, vector<16xi32>
                %broadcast_in_dim3A_376 = vector.shape_cast %select_n3A : vector<16xi32> to vector<16x1xi32>
                %gather3A = vector.shape_cast %broadcast_in_dim3A_376 : vector<16x1xi32> to vector<16xi32>
                %gather3A_377 = tpu.dynamic_gather %get3A_345[%gather3A] in [0] : vector<16xi32>, vector<16xi32> -> vector<16xi32>
                %add3A_378 = arith.addi %cond3A_340, %while3A_368 : i32
                %gather3A_379 = arith.constant 0 : i32
                %gather3A_380 = arith.constant 0 : i32
                %gather3A_381 = tpu.memref_slice %arg10[%gather3A_379, %gather3A_380] : memref<32x32xf32, #tpu.memory_space<vmem>> -> memref<32x32xf32, #tpu.memory_space<vmem>>
                %gather3A_382 = tpu.vector_load_idx %gather3A_381[%iota3A_93, %gather3A_377] : memref<32x32xf32, #tpu.memory_space<vmem>>[vector<16xi32>, vector<16xi32>], vector<16xf32>,
                %swap3A_383 = arith.index_cast %add3A_378 : i32 to index
                %swap3A_384 = arith.constant 0 : index
                %swap3A_385 = tpu.vector_load %arg8[%swap3A_383, %swap3A_384] {strides = array<i32>} : memref<64x128xf32, #tpu.memory_space<vmem>>, vector<16xf32>,
                tpu.vector_store %arg8[%swap3A_383, %swap3A_384], %gather3A_382 {strides = array<i32>} : memref<64x128xf32, #tpu.memory_space<vmem>>, vector<16xf32>,
                %add3A_386 = arith.constant 16 : i32
                %add3A_387 = vector.broadcast %add3A_386 : i32 to vector<16xi32>
                %add3A_388 = arith.addi %iota3A_93, %add3A_387 : vector<16xi32>
                %gather3A_389 = arith.constant 0 : i32
                %gather3A_390 = arith.constant 0 : i32
                %gather3A_391 = tpu.memref_slice %arg10[%gather3A_389, %gather3A_390] : memref<32x32xf32, #tpu.memory_space<vmem>> -> memref<32x32xf32, #tpu.memory_space<vmem>>
                %gather3A_392 = tpu.vector_load_idx %gather3A_391[%add3A_388, %gather3A_377] : memref<32x32xf32, #tpu.memory_space<vmem>>[vector<16xi32>, vector<16xi32>], vector<16xf32>,
                %swap3A_393 = arith.index_cast %add3A_378 : i32 to index
                %swap3A_394 = arith.constant 16 : index
                %swap3A_395 = tpu.vector_load %arg8[%swap3A_393, %swap3A_394] {strides = array<i32>} : memref<64x128xf32, #tpu.memory_space<vmem>>, vector<16xf32>,
                tpu.vector_store %arg8[%swap3A_393, %swap3A_394], %gather3A_392 {strides = array<i32>} : memref<64x128xf32, #tpu.memory_space<vmem>>, vector<16xf32>,
              }
              %add3A_367 = arith.addi %cond3A_340, %squeeze3A_298 : i32
              scf.yield %add3A_367 : i32
            } else {
              scf.yield %cond3A_295 : i32
            }
            %all_reduce_population_count3A_309 = tpu.all_reduce %and3A_203 {dim = 0 : i64, kind = #tpu.reduction_kind<sum>} : vector<16xi1> -> vector<16xi32>
            %slice3A_310 = vector.extract_strided_slice %all_reduce_population_count3A_309 {offsets = [0], sizes = [1], strides = [1]} : vector<16xi32> to vector<1xi32>
            %squeeze3A_311 = vector.extract %slice3A_310[0] : i32 from vector<1xi32>
            %gt3A_312 = arith.constant 0 : i32
            %gt3A_313 = arith.cmpi sgt, %squeeze3A_311, %gt3A_312 : i32
            %mul3A_314 = arith.constant 8 : i32
            %mul3A_315 = arith.muli %scan3A_101, %mul3A_314 : i32
            %add3A_316 = arith.constant 6 : i32
            %add3A_317 = arith.addi %mul3A_315, %add3A_316 : i32
            %convert_element_type3A_318 = arith.extui %gt3A_313 : i1 to i32
            %cond3A_319 = arith.constant 0 : i32
            %cond3A_320 = arith.cmpi ne, %convert_element_type3A_318, %cond3A_319 : i32
            %cond3A_321 = scf.if %cond3A_320 -> (i32) {
              %ge3A_335 = arith.constant 48 : i32
              %ge3A_336 = arith.cmpi sge, %cond3A_308, %ge3A_335 : i32
              %convert_element_type3A_337 = arith.extui %ge3A_336 : i1 to i32
              %cond3A_338 = arith.constant 0 : i32
              %cond3A_339 = arith.cmpi ne, %convert_element_type3A_337, %cond3A_338 : i32
              %cond3A_340 = scf.if %cond3A_339 -> (i32) {
                %dma_start3A_368 = arith.constant 0 : i32
                %dma_start3A_369 = arith.constant 0 : i32
                %dma_start3A_370 = tpu.memref_slice %arg5[%scan3A_20, %dma_start3A_368, %dma_start3A_369] : memref<26x4096x128xf32, #tpu.memory_space<hbm>> -> memref<1x4096x128xf32, #tpu.memory_space<hbm>>
                %dma_start3A_371 = tpu.memref_squeeze %dma_start3A_370 : memref<1x4096x128xf32, #tpu.memory_space<hbm>> -> memref<4096x128xf32, #tpu.memory_space<hbm>>
                %dma_start3A_372 = arith.constant 0 : i32
                %dma_start3A_373 = arith.constant 0 : i32
                %dma_start3A_374 = tpu.memref_slice %dma_start3A_371[%dma_start3A_372, %dma_start3A_373] : memref<4096x128xf32, #tpu.memory_space<hbm>> -> memref<4096x128xf32, #tpu.memory_space<hbm>>
                %dma_start3A_375 = arith.constant -1 : i32
                tpu.enqueue_indirect_dma source(%arg8 : memref<64x128xf32, #tpu.memory_space<vmem>>) target(%dma_start3A_374 : memref<4096x128xf32, #tpu.memory_space<hbm>>) offsets(%arg9 : memref<64xi32, #tpu.memory_space<vmem>>) offset_filter(%dma_start3A_375) semaphore(%arg13 : memref<!tpu.dma_semaphore, #tpu.memory_space<semaphore_mem>>)
                %dma_wait3A_376 = arith.constant 0 : i32
                %dma_wait3A_377 = arith.constant 0 : i32
                %dma_wait3A_378 = tpu.memref_slice %arg5[%scan3A_20, %dma_wait3A_376, %dma_wait3A_377] : memref<26x4096x128xf32, #tpu.memory_space<hbm>> -> memref<1x4096x128xf32, #tpu.memory_space<hbm>>
                %dma_wait3A_379 = tpu.memref_squeeze %dma_wait3A_378 : memref<1x4096x128xf32, #tpu.memory_space<hbm>> -> memref<4096x128xf32, #tpu.memory_space<hbm>>
                %dma_wait3A_380 = arith.constant 0 : i32
                %dma_wait3A_381 = arith.constant 0 : i32
                %dma_wait3A_382 = tpu.memref_slice %dma_wait3A_379[%dma_wait3A_380, %dma_wait3A_381] : memref<4096x128xf32, #tpu.memory_space<hbm>> -> memref<4096x128xf32, #tpu.memory_space<hbm>>
                tpu.wait_indirect_dma semaphore(%arg13 : memref<!tpu.dma_semaphore, #tpu.memory_space<semaphore_mem>>) src(%arg8 : memref<64x128xf32, #tpu.memory_space<vmem>>) dst(%dma_wait3A_382 : memref<4096x128xf32, #tpu.memory_space<hbm>>)
                %broadcast_in_dim3A_383 = arith.constant -1 : i32
                %broadcast_in_dim3A_384 = vector.broadcast %broadcast_in_dim3A_383 : i32 to vector<16xi32>
                %swap3A_385 = arith.constant 0 : index
                %swap3A_386 = tpu.vector_load %arg9[%swap3A_385] {strides = array<i32>} : memref<64xi32, #tpu.memory_space<vmem>>, vector<16xi32>,
                tpu.vector_store %arg9[%swap3A_385], %broadcast_in_dim3A_384 {strides = array<i32>} : memref<64xi32, #tpu.memory_space<vmem>>, vector<16xi32>,
                %broadcast_in_dim3A_387 = arith.constant -1 : i32
                %broadcast_in_dim3A_388 = vector.broadcast %broadcast_in_dim3A_387 : i32 to vector<16xi32>
                %swap3A_389 = arith.constant 16 : index
                %swap3A_390 = tpu.vector_load %arg9[%swap3A_389] {strides = array<i32>} : memref<64xi32, #tpu.memory_space<vmem>>, vector<16xi32>,
                tpu.vector_store %arg9[%swap3A_389], %broadcast_in_dim3A_388 {strides = array<i32>} : memref<64xi32, #tpu.memory_space<vmem>>, vector<16xi32>,
                %broadcast_in_dim3A_391 = arith.constant -1 : i32
                %broadcast_in_dim3A_392 = vector.broadcast %broadcast_in_dim3A_391 : i32 to vector<16xi32>
                %swap3A_393 = arith.constant 32 : index
                %swap3A_394 = tpu.vector_load %arg9[%swap3A_393] {strides = array<i32>} : memref<64xi32, #tpu.memory_space<vmem>>, vector<16xi32>,
                tpu.vector_store %arg9[%swap3A_393], %broadcast_in_dim3A_392 {strides = array<i32>} : memref<64xi32, #tpu.memory_space<vmem>>, vector<16xi32>,
                %broadcast_in_dim3A_395 = arith.constant -1 : i32
                %broadcast_in_dim3A_396 = vector.broadcast %broadcast_in_dim3A_395 : i32 to vector<16xi32>
                %swap3A_397 = arith.constant 48 : index
                %swap3A_398 = tpu.vector_load %arg9[%swap3A_397] {strides = array<i32>} : memref<64xi32, #tpu.memory_space<vmem>>, vector<16xi32>,
                tpu.vector_store %arg9[%swap3A_397], %broadcast_in_dim3A_396 {strides = array<i32>} : memref<64xi32, #tpu.memory_space<vmem>>, vector<16xi32>,
                %cond3A_399 = arith.constant 0 : i32
                scf.yield %cond3A_399 : i32
              } else {
                scf.yield %cond3A_308 : i32
              }
              %sub3A = vector.broadcast %scan3A_94 : i32 to vector<16xi32>
              %sub3A_341 = arith.subi %get3A_196, %sub3A : vector<16xi32>
              %swap3A_342 = arith.constant 0 : index
              %swap3A_343 = tpu.vector_load %arg11[%swap3A_342] masked %and3A_203 {strides = array<i32>} : memref<16xi32, #tpu.memory_space<vmem>>, vector<16xi32>, vector<16xi1>
              tpu.vector_store %arg11[%swap3A_342], %sub3A_341 masked %and3A_203 {strides = array<i32>} : memref<16xi32, #tpu.memory_space<vmem>>, vector<16xi32>, vector<16xi1>
              %get3A_344 = arith.constant 0 : index
              %get3A_345 = tpu.vector_load %arg11[%get3A_344] {strides = array<i32>} : memref<16xi32, #tpu.memory_space<vmem>>, vector<16xi32>,
              %convert_element_type3A_346 = arith.extui %and3A_203 : vector<16xi1> to vector<16xi32>
              %broadcast_in_dim3A_347 = arith.constant true
              %broadcast_in_dim3A_348 = vector.broadcast %broadcast_in_dim3A_347 : i1 to vector<16xi1>
              %masked_cumsum3A = tpu.scan <sum>, %convert_element_type3A_346 masked %broadcast_in_dim3A_348 : vector<16xi32>, vector<16xi1> -> vector<16xi32>
              %add3A_349 = vector.broadcast %cond3A_340 : i32 to vector<16xi32>
              %add3A_350 = arith.addi %add3A_349, %masked_cumsum3A : vector<16xi32>
              %sub3A_351 = arith.constant 1 : i32
              %sub3A_352 = vector.broadcast %sub3A_351 : i32 to vector<16xi32>
              %sub3A_353 = arith.subi %add3A_350, %sub3A_352 : vector<16xi32>
              %mul3A_354 = arith.constant 16 : i32
              %mul3A_355 = arith.muli %add3A_317, %mul3A_354 : i32
              %add3A_356 = vector.broadcast %mul3A_355 : i32 to vector<16xi32>
              %add3A_357 = arith.addi %iota3A_93, %add3A_356 : vector<16xi32>
              %scatter3A = arith.constant 0 : i32
              %scatter3A_358 = tpu.memref_slice %arg9[%scatter3A] : memref<64xi32, #tpu.memory_space<vmem>> -> memref<64xi32, #tpu.memory_space<vmem>>
              tpu.vector_store_idx %scatter3A_358[%sub3A_353], %add3A_357 masked %and3A_203 : memref<64xi32, #tpu.memory_space<vmem>>[vector<16xi32>], vector<16xi32>, vector<16xi1>
              %while3A = arith.constant 0 : i32
              %while3A_359 = arith.subi %squeeze3A_311, %while3A : i32
              %while3A_360 = arith.addi %while3A, %while3A_359 : i32
              %while3A_361 = arith.constant 1 : i32
              %while3A_362 = arith.divsi %while3A_359, %while3A_361 : i32
              %while3A_363 = arith.muli %while3A_362, %while3A_361 : i32
              %while3A_364 = arith.addi %while3A, %while3A_363 : i32
              %while3A_365 = arith.constant 1 : i32
              scf.for %while3A_368 = %while3A to %while3A_364 step %while3A_365  : i32 {
                %broadcast_in_dim3A_369 = vector.broadcast %while3A_368 : i32 to vector<16xi32>
                %lt3A_370 = arith.constant 0 : i32
                %lt3A_371 = vector.broadcast %lt3A_370 : i32 to vector<16xi32>
                %lt3A_372 = arith.cmpi slt, %broadcast_in_dim3A_369, %lt3A_371 : vector<16xi32>
                %add3A_373 = arith.constant 16 : i32
                %add3A_374 = vector.broadcast %add3A_373 : i32 to vector<16xi32>
                %add3A_375 = arith.addi %broadcast_in_dim3A_369, %add3A_374 : vector<16xi32>
                %select_n3A = arith.select %lt3A_372, %add3A_375, %broadcast_in_dim3A_369 : vector<16xi1>, vector<16xi32>
                %broadcast_in_dim3A_376 = vector.shape_cast %select_n3A : vector<16xi32> to vector<16x1xi32>
                %gather3A = vector.shape_cast %broadcast_in_dim3A_376 : vector<16x1xi32> to vector<16xi32>
                %gather3A_377 = tpu.dynamic_gather %get3A_345[%gather3A] in [0] : vector<16xi32>, vector<16xi32> -> vector<16xi32>
                %add3A_378 = arith.addi %cond3A_340, %while3A_368 : i32
                %gather3A_379 = arith.constant 0 : i32
                %gather3A_380 = arith.constant 0 : i32
                %gather3A_381 = tpu.memref_slice %arg10[%gather3A_379, %gather3A_380] : memref<32x32xf32, #tpu.memory_space<vmem>> -> memref<32x32xf32, #tpu.memory_space<vmem>>
                %gather3A_382 = tpu.vector_load_idx %gather3A_381[%iota3A_93, %gather3A_377] : memref<32x32xf32, #tpu.memory_space<vmem>>[vector<16xi32>, vector<16xi32>], vector<16xf32>,
                %swap3A_383 = arith.index_cast %add3A_378 : i32 to index
                %swap3A_384 = arith.constant 0 : index
                %swap3A_385 = tpu.vector_load %arg8[%swap3A_383, %swap3A_384] {strides = array<i32>} : memref<64x128xf32, #tpu.memory_space<vmem>>, vector<16xf32>,
                tpu.vector_store %arg8[%swap3A_383, %swap3A_384], %gather3A_382 {strides = array<i32>} : memref<64x128xf32, #tpu.memory_space<vmem>>, vector<16xf32>,
                %add3A_386 = arith.constant 16 : i32
                %add3A_387 = vector.broadcast %add3A_386 : i32 to vector<16xi32>
                %add3A_388 = arith.addi %iota3A_93, %add3A_387 : vector<16xi32>
                %gather3A_389 = arith.constant 0 : i32
                %gather3A_390 = arith.constant 0 : i32
                %gather3A_391 = tpu.memref_slice %arg10[%gather3A_389, %gather3A_390] : memref<32x32xf32, #tpu.memory_space<vmem>> -> memref<32x32xf32, #tpu.memory_space<vmem>>
                %gather3A_392 = tpu.vector_load_idx %gather3A_391[%add3A_388, %gather3A_377] : memref<32x32xf32, #tpu.memory_space<vmem>>[vector<16xi32>, vector<16xi32>], vector<16xf32>,
                %swap3A_393 = arith.index_cast %add3A_378 : i32 to index
                %swap3A_394 = arith.constant 16 : index
                %swap3A_395 = tpu.vector_load %arg8[%swap3A_393, %swap3A_394] {strides = array<i32>} : memref<64x128xf32, #tpu.memory_space<vmem>>, vector<16xf32>,
                tpu.vector_store %arg8[%swap3A_393, %swap3A_394], %gather3A_392 {strides = array<i32>} : memref<64x128xf32, #tpu.memory_space<vmem>>, vector<16xf32>,
              }
              %while3A_366 = arith.constant 1 : i32
              scf.for %while3A_368 = %while3A_364 to %while3A_360 step %while3A_366  : i32 {
                %broadcast_in_dim3A_369 = vector.broadcast %while3A_368 : i32 to vector<16xi32>
                %lt3A_370 = arith.constant 0 : i32
                %lt3A_371 = vector.broadcast %lt3A_370 : i32 to vector<16xi32>
                %lt3A_372 = arith.cmpi slt, %broadcast_in_dim3A_369, %lt3A_371 : vector<16xi32>
                %add3A_373 = arith.constant 16 : i32
                %add3A_374 = vector.broadcast %add3A_373 : i32 to vector<16xi32>
                %add3A_375 = arith.addi %broadcast_in_dim3A_369, %add3A_374 : vector<16xi32>
                %select_n3A = arith.select %lt3A_372, %add3A_375, %broadcast_in_dim3A_369 : vector<16xi1>, vector<16xi32>
                %broadcast_in_dim3A_376 = vector.shape_cast %select_n3A : vector<16xi32> to vector<16x1xi32>
                %gather3A = vector.shape_cast %broadcast_in_dim3A_376 : vector<16x1xi32> to vector<16xi32>
                %gather3A_377 = tpu.dynamic_gather %get3A_345[%gather3A] in [0] : vector<16xi32>, vector<16xi32> -> vector<16xi32>
                %add3A_378 = arith.addi %cond3A_340, %while3A_368 : i32
                %gather3A_379 = arith.constant 0 : i32
                %gather3A_380 = arith.constant 0 : i32
                %gather3A_381 = tpu.memref_slice %arg10[%gather3A_379, %gather3A_380] : memref<32x32xf32, #tpu.memory_space<vmem>> -> memref<32x32xf32, #tpu.memory_space<vmem>>
                %gather3A_382 = tpu.vector_load_idx %gather3A_381[%iota3A_93, %gather3A_377] : memref<32x32xf32, #tpu.memory_space<vmem>>[vector<16xi32>, vector<16xi32>], vector<16xf32>,
                %swap3A_383 = arith.index_cast %add3A_378 : i32 to index
                %swap3A_384 = arith.constant 0 : index
                %swap3A_385 = tpu.vector_load %arg8[%swap3A_383, %swap3A_384] {strides = array<i32>} : memref<64x128xf32, #tpu.memory_space<vmem>>, vector<16xf32>,
                tpu.vector_store %arg8[%swap3A_383, %swap3A_384], %gather3A_382 {strides = array<i32>} : memref<64x128xf32, #tpu.memory_space<vmem>>, vector<16xf32>,
                %add3A_386 = arith.constant 16 : i32
                %add3A_387 = vector.broadcast %add3A_386 : i32 to vector<16xi32>
                %add3A_388 = arith.addi %iota3A_93, %add3A_387 : vector<16xi32>
                %gather3A_389 = arith.constant 0 : i32
                %gather3A_390 = arith.constant 0 : i32
                %gather3A_391 = tpu.memref_slice %arg10[%gather3A_389, %gather3A_390] : memref<32x32xf32, #tpu.memory_space<vmem>> -> memref<32x32xf32, #tpu.memory_space<vmem>>
                %gather3A_392 = tpu.vector_load_idx %gather3A_391[%add3A_388, %gather3A_377] : memref<32x32xf32, #tpu.memory_space<vmem>>[vector<16xi32>, vector<16xi32>], vector<16xf32>,
                %swap3A_393 = arith.index_cast %add3A_378 : i32 to index
                %swap3A_394 = arith.constant 16 : index
                %swap3A_395 = tpu.vector_load %arg8[%swap3A_393, %swap3A_394] {strides = array<i32>} : memref<64x128xf32, #tpu.memory_space<vmem>>, vector<16xf32>,
                tpu.vector_store %arg8[%swap3A_393, %swap3A_394], %gather3A_392 {strides = array<i32>} : memref<64x128xf32, #tpu.memory_space<vmem>>, vector<16xf32>,
              }
              %add3A_367 = arith.addi %cond3A_340, %squeeze3A_311 : i32
              scf.yield %add3A_367 : i32
            } else {
              scf.yield %cond3A_308 : i32
            }
            %all_reduce_population_count3A_322 = tpu.all_reduce %and3A_218 {dim = 0 : i64, kind = #tpu.reduction_kind<sum>} : vector<16xi1> -> vector<16xi32>
            %slice3A_323 = vector.extract_strided_slice %all_reduce_population_count3A_322 {offsets = [0], sizes = [1], strides = [1]} : vector<16xi32> to vector<1xi32>
            %squeeze3A_324 = vector.extract %slice3A_323[0] : i32 from vector<1xi32>
            %gt3A_325 = arith.constant 0 : i32
            %gt3A_326 = arith.cmpi sgt, %squeeze3A_324, %gt3A_325 : i32
            %mul3A_327 = arith.constant 8 : i32
            %mul3A_328 = arith.muli %scan3A_101, %mul3A_327 : i32
            %add3A_329 = arith.constant 7 : i32
            %add3A_330 = arith.addi %mul3A_328, %add3A_329 : i32
            %convert_element_type3A_331 = arith.extui %gt3A_326 : i1 to i32
            %cond3A_332 = arith.constant 0 : i32
            %cond3A_333 = arith.cmpi ne, %convert_element_type3A_331, %cond3A_332 : i32
            %cond3A_334 = scf.if %cond3A_333 -> (i32) {
              %ge3A_335 = arith.constant 48 : i32
              %ge3A_336 = arith.cmpi sge, %cond3A_321, %ge3A_335 : i32
              %convert_element_type3A_337 = arith.extui %ge3A_336 : i1 to i32
              %cond3A_338 = arith.constant 0 : i32
              %cond3A_339 = arith.cmpi ne, %convert_element_type3A_337, %cond3A_338 : i32
              %cond3A_340 = scf.if %cond3A_339 -> (i32) {
                %dma_start3A_368 = arith.constant 0 : i32
                %dma_start3A_369 = arith.constant 0 : i32
                %dma_start3A_370 = tpu.memref_slice %arg5[%scan3A_20, %dma_start3A_368, %dma_start3A_369] : memref<26x4096x128xf32, #tpu.memory_space<hbm>> -> memref<1x4096x128xf32, #tpu.memory_space<hbm>>
                %dma_start3A_371 = tpu.memref_squeeze %dma_start3A_370 : memref<1x4096x128xf32, #tpu.memory_space<hbm>> -> memref<4096x128xf32, #tpu.memory_space<hbm>>
                %dma_start3A_372 = arith.constant 0 : i32
                %dma_start3A_373 = arith.constant 0 : i32
                %dma_start3A_374 = tpu.memref_slice %dma_start3A_371[%dma_start3A_372, %dma_start3A_373] : memref<4096x128xf32, #tpu.memory_space<hbm>> -> memref<4096x128xf32, #tpu.memory_space<hbm>>
                %dma_start3A_375 = arith.constant -1 : i32
                tpu.enqueue_indirect_dma source(%arg8 : memref<64x128xf32, #tpu.memory_space<vmem>>) target(%dma_start3A_374 : memref<4096x128xf32, #tpu.memory_space<hbm>>) offsets(%arg9 : memref<64xi32, #tpu.memory_space<vmem>>) offset_filter(%dma_start3A_375) semaphore(%arg13 : memref<!tpu.dma_semaphore, #tpu.memory_space<semaphore_mem>>)
                %dma_wait3A_376 = arith.constant 0 : i32
                %dma_wait3A_377 = arith.constant 0 : i32
                %dma_wait3A_378 = tpu.memref_slice %arg5[%scan3A_20, %dma_wait3A_376, %dma_wait3A_377] : memref<26x4096x128xf32, #tpu.memory_space<hbm>> -> memref<1x4096x128xf32, #tpu.memory_space<hbm>>
                %dma_wait3A_379 = tpu.memref_squeeze %dma_wait3A_378 : memref<1x4096x128xf32, #tpu.memory_space<hbm>> -> memref<4096x128xf32, #tpu.memory_space<hbm>>
                %dma_wait3A_380 = arith.constant 0 : i32
                %dma_wait3A_381 = arith.constant 0 : i32
                %dma_wait3A_382 = tpu.memref_slice %dma_wait3A_379[%dma_wait3A_380, %dma_wait3A_381] : memref<4096x128xf32, #tpu.memory_space<hbm>> -> memref<4096x128xf32, #tpu.memory_space<hbm>>
                tpu.wait_indirect_dma semaphore(%arg13 : memref<!tpu.dma_semaphore, #tpu.memory_space<semaphore_mem>>) src(%arg8 : memref<64x128xf32, #tpu.memory_space<vmem>>) dst(%dma_wait3A_382 : memref<4096x128xf32, #tpu.memory_space<hbm>>)
                %broadcast_in_dim3A_383 = arith.constant -1 : i32
                %broadcast_in_dim3A_384 = vector.broadcast %broadcast_in_dim3A_383 : i32 to vector<16xi32>
                %swap3A_385 = arith.constant 0 : index
                %swap3A_386 = tpu.vector_load %arg9[%swap3A_385] {strides = array<i32>} : memref<64xi32, #tpu.memory_space<vmem>>, vector<16xi32>,
                tpu.vector_store %arg9[%swap3A_385], %broadcast_in_dim3A_384 {strides = array<i32>} : memref<64xi32, #tpu.memory_space<vmem>>, vector<16xi32>,
                %broadcast_in_dim3A_387 = arith.constant -1 : i32
                %broadcast_in_dim3A_388 = vector.broadcast %broadcast_in_dim3A_387 : i32 to vector<16xi32>
                %swap3A_389 = arith.constant 16 : index
                %swap3A_390 = tpu.vector_load %arg9[%swap3A_389] {strides = array<i32>} : memref<64xi32, #tpu.memory_space<vmem>>, vector<16xi32>,
                tpu.vector_store %arg9[%swap3A_389], %broadcast_in_dim3A_388 {strides = array<i32>} : memref<64xi32, #tpu.memory_space<vmem>>, vector<16xi32>,
                %broadcast_in_dim3A_391 = arith.constant -1 : i32
                %broadcast_in_dim3A_392 = vector.broadcast %broadcast_in_dim3A_391 : i32 to vector<16xi32>
                %swap3A_393 = arith.constant 32 : index
                %swap3A_394 = tpu.vector_load %arg9[%swap3A_393] {strides = array<i32>} : memref<64xi32, #tpu.memory_space<vmem>>, vector<16xi32>,
                tpu.vector_store %arg9[%swap3A_393], %broadcast_in_dim3A_392 {strides = array<i32>} : memref<64xi32, #tpu.memory_space<vmem>>, vector<16xi32>,
                %broadcast_in_dim3A_395 = arith.constant -1 : i32
                %broadcast_in_dim3A_396 = vector.broadcast %broadcast_in_dim3A_395 : i32 to vector<16xi32>
                %swap3A_397 = arith.constant 48 : index
                %swap3A_398 = tpu.vector_load %arg9[%swap3A_397] {strides = array<i32>} : memref<64xi32, #tpu.memory_space<vmem>>, vector<16xi32>,
                tpu.vector_store %arg9[%swap3A_397], %broadcast_in_dim3A_396 {strides = array<i32>} : memref<64xi32, #tpu.memory_space<vmem>>, vector<16xi32>,
                %cond3A_399 = arith.constant 0 : i32
                scf.yield %cond3A_399 : i32
              } else {
                scf.yield %cond3A_321 : i32
              }
              %sub3A = vector.broadcast %scan3A_94 : i32 to vector<16xi32>
              %sub3A_341 = arith.subi %get3A_211, %sub3A : vector<16xi32>
              %swap3A_342 = arith.constant 0 : index
              %swap3A_343 = tpu.vector_load %arg11[%swap3A_342] masked %and3A_218 {strides = array<i32>} : memref<16xi32, #tpu.memory_space<vmem>>, vector<16xi32>, vector<16xi1>
              tpu.vector_store %arg11[%swap3A_342], %sub3A_341 masked %and3A_218 {strides = array<i32>} : memref<16xi32, #tpu.memory_space<vmem>>, vector<16xi32>, vector<16xi1>
              %get3A_344 = arith.constant 0 : index
              %get3A_345 = tpu.vector_load %arg11[%get3A_344] {strides = array<i32>} : memref<16xi32, #tpu.memory_space<vmem>>, vector<16xi32>,
              %convert_element_type3A_346 = arith.extui %and3A_218 : vector<16xi1> to vector<16xi32>
              %broadcast_in_dim3A_347 = arith.constant true
              %broadcast_in_dim3A_348 = vector.broadcast %broadcast_in_dim3A_347 : i1 to vector<16xi1>
              %masked_cumsum3A = tpu.scan <sum>, %convert_element_type3A_346 masked %broadcast_in_dim3A_348 : vector<16xi32>, vector<16xi1> -> vector<16xi32>
              %add3A_349 = vector.broadcast %cond3A_340 : i32 to vector<16xi32>
              %add3A_350 = arith.addi %add3A_349, %masked_cumsum3A : vector<16xi32>
              %sub3A_351 = arith.constant 1 : i32
              %sub3A_352 = vector.broadcast %sub3A_351 : i32 to vector<16xi32>
              %sub3A_353 = arith.subi %add3A_350, %sub3A_352 : vector<16xi32>
              %mul3A_354 = arith.constant 16 : i32
              %mul3A_355 = arith.muli %add3A_330, %mul3A_354 : i32
              %add3A_356 = vector.broadcast %mul3A_355 : i32 to vector<16xi32>
              %add3A_357 = arith.addi %iota3A_93, %add3A_356 : vector<16xi32>
              %scatter3A = arith.constant 0 : i32
              %scatter3A_358 = tpu.memref_slice %arg9[%scatter3A] : memref<64xi32, #tpu.memory_space<vmem>> -> memref<64xi32, #tpu.memory_space<vmem>>
              tpu.vector_store_idx %scatter3A_358[%sub3A_353], %add3A_357 masked %and3A_218 : memref<64xi32, #tpu.memory_space<vmem>>[vector<16xi32>], vector<16xi32>, vector<16xi1>
              %while3A = arith.constant 0 : i32
              %while3A_359 = arith.subi %squeeze3A_324, %while3A : i32
              %while3A_360 = arith.addi %while3A, %while3A_359 : i32
              %while3A_361 = arith.constant 1 : i32
              %while3A_362 = arith.divsi %while3A_359, %while3A_361 : i32
              %while3A_363 = arith.muli %while3A_362, %while3A_361 : i32
              %while3A_364 = arith.addi %while3A, %while3A_363 : i32
              %while3A_365 = arith.constant 1 : i32
              scf.for %while3A_368 = %while3A to %while3A_364 step %while3A_365  : i32 {
                %broadcast_in_dim3A_369 = vector.broadcast %while3A_368 : i32 to vector<16xi32>
                %lt3A_370 = arith.constant 0 : i32
                %lt3A_371 = vector.broadcast %lt3A_370 : i32 to vector<16xi32>
                %lt3A_372 = arith.cmpi slt, %broadcast_in_dim3A_369, %lt3A_371 : vector<16xi32>
                %add3A_373 = arith.constant 16 : i32
                %add3A_374 = vector.broadcast %add3A_373 : i32 to vector<16xi32>
                %add3A_375 = arith.addi %broadcast_in_dim3A_369, %add3A_374 : vector<16xi32>
                %select_n3A = arith.select %lt3A_372, %add3A_375, %broadcast_in_dim3A_369 : vector<16xi1>, vector<16xi32>
                %broadcast_in_dim3A_376 = vector.shape_cast %select_n3A : vector<16xi32> to vector<16x1xi32>
                %gather3A = vector.shape_cast %broadcast_in_dim3A_376 : vector<16x1xi32> to vector<16xi32>
                %gather3A_377 = tpu.dynamic_gather %get3A_345[%gather3A] in [0] : vector<16xi32>, vector<16xi32> -> vector<16xi32>
                %add3A_378 = arith.addi %cond3A_340, %while3A_368 : i32
                %gather3A_379 = arith.constant 0 : i32
                %gather3A_380 = arith.constant 0 : i32
                %gather3A_381 = tpu.memref_slice %arg10[%gather3A_379, %gather3A_380] : memref<32x32xf32, #tpu.memory_space<vmem>> -> memref<32x32xf32, #tpu.memory_space<vmem>>
                %gather3A_382 = tpu.vector_load_idx %gather3A_381[%iota3A_93, %gather3A_377] : memref<32x32xf32, #tpu.memory_space<vmem>>[vector<16xi32>, vector<16xi32>], vector<16xf32>,
                %swap3A_383 = arith.index_cast %add3A_378 : i32 to index
                %swap3A_384 = arith.constant 0 : index
                %swap3A_385 = tpu.vector_load %arg8[%swap3A_383, %swap3A_384] {strides = array<i32>} : memref<64x128xf32, #tpu.memory_space<vmem>>, vector<16xf32>,
                tpu.vector_store %arg8[%swap3A_383, %swap3A_384], %gather3A_382 {strides = array<i32>} : memref<64x128xf32, #tpu.memory_space<vmem>>, vector<16xf32>,
                %add3A_386 = arith.constant 16 : i32
                %add3A_387 = vector.broadcast %add3A_386 : i32 to vector<16xi32>
                %add3A_388 = arith.addi %iota3A_93, %add3A_387 : vector<16xi32>
                %gather3A_389 = arith.constant 0 : i32
                %gather3A_390 = arith.constant 0 : i32
                %gather3A_391 = tpu.memref_slice %arg10[%gather3A_389, %gather3A_390] : memref<32x32xf32, #tpu.memory_space<vmem>> -> memref<32x32xf32, #tpu.memory_space<vmem>>
                %gather3A_392 = tpu.vector_load_idx %gather3A_391[%add3A_388, %gather3A_377] : memref<32x32xf32, #tpu.memory_space<vmem>>[vector<16xi32>, vector<16xi32>], vector<16xf32>,
                %swap3A_393 = arith.index_cast %add3A_378 : i32 to index
                %swap3A_394 = arith.constant 16 : index
                %swap3A_395 = tpu.vector_load %arg8[%swap3A_393, %swap3A_394] {strides = array<i32>} : memref<64x128xf32, #tpu.memory_space<vmem>>, vector<16xf32>,
                tpu.vector_store %arg8[%swap3A_393, %swap3A_394], %gather3A_392 {strides = array<i32>} : memref<64x128xf32, #tpu.memory_space<vmem>>, vector<16xf32>,
              }
              %while3A_366 = arith.constant 1 : i32
              scf.for %while3A_368 = %while3A_364 to %while3A_360 step %while3A_366  : i32 {
                %broadcast_in_dim3A_369 = vector.broadcast %while3A_368 : i32 to vector<16xi32>
                %lt3A_370 = arith.constant 0 : i32
                %lt3A_371 = vector.broadcast %lt3A_370 : i32 to vector<16xi32>
                %lt3A_372 = arith.cmpi slt, %broadcast_in_dim3A_369, %lt3A_371 : vector<16xi32>
                %add3A_373 = arith.constant 16 : i32
                %add3A_374 = vector.broadcast %add3A_373 : i32 to vector<16xi32>
                %add3A_375 = arith.addi %broadcast_in_dim3A_369, %add3A_374 : vector<16xi32>
                %select_n3A = arith.select %lt3A_372, %add3A_375, %broadcast_in_dim3A_369 : vector<16xi1>, vector<16xi32>
                %broadcast_in_dim3A_376 = vector.shape_cast %select_n3A : vector<16xi32> to vector<16x1xi32>
                %gather3A = vector.shape_cast %broadcast_in_dim3A_376 : vector<16x1xi32> to vector<16xi32>
                %gather3A_377 = tpu.dynamic_gather %get3A_345[%gather3A] in [0] : vector<16xi32>, vector<16xi32> -> vector<16xi32>
                %add3A_378 = arith.addi %cond3A_340, %while3A_368 : i32
                %gather3A_379 = arith.constant 0 : i32
                %gather3A_380 = arith.constant 0 : i32
                %gather3A_381 = tpu.memref_slice %arg10[%gather3A_379, %gather3A_380] : memref<32x32xf32, #tpu.memory_space<vmem>> -> memref<32x32xf32, #tpu.memory_space<vmem>>
                %gather3A_382 = tpu.vector_load_idx %gather3A_381[%iota3A_93, %gather3A_377] : memref<32x32xf32, #tpu.memory_space<vmem>>[vector<16xi32>, vector<16xi32>], vector<16xf32>,
                %swap3A_383 = arith.index_cast %add3A_378 : i32 to index
                %swap3A_384 = arith.constant 0 : index
                %swap3A_385 = tpu.vector_load %arg8[%swap3A_383, %swap3A_384] {strides = array<i32>} : memref<64x128xf32, #tpu.memory_space<vmem>>, vector<16xf32>,
                tpu.vector_store %arg8[%swap3A_383, %swap3A_384], %gather3A_382 {strides = array<i32>} : memref<64x128xf32, #tpu.memory_space<vmem>>, vector<16xf32>,
                %add3A_386 = arith.constant 16 : i32
                %add3A_387 = vector.broadcast %add3A_386 : i32 to vector<16xi32>
                %add3A_388 = arith.addi %iota3A_93, %add3A_387 : vector<16xi32>
                %gather3A_389 = arith.constant 0 : i32
                %gather3A_390 = arith.constant 0 : i32
                %gather3A_391 = tpu.memref_slice %arg10[%gather3A_389, %gather3A_390] : memref<32x32xf32, #tpu.memory_space<vmem>> -> memref<32x32xf32, #tpu.memory_space<vmem>>
                %gather3A_392 = tpu.vector_load_idx %gather3A_391[%add3A_388, %gather3A_377] : memref<32x32xf32, #tpu.memory_space<vmem>>[vector<16xi32>, vector<16xi32>], vector<16xf32>,
                %swap3A_393 = arith.index_cast %add3A_378 : i32 to index
                %swap3A_394 = arith.constant 16 : index
                %swap3A_395 = tpu.vector_load %arg8[%swap3A_393, %swap3A_394] {strides = array<i32>} : memref<64x128xf32, #tpu.memory_space<vmem>>, vector<16xf32>,
                tpu.vector_store %arg8[%swap3A_393, %swap3A_394], %gather3A_392 {strides = array<i32>} : memref<64x128xf32, #tpu.memory_space<vmem>>, vector<16xf32>,
              }
              %add3A_367 = arith.addi %cond3A_340, %squeeze3A_324 : i32
              scf.yield %add3A_367 : i32
            } else {
              scf.yield %cond3A_321 : i32
            }
            scf.yield %cond3A_334 : i32
          } else {
            scf.yield %scan3A_102 : i32
          }
          scf.yield %cond3A_230 : i32
        }
        %scan3A_100 = arith.constant 32 : i32
        scf.yield %scan3A_99 : i32
      } else {
        scf.yield %scan3A_80 : i32
      }
      %gt3A = arith.constant 0 : i32
      %gt3A_88 = arith.cmpi sgt, %cond3A_87, %gt3A : i32
      %convert_element_type3A_89 = arith.extui %gt3A_88 : i1 to i32
      %cond3A_90 = arith.constant 0 : i32
      %cond3A_91 = arith.cmpi ne, %convert_element_type3A_89, %cond3A_90 : i32
      %cond3A_92 = scf.if %cond3A_91 -> (i32) {
        %dma_start3A_93 = arith.constant 0 : i32
        %dma_start3A_94 = arith.constant 0 : i32
        %dma_start3A_95 = tpu.memref_slice %arg5[%scan3A_20, %dma_start3A_93, %dma_start3A_94] : memref<26x4096x128xf32, #tpu.memory_space<hbm>> -> memref<1x4096x128xf32, #tpu.memory_space<hbm>>
        %dma_start3A_96 = tpu.memref_squeeze %dma_start3A_95 : memref<1x4096x128xf32, #tpu.memory_space<hbm>> -> memref<4096x128xf32, #tpu.memory_space<hbm>>
        %dma_start3A_97 = arith.constant 0 : i32
        %dma_start3A_98 = arith.constant 0 : i32
        %dma_start3A_99 = tpu.memref_slice %dma_start3A_96[%dma_start3A_97, %dma_start3A_98] : memref<4096x128xf32, #tpu.memory_space<hbm>> -> memref<4096x128xf32, #tpu.memory_space<hbm>>
        %dma_start3A_100 = arith.constant -1 : i32
        tpu.enqueue_indirect_dma source(%arg8 : memref<64x128xf32, #tpu.memory_space<vmem>>) target(%dma_start3A_99 : memref<4096x128xf32, #tpu.memory_space<hbm>>) offsets(%arg9 : memref<64xi32, #tpu.memory_space<vmem>>) offset_filter(%dma_start3A_100) semaphore(%arg13 : memref<!tpu.dma_semaphore, #tpu.memory_space<semaphore_mem>>)
        %dma_wait3A_101 = arith.constant 0 : i32
        %dma_wait3A_102 = arith.constant 0 : i32
        %dma_wait3A_103 = tpu.memref_slice %arg5[%scan3A_20, %dma_wait3A_101, %dma_wait3A_102] : memref<26x4096x128xf32, #tpu.memory_space<hbm>> -> memref<1x4096x128xf32, #tpu.memory_space<hbm>>
        %dma_wait3A_104 = tpu.memref_squeeze %dma_wait3A_103 : memref<1x4096x128xf32, #tpu.memory_space<hbm>> -> memref<4096x128xf32, #tpu.memory_space<hbm>>
        %dma_wait3A_105 = arith.constant 0 : i32
        %dma_wait3A_106 = arith.constant 0 : i32
        %dma_wait3A_107 = tpu.memref_slice %dma_wait3A_104[%dma_wait3A_105, %dma_wait3A_106] : memref<4096x128xf32, #tpu.memory_space<hbm>> -> memref<4096x128xf32, #tpu.memory_space<hbm>>
        tpu.wait_indirect_dma semaphore(%arg13 : memref<!tpu.dma_semaphore, #tpu.memory_space<semaphore_mem>>) src(%arg8 : memref<64x128xf32, #tpu.memory_space<vmem>>) dst(%dma_wait3A_107 : memref<4096x128xf32, #tpu.memory_space<hbm>>)
        %broadcast_in_dim3A_108 = arith.constant -1 : i32
        %broadcast_in_dim3A_109 = vector.broadcast %broadcast_in_dim3A_108 : i32 to vector<16xi32>
        %swap3A_110 = arith.constant 0 : index
        %swap3A_111 = tpu.vector_load %arg9[%swap3A_110] {strides = array<i32>} : memref<64xi32, #tpu.memory_space<vmem>>, vector<16xi32>,
        tpu.vector_store %arg9[%swap3A_110], %broadcast_in_dim3A_109 {strides = array<i32>} : memref<64xi32, #tpu.memory_space<vmem>>, vector<16xi32>,
        %broadcast_in_dim3A_112 = arith.constant -1 : i32
        %broadcast_in_dim3A_113 = vector.broadcast %broadcast_in_dim3A_112 : i32 to vector<16xi32>
        %swap3A_114 = arith.constant 16 : index
        %swap3A_115 = tpu.vector_load %arg9[%swap3A_114] {strides = array<i32>} : memref<64xi32, #tpu.memory_space<vmem>>, vector<16xi32>,
        tpu.vector_store %arg9[%swap3A_114], %broadcast_in_dim3A_113 {strides = array<i32>} : memref<64xi32, #tpu.memory_space<vmem>>, vector<16xi32>,
        %broadcast_in_dim3A_116 = arith.constant -1 : i32
        %broadcast_in_dim3A_117 = vector.broadcast %broadcast_in_dim3A_116 : i32 to vector<16xi32>
        %swap3A_118 = arith.constant 32 : index
        %swap3A_119 = tpu.vector_load %arg9[%swap3A_118] {strides = array<i32>} : memref<64xi32, #tpu.memory_space<vmem>>, vector<16xi32>,
        tpu.vector_store %arg9[%swap3A_118], %broadcast_in_dim3A_117 {strides = array<i32>} : memref<64xi32, #tpu.memory_space<vmem>>, vector<16xi32>,
        %broadcast_in_dim3A_120 = arith.constant -1 : i32
        %broadcast_in_dim3A_121 = vector.broadcast %broadcast_in_dim3A_120 : i32 to vector<16xi32>
        %swap3A_122 = arith.constant 48 : index
        %swap3A_123 = tpu.vector_load %arg9[%swap3A_122] {strides = array<i32>} : memref<64xi32, #tpu.memory_space<vmem>>, vector<16xi32>,
        tpu.vector_store %arg9[%swap3A_122], %broadcast_in_dim3A_121 {strides = array<i32>} : memref<64xi32, #tpu.memory_space<vmem>>, vector<16xi32>,
        %cond3A_124 = arith.constant 0 : i32
        scf.yield %cond3A_124 : i32
      } else {
        %cond3A_93 = arith.constant 0 : i32
        scf.yield %cond3A_93 : i32
      }
    }
    %scan3A_19 = arith.constant 26 : i32
    return
  }
}

</mosaic_0001>

<sc_bundles>
// kernel: _sc_stream_gather.3.cloned.1.call-start
scs
__scs_entry_jumppad:
0x0: {  	(pc) =	sbr.rel $0x88, $3  }
0x1: {  	(tag) =	ssettag $0x0;
	lr =	simm.s32 $0x1  }
0x2: {  	[smem:$0x3F9F] =	sst lr;
	_ =	strace $0xD0000000  }
0x3: {  	_ = 	snop  }
0x4: {  	_ = 	snop  }
0x5: {  	_ = 	snop  }
0x6: {  	_ = 	snop  }
0x7: {  	_ = 	snop  }
__scs_overlays_trampoline_lowered:
0x8: {  	[smem:$0x3FAE] =	sst s0  }
0x9: {  	[smem:$0x3FAF] =	sst s1  }
0xa: {  	[smem:$0x3FB0] =	sst s2  }
0xb: {  	[smem:$0x3FB1] =	sst s3  }
0xc: {  	[smem:$0x3FB2] =	sst s4  }
0xd: {  	[smem:$0x3FB3] =	sst s5  }
0xe: {  	[smem:$0x3FB4] =	sst s6  }
0xf: {  	[smem:$0x3FB5] =	sst s7  }
0x10: {  	[smem:$0x3FB6] =	sst s8  }
0x11: {  	[smem:$0x3FB7] =	sst s9;
	s0 =	simm.s32 @!p0 $0x0  }
0x12: {  	s1 =	sld [smem:$0x3F9D];
	s0 =	simm.s32 @p0 $0x1  }
0x13: {  	[smem:$0x3FB8] =	sst s0;
	s0 =	simm.s32 @!p1 $0x0  }
0x14: {  	s2 =	sld [smem:$0x3F9C];
	s0 =	simm.s32 @p1 $0x1  }
0x15: {  	[smem:$0x3FB9] =	sst s0;
	s0 =	simm.s32 @!p2 $0x0  }
0x16: {  	s3 =	sld [smem:$0x3FDB];
	s0 =	simm.s32 @p2 $0x1  }
0x17: {  	s4 =	simm.s32 $0x1BF5;
	[smem:$0x3FBB] =	sst s0  }
0x18: {  	s0 =	sld [smem:$0x3F9E];
	_ =	swait.ge [sflag:s4], $0x0  }
0x19: {  	s7 =	sld [smem:$0x3F9F]  }
0x1a: {  	s8 =	sadd.s32 $0xFFFFE003, lr  }
0x1b: {  	s9 =	sadd.s32 $0xFFFFFEF7, lr;
	s5 =	simm.s32 $0xFFFFFFFF;
	p2 =	slt.u32 s8, $0xFFFFF086  }
0x1c: {  	p1 =	slt.u32 s9, $0xF7A;
	s5 =	simm.s32 @!p2 $0x0  }
0x1d: {  	s5 =	simm.s32 @p1 $0x1;
	p0 =	seq.s32 s7, s2  }
0x1e: {  	s7 =	smul.u32 @!p0 $0xF7A, s2;
	p2 =	seq.s32 @!p0 s5, $0x0  }
0x1f: {  	s9 =	smul.u32 $0xF7A, s1;
	s8 =	simm.s32 @!p0 $0x1BF5;
	p2 =	por !p2, p0  }
0x20: {  	[sflag:s8] =	ssyncset.s32 @!p0 $0xFFFFF086;
	s6 =	sadd.s32 @!p0 s3, s7;
	s7 =	simm.s32 @!p0 $0x108  }
0x21: {  	s3 =	sadd.s32 s3, s9;
	s6 =	sadd.s32 @!p0 $0x88, s6;
	s7 =	simm.s32 @p2 $0x1082  }
0x22: {  	[simem:s7], [sflag:s8] =	dma.local @!p0 [hbm:s6], $0xF7A  }
0x23: {  	s9 =	sor.u32 $0xD0000000, s2;
	s6 =	simm.s32 $0x108;
	_ =	swait.ge @!p0 [sflag:s8], $0x0  }
0x24: {  	s3 =	sadd.s32 $0x88, s3;
	s6 =	simm.s32 @!p1 $0x1082;
	[sflag:s4] =	ssyncset.s32 $0xFFFFF086  }
0x25: {  	[simem:s6], [sflag:s4] =	dma.local [hbm:s3], $0xF7A  }
0x26: {  	[smem:$0x3F9F] =	sst s1;
	(tag) =	ssettag s2;
	_ =	strace s9  }
0x27: {  	s1 =	sld [smem:$0x3FAF]  }
0x28: {  	s2 =	sld [smem:$0x3FB0]  }
0x29: {  	s4 =	sld [smem:$0x3FB2]  }
0x2a: {  	p0 =	seq.s32 s5, $0x0;
	s5 =	sld [smem:$0x3FB3]  }
0x2b: {  	s6 =	sld [smem:$0x3FB4]  }
0x2c: {  	s7 =	sld [smem:$0x3FB5]  }
0x2d: {  	s3 =	simm.s32 $0x108;
	s8 =	sld [smem:$0x3FB6]  }
0x2e: {  	s3 =	simm.s32 @!p0 $0x1082;
	s9 =	sld [smem:$0x3FB7]  }
0x2f: {  	lr =	sadd.s32 s0, s3;
	s0 =	sld [smem:$0x3FAE]  }
0x30: {  	s3 =	sld [smem:$0x3FB1]  }
0x31: {  	[smem:$0x3FBA] =	sst s10  }
0x32: {  	s10 =	sld [smem:$0x3FB8];
	_ =	sdelay $0x3  }
0x33: {  	p0 =	seq.s32 s10, $0x1;
	s10 =	sld [smem:$0x3FBA];
	_ =	sdelay $0x3  }
0x34: {  	[smem:$0x3FBA] =	sst s10  }
0x35: {  	s10 =	sld [smem:$0x3FB9];
	_ =	sdelay $0x3  }
0x36: {  	p1 =	seq.s32 s10, $0x1;
	s10 =	sld [smem:$0x3FBA];
	_ =	sdelay $0x3  }
0x37: {  	[smem:$0x3FBA] =	sst s10  }
0x38: {  	s10 =	sld [smem:$0x3FBB]  }
0x39: {  	_ = 	snop;
	(pc) =	sbr.ind lr, $3  }
0x3a: {  	_ = 	snop  }
0x3b: {  	_ = 	snop  }
0x3c: {  	p2 =	seq.s32 s10, $0x1;
	s10 =	sld [smem:$0x3FBA]  }
0x3d: {  	_ =	shalt  }
0x3e: {  	_ =	shalt  }
0x3f: {  	_ =	shalt  }
0x40: {  	_ =	shalt  }
0x41: {  	_ =	shalt  }
0x42: {  	_ =	shalt  }
0x43: {  	_ =	shalt  }
0x44: {  	_ =	shalt  }
0x45: {  	_ =	shalt  }
0x46: {  	_ =	shalt  }
0x47: {  	_ =	shalt  }
0x48: {  	_ =	shalt  }
0x49: {  	_ =	shalt  }
0x4a: {  	_ =	shalt  }
0x4b: {  	_ =	shalt  }
0x4c: {  	_ =	shalt  }
0x4d: {  	_ =	shalt  }
0x4e: {  	_ =	shalt  }
0x4f: {  	_ =	shalt  }
0x50: {  	_ =	shalt  }
0x51: {  	_ =	shalt  }
0x52: {  	_ =	shalt  }
0x53: {  	_ =	shalt  }
0x54: {  	_ =	shalt  }
0x55: {  	_ =	shalt  }
0x56: {  	_ =	shalt  }
0x57: {  	_ =	shalt  }
0x58: {  	_ =	shalt  }
0x59: {  	_ =	shalt  }
0x5a: {  	_ =	shalt  }
0x5b: {  	_ =	shalt  }
0x5c: {  	_ =	shalt  }
0x5d: {  	_ =	shalt  }
0x5e: {  	_ =	shalt  }
0x5f: {  	_ =	shalt  }
0x60: {  	_ =	shalt  }
0x61: {  	_ =	shalt  }
0x62: {  	_ =	shalt  }
0x63: {  	_ =	shalt  }
0x64: {  	_ =	shalt  }
0x65: {  	_ =	shalt  }
0x66: {  	_ =	shalt  }
0x67: {  	_ =	shalt  }
0x68: {  	_ =	shalt  }
0x69: {  	_ =	shalt  }
0x6a: {  	_ =	shalt  }
0x6b: {  	_ =	shalt  }
0x6c: {  	_ =	shalt  }
0x6d: {  	_ =	shalt  }
0x6e: {  	_ =	shalt  }
0x6f: {  	_ =	shalt  }
0x70: {  	_ =	shalt  }
0x71: {  	_ =	shalt  }
0x72: {  	_ =	shalt  }
0x73: {  	_ =	shalt  }
0x74: {  	_ =	shalt  }
0x75: {  	_ =	shalt  }
0x76: {  	_ =	shalt  }
0x77: {  	_ =	shalt  }
0x78: {  	_ =	shalt  }
0x79: {  	_ =	shalt  }
0x7a: {  	_ =	shalt  }
0x7b: {  	_ =	shalt  }
0x7c: {  	_ =	shalt  }
0x7d: {  	_ =	shalt  }
0x7e: {  	_ =	shalt  }
0x7f: {  	_ =	shalt  }
0x80: {  	_ =	shalt  }
0x81: {  	_ =	shalt  }
0x82: {  	_ =	shalt  }
0x83: {  	_ =	shalt  }
0x84: {  	_ =	shalt  }
0x85: {  	_ =	shalt  }
0x86: {  	_ =	shalt  }
0x87: {  	_ =	shalt  }
.Lfunc_end0:
.L_simem_size_0:
called_computation_lowered:
.L_overlay_start_0:
0x88: {  	s2 =	sld [smem:$0x3FD9]  }
0x89: {  	s3 =	sld [smem:$0x3FFE];
	_ =	sdelay $0x1  }
0x8a: {  	s1 =	srdreg.scid  }
0x8b: {  	s0 =	sand.u32 $0x1, s1  }
0x8c: {  	s17 =	sshll.u32 s0, $0xA;
	s2 =	sadd.s32 s3, s2  }
0x8d: {  	s2 =	sadd.s32 s2, s17  }
0x8e: {  	[smem:$0x3FC6] =	sst s2  }
0x8f: {  	_ = 	snop  }
0x90: {  	s2 =	sld [smem:$0x3FC9]  }
0x91: {  	s18 =	sld [smem:$0x3FC8]  }
0x92: {  	s4 =	sld [smem:$0x3FD0];
	(tm) =	ssettm $0x1  }
0x93: {  	s5 =	sld [smem:$0x3FFB];
	_ =	sdelay $0x3  }
0x94: {  	_ =	strace s5  }
0x95: {  	s5 =	sld [smem:$0x3FFC];
	_ =	sdelay $0x3  }
0x96: {  	_ =	strace s5  }
0x97: {  	s5 =	sld [smem:$0x3FFD];
	_ =	sdelay $0x3  }
0x98: {  	_ =	strace s5  }
0x99: {  	_ =	strace $0x8FFFFFFF  }
0x9a: {  	s19 =	sld [smem:$0x3FDB];
	_ =	sdelay $0x1  }
0x9b: {  	s6 =	simm.s32 $_scs_section_size  }
0x9c: {  	s7 =	simm.s32 $_size__tile_overlayer_lowered;
	s8 =	simm.s32 $_tile_overlayer_lowered  }
0x9d: {  	s22 =	simm.s32 $0x1BFF;
	s21 =	sshll.u32 s8, $0x1;
	s5 =	sadd.s32 s6, s19  }
0x9e: {  	s9 =	simm.s32 $0x0;
	s20 =	sshll.u32 s7, $0x1;
	s7 =	sadd.s32 s21, s5  }
0x9f: {  	[timem:s9], [sflag:s22] =	dma.local [hbm:s7], s20  }
0xa0: {  	_ =	swait.ge [sflag:s22], s20  }
0xa1: {  	s6 =	ssub.s32 $0x0, s20;
	[sflag:s22] =	ssyncset.done $0x0  }
0xa2: {  	[sflag:s22] =	ssyncadd.s32 s6;
	_ =	sdelay $0x1  }
0xa3: {  	s23 =	simm.s32 $0x1B8B  }
0xa4: {  	_ =	swait.ge [sflag:s23], $0x1  }
0xa5: {  	[sflag:s23] =	ssyncset.done $0x0  }
0xa6: {  	s25 =	simm.s32 $0x1B8E;
	s24 =	sld [smem:$0x3FFE];
	[sflag:s23] =	ssyncadd.s32 $0xFFFFFFFF  }
0xa7: {  	s26 =	simm.s32 $execute0_lowered;
	[smem:$0x3FD2] =	sst s25  }
0xa8: {  	s7 =	sshll.u32 s26, $0x1;
	_ =	strace $0x80000046;
	[dreg:$0x1] =	wrdreg $0xFFFFFFFF  }
0xa9: {  	s28 =	simm.s32 $_size_execute0_lowered;
	s5 =	sadd.s32 s5, s7;
	[dreg:$0x0] =	wrdreg $0x0  }
0xaa: {  	s7 =	sshll.u32 s28, $0x1;
	[dreg:$0x2] =	wrdreg s5  }
0xab: {  	[dreg:$0x3] =	wrdreg s7  }
0xac: {  	[dreg:$0x4] =	wrdreg $0xC0  }
0xad: {  	_ =	task [dreg:s9], $0x5FFFF  }
0xae: {  	[dreg:$0x1] =	wrdreg $0xFFFFFFFF  }
0xaf: {  	[dreg:$0x0] =	wrdreg $0x60  }
0xb0: {  	[dreg:$0x2] =	wrdreg s2  }
0xb1: {  	[dreg:$0x3] =	wrdreg s24  }
0xb2: {  	[dreg:$0x4] =	wrdreg s18  }
0xb3: {  	[dreg:$0x5] =	wrdreg s4  }
0xb4: {  	[dreg:$0x6] =	wrdreg $0x9  }
0xb5: {  	_ =	task.clear_ibuf [dreg:s9], $0x7FFFF;
	_ =	strace $0x90000046  }
0xb6: {  	s29 =	simm.s32 $0x9;
	_ =	strace $0x80000048  }
0xb7: {  	_ =	swait.ge [sflag:s29], $0x1  }
0xb8: {  	[sflag:s29] =	ssyncadd.s32 $0xFFFFFFFF  }
0xb9: {  	_ =	strace $0x90000048  }
0xba: {  	_ =	sfence  }
0xbb: {  	s30 =	sld [smem:$0x0];
	_ =	sdelay $0x2  }
0xbc: {  	s31 =	sshll.u32 s1, $0xD;
	s1 =	sshrl.u32 s1, $0x2  }
0xbd: {  	s3 =	sand.u32 $0x4000, s31;
	s1 =	sadd.s32 s1, s30  }
0xbe: {  	s0 =	sor.u32 s3, s0;
	s1 =	sshll.u32 s1, $0x11  }
0xbf: {  	s0 =	sor.u32 s1, s0  }
0xc0: {  	s0 =	sadd.s32 $0x8F2B, s0  }
0xc1: {  	[sflag:s0] =	ssyncadd.remote.s32 $0x1  }
0xc2: {  	_ =	sfence.sel $0xFFFF  }
0xc3: {  	[dreg:$0x0] =	wrdreg $0xFFFFFFFF;
	(pc) =	sbr.abs _section_cstart, $3  }
0xc4: {  	[dreg:$0x1] =	wrdreg $0xFFFFFFFF  }
0xc5: {  	_ =	task.clear_ibuf [dreg:s9], $0x2FFFF;
	_ =	strace $0x9FFFFFFF  }
0xc6: {  	(tm) =	ssettm $0x7FFFFFFF  }
0xc7: {  	_ =	shalt  }
tec
execute0_lowered:
.L_overlay_start_1:
0x0: {  	(tag) =	ssettag $0x1  }
0x1: {  	v2 =	vimm.s32 $0xFFFFFFFF;
	v3 =	vimm.s32 $0x0  }
0x2: {  	v4 =	vlaneseq.u32;
	v5 =	vimm.s32 $0x6780;
	vm0 =	vcmask $0x300  }
0x3: {  	v6 =	vimm.s32 $0x12F80;
	vm1 =	vcmask $0x704;
	vm15 =	vcmask $0xB08  }
0x4: {  	s6 =	rddreg [dreg:$0x0];
	vm4 =	vcmask $0xF0C;
	v5 =	vsel vm0, $0x0, v5;
	v6 =	vsel vm0, $0xC800, v6  }
0x5: {  	s0 =	srdreg.scid;
	s4 =	rddreg [dreg:$0x1];
	vm5 =	vcmask $0x1310;
	v5 =	vsel vm1, $0x80, v5;
	v6 =	vsel vm1, $0xC880, v6  }
0x6: {  	s1 =	stileid.u32;
	s5 =	rddreg [dreg:$0x3];
	vm6 =	vcmask $0x1714;
	v5 =	vsel vm15, $0x100, v5;
	v6 =	vsel vm15, $0xC900, v6  }
0x7: {  	s10 =	simm.s32 $0x0;
	vm7 =	vcmask $0x1B18;
	s12 =	simm.s32 $0x3;
	s13 =	simm.s32 $0x1000;
	v5 =	vsel vm4, $0x180, v5;
	v6 =	vsel vm4, $0xC980, v6  }
0x8: {  	vm8 =	vcmask $0x1F1C;
	s14 =	simm.s32 $0x7400;
	s15 =	simm.s32 $0xD800;
	s16 =	simm.s32 $0x13C00;
	v5 =	vsel vm5, $0x200, v5;
	v6 =	vsel vm5, $0xCA00, v6  }
0x9: {  	vm9 =	vcmask $0x2320;
	s17 =	simm.s32 $0x4400;
	s18 =	simm.s32 $0xA800;
	s19 =	simm.s32 $0x10C00;
	v5 =	vsel vm6, $0x280, v5;
	v6 =	vsel vm6, $0xCA80, v6  }
0xa: {  	vm10 =	vcmask $0x2724;
	s20 =	simm.s32 $0x17000;
	s21 =	simm.s32 $0x1;
	s22 =	simm.s32 $0x2;
	v5 =	vsel vm7, $0x300, v5;
	v6 =	vsel vm7, $0xCB00, v6  }
0xb: {  	vm11 =	vcmask $0x2B28;
	s23 =	simm.s32 $0x1D080;
	s0 =	sand.u32 $0x1, s0;
	s1 =	sshll.u32 s1, $0x1;
	v5 =	vsel vm8, $0x380, v5;
	v6 =	vsel vm8, $0xCB80, v6  }
0xc: {  	vm12 =	vcmask $0x2F2C;
	s24 =	simm.s32 $0x1C000;
	s25 =	simm.s32 $0x1C080;
	s1 =	sor.u32 s0, s1;
	v5 =	vsel vm9, $0x6400, v5;
	v6 =	vsel vm9, $0x12C00, v6  }
0xd: {  	vm13 =	vcmask $0x3330;
	[smem:$0x7FF] =	sst s10;
	s0 =	ssub.s32 $0x2, s0;
	s2 =	smul.u32 $0xC80, s1;
	v5 =	vsel vm10, $0x6480, v5;
	v6 =	vsel vm10, $0x12C80, v6  }
.Ltmp0:
0xe: {  	vm14 =	vcmask $0x3734;
	s7 =	sadd.s32 $0x400, s4;
	s30 =	sshrl.u32 s0, $0x1;
	v5 =	vsel vm11, $0x6500, v5;
	v6 =	vsel vm11, $0x12D00, v6;
	(pc) =	sbr.rel .LBB2_1-.Ltmp0, $4  }
0xf: {  	v7 =	vmul.u32 $0x80, v4;
	_ =	strace $0x80000047;
	s31 =	sshll.u32 s1, $0x10;
	s0 =	ssub.s32 s0, s30;
	v5 =	vsel vm12, $0x6580, v5;
	v6 =	vsel vm12, $0x12D80, v6  }
0x10: {  	vm15 =	vcmask $0x3B38;
	s11 =	sadd.s32 s5, s31;
	s2 =	smin.u32 s2, $0x17A00;
	s0 =	smax.u32 s0, $0x1;
	v5 =	vsel vm13, $0x6600, v5;
	v6 =	vsel vm13, $0x12E00, v6  }
0x11: {  	s3 =	sadd.s32 $0xC80, s2;
	v0 =	vmov s2;
	s8 =	sadd.s32 s6, s2;
	s2 =	sshll.u32 s2, $0x3;
	v5 =	vsel vm14, $0x6680, v5;
	v6 =	vsel vm14, $0x12E80, v6  }
0x12: {  	[dreg:$0x6] =	wrdreg s0;
	v1 =	vmov s3;
	s3 =	smov.u32 s6;
	s9 =	sadd.s32 $0x3400, s2;
	v5 =	vsel vm15, $0x6700, v5;
	v6 =	vsel vm15, $0x12F00, v6  }
.LBB2_98:
0x13: {  	s10 =	rddreg [dreg:$0x5]  }
0x14: {  	s0 =	rddreg [dreg:$0x6];
	s10 =	sadd.s32 $0x1, s10  }
0x15: {  	p0 =	sne.s32 s10, s0  }
.Ltmp1:
0x16: {  	_ = 	snop;
	(pc) =	sbr.rel @!p0 .LBB2_99-.Ltmp1, $1  }
0x17: {  	_ =	sdelay $0x3  }
.LBB2_1:
.Ltmp2:
0x18: {  	(pc) =	sbr.rel .LBB2_2-.Ltmp2, $4  }
0x19: {  	[tilespmem:$0x1C000] =	vst v2  }
0x1a: {  	[tilespmem:$0x1C010] =	vst v2  }
0x1b: {  	[tilespmem:$0x1C020] =	vst v2  }
0x1c: {  	[dreg:$0x5] =	wrdreg s10;
	[tilespmem:$0x1C030] =	vst v2;
	s26 =	simm.s32 $0x0  }
.LBB2_97:
0x1d: {  	p0 =	slt.s32 s28, $0x1  }
0x1e: {  	(ifvalue) =	ssetifvalue @!p0 $0xFFFFFFFF;
	s0 =	simm.s32 @!p0 $0x40  }
0x1f: {  	s2 =	simm.s32 @!p0 $0x1C000;
	s4 =	simm.s32 @!p0 $0x1A000;
	(ifvalue) =	ssetifvalue @!p0 $0xFFFFFFFF  }
0x20: {  	[hbm4b:s29+s0] =	stream.indirect.scatter @!p0 [tilespmem:s4], [sflag:$0x2], $0x80, s2, s0, $0x40b8;
	[tilespmem:$0x1D100] =	vst v63  }
0x21: {  	s0 =	simm.s32 @!p0 $0x2  }
0x22: {  	s26 =	sadd.s32 $0x1, s26;
	_ =	swait.ge @!p0 [sflag:s0], $0x2000  }
0x23: {  	p1 =	sne.s32 s26, $0x1A;
	[sflag:s0] =	ssyncset.done @!p0 $0x0  }
.Ltmp3:
0x24: {  	v8 =	vimm.s32 @!p0 $0xFFFFFFFF;
	[sflag:s0] =	ssyncadd.s32 @!p0 $0xFFFFE000;
	(pc) =	sbr.rel @!p1 .LBB2_98-.Ltmp3, $4  }
0x25: {  	[tilespmem:$0x1C000] =	vst @!p0 v8  }
0x26: {  	[tilespmem:$0x1C010] =	vst @!p0 v8  }
0x27: {  	[tilespmem:$0x1C020] =	vst @!p0 v8  }
0x28: {  	[tilespmem:$0x1C030] =	vst @!p0 v8  }
.LBB2_2:
0x29: {  	s30 =	sshll.u32 s26, $0x9;
	s0 =	rddreg [dreg:$0x2]  }
0x2a: {  	s28 =	simm.s32 $0x0;
	s6 =	smul.u32 $0x30E000, s26;
	s0 =	sadd.s32 s0, s30  }
0x2b: {  	[tilespmem:s28], [sflag:$0x3] =	stream.linear.gather [hbm4b:s0+s28], $0x1000, $0x38;
	[tilespmem:$0x1D100] =	vst v63  }
0x2c: {  	_ =	swait.ge [sflag:s12], $0x1000  }
0x2d: {  	s2 =	sshrl.u32 s6, $0x3;
	[sflag:s12] =	ssyncset.done $0x0  }
0x2e: {  	s2 =	sadd.s32 s2, s8;
	[sflag:s12] =	ssyncadd.s32 $0xFFFFF000  }
0x2f: {  	[tilespmem:s13], [sflag:$0x1] =	stream.linear.gather [hbm4b:s2+s28], $0x3400, $0x38;
	[tilespmem:$0x1D100] =	vst v63  }
0x30: {  	s4 =	sadd.s32 $0x18700, s2  }
0x31: {  	[tilespmem:s14], [sflag:$0x1] =	stream.linear.gather [hbm4b:s4+s28], $0x3400, $0x38;
	[tilespmem:$0x1D100] =	vst v63  }
0x32: {  	s0 =	sadd.s32 s6, s9;
	s10 =	sadd.s32 $0x30E00, s2  }
0x33: {  	[tilespmem:s15], [sflag:$0x1] =	stream.linear.gather [hbm4b:s10+s28], $0x3400, $0x38;
	[tilespmem:$0x1D100] =	vst v63  }
0x34: {  	s0 =	sshrl.u32 s0, $0x3;
	s2 =	sadd.s32 $0x49500, s2  }
0x35: {  	[tilespmem:s16], [sflag:$0x1] =	stream.linear.gather [hbm4b:s2+s28], $0x3400, $0x38;
	[tilespmem:$0x1D100] =	vst v63  }
0x36: {  	s0 =	sadd.s32 s3, s0  }
0x37: {  	[tilespmem:s17], [sflag:$0x2] =	stream.linear.gather [hbm4b:s0+s28], $0x3000, $0x38;
	[tilespmem:$0x1D100] =	vst v63  }
0x38: {  	s4 =	sadd.s32 $0x18700, s0  }
0x39: {  	[tilespmem:s18], [sflag:$0x2] =	stream.linear.gather [hbm4b:s4+s28], $0x3000, $0x38;
	[tilespmem:$0x1D100] =	vst v63  }
0x3a: {  	s6 =	sadd.s32 $0x30E00, s0  }
0x3b: {  	[tilespmem:s19], [sflag:$0x2] =	stream.linear.gather [hbm4b:s6+s28], $0x3000, $0x38;
	[tilespmem:$0x1D100] =	vst v63  }
0x3c: {  	s0 =	sadd.s32 $0x49500, s0  }
0x3d: {  	[tilespmem:s20], [sflag:$0x2] =	stream.linear.gather [hbm4b:s0+s28], $0x3000, $0x38;
	[tilespmem:$0x1D100] =	vst v63  }
0x3e: {  	_ =	swait.ge [sflag:s21], $0xD000  }
.Ltmp4:
0x3f: {  	[sflag:s21] =	ssyncset.done $0x0;
	(pc) =	sbr.rel .LBB2_3-.Ltmp4, $4  }
0x40: {  	[sflag:s21] =	ssyncadd.s32 $0xFFFF3000  }
0x41: {  	_ =	swait.ge [sflag:s22], $0xC000  }
0x42: {  	s10 =	sshll.u32 s26, $0x10;
	[sflag:s22] =	ssyncset.done $0x0  }
0x43: {  	s31 =	simm.s32 $0x0;
	s29 =	sadd.s32 s5, s10;
	[sflag:s22] =	ssyncadd.s32 $0xFFFF4000  }
.LBB2_55:
0x44: {  	s6 =	smov.u32 s4  }
.LBB2_59:
0x45: {  	_ = 	snop  }
0x46: {  	s2 =	sadd.s32 @p0 $0x80, s6  }
0x47: {  	s4 =	smov.u32 @p0 s2  }
0x48: {  	[tilespmem:s4+$0xFFFFFFF0] =	vst v10  }
0x49: {  	v8 =	vld.idx.msk [tilespmem:v9+s13+$0x0], $0xffff;
	_ =	sdelay $0x4  }
0x4a: {  	s28 =	sadd.s32 s0, s28;
	[tilespmem:s4+$0x0] =	vst v8  }
.LBB2_60:
0x4b: {  	s31 =	sadd.s32 $0x1, s31  }
0x4c: {  	p0 =	sne.s32 s31, $0x20  }
.Ltmp5:
0x4d: {  	_ = 	snop;
	(pc) =	sbr.rel @!p0 .LBB2_61-.Ltmp5, $1  }
0x4e: {  	_ =	sdelay $0x3  }
.LBB2_3:
0x4f: {  	s4 =	sshll.u32 s31, $0x7  }
0x50: {  	s0 =	sand.u32 $0x3FFFFF80, s4  }
0x51: {  	v15 =	vld [tilespmem:s0+$0x0]  }
0x52: {  	v14 =	vld [tilespmem:s0+$0x10]  }
0x53: {  	v13 =	vld [tilespmem:s0+$0x20]  }
0x54: {  	v9 =	vld [tilespmem:s0+$0x60]  }
0x55: {  	v11 =	vld [tilespmem:s0+$0x40]  }
0x56: {  	v12 =	vld [tilespmem:s0+$0x30]  }
0x57: {  	vm0 =	vge.s32 v15, v0  }
0x58: {  	vm1 =	vlt.s32 v15, v1;
	vm2 =	vge.s32 v13, v0;
	vm3 =	vlt.s32 v13, v1  }
0x59: {  	v10 =	vld [tilespmem:s0+$0x50];
	vm8 =	vge.s32 v9, v0;
	vm7 =	vmand vm0, vm1;
	vm0 =	vge.s32 v14, v0  }
0x5a: {  	v8 =	vld [tilespmem:s0+$0x70];
	vm1 =	vlt.s32 v14, v1;
	vm5 =	vmand vm2, vm3;
	vm2 =	vge.s32 v11, v0  }
0x5b: {  	vm6 =	vmand vm0, vm1;
	vm0 =	vge.s32 v12, v0;
	vm1 =	vlt.s32 v12, v1  }
0x5c: {  	vm3 =	vlt.s32 v11, v1;
	vm4 =	vmand vm0, vm1;
	vm0 =	vmor vm7, vm6  }
0x5d: {  	vm9 =	vlt.s32 v9, v1;
	vm3 =	vmand vm2, vm3;
	vm0 =	vmor vm0, vm5  }
0x5e: {  	vm2 =	vlt.s32 v10, v1;
	vm1 =	vge.s32 v10, v0;
	vm0 =	vmor vm0, vm4  }
0x5f: {  	vm15 =	vlt.s32 v8, v1;
	vm2 =	vmand vm1, vm2;
	vm0 =	vmor vm0, vm3  }
0x60: {  	vm1 =	vmand vm8, vm9;
	vm8 =	vge.s32 v8, v0;
	vm10 =	vmor vm0, vm2  }
0x61: {  	vm0 =	vmand vm8, vm15;
	vm8 =	vmor vm10, vm1  }
0x62: {  	vm8 =	vmor vm8, vm0  }
0x63: {  	v16 =	vmpcnt.ones.xlane vm8;
	_ =	sdelay $0x1  }
0x64: {  	(v2sf) =	vpush v16, $0x0;
	_ =	sdelay $0xe  }
0x65: {  	s10 =	spop (v2sf)  }
0x66: {  	p0 =	slt.s32 s10, $0x1  }
.Ltmp6:
0x67: {  	_ = 	snop;
	(pc) =	sbr.rel @p0 .LBB2_60-.Ltmp6, $1  }
0x68: {  	_ =	sdelay $0x3  }
0x69: {  	v16 =	vmpcnt.ones.xlane vm7;
	_ =	sdelay $0x1  }
0x6a: {  	(v2sf) =	vpush v16, $0x0;
	_ =	sdelay $0xe  }
0x6b: {  	s0 =	spop (v2sf)  }
0x6c: {  	p0 =	slt.s32 s0, $0x1  }
.Ltmp7:
0x6d: {  	_ = 	snop;
	(pc) =	sbr.rel @p0 .LBB2_11-.Ltmp7, $1  }
0x6e: {  	_ =	sdelay $0x3  }
0x6f: {  	p0 =	slt.s32 s28, $0x30  }
0x70: {  	(ifvalue) =	ssetifvalue @!p0 $0xFFFFFFFF;
	s2 =	simm.s32 @!p0 $0x40  }
0x71: {  	s6 =	simm.s32 @!p0 $0x1C000;
	s10 =	simm.s32 @!p0 $0x1A000;
	(ifvalue) =	ssetifvalue @!p0 $0xFFFFFFFF  }
0x72: {  	[hbm4b:s29+s2] =	stream.indirect.scatter @!p0 [tilespmem:s10], [sflag:$0x2], $0x80, s6, s2, $0x40b8;
	[tilespmem:$0x1D100] =	vst v63  }
0x73: {  	s2 =	simm.s32 @!p0 $0x2  }
0x74: {  	_ =	swait.ge @!p0 [sflag:s2], $0x2000  }
0x75: {  	[sflag:s2] =	ssyncset.done @!p0 $0x0  }
0x76: {  	v16 =	vimm.s32 @!p0 $0xFFFFFFFF;
	[sflag:s2] =	ssyncadd.s32 @!p0 $0xFFFFE000  }
0x77: {  	[tilespmem:$0x1C000] =	vst @!p0 v16  }
0x78: {  	[tilespmem:$0x1C010] =	vst @!p0 v16  }
0x79: {  	[tilespmem:$0x1C020] =	vst @!p0 v16  }
0x7a: {  	v15 =	vsub.s32 v15, v0;
	[tilespmem:$0x1C030] =	vst @!p0 v16  }
0x7b: {  	[tilespmem:s23+$0x0] =	vst.msk vm7, v15  }
0x7c: {  	v15 =	vld [tilespmem:$0x1D080]  }
0x7d: {  	v16 =	vsel vm7, $0x1, v3  }
0x7e: {  	(xrf0) =	vadd.scan.msk.s32 $0xffff, v16  }
0x7f: {  	s6 =	simm.s32 $0x0;
	p0 =	sgt.s32 s28, $0x2F  }
0x80: {  	s28 =	simm.s32 @p0 $0x0;
	v16 =	vmov s6  }
0x81: {  	v17 =	vmov s28;
	v16 =	vperm.xlane v15, v16  }
0x82: {  	v17 =	vadd.s32 $0xFFFFFFFF, v17  }
0x83: {  	v17 =	vbroadcast v17, $0x0;
	v18 =	vshll.u32 v16, $0x3  }
0x84: {  	v19, _, _ =	vpop (xrf0);
	v16 =	vand.u32 $0x7F, v16;
	v18 =	vand.u32 $0xFFFFFC00, v18  }
0x85: {  	v17 =	vadd.s32 v19, v17;
	v16 =	vor.u32 v16, v18  }
0x86: {  	p1 =	sne.s32 s0, $0x1;
	v18 =	vadd.s32 v5, v16  }
.Ltmp8:
0x87: {  	_ = 	snop;
	(pc) =	sbr.rel @!p1 .LBB2_6-.Ltmp8, $4  }
0x88: {  	_ = 	snop  }
0x89: {  	s10 =	sshll.u32 s28, $0x9;
	v19 =	vor.u32 s4, v4  }
0x8a: {  	s2 =	sshra.s32 s10, $0x2;
	[tilespmem:v17+s24+$0x0] =	vst.idx.msk vm7, v19  }
0x8b: {  	p0 =	por $0x0, $0x0;
	s6 =	sadd.s32 $0x1A010, s2;
	s2 =	simm.s32 $0x1;
	v16 =	vadd.s32 v6, v16;
	v17 =	vld.idx.msk [tilespmem:v18+s13+$0x0], $0xffff  }
0x8c: {  	v18 =	vmov s2  }
0x8d: {  	v18 =	vperm.xlane v15, v18;
	_ =	sdelay $0x1  }
0x8e: {  	v19 =	vshll.u32 v18, $0x3  }
0x8f: {  	[tilespmem:s6+$0xFFFFFFF0] =	vst v17;
	v17 =	vand.u32 $0x7F, v18;
	v18 =	vand.u32 $0xFFFFFC00, v19  }
0x90: {  	v16 =	vld.idx.msk [tilespmem:v16+s13+$0x0], $0xffff;
	v18 =	vor.u32 v17, v18  }
0x91: {  	v17 =	vadd.s32 v5, v18  }
0x92: {  	p1 =	sne.s32 s0, $0x2  }
.Ltmp9:
0x93: {  	_ = 	snop;
	(pc) =	sbr.rel @!p1 .LBB2_8-.Ltmp9, $4  }
0x94: {  	_ = 	snop  }
0x95: {  	[tilespmem:s6+$0x0] =	vst v16  }
0x96: {  	v17 =	vld.idx.msk [tilespmem:v17+s13+$0x0], $0xffff  }
0x97: {  	s2 =	simm.s32 $0x2;
	p0 =	por $0x1, $0x1;
	s10 =	smov.u32 s6;
	v16 =	vadd.s32 v6, v18  }
.LBB2_9:
0x98: {  	v18 =	vmov s2;
	s2 =	sadd.s32 $0x1, s2  }
0x99: {  	v18 =	vperm.xlane v15, v18;
	p1 =	sne.s32 s0, s2  }
0x9a: {  	s10 =	sadd.s32 $0x80, s10  }
0x9b: {  	v19 =	vshll.u32 v18, $0x3;
	[tilespmem:s10+$0xFFFFFFF0] =	vst v17  }
0x9c: {  	v17 =	vand.u32 $0x7F, v18;
	v18 =	vand.u32 $0xFFFFFC00, v19;
	v16 =	vld.idx.msk [tilespmem:v16+s13+$0x0], $0xffff  }
0x9d: {  	v18 =	vor.u32 v17, v18  }
0x9e: {  	v17 =	vadd.s32 v5, v18;
	_ =	sdelay $0x2  }
.Ltmp10:
0x9f: {  	(pc) =	sbr.rel @p1 .LBB2_9-.Ltmp10, $3  }
0xa0: {  	[tilespmem:s10+$0x0] =	vst v16  }
0xa1: {  	v17 =	vld.idx.msk [tilespmem:v17+s13+$0x0], $0xffff;
	_ =	sdelay $0x1  }
0xa2: {  	v16 =	vadd.s32 v6, v18  }
.LBB2_10:
0xa3: {  	_ = 	snop  }
0xa4: {  	s2 =	sadd.s32 @p0 $0x80, s10  }
0xa5: {  	s6 =	smov.u32 @p0 s2  }
0xa6: {  	[tilespmem:s6+$0xFFFFFFF0] =	vst v17  }
0xa7: {  	v15 =	vld.idx.msk [tilespmem:v16+s13+$0x0], $0xffff;
	_ =	sdelay $0x4  }
0xa8: {  	s28 =	sadd.s32 s28, s0;
	[tilespmem:s6+$0x0] =	vst v15  }
.LBB2_11:
0xa9: {  	v15 =	vmpcnt.ones.xlane vm6;
	_ =	sdelay $0x1  }
0xaa: {  	(v2sf) =	vpush v15, $0x0;
	_ =	sdelay $0xe  }
0xab: {  	s0 =	spop (v2sf)  }
0xac: {  	p0 =	slt.s32 s0, $0x1  }
.Ltmp11:
0xad: {  	_ = 	snop;
	(pc) =	sbr.rel @p0 .LBB2_18-.Ltmp11, $1  }
0xae: {  	_ =	sdelay $0x3  }
0xaf: {  	p0 =	slt.s32 s28, $0x30  }
0xb0: {  	(ifvalue) =	ssetifvalue @!p0 $0xFFFFFFFF;
	s2 =	simm.s32 @!p0 $0x40  }
0xb1: {  	s6 =	simm.s32 @!p0 $0x1C000;
	s10 =	simm.s32 @!p0 $0x1A000;
	(ifvalue) =	ssetifvalue @!p0 $0xFFFFFFFF  }
0xb2: {  	[hbm4b:s29+s2] =	stream.indirect.scatter @!p0 [tilespmem:s10], [sflag:$0x2], $0x80, s6, s2, $0x40b8;
	[tilespmem:$0x1D100] =	vst v63  }
0xb3: {  	s2 =	simm.s32 @!p0 $0x2  }
0xb4: {  	_ =	swait.ge @!p0 [sflag:s2], $0x2000  }
0xb5: {  	[sflag:s2] =	ssyncset.done @!p0 $0x0  }
0xb6: {  	v15 =	vimm.s32 @!p0 $0xFFFFFFFF;
	[sflag:s2] =	ssyncadd.s32 @!p0 $0xFFFFE000  }
0xb7: {  	[tilespmem:$0x1C000] =	vst @!p0 v15  }
0xb8: {  	[tilespmem:$0x1C010] =	vst @!p0 v15  }
0xb9: {  	[tilespmem:$0x1C020] =	vst @!p0 v15  }
0xba: {  	v14 =	vsub.s32 v14, v0;
	[tilespmem:$0x1C030] =	vst @!p0 v15  }
0xbb: {  	[tilespmem:s23+$0x0] =	vst.msk vm6, v14  }
0xbc: {  	v14 =	vld [tilespmem:$0x1D080]  }
0xbd: {  	v15 =	vsel vm6, $0x1, v3  }
0xbe: {  	(xrf0) =	vadd.scan.msk.s32 $0xffff, v15  }
0xbf: {  	s10 =	simm.s32 $0x0;
	p0 =	sgt.s32 s28, $0x2F  }
0xc0: {  	s28 =	simm.s32 @p0 $0x0;
	v15 =	vmov s10  }
0xc1: {  	v16 =	vmov s28;
	v15 =	vperm.xlane v14, v15  }
0xc2: {  	v16 =	vadd.s32 $0xFFFFFFFF, v16  }
0xc3: {  	v16 =	vbroadcast v16, $0x0;
	v17 =	vshll.u32 v15, $0x3  }
0xc4: {  	v18, _, _ =	vpop (xrf0);
	v15 =	vand.u32 $0x7F, v15;
	v17 =	vand.u32 $0xFFFFFC00, v17  }
0xc5: {  	v16 =	vadd.s32 v18, v16;
	v15 =	vor.u32 v15, v17  }
0xc6: {  	p1 =	sne.s32 s0, $0x1;
	v17 =	vadd.s32 v5, v15  }
.Ltmp12:
0xc7: {  	_ = 	snop;
	(pc) =	sbr.rel @!p1 .LBB2_13-.Ltmp12, $4  }
0xc8: {  	s6 =	sor.u32 $0x10, s4  }
0xc9: {  	s10 =	sshll.u32 s28, $0x9;
	v18 =	vor.u32 s6, v4  }
0xca: {  	s2 =	sshra.s32 s10, $0x2;
	[tilespmem:v16+s24+$0x0] =	vst.idx.msk vm6, v18  }
0xcb: {  	p0 =	por $0x0, $0x0;
	s10 =	sadd.s32 $0x1A010, s2;
	s2 =	simm.s32 $0x1;
	v15 =	vadd.s32 v6, v15;
	v16 =	vld.idx.msk [tilespmem:v17+s13+$0x0], $0xffff  }
0xcc: {  	v17 =	vmov s2  }
0xcd: {  	v17 =	vperm.xlane v14, v17;
	_ =	sdelay $0x1  }
0xce: {  	v18 =	vshll.u32 v17, $0x3  }
0xcf: {  	[tilespmem:s10+$0xFFFFFFF0] =	vst v16;
	v16 =	vand.u32 $0x7F, v17;
	v17 =	vand.u32 $0xFFFFFC00, v18  }
0xd0: {  	v15 =	vld.idx.msk [tilespmem:v15+s13+$0x0], $0xffff;
	v17 =	vor.u32 v16, v17  }
0xd1: {  	v16 =	vadd.s32 v5, v17  }
0xd2: {  	p1 =	sne.s32 s0, $0x2  }
.Ltmp13:
0xd3: {  	_ = 	snop;
	(pc) =	sbr.rel @!p1 .LBB2_15-.Ltmp13, $4  }
0xd4: {  	_ = 	snop  }
0xd5: {  	[tilespmem:s10+$0x0] =	vst v15  }
0xd6: {  	v16 =	vld.idx.msk [tilespmem:v16+s13+$0x0], $0xffff  }
0xd7: {  	s2 =	simm.s32 $0x2;
	p0 =	por $0x1, $0x1;
	s6 =	smov.u32 s10;
	v15 =	vadd.s32 v6, v17  }
.LBB2_16:
0xd8: {  	v17 =	vmov s2;
	s2 =	sadd.s32 $0x1, s2  }
0xd9: {  	v17 =	vperm.xlane v14, v17;
	p1 =	sne.s32 s0, s2  }
0xda: {  	s6 =	sadd.s32 $0x80, s6  }
0xdb: {  	v18 =	vshll.u32 v17, $0x3;
	[tilespmem:s6+$0xFFFFFFF0] =	vst v16  }
0xdc: {  	v16 =	vand.u32 $0x7F, v17;
	v17 =	vand.u32 $0xFFFFFC00, v18;
	v15 =	vld.idx.msk [tilespmem:v15+s13+$0x0], $0xffff  }
0xdd: {  	v17 =	vor.u32 v16, v17  }
0xde: {  	v16 =	vadd.s32 v5, v17;
	_ =	sdelay $0x2  }
.Ltmp14:
0xdf: {  	(pc) =	sbr.rel @p1 .LBB2_16-.Ltmp14, $3  }
0xe0: {  	[tilespmem:s6+$0x0] =	vst v15  }
0xe1: {  	v16 =	vld.idx.msk [tilespmem:v16+s13+$0x0], $0xffff;
	_ =	sdelay $0x1  }
0xe2: {  	v15 =	vadd.s32 v6, v17  }
.LBB2_17:
0xe3: {  	_ = 	snop  }
0xe4: {  	s2 =	sadd.s32 @p0 $0x80, s6  }
0xe5: {  	s10 =	smov.u32 @p0 s2  }
0xe6: {  	[tilespmem:s10+$0xFFFFFFF0] =	vst v16  }
0xe7: {  	v14 =	vld.idx.msk [tilespmem:v15+s13+$0x0], $0xffff;
	_ =	sdelay $0x4  }
0xe8: {  	s28 =	sadd.s32 s0, s28;
	[tilespmem:s10+$0x0] =	vst v14  }
.LBB2_18:
0xe9: {  	v14 =	vmpcnt.ones.xlane vm5;
	_ =	sdelay $0x1  }
0xea: {  	(v2sf) =	vpush v14, $0x0;
	_ =	sdelay $0xe  }
0xeb: {  	s0 =	spop (v2sf)  }
0xec: {  	p0 =	slt.s32 s0, $0x1  }
.Ltmp15:
0xed: {  	_ = 	snop;
	(pc) =	sbr.rel @p0 .LBB2_25-.Ltmp15, $1  }
0xee: {  	_ =	sdelay $0x3  }
0xef: {  	p0 =	slt.s32 s28, $0x30  }
0xf0: {  	(ifvalue) =	ssetifvalue @!p0 $0xFFFFFFFF;
	s2 =	simm.s32 @!p0 $0x40  }
0xf1: {  	s6 =	simm.s32 @!p0 $0x1C000;
	s10 =	simm.s32 @!p0 $0x1A000;
	(ifvalue) =	ssetifvalue @!p0 $0xFFFFFFFF  }
0xf2: {  	[hbm4b:s29+s2] =	stream.indirect.scatter @!p0 [tilespmem:s10], [sflag:$0x2], $0x80, s6, s2, $0x40b8;
	[tilespmem:$0x1D100] =	vst v63  }
0xf3: {  	s2 =	simm.s32 @!p0 $0x2  }
0xf4: {  	_ =	swait.ge @!p0 [sflag:s2], $0x2000  }
0xf5: {  	[sflag:s2] =	ssyncset.done @!p0 $0x0  }
0xf6: {  	v14 =	vimm.s32 @!p0 $0xFFFFFFFF;
	[sflag:s2] =	ssyncadd.s32 @!p0 $0xFFFFE000  }
0xf7: {  	[tilespmem:$0x1C000] =	vst @!p0 v14  }
0xf8: {  	[tilespmem:$0x1C010] =	vst @!p0 v14  }
0xf9: {  	[tilespmem:$0x1C020] =	vst @!p0 v14  }
0xfa: {  	v13 =	vsub.s32 v13, v0;
	[tilespmem:$0x1C030] =	vst @!p0 v14  }
0xfb: {  	[tilespmem:s23+$0x0] =	vst.msk vm5, v13  }
0xfc: {  	v13 =	vld [tilespmem:$0x1D080]  }
0xfd: {  	v14 =	vsel vm5, $0x1, v3  }
0xfe: {  	(xrf0) =	vadd.scan.msk.s32 $0xffff, v14  }
0xff: {  	s10 =	simm.s32 $0x0;
	p0 =	sgt.s32 s28, $0x2F  }
0x100: {  	s28 =	simm.s32 @p0 $0x0;
	v14 =	vmov s10  }
0x101: {  	v15 =	vmov s28;
	v14 =	vperm.xlane v13, v14  }
0x102: {  	v15 =	vadd.s32 $0xFFFFFFFF, v15  }
0x103: {  	v15 =	vbroadcast v15, $0x0;
	v16 =	vshll.u32 v14, $0x3  }
0x104: {  	v17, _, _ =	vpop (xrf0);
	v14 =	vand.u32 $0x7F, v14;
	v16 =	vand.u32 $0xFFFFFC00, v16  }
0x105: {  	v15 =	vadd.s32 v17, v15;
	v14 =	vor.u32 v14, v16  }
0x106: {  	p1 =	sne.s32 s0, $0x1;
	v16 =	vadd.s32 v5, v14  }
.Ltmp16:
0x107: {  	_ = 	snop;
	(pc) =	sbr.rel @!p1 .LBB2_20-.Ltmp16, $4  }
0x108: {  	s6 =	sor.u32 $0x20, s4  }
0x109: {  	s10 =	sshll.u32 s28, $0x9;
	v17 =	vor.u32 s6, v4  }
0x10a: {  	s2 =	sshra.s32 s10, $0x2;
	[tilespmem:v15+s24+$0x0] =	vst.idx.msk vm5, v17  }
0x10b: {  	p0 =	por $0x0, $0x0;
	s10 =	sadd.s32 $0x1A010, s2;
	s2 =	simm.s32 $0x1;
	v14 =	vadd.s32 v6, v14;
	v15 =	vld.idx.msk [tilespmem:v16+s13+$0x0], $0xffff  }
0x10c: {  	v16 =	vmov s2  }
0x10d: {  	v16 =	vperm.xlane v13, v16;
	_ =	sdelay $0x1  }
0x10e: {  	v17 =	vshll.u32 v16, $0x3  }
0x10f: {  	[tilespmem:s10+$0xFFFFFFF0] =	vst v15;
	v15 =	vand.u32 $0x7F, v16;
	v16 =	vand.u32 $0xFFFFFC00, v17  }
0x110: {  	v14 =	vld.idx.msk [tilespmem:v14+s13+$0x0], $0xffff;
	v16 =	vor.u32 v15, v16  }
0x111: {  	v15 =	vadd.s32 v5, v16  }
0x112: {  	p1 =	sne.s32 s0, $0x2  }
.Ltmp17:
0x113: {  	_ = 	snop;
	(pc) =	sbr.rel @!p1 .LBB2_22-.Ltmp17, $4  }
0x114: {  	_ = 	snop  }
0x115: {  	[tilespmem:s10+$0x0] =	vst v14  }
0x116: {  	v15 =	vld.idx.msk [tilespmem:v15+s13+$0x0], $0xffff  }
0x117: {  	s2 =	simm.s32 $0x2;
	p0 =	por $0x1, $0x1;
	s6 =	smov.u32 s10;
	v14 =	vadd.s32 v6, v16  }
.LBB2_23:
0x118: {  	v16 =	vmov s2;
	s2 =	sadd.s32 $0x1, s2  }
0x119: {  	v16 =	vperm.xlane v13, v16;
	p1 =	sne.s32 s0, s2  }
0x11a: {  	s6 =	sadd.s32 $0x80, s6  }
0x11b: {  	v17 =	vshll.u32 v16, $0x3;
	[tilespmem:s6+$0xFFFFFFF0] =	vst v15  }
0x11c: {  	v15 =	vand.u32 $0x7F, v16;
	v16 =	vand.u32 $0xFFFFFC00, v17;
	v14 =	vld.idx.msk [tilespmem:v14+s13+$0x0], $0xffff  }
0x11d: {  	v16 =	vor.u32 v15, v16  }
0x11e: {  	v15 =	vadd.s32 v5, v16;
	_ =	sdelay $0x2  }
.Ltmp18:
0x11f: {  	(pc) =	sbr.rel @p1 .LBB2_23-.Ltmp18, $3  }
0x120: {  	[tilespmem:s6+$0x0] =	vst v14  }
0x121: {  	v15 =	vld.idx.msk [tilespmem:v15+s13+$0x0], $0xffff;
	_ =	sdelay $0x1  }
0x122: {  	v14 =	vadd.s32 v6, v16  }
.LBB2_24:
0x123: {  	_ = 	snop  }
0x124: {  	s2 =	sadd.s32 @p0 $0x80, s6  }
0x125: {  	s10 =	smov.u32 @p0 s2  }
0x126: {  	[tilespmem:s10+$0xFFFFFFF0] =	vst v15  }
0x127: {  	v13 =	vld.idx.msk [tilespmem:v14+s13+$0x0], $0xffff;
	_ =	sdelay $0x4  }
0x128: {  	s28 =	sadd.s32 s0, s28;
	[tilespmem:s10+$0x0] =	vst v13  }
.LBB2_25:
0x129: {  	v13 =	vmpcnt.ones.xlane vm4;
	_ =	sdelay $0x1  }
0x12a: {  	(v2sf) =	vpush v13, $0x0;
	_ =	sdelay $0xe  }
0x12b: {  	s0 =	spop (v2sf)  }
0x12c: {  	p0 =	slt.s32 s0, $0x1  }
.Ltmp19:
0x12d: {  	_ = 	snop;
	(pc) =	sbr.rel @p0 .LBB2_32-.Ltmp19, $1  }
0x12e: {  	_ =	sdelay $0x3  }
0x12f: {  	p0 =	slt.s32 s28, $0x30  }
0x130: {  	(ifvalue) =	ssetifvalue @!p0 $0xFFFFFFFF;
	s2 =	simm.s32 @!p0 $0x40  }
0x131: {  	s6 =	simm.s32 @!p0 $0x1C000;
	s10 =	simm.s32 @!p0 $0x1A000;
	(ifvalue) =	ssetifvalue @!p0 $0xFFFFFFFF  }
0x132: {  	[hbm4b:s29+s2] =	stream.indirect.scatter @!p0 [tilespmem:s10], [sflag:$0x2], $0x80, s6, s2, $0x40b8;
	[tilespmem:$0x1D100] =	vst v63  }
0x133: {  	s2 =	simm.s32 @!p0 $0x2  }
0x134: {  	_ =	swait.ge @!p0 [sflag:s2], $0x2000  }
0x135: {  	[sflag:s2] =	ssyncset.done @!p0 $0x0  }
0x136: {  	v13 =	vimm.s32 @!p0 $0xFFFFFFFF;
	[sflag:s2] =	ssyncadd.s32 @!p0 $0xFFFFE000  }
0x137: {  	[tilespmem:$0x1C000] =	vst @!p0 v13  }
0x138: {  	[tilespmem:$0x1C010] =	vst @!p0 v13  }
0x139: {  	[tilespmem:$0x1C020] =	vst @!p0 v13  }
0x13a: {  	v12 =	vsub.s32 v12, v0;
	[tilespmem:$0x1C030] =	vst @!p0 v13  }
0x13b: {  	[tilespmem:s23+$0x0] =	vst.msk vm4, v12  }
0x13c: {  	v12 =	vld [tilespmem:$0x1D080]  }
0x13d: {  	v13 =	vsel vm4, $0x1, v3  }
0x13e: {  	(xrf0) =	vadd.scan.msk.s32 $0xffff, v13  }
0x13f: {  	s10 =	simm.s32 $0x0;
	p0 =	sgt.s32 s28, $0x2F  }
0x140: {  	s28 =	simm.s32 @p0 $0x0;
	v13 =	vmov s10  }
0x141: {  	v14 =	vmov s28;
	v13 =	vperm.xlane v12, v13  }
0x142: {  	v14 =	vadd.s32 $0xFFFFFFFF, v14  }
0x143: {  	v14 =	vbroadcast v14, $0x0;
	v15 =	vshll.u32 v13, $0x3  }
0x144: {  	v16, _, _ =	vpop (xrf0);
	v13 =	vand.u32 $0x7F, v13;
	v15 =	vand.u32 $0xFFFFFC00, v15  }
0x145: {  	v14 =	vadd.s32 v16, v14;
	v13 =	vor.u32 v13, v15  }
0x146: {  	p1 =	sne.s32 s0, $0x1;
	v15 =	vadd.s32 v5, v13  }
.Ltmp20:
0x147: {  	_ = 	snop;
	(pc) =	sbr.rel @!p1 .LBB2_27-.Ltmp20, $4  }
0x148: {  	s6 =	sor.u32 $0x30, s4  }
0x149: {  	v63 =	vor.u32 s6, v4;
	s10 =	sshll.u32 s28, $0x9  }
0x14a: {  	s2 =	sshra.s32 s10, $0x2;
	[tilespmem:v14+s24+$0x0] =	vst.idx.msk vm4, v63  }
0x14b: {  	p0 =	por $0x0, $0x0;
	s10 =	sadd.s32 $0x1A010, s2;
	s2 =	simm.s32 $0x1;
	v13 =	vadd.s32 v6, v13;
	v14 =	vld.idx.msk [tilespmem:v15+s13+$0x0], $0xffff  }
0x14c: {  	v15 =	vmov s2  }
0x14d: {  	v15 =	vperm.xlane v12, v15;
	_ =	sdelay $0x1  }
0x14e: {  	v16 =	vshll.u32 v15, $0x3  }
0x14f: {  	[tilespmem:s10+$0xFFFFFFF0] =	vst v14;
	v14 =	vand.u32 $0x7F, v15;
	v15 =	vand.u32 $0xFFFFFC00, v16  }
0x150: {  	v13 =	vld.idx.msk [tilespmem:v13+s13+$0x0], $0xffff;
	v15 =	vor.u32 v14, v15  }
0x151: {  	v14 =	vadd.s32 v5, v15  }
0x152: {  	p1 =	sne.s32 s0, $0x2  }
.Ltmp21:
0x153: {  	_ = 	snop;
	(pc) =	sbr.rel @!p1 .LBB2_29-.Ltmp21, $4  }
0x154: {  	_ = 	snop  }
0x155: {  	[tilespmem:s10+$0x0] =	vst v13  }
0x156: {  	v14 =	vld.idx.msk [tilespmem:v14+s13+$0x0], $0xffff  }
0x157: {  	s2 =	simm.s32 $0x2;
	p0 =	por $0x1, $0x1;
	s6 =	smov.u32 s10;
	v13 =	vadd.s32 v6, v15  }
.LBB2_30:
0x158: {  	v15 =	vmov s2;
	s2 =	sadd.s32 $0x1, s2  }
0x159: {  	v15 =	vperm.xlane v12, v15;
	p1 =	sne.s32 s0, s2  }
0x15a: {  	s6 =	sadd.s32 $0x80, s6  }
0x15b: {  	v16 =	vshll.u32 v15, $0x3;
	[tilespmem:s6+$0xFFFFFFF0] =	vst v14  }
0x15c: {  	v14 =	vand.u32 $0x7F, v15;
	v15 =	vand.u32 $0xFFFFFC00, v16;
	v13 =	vld.idx.msk [tilespmem:v13+s13+$0x0], $0xffff  }
0x15d: {  	v15 =	vor.u32 v14, v15  }
0x15e: {  	v14 =	vadd.s32 v5, v15;
	_ =	sdelay $0x2  }
.Ltmp22:
0x15f: {  	(pc) =	sbr.rel @p1 .LBB2_30-.Ltmp22, $3  }
0x160: {  	[tilespmem:s6+$0x0] =	vst v13  }
0x161: {  	v14 =	vld.idx.msk [tilespmem:v14+s13+$0x0], $0xffff;
	_ =	sdelay $0x1  }
0x162: {  	v13 =	vadd.s32 v6, v15  }
.LBB2_31:
0x163: {  	_ = 	snop  }
0x164: {  	s2 =	sadd.s32 @p0 $0x80, s6  }
0x165: {  	s10 =	smov.u32 @p0 s2  }
0x166: {  	[tilespmem:s10+$0xFFFFFFF0] =	vst v14  }
0x167: {  	v12 =	vld.idx.msk [tilespmem:v13+s13+$0x0], $0xffff;
	_ =	sdelay $0x4  }
0x168: {  	s28 =	sadd.s32 s0, s28;
	[tilespmem:s10+$0x0] =	vst v12  }
.LBB2_32:
0x169: {  	v12 =	vmpcnt.ones.xlane vm3;
	_ =	sdelay $0x1  }
0x16a: {  	(v2sf) =	vpush v12, $0x0;
	_ =	sdelay $0xe  }
0x16b: {  	s0 =	spop (v2sf)  }
0x16c: {  	p0 =	slt.s32 s0, $0x1  }
.Ltmp23:
0x16d: {  	_ = 	snop;
	(pc) =	sbr.rel @p0 .LBB2_39-.Ltmp23, $1  }
0x16e: {  	_ =	sdelay $0x3  }
0x16f: {  	p0 =	slt.s32 s28, $0x30  }
0x170: {  	(ifvalue) =	ssetifvalue @!p0 $0xFFFFFFFF;
	s2 =	simm.s32 @!p0 $0x40  }
0x171: {  	s6 =	simm.s32 @!p0 $0x1C000;
	s10 =	simm.s32 @!p0 $0x1A000;
	(ifvalue) =	ssetifvalue @!p0 $0xFFFFFFFF  }
0x172: {  	[hbm4b:s29+s2] =	stream.indirect.scatter @!p0 [tilespmem:s10], [sflag:$0x2], $0x80, s6, s2, $0x40b8;
	[tilespmem:$0x1D100] =	vst v63  }
0x173: {  	s2 =	simm.s32 @!p0 $0x2  }
0x174: {  	_ =	swait.ge @!p0 [sflag:s2], $0x2000  }
0x175: {  	[sflag:s2] =	ssyncset.done @!p0 $0x0  }
0x176: {  	v12 =	vimm.s32 @!p0 $0xFFFFFFFF;
	[sflag:s2] =	ssyncadd.s32 @!p0 $0xFFFFE000  }
0x177: {  	[tilespmem:$0x1C000] =	vst @!p0 v12  }
0x178: {  	[tilespmem:$0x1C010] =	vst @!p0 v12  }
0x179: {  	[tilespmem:$0x1C020] =	vst @!p0 v12  }
0x17a: {  	v11 =	vsub.s32 v11, v0;
	[tilespmem:$0x1C030] =	vst @!p0 v12  }
0x17b: {  	[tilespmem:s23+$0x0] =	vst.msk vm3, v11  }
0x17c: {  	v11 =	vld [tilespmem:$0x1D080]  }
0x17d: {  	v12 =	vsel vm3, $0x1, v3  }
0x17e: {  	(xrf0) =	vadd.scan.msk.s32 $0xffff, v12  }
0x17f: {  	s10 =	simm.s32 $0x0;
	p0 =	sgt.s32 s28, $0x2F  }
0x180: {  	s28 =	simm.s32 @p0 $0x0;
	v12 =	vmov s10  }
0x181: {  	v13 =	vmov s28;
	v12 =	vperm.xlane v11, v12  }
0x182: {  	v13 =	vadd.s32 $0xFFFFFFFF, v13  }
0x183: {  	v13 =	vbroadcast v13, $0x0;
	v14 =	vshll.u32 v12, $0x3  }
0x184: {  	v15, _, _ =	vpop (xrf0);
	v12 =	vand.u32 $0x7F, v12;
	v14 =	vand.u32 $0xFFFFFC00, v14  }
0x185: {  	v13 =	vadd.s32 v15, v13;
	v12 =	vor.u32 v12, v14  }
0x186: {  	p1 =	sne.s32 s0, $0x1;
	v14 =	vadd.s32 v5, v12  }
.Ltmp24:
0x187: {  	_ = 	snop;
	(pc) =	sbr.rel @!p1 .LBB2_34-.Ltmp24, $4  }
0x188: {  	s6 =	sor.u32 $0x40, s4  }
0x189: {  	s10 =	sshll.u32 s28, $0x9;
	v15 =	vor.u32 s6, v4  }
0x18a: {  	s2 =	sshra.s32 s10, $0x2;
	[tilespmem:v13+s24+$0x0] =	vst.idx.msk vm3, v15  }
0x18b: {  	p0 =	por $0x0, $0x0;
	s10 =	sadd.s32 $0x1A010, s2;
	s2 =	simm.s32 $0x1;
	v12 =	vadd.s32 v6, v12;
	v13 =	vld.idx.msk [tilespmem:v14+s13+$0x0], $0xffff  }
0x18c: {  	v14 =	vmov s2  }
0x18d: {  	v14 =	vperm.xlane v11, v14;
	_ =	sdelay $0x1  }
0x18e: {  	v15 =	vshll.u32 v14, $0x3  }
0x18f: {  	[tilespmem:s10+$0xFFFFFFF0] =	vst v13;
	v13 =	vand.u32 $0x7F, v14;
	v14 =	vand.u32 $0xFFFFFC00, v15  }
0x190: {  	v12 =	vld.idx.msk [tilespmem:v12+s13+$0x0], $0xffff;
	v14 =	vor.u32 v13, v14  }
0x191: {  	v13 =	vadd.s32 v5, v14  }
0x192: {  	p1 =	sne.s32 s0, $0x2  }
.Ltmp25:
0x193: {  	_ = 	snop;
	(pc) =	sbr.rel @!p1 .LBB2_36-.Ltmp25, $4  }
0x194: {  	_ = 	snop  }
0x195: {  	[tilespmem:s10+$0x0] =	vst v12  }
0x196: {  	v13 =	vld.idx.msk [tilespmem:v13+s13+$0x0], $0xffff  }
0x197: {  	s2 =	simm.s32 $0x2;
	p0 =	por $0x1, $0x1;
	s6 =	smov.u32 s10;
	v12 =	vadd.s32 v6, v14  }
.LBB2_37:
0x198: {  	v14 =	vmov s2;
	s2 =	sadd.s32 $0x1, s2  }
0x199: {  	v14 =	vperm.xlane v11, v14;
	p1 =	sne.s32 s0, s2  }
0x19a: {  	s6 =	sadd.s32 $0x80, s6  }
0x19b: {  	v15 =	vshll.u32 v14, $0x3;
	[tilespmem:s6+$0xFFFFFFF0] =	vst v13  }
0x19c: {  	v13 =	vand.u32 $0x7F, v14;
	v14 =	vand.u32 $0xFFFFFC00, v15;
	v12 =	vld.idx.msk [tilespmem:v12+s13+$0x0], $0xffff  }
0x19d: {  	v14 =	vor.u32 v13, v14  }
0x19e: {  	v13 =	vadd.s32 v5, v14;
	_ =	sdelay $0x2  }
.Ltmp26:
0x19f: {  	(pc) =	sbr.rel @p1 .LBB2_37-.Ltmp26, $3  }
0x1a0: {  	[tilespmem:s6+$0x0] =	vst v12  }
0x1a1: {  	v13 =	vld.idx.msk [tilespmem:v13+s13+$0x0], $0xffff;
	_ =	sdelay $0x1  }
0x1a2: {  	v12 =	vadd.s32 v6, v14  }
.LBB2_38:
0x1a3: {  	_ = 	snop  }
0x1a4: {  	s2 =	sadd.s32 @p0 $0x80, s6  }
0x1a5: {  	s10 =	smov.u32 @p0 s2  }
0x1a6: {  	[tilespmem:s10+$0xFFFFFFF0] =	vst v13  }
0x1a7: {  	v11 =	vld.idx.msk [tilespmem:v12+s13+$0x0], $0xffff;
	_ =	sdelay $0x4  }
0x1a8: {  	s28 =	sadd.s32 s0, s28;
	[tilespmem:s10+$0x0] =	vst v11  }
.LBB2_39:
0x1a9: {  	v11 =	vmpcnt.ones.xlane vm2;
	_ =	sdelay $0x1  }
0x1aa: {  	(v2sf) =	vpush v11, $0x0;
	_ =	sdelay $0xe  }
0x1ab: {  	s0 =	spop (v2sf)  }
0x1ac: {  	p0 =	slt.s32 s0, $0x1  }
.Ltmp27:
0x1ad: {  	_ = 	snop;
	(pc) =	sbr.rel @p0 .LBB2_46-.Ltmp27, $1  }
0x1ae: {  	_ =	sdelay $0x3  }
0x1af: {  	p0 =	slt.s32 s28, $0x30  }
0x1b0: {  	(ifvalue) =	ssetifvalue @!p0 $0xFFFFFFFF;
	s2 =	simm.s32 @!p0 $0x40  }
0x1b1: {  	s6 =	simm.s32 @!p0 $0x1C000;
	s10 =	simm.s32 @!p0 $0x1A000;
	(ifvalue) =	ssetifvalue @!p0 $0xFFFFFFFF  }
0x1b2: {  	[hbm4b:s29+s2] =	stream.indirect.scatter @!p0 [tilespmem:s10], [sflag:$0x2], $0x80, s6, s2, $0x40b8;
	[tilespmem:$0x1D100] =	vst v63  }
0x1b3: {  	s2 =	simm.s32 @!p0 $0x2  }
0x1b4: {  	_ =	swait.ge @!p0 [sflag:s2], $0x2000  }
0x1b5: {  	[sflag:s2] =	ssyncset.done @!p0 $0x0  }
0x1b6: {  	v11 =	vimm.s32 @!p0 $0xFFFFFFFF;
	[sflag:s2] =	ssyncadd.s32 @!p0 $0xFFFFE000  }
0x1b7: {  	[tilespmem:$0x1C000] =	vst @!p0 v11  }
0x1b8: {  	[tilespmem:$0x1C010] =	vst @!p0 v11  }
0x1b9: {  	[tilespmem:$0x1C020] =	vst @!p0 v11  }
0x1ba: {  	v10 =	vsub.s32 v10, v0;
	[tilespmem:$0x1C030] =	vst @!p0 v11  }
0x1bb: {  	[tilespmem:s23+$0x0] =	vst.msk vm2, v10  }
0x1bc: {  	v10 =	vld [tilespmem:$0x1D080]  }
0x1bd: {  	v11 =	vsel vm2, $0x1, v3  }
0x1be: {  	(xrf0) =	vadd.scan.msk.s32 $0xffff, v11  }
0x1bf: {  	s10 =	simm.s32 $0x0;
	p0 =	sgt.s32 s28, $0x2F  }
0x1c0: {  	s28 =	simm.s32 @p0 $0x0;
	v11 =	vmov s10  }
0x1c1: {  	v12 =	vmov s28;
	v11 =	vperm.xlane v10, v11  }
0x1c2: {  	v12 =	vadd.s32 $0xFFFFFFFF, v12  }
0x1c3: {  	v12 =	vbroadcast v12, $0x0;
	v13 =	vshll.u32 v11, $0x3  }
0x1c4: {  	v14, _, _ =	vpop (xrf0);
	v11 =	vand.u32 $0x7F, v11;
	v13 =	vand.u32 $0xFFFFFC00, v13  }
0x1c5: {  	v12 =	vadd.s32 v14, v12;
	v11 =	vor.u32 v11, v13  }
0x1c6: {  	p1 =	sne.s32 s0, $0x1;
	v13 =	vadd.s32 v5, v11  }
.Ltmp28:
0x1c7: {  	_ = 	snop;
	(pc) =	sbr.rel @!p1 .LBB2_41-.Ltmp28, $4  }
0x1c8: {  	s6 =	sor.u32 $0x50, s4  }
0x1c9: {  	s10 =	sshll.u32 s28, $0x9;
	v14 =	vor.u32 s6, v4  }
0x1ca: {  	s2 =	sshra.s32 s10, $0x2;
	[tilespmem:v12+s24+$0x0] =	vst.idx.msk vm2, v14  }
0x1cb: {  	p0 =	por $0x0, $0x0;
	s10 =	sadd.s32 $0x1A010, s2;
	s2 =	simm.s32 $0x1;
	v11 =	vadd.s32 v6, v11;
	v12 =	vld.idx.msk [tilespmem:v13+s13+$0x0], $0xffff  }
0x1cc: {  	v13 =	vmov s2  }
0x1cd: {  	v13 =	vperm.xlane v10, v13;
	_ =	sdelay $0x1  }
0x1ce: {  	v14 =	vshll.u32 v13, $0x3  }
0x1cf: {  	[tilespmem:s10+$0xFFFFFFF0] =	vst v12;
	v12 =	vand.u32 $0x7F, v13;
	v13 =	vand.u32 $0xFFFFFC00, v14  }
0x1d0: {  	v11 =	vld.idx.msk [tilespmem:v11+s13+$0x0], $0xffff;
	v13 =	vor.u32 v12, v13  }
0x1d1: {  	v12 =	vadd.s32 v5, v13  }
0x1d2: {  	p1 =	sne.s32 s0, $0x2  }
.Ltmp29:
0x1d3: {  	_ = 	snop;
	(pc) =	sbr.rel @!p1 .LBB2_43-.Ltmp29, $4  }
0x1d4: {  	_ = 	snop  }
0x1d5: {  	[tilespmem:s10+$0x0] =	vst v11  }
0x1d6: {  	v12 =	vld.idx.msk [tilespmem:v12+s13+$0x0], $0xffff  }
0x1d7: {  	s2 =	simm.s32 $0x2;
	p0 =	por $0x1, $0x1;
	s6 =	smov.u32 s10;
	v11 =	vadd.s32 v6, v13  }
.LBB2_44:
0x1d8: {  	v13 =	vmov s2;
	s2 =	sadd.s32 $0x1, s2  }
0x1d9: {  	v13 =	vperm.xlane v10, v13;
	p1 =	sne.s32 s0, s2  }
0x1da: {  	s6 =	sadd.s32 $0x80, s6  }
0x1db: {  	v14 =	vshll.u32 v13, $0x3;
	[tilespmem:s6+$0xFFFFFFF0] =	vst v12  }
0x1dc: {  	v12 =	vand.u32 $0x7F, v13;
	v13 =	vand.u32 $0xFFFFFC00, v14;
	v11 =	vld.idx.msk [tilespmem:v11+s13+$0x0], $0xffff  }
0x1dd: {  	v13 =	vor.u32 v12, v13  }
0x1de: {  	v12 =	vadd.s32 v5, v13;
	_ =	sdelay $0x2  }
.Ltmp30:
0x1df: {  	(pc) =	sbr.rel @p1 .LBB2_44-.Ltmp30, $3  }
0x1e0: {  	[tilespmem:s6+$0x0] =	vst v11  }
0x1e1: {  	v12 =	vld.idx.msk [tilespmem:v12+s13+$0x0], $0xffff;
	_ =	sdelay $0x1  }
0x1e2: {  	v11 =	vadd.s32 v6, v13  }
.LBB2_45:
0x1e3: {  	_ = 	snop  }
0x1e4: {  	s2 =	sadd.s32 @p0 $0x80, s6  }
0x1e5: {  	s10 =	smov.u32 @p0 s2  }
0x1e6: {  	[tilespmem:s10+$0xFFFFFFF0] =	vst v12  }
0x1e7: {  	v10 =	vld.idx.msk [tilespmem:v11+s13+$0x0], $0xffff;
	_ =	sdelay $0x4  }
0x1e8: {  	s28 =	sadd.s32 s0, s28;
	[tilespmem:s10+$0x0] =	vst v10  }
.LBB2_46:
0x1e9: {  	v10 =	vmpcnt.ones.xlane vm1;
	_ =	sdelay $0x1  }
0x1ea: {  	(v2sf) =	vpush v10, $0x0;
	_ =	sdelay $0xe  }
0x1eb: {  	s0 =	spop (v2sf)  }
0x1ec: {  	p0 =	slt.s32 s0, $0x1  }
.Ltmp31:
0x1ed: {  	_ = 	snop;
	(pc) =	sbr.rel @p0 .LBB2_53-.Ltmp31, $1  }
0x1ee: {  	_ =	sdelay $0x3  }
0x1ef: {  	p0 =	slt.s32 s28, $0x30  }
0x1f0: {  	(ifvalue) =	ssetifvalue @!p0 $0xFFFFFFFF;
	s2 =	simm.s32 @!p0 $0x40  }
0x1f1: {  	s6 =	simm.s32 @!p0 $0x1C000;
	s10 =	simm.s32 @!p0 $0x1A000;
	(ifvalue) =	ssetifvalue @!p0 $0xFFFFFFFF  }
0x1f2: {  	[hbm4b:s29+s2] =	stream.indirect.scatter @!p0 [tilespmem:s10], [sflag:$0x2], $0x80, s6, s2, $0x40b8;
	[tilespmem:$0x1D100] =	vst v63  }
0x1f3: {  	s2 =	simm.s32 @!p0 $0x2  }
0x1f4: {  	_ =	swait.ge @!p0 [sflag:s2], $0x2000  }
0x1f5: {  	[sflag:s2] =	ssyncset.done @!p0 $0x0  }
0x1f6: {  	v10 =	vimm.s32 @!p0 $0xFFFFFFFF;
	[sflag:s2] =	ssyncadd.s32 @!p0 $0xFFFFE000  }
0x1f7: {  	[tilespmem:$0x1C000] =	vst @!p0 v10  }
0x1f8: {  	[tilespmem:$0x1C010] =	vst @!p0 v10  }
0x1f9: {  	[tilespmem:$0x1C020] =	vst @!p0 v10  }
0x1fa: {  	v9 =	vsub.s32 v9, v0;
	[tilespmem:$0x1C030] =	vst @!p0 v10  }
0x1fb: {  	[tilespmem:s23+$0x0] =	vst.msk vm1, v9  }
0x1fc: {  	v9 =	vld [tilespmem:$0x1D080]  }
0x1fd: {  	v10 =	vsel vm1, $0x1, v3  }
0x1fe: {  	(xrf0) =	vadd.scan.msk.s32 $0xffff, v10  }
0x1ff: {  	s10 =	simm.s32 $0x0;
	p0 =	sgt.s32 s28, $0x2F  }
0x200: {  	s28 =	simm.s32 @p0 $0x0;
	v10 =	vmov s10  }
0x201: {  	v11 =	vmov s28;
	v10 =	vperm.xlane v9, v10  }
0x202: {  	v11 =	vadd.s32 $0xFFFFFFFF, v11  }
0x203: {  	v11 =	vbroadcast v11, $0x0;
	v12 =	vshll.u32 v10, $0x3  }
0x204: {  	v13, _, _ =	vpop (xrf0);
	v10 =	vand.u32 $0x7F, v10;
	v12 =	vand.u32 $0xFFFFFC00, v12  }
0x205: {  	v11 =	vadd.s32 v13, v11;
	v10 =	vor.u32 v10, v12  }
0x206: {  	p1 =	sne.s32 s0, $0x1;
	v12 =	vadd.s32 v5, v10  }
.Ltmp32:
0x207: {  	_ = 	snop;
	(pc) =	sbr.rel @!p1 .LBB2_48-.Ltmp32, $4  }
0x208: {  	s6 =	sor.u32 $0x60, s4  }
0x209: {  	v63 =	vor.u32 s6, v4;
	s10 =	sshll.u32 s28, $0x9  }
0x20a: {  	s2 =	sshra.s32 s10, $0x2;
	[tilespmem:v11+s24+$0x0] =	vst.idx.msk vm1, v63  }
0x20b: {  	p0 =	por $0x0, $0x0;
	s10 =	sadd.s32 $0x1A010, s2;
	s2 =	simm.s32 $0x1;
	v10 =	vadd.s32 v6, v10;
	v11 =	vld.idx.msk [tilespmem:v12+s13+$0x0], $0xffff  }
0x20c: {  	v12 =	vmov s2  }
0x20d: {  	v12 =	vperm.xlane v9, v12;
	_ =	sdelay $0x1  }
0x20e: {  	v13 =	vshll.u32 v12, $0x3  }
0x20f: {  	[tilespmem:s10+$0xFFFFFFF0] =	vst v11;
	v11 =	vand.u32 $0x7F, v12;
	v63 =	vand.u32 $0xFFFFFC00, v13  }
0x210: {  	v10 =	vld.idx.msk [tilespmem:v10+s13+$0x0], $0xffff;
	v12 =	vor.u32 v11, v63  }
0x211: {  	v11 =	vadd.s32 v5, v12  }
0x212: {  	p1 =	sne.s32 s0, $0x2  }
.Ltmp33:
0x213: {  	_ = 	snop;
	(pc) =	sbr.rel @!p1 .LBB2_50-.Ltmp33, $4  }
0x214: {  	_ = 	snop  }
0x215: {  	[tilespmem:s10+$0x0] =	vst v10  }
0x216: {  	v11 =	vld.idx.msk [tilespmem:v11+s13+$0x0], $0xffff  }
0x217: {  	s2 =	simm.s32 $0x2;
	p0 =	por $0x1, $0x1;
	s6 =	smov.u32 s10;
	v10 =	vadd.s32 v6, v12  }
.LBB2_51:
0x218: {  	v12 =	vmov s2;
	s2 =	sadd.s32 $0x1, s2  }
0x219: {  	v12 =	vperm.xlane v9, v12;
	p1 =	sne.s32 s0, s2  }
0x21a: {  	s6 =	sadd.s32 $0x80, s6  }
0x21b: {  	v13 =	vshll.u32 v12, $0x3;
	[tilespmem:s6+$0xFFFFFFF0] =	vst v11  }
0x21c: {  	v11 =	vand.u32 $0x7F, v12;
	v12 =	vand.u32 $0xFFFFFC00, v13;
	v10 =	vld.idx.msk [tilespmem:v10+s13+$0x0], $0xffff  }
0x21d: {  	v12 =	vor.u32 v11, v12  }
0x21e: {  	v11 =	vadd.s32 v5, v12;
	_ =	sdelay $0x2  }
.Ltmp34:
0x21f: {  	(pc) =	sbr.rel @p1 .LBB2_51-.Ltmp34, $3  }
0x220: {  	[tilespmem:s6+$0x0] =	vst v10  }
0x221: {  	v11 =	vld.idx.msk [tilespmem:v11+s13+$0x0], $0xffff;
	_ =	sdelay $0x1  }
0x222: {  	v10 =	vadd.s32 v6, v12  }
.LBB2_52:
0x223: {  	_ = 	snop  }
0x224: {  	s2 =	sadd.s32 @p0 $0x80, s6  }
0x225: {  	s10 =	smov.u32 @p0 s2  }
0x226: {  	[tilespmem:s10+$0xFFFFFFF0] =	vst v11  }
0x227: {  	v9 =	vld.idx.msk [tilespmem:v10+s13+$0x0], $0xffff;
	_ =	sdelay $0x4  }
0x228: {  	s28 =	sadd.s32 s0, s28;
	[tilespmem:s10+$0x0] =	vst v9  }
.LBB2_53:
0x229: {  	v9 =	vmpcnt.ones.xlane vm0;
	_ =	sdelay $0x1  }
0x22a: {  	(v2sf) =	vpush v9, $0x0;
	_ =	sdelay $0xe  }
0x22b: {  	s0 =	spop (v2sf)  }
0x22c: {  	p0 =	slt.s32 s0, $0x1  }
.Ltmp35:
0x22d: {  	_ = 	snop;
	(pc) =	sbr.rel @p0 .LBB2_60-.Ltmp35, $1  }
0x22e: {  	_ =	sdelay $0x3  }
0x22f: {  	p0 =	slt.s32 s28, $0x30  }
0x230: {  	(ifvalue) =	ssetifvalue @!p0 $0xFFFFFFFF;
	s2 =	simm.s32 @!p0 $0x40  }
0x231: {  	s6 =	simm.s32 @!p0 $0x1C000;
	s10 =	simm.s32 @!p0 $0x1A000;
	(ifvalue) =	ssetifvalue @!p0 $0xFFFFFFFF  }
0x232: {  	[hbm4b:s29+s2] =	stream.indirect.scatter @!p0 [tilespmem:s10], [sflag:$0x2], $0x80, s6, s2, $0x40b8;
	[tilespmem:$0x1D100] =	vst v63  }
0x233: {  	s2 =	simm.s32 @!p0 $0x2  }
0x234: {  	_ =	swait.ge @!p0 [sflag:s2], $0x2000  }
0x235: {  	[sflag:s2] =	ssyncset.done @!p0 $0x0  }
0x236: {  	v9 =	vimm.s32 @!p0 $0xFFFFFFFF;
	[sflag:s2] =	ssyncadd.s32 @!p0 $0xFFFFE000  }
0x237: {  	[tilespmem:$0x1C000] =	vst @!p0 v9  }
0x238: {  	[tilespmem:$0x1C010] =	vst @!p0 v9  }
0x239: {  	[tilespmem:$0x1C020] =	vst @!p0 v9  }
0x23a: {  	v8 =	vsub.s32 v8, v0;
	[tilespmem:$0x1C030] =	vst @!p0 v9  }
0x23b: {  	[tilespmem:s23+$0x0] =	vst.msk vm0, v8  }
0x23c: {  	v8 =	vld [tilespmem:$0x1D080]  }
0x23d: {  	v9 =	vsel vm0, $0x1, v3  }
0x23e: {  	(xrf0) =	vadd.scan.msk.s32 $0xffff, v9  }
0x23f: {  	s10 =	simm.s32 $0x0;
	p0 =	sgt.s32 s28, $0x2F  }
0x240: {  	s28 =	simm.s32 @p0 $0x0;
	v9 =	vmov s10  }
0x241: {  	v10 =	vmov s28;
	v9 =	vperm.xlane v8, v9  }
0x242: {  	v10 =	vadd.s32 $0xFFFFFFFF, v10  }
0x243: {  	v10 =	vbroadcast v10, $0x0;
	v11 =	vshll.u32 v9, $0x3  }
0x244: {  	v12, _, _ =	vpop (xrf0);
	v9 =	vand.u32 $0x7F, v9;
	v11 =	vand.u32 $0xFFFFFC00, v11  }
0x245: {  	v10 =	vadd.s32 v12, v10;
	v9 =	vor.u32 v9, v11  }
0x246: {  	v11 =	vadd.s32 v5, v9  }
0x247: {  	p1 =	sne.s32 s0, $0x1  }
.Ltmp36:
0x248: {  	s6 =	sor.u32 $0x70, s4;
	(pc) =	sbr.rel @!p1 .LBB2_55-.Ltmp36, $4  }
0x249: {  	v63 =	vor.u32 s6, v4  }
0x24a: {  	s10 =	sshll.u32 s28, $0x9;
	[tilespmem:v10+s24+$0x0] =	vst.idx.msk vm0, v63  }
0x24b: {  	s2 =	sshra.s32 s10, $0x2;
	v10 =	vld.idx.msk [tilespmem:v11+s13+$0x0], $0xffff  }
0x24c: {  	p0 =	por $0x0, $0x0;
	s4 =	sadd.s32 $0x1A010, s2;
	s2 =	simm.s32 $0x1;
	v9 =	vadd.s32 v6, v9  }
0x24d: {  	v11 =	vmov s2  }
0x24e: {  	v11 =	vperm.xlane v8, v11;
	_ =	sdelay $0x1  }
0x24f: {  	v12 =	vshll.u32 v11, $0x3  }
0x250: {  	[tilespmem:s4+$0xFFFFFFF0] =	vst v10;
	v10 =	vand.u32 $0x7F, v11;
	v11 =	vand.u32 $0xFFFFFC00, v12  }
0x251: {  	v9 =	vld.idx.msk [tilespmem:v9+s13+$0x0], $0xffff;
	v11 =	vor.u32 v10, v11  }
0x252: {  	v10 =	vadd.s32 v5, v11  }
0x253: {  	p1 =	sne.s32 s0, $0x2  }
.Ltmp37:
0x254: {  	_ = 	snop;
	(pc) =	sbr.rel @!p1 .LBB2_57-.Ltmp37, $4  }
0x255: {  	_ = 	snop  }
0x256: {  	[tilespmem:s4+$0x0] =	vst v9  }
0x257: {  	v10 =	vld.idx.msk [tilespmem:v10+s13+$0x0], $0xffff  }
0x258: {  	s2 =	simm.s32 $0x2;
	p0 =	por $0x1, $0x1;
	s6 =	smov.u32 s4;
	v9 =	vadd.s32 v6, v11  }
.LBB2_58:
0x259: {  	v11 =	vmov s2;
	s2 =	sadd.s32 $0x1, s2  }
0x25a: {  	v11 =	vperm.xlane v8, v11;
	p1 =	sne.s32 s0, s2  }
0x25b: {  	s6 =	sadd.s32 $0x80, s6  }
0x25c: {  	v12 =	vshll.u32 v11, $0x3;
	[tilespmem:s6+$0xFFFFFFF0] =	vst v10  }
0x25d: {  	v10 =	vand.u32 $0x7F, v11;
	v11 =	vand.u32 $0xFFFFFC00, v12;
	v9 =	vld.idx.msk [tilespmem:v9+s13+$0x0], $0xffff  }
0x25e: {  	v11 =	vor.u32 v10, v11  }
0x25f: {  	v10 =	vadd.s32 v5, v11;
	_ =	sdelay $0x2  }
.Ltmp38:
0x260: {  	(pc) =	sbr.rel @p1 .LBB2_58-.Ltmp38, $3  }
0x261: {  	[tilespmem:s6+$0x0] =	vst v9  }
0x262: {  	v10 =	vld.idx.msk [tilespmem:v10+s13+$0x0], $0xffff;
	_ =	sdelay $0x1  }
0x263: {  	v9 =	vadd.s32 v6, v11  }
.Ltmp39:
0x264: {  	_ = 	snop;
	(pc) =	sbr.rel .LBB2_59-.Ltmp39, $1  }
0x265: {  	_ =	sdelay $0x3  }
.LBB2_6:
.Ltmp40:
0x266: {  	(pc) =	sbr.rel .LBB2_10-.Ltmp40, $2  }
0x267: {  	_ =	sdelay $0x2  }
0x268: {  	s10 =	smov.u32 s6  }
.LBB2_13:
.Ltmp41:
0x269: {  	(pc) =	sbr.rel .LBB2_17-.Ltmp41, $2  }
0x26a: {  	_ =	sdelay $0x2  }
0x26b: {  	s6 =	smov.u32 s10  }
.LBB2_20:
.Ltmp42:
0x26c: {  	(pc) =	sbr.rel .LBB2_24-.Ltmp42, $2  }
0x26d: {  	_ =	sdelay $0x2  }
0x26e: {  	s6 =	smov.u32 s10  }
.LBB2_27:
.Ltmp43:
0x26f: {  	(pc) =	sbr.rel .LBB2_31-.Ltmp43, $2  }
0x270: {  	_ =	sdelay $0x2  }
0x271: {  	s6 =	smov.u32 s10  }
.LBB2_34:
.Ltmp44:
0x272: {  	(pc) =	sbr.rel .LBB2_38-.Ltmp44, $2  }
0x273: {  	_ =	sdelay $0x2  }
0x274: {  	s6 =	smov.u32 s10  }
.LBB2_41:
.Ltmp45:
0x275: {  	(pc) =	sbr.rel .LBB2_45-.Ltmp45, $2  }
0x276: {  	_ =	sdelay $0x2  }
0x277: {  	s6 =	smov.u32 s10  }
.LBB2_48:
.Ltmp46:
0x278: {  	(pc) =	sbr.rel .LBB2_52-.Ltmp46, $2  }
0x279: {  	_ =	sdelay $0x2  }
0x27a: {  	s6 =	smov.u32 s10  }
.LBB2_8:
.Ltmp47:
0x27b: {  	(pc) =	sbr.rel .LBB2_10-.Ltmp47, $2  }
0x27c: {  	_ =	sdelay $0x2  }
0x27d: {  	s10 =	smov.u32 s6  }
.LBB2_15:
.Ltmp48:
0x27e: {  	(pc) =	sbr.rel .LBB2_17-.Ltmp48, $2  }
0x27f: {  	_ =	sdelay $0x2  }
0x280: {  	s6 =	smov.u32 s10  }
.LBB2_22:
.Ltmp49:
0x281: {  	(pc) =	sbr.rel .LBB2_24-.Ltmp49, $2  }
0x282: {  	_ =	sdelay $0x2  }
0x283: {  	s6 =	smov.u32 s10  }
.LBB2_29:
.Ltmp50:
0x284: {  	(pc) =	sbr.rel .LBB2_31-.Ltmp50, $2  }
0x285: {  	_ =	sdelay $0x2  }
0x286: {  	s6 =	smov.u32 s10  }
.LBB2_36:
.Ltmp51:
0x287: {  	(pc) =	sbr.rel .LBB2_38-.Ltmp51, $2  }
0x288: {  	_ =	sdelay $0x2  }
0x289: {  	s6 =	smov.u32 s10  }
.LBB2_43:
.Ltmp52:
0x28a: {  	(pc) =	sbr.rel .LBB2_45-.Ltmp52, $2  }
0x28b: {  	_ =	sdelay $0x2  }
0x28c: {  	s6 =	smov.u32 s10  }
.LBB2_50:
.Ltmp53:
0x28d: {  	(pc) =	sbr.rel .LBB2_52-.Ltmp53, $2  }
0x28e: {  	_ =	sdelay $0x2  }
0x28f: {  	s6 =	smov.u32 s10  }
.LBB2_57:
.Ltmp54:
0x290: {  	(pc) =	sbr.rel .LBB2_59-.Ltmp54, $2  }
0x291: {  	_ =	sdelay $0x2  }
0x292: {  	s6 =	smov.u32 s4  }
.LBB2_61:
0x293: {  	p0 =	sne.s32 s26, s1  }
.Ltmp55:
0x294: {  	_ = 	snop;
	(pc) =	sbr.rel @p0 .LBB2_97-.Ltmp55, $1  }
0x295: {  	_ =	sdelay $0x3  }
.Ltmp56:
0x296: {  	s0 =	sadd.s32 s7, s30;
	s4 =	simm.s32 $0x0;
	(pc) =	sbr.rel .LBB2_63-.Ltmp56, $4  }
0x297: {  	[tilespmem:s25], [sflag:$0x3] =	stream.linear.gather [hbm4b:s0+s4], $0x1000, $0x38;
	[tilespmem:$0x1D100] =	vst v63  }
0x298: {  	_ =	swait.ge [sflag:s12], $0x1000  }
0x299: {  	[sflag:s12] =	ssyncset.done $0x0  }
0x29a: {  	[sflag:s12] =	ssyncadd.s32 $0xFFFFF000  }
.LBB2_95:
0x29b: {  	_ =	sdelay $0x2  }
0x29c: {  	[tilespmem:s6+$0xFFFFFFF0] =	vst v11  }
0x29d: {  	v8 =	vld.idx.msk [tilespmem:v10+s25+$0x0], $0xffff;
	_ =	sdelay $0x4  }
0x29e: {  	s28 =	sadd.s32 s0, s28;
	[tilespmem:s6+$0x0] =	vst v8  }
.LBB2_96:
0x29f: {  	s4 =	sadd.s32 $0x1, s4  }
0x2a0: {  	p0 =	sne.s32 s4, $0x20  }
.Ltmp57:
0x2a1: {  	_ = 	snop;
	(pc) =	sbr.rel @!p0 .LBB2_97-.Ltmp57, $1  }
0x2a2: {  	_ =	sdelay $0x3  }
.LBB2_63:
0x2a3: {  	s30 =	sshll.u32 s4, $0x7  }
0x2a4: {  	s0 =	sand.u32 $0x3FFFFF80, s30  }
0x2a5: {  	v15 =	vld [tilespmem:s0+$0x0]  }
0x2a6: {  	v14 =	vld [tilespmem:s0+$0x10]  }
0x2a7: {  	v13 =	vld [tilespmem:s0+$0x20]  }
0x2a8: {  	v12 =	vld [tilespmem:s0+$0x30]  }
0x2a9: {  	v11 =	vld [tilespmem:s0+$0x40]  }
0x2aa: {  	v10 =	vld [tilespmem:s0+$0x50]  }
0x2ab: {  	v9 =	vld [tilespmem:s0+$0x60];
	v8 =	vand.u32 $0xFFFFFFE0, v15;
	v16 =	vand.u32 $0xFFFFFFE0, v14  }
0x2ac: {  	vm7 =	veq.s32 v8, $0x18680;
	vm6 =	veq.s32 v16, $0x18680;
	v16 =	vand.u32 $0xFFFFFFE0, v13;
	v8 =	vld [tilespmem:s0+$0x70]  }
0x2ad: {  	vm5 =	veq.s32 v16, $0x18680;
	v16 =	vand.u32 $0xFFFFFFE0, v12;
	vm0 =	vmor vm7, vm6  }
0x2ae: {  	vm4 =	veq.s32 v16, $0x18680;
	v16 =	vand.u32 $0xFFFFFFE0, v11;
	vm0 =	vmor vm0, vm5  }
0x2af: {  	vm3 =	veq.s32 v16, $0x18680;
	v16 =	vand.u32 $0xFFFFFFE0, v10;
	vm0 =	vmor vm0, vm4  }
0x2b0: {  	vm2 =	veq.s32 v16, $0x18680;
	v16 =	vand.u32 $0xFFFFFFE0, v9;
	vm0 =	vmor vm0, vm3  }
0x2b1: {  	vm1 =	veq.s32 v16, $0x18680;
	v16 =	vand.u32 $0xFFFFFFE0, v8;
	vm8 =	vmor vm0, vm2  }
0x2b2: {  	vm0 =	veq.s32 v16, $0x18680;
	vm8 =	vmor vm8, vm1  }
0x2b3: {  	vm8 =	vmor vm8, vm0  }
0x2b4: {  	v16 =	vmpcnt.ones.xlane vm8;
	_ =	sdelay $0x1  }
0x2b5: {  	(v2sf) =	vpush v16, $0x0;
	_ =	sdelay $0xe  }
0x2b6: {  	s31 =	spop (v2sf)  }
0x2b7: {  	p0 =	slt.s32 s31, $0x1  }
.Ltmp58:
0x2b8: {  	_ = 	snop;
	(pc) =	sbr.rel @p0 .LBB2_96-.Ltmp58, $1  }
0x2b9: {  	_ =	sdelay $0x3  }
0x2ba: {  	v16 =	vmpcnt.ones.xlane vm7;
	_ =	sdelay $0x1  }
0x2bb: {  	(v2sf) =	vpush v16, $0x0;
	_ =	sdelay $0xe  }
0x2bc: {  	s0 =	spop (v2sf)  }
0x2bd: {  	p0 =	slt.s32 s0, $0x1  }
.Ltmp59:
0x2be: {  	_ = 	snop;
	(pc) =	sbr.rel @p0 .LBB2_68-.Ltmp59, $1  }
0x2bf: {  	_ =	sdelay $0x3  }
0x2c0: {  	p0 =	slt.s32 s28, $0x30  }
0x2c1: {  	(ifvalue) =	ssetifvalue @!p0 $0xFFFFFFFF;
	s2 =	simm.s32 @!p0 $0x40  }
0x2c2: {  	s6 =	simm.s32 @!p0 $0x1C000;
	s10 =	simm.s32 @!p0 $0x1A000;
	(ifvalue) =	ssetifvalue @!p0 $0xFFFFFFFF  }
0x2c3: {  	[hbm4b:s11+s2] =	stream.indirect.scatter @!p0 [tilespmem:s10], [sflag:$0x2], $0x80, s6, s2, $0x40b8;
	[tilespmem:$0x1D100] =	vst v63  }
0x2c4: {  	s2 =	simm.s32 @!p0 $0x2  }
0x2c5: {  	_ =	swait.ge @!p0 [sflag:s2], $0x2000  }
0x2c6: {  	[sflag:s2] =	ssyncset.done @!p0 $0x0  }
0x2c7: {  	v16 =	vimm.s32 @!p0 $0xFFFFFFFF;
	[sflag:s2] =	ssyncadd.s32 @!p0 $0xFFFFE000  }
0x2c8: {  	[tilespmem:$0x1C000] =	vst @!p0 v16  }
0x2c9: {  	[tilespmem:$0x1C010] =	vst @!p0 v16  }
0x2ca: {  	[tilespmem:$0x1C020] =	vst @!p0 v16  }
0x2cb: {  	v15 =	vadd.s32 $0xFFFE7980, v15;
	[tilespmem:$0x1C030] =	vst @!p0 v16;
	v16 =	vsel vm7, $0x1, v3  }
0x2cc: {  	[tilespmem:s23+$0x0] =	vst.msk vm7, v15;
	(xrf0) =	vadd.scan.msk.s32 $0xffff, v16  }
0x2cd: {  	p0 =	sgt.s32 s28, $0x2F;
	v15 =	vld [tilespmem:$0x1D080]  }
0x2ce: {  	s28 =	simm.s32 @p0 $0x0  }
0x2cf: {  	v16 =	vmov s28  }
0x2d0: {  	s10 =	simm.s32 $0x0;
	v16 =	vadd.s32 $0xFFFFFFFF, v16  }
0x2d1: {  	v17 =	vmov s10;
	v16 =	vbroadcast v16, $0x0  }
0x2d2: {  	v18, _, _ =	vpop (xrf0);
	v17 =	vperm.xlane v15, v17  }
0x2d3: {  	v16 =	vadd.s32 v18, v16  }
0x2d4: {  	v18 =	vadd.s32 v7, v17;
	_ =	sdelay $0x2  }
0x2d5: {  	v19 =	vor.u32 s30, v4  }
0x2d6: {  	p0 =	sne.s32 s0, $0x1;
	[tilespmem:v16+s24+$0x0] =	vst.idx.msk vm7, v19  }
.Ltmp60:
0x2d7: {  	v16 =	vor.u32 $0x800, v7;
	v18 =	vld.idx.msk [tilespmem:v18+s25+$0x0], $0xffff;
	(pc) =	sbr.rel @!p0 .LBB2_67-.Ltmp60, $4  }
0x2d8: {  	v17 =	vadd.s32 v16, v17  }
0x2d9: {  	s31 =	sshll.u32 s28, $0x9  }
0x2da: {  	s2 =	sshra.s32 s31, $0x2  }
0x2db: {  	s6 =	sadd.s32 $0x1A010, s2;
	s2 =	simm.s32 $0x1  }
.LBB2_66:
0x2dc: {  	v19 =	vmov s2;
	s2 =	sadd.s32 $0x1, s2;
	[tilespmem:s6+$0xFFFFFFF0] =	vst v18  }
0x2dd: {  	v19 =	vperm.xlane v15, v19;
	p0 =	sne.s32 s0, s2;
	v17 =	vld.idx.msk [tilespmem:v17+s25+$0x0], $0xffff;
	_ =	sdelay $0x1  }
0x2de: {  	v18 =	vadd.s32 v7, v19;
	_ =	sdelay $0x3  }
0x2df: {  	[tilespmem:s6+$0x0] =	vst v17  }
0x2e0: {  	v18 =	vld.idx.msk [tilespmem:v18+s25+$0x0], $0xffff  }
.Ltmp61:
0x2e1: {  	(pc) =	sbr.rel @p0 .LBB2_66-.Ltmp61, $2  }
0x2e2: {  	v17 =	vadd.s32 v16, v19;
	_ =	sdelay $0x2  }
0x2e3: {  	s6 =	sadd.s32 $0x80, s6  }
.LBB2_67:
0x2e4: {  	_ =	sdelay $0x2  }
0x2e5: {  	[tilespmem:s6+$0xFFFFFFF0] =	vst v18  }
0x2e6: {  	v15 =	vld.idx.msk [tilespmem:v17+s25+$0x0], $0xffff;
	_ =	sdelay $0x4  }
0x2e7: {  	s28 =	sadd.s32 s28, s0;
	[tilespmem:s6+$0x0] =	vst v15  }
.LBB2_68:
0x2e8: {  	v15 =	vmpcnt.ones.xlane vm6;
	_ =	sdelay $0x1  }
0x2e9: {  	(v2sf) =	vpush v15, $0x0;
	_ =	sdelay $0xe  }
0x2ea: {  	s0 =	spop (v2sf)  }
0x2eb: {  	p0 =	slt.s32 s0, $0x1  }
.Ltmp62:
0x2ec: {  	_ = 	snop;
	(pc) =	sbr.rel @p0 .LBB2_72-.Ltmp62, $1  }
0x2ed: {  	_ =	sdelay $0x3  }
0x2ee: {  	p0 =	slt.s32 s28, $0x30  }
0x2ef: {  	(ifvalue) =	ssetifvalue @!p0 $0xFFFFFFFF;
	s2 =	simm.s32 @!p0 $0x40  }
0x2f0: {  	s6 =	simm.s32 @!p0 $0x1C000;
	s10 =	simm.s32 @!p0 $0x1A000;
	(ifvalue) =	ssetifvalue @!p0 $0xFFFFFFFF  }
0x2f1: {  	[hbm4b:s11+s2] =	stream.indirect.scatter @!p0 [tilespmem:s10], [sflag:$0x2], $0x80, s6, s2, $0x40b8;
	[tilespmem:$0x1D100] =	vst v63  }
0x2f2: {  	s2 =	simm.s32 @!p0 $0x2  }
0x2f3: {  	_ =	swait.ge @!p0 [sflag:s2], $0x2000  }
0x2f4: {  	[sflag:s2] =	ssyncset.done @!p0 $0x0  }
0x2f5: {  	v15 =	vimm.s32 @!p0 $0xFFFFFFFF;
	[sflag:s2] =	ssyncadd.s32 @!p0 $0xFFFFE000  }
0x2f6: {  	[tilespmem:$0x1C000] =	vst @!p0 v15  }
0x2f7: {  	[tilespmem:$0x1C010] =	vst @!p0 v15  }
0x2f8: {  	[tilespmem:$0x1C020] =	vst @!p0 v15  }
0x2f9: {  	v14 =	vadd.s32 $0xFFFE7980, v14;
	[tilespmem:$0x1C030] =	vst @!p0 v15;
	v15 =	vsel vm6, $0x1, v3  }
0x2fa: {  	[tilespmem:s23+$0x0] =	vst.msk vm6, v14;
	(xrf0) =	vadd.scan.msk.s32 $0xffff, v15  }
0x2fb: {  	p0 =	sgt.s32 s28, $0x2F;
	v14 =	vld [tilespmem:$0x1D080]  }
0x2fc: {  	s28 =	simm.s32 @p0 $0x0  }
0x2fd: {  	v15 =	vmov s28  }
0x2fe: {  	s6 =	simm.s32 $0x0;
	v15 =	vadd.s32 $0xFFFFFFFF, v15  }
0x2ff: {  	v16 =	vmov s6;
	v15 =	vbroadcast v15, $0x0  }
0x300: {  	v17, _, _ =	vpop (xrf0);
	v16 =	vperm.xlane v14, v16  }
0x301: {  	v15 =	vadd.s32 v17, v15  }
0x302: {  	v17 =	vadd.s32 v7, v16;
	_ =	sdelay $0x1  }
0x303: {  	s10 =	sor.u32 $0x10, s30  }
0x304: {  	v18 =	vor.u32 s10, v4  }
0x305: {  	p0 =	sne.s32 s0, $0x1;
	[tilespmem:v15+s24+$0x0] =	vst.idx.msk vm6, v18  }
.Ltmp63:
0x306: {  	v15 =	vor.u32 $0x800, v7;
	v17 =	vld.idx.msk [tilespmem:v17+s25+$0x0], $0xffff;
	(pc) =	sbr.rel @!p0 .LBB2_71-.Ltmp63, $4  }
0x307: {  	v16 =	vadd.s32 v15, v16  }
0x308: {  	s31 =	sshll.u32 s28, $0x9  }
0x309: {  	s2 =	sshra.s32 s31, $0x2  }
0x30a: {  	s6 =	sadd.s32 $0x1A010, s2;
	s2 =	simm.s32 $0x1  }
.LBB2_70:
0x30b: {  	v18 =	vmov s2;
	s2 =	sadd.s32 $0x1, s2;
	[tilespmem:s6+$0xFFFFFFF0] =	vst v17  }
0x30c: {  	v18 =	vperm.xlane v14, v18;
	p0 =	sne.s32 s0, s2;
	v16 =	vld.idx.msk [tilespmem:v16+s25+$0x0], $0xffff;
	_ =	sdelay $0x1  }
0x30d: {  	v17 =	vadd.s32 v7, v18;
	_ =	sdelay $0x3  }
0x30e: {  	[tilespmem:s6+$0x0] =	vst v16  }
0x30f: {  	v17 =	vld.idx.msk [tilespmem:v17+s25+$0x0], $0xffff  }
.Ltmp64:
0x310: {  	(pc) =	sbr.rel @p0 .LBB2_70-.Ltmp64, $2  }
0x311: {  	v16 =	vadd.s32 v15, v18;
	_ =	sdelay $0x2  }
0x312: {  	s6 =	sadd.s32 $0x80, s6  }
.LBB2_71:
0x313: {  	_ =	sdelay $0x2  }
0x314: {  	[tilespmem:s6+$0xFFFFFFF0] =	vst v17  }
0x315: {  	v14 =	vld.idx.msk [tilespmem:v16+s25+$0x0], $0xffff;
	_ =	sdelay $0x4  }
0x316: {  	s28 =	sadd.s32 s0, s28;
	[tilespmem:s6+$0x0] =	vst v14  }
.LBB2_72:
0x317: {  	v14 =	vmpcnt.ones.xlane vm5;
	_ =	sdelay $0x1  }
0x318: {  	(v2sf) =	vpush v14, $0x0;
	_ =	sdelay $0xe  }
0x319: {  	s0 =	spop (v2sf)  }
0x31a: {  	p0 =	slt.s32 s0, $0x1  }
.Ltmp65:
0x31b: {  	_ = 	snop;
	(pc) =	sbr.rel @p0 .LBB2_76-.Ltmp65, $1  }
0x31c: {  	_ =	sdelay $0x3  }
0x31d: {  	p0 =	slt.s32 s28, $0x30  }
0x31e: {  	(ifvalue) =	ssetifvalue @!p0 $0xFFFFFFFF;
	s2 =	simm.s32 @!p0 $0x40  }
0x31f: {  	s6 =	simm.s32 @!p0 $0x1C000;
	s10 =	simm.s32 @!p0 $0x1A000;
	(ifvalue) =	ssetifvalue @!p0 $0xFFFFFFFF  }
0x320: {  	[hbm4b:s11+s2] =	stream.indirect.scatter @!p0 [tilespmem:s10], [sflag:$0x2], $0x80, s6, s2, $0x40b8;
	[tilespmem:$0x1D100] =	vst v63  }
0x321: {  	s2 =	simm.s32 @!p0 $0x2  }
0x322: {  	_ =	swait.ge @!p0 [sflag:s2], $0x2000  }
0x323: {  	[sflag:s2] =	ssyncset.done @!p0 $0x0  }
0x324: {  	v14 =	vimm.s32 @!p0 $0xFFFFFFFF;
	[sflag:s2] =	ssyncadd.s32 @!p0 $0xFFFFE000  }
0x325: {  	[tilespmem:$0x1C000] =	vst @!p0 v14  }
0x326: {  	[tilespmem:$0x1C010] =	vst @!p0 v14  }
0x327: {  	[tilespmem:$0x1C020] =	vst @!p0 v14  }
0x328: {  	v13 =	vadd.s32 $0xFFFE7980, v13;
	[tilespmem:$0x1C030] =	vst @!p0 v14;
	v14 =	vsel vm5, $0x1, v3  }
0x329: {  	[tilespmem:s23+$0x0] =	vst.msk vm5, v13;
	(xrf0) =	vadd.scan.msk.s32 $0xffff, v14  }
0x32a: {  	p0 =	sgt.s32 s28, $0x2F;
	v13 =	vld [tilespmem:$0x1D080]  }
0x32b: {  	s28 =	simm.s32 @p0 $0x0  }
0x32c: {  	v14 =	vmov s28  }
0x32d: {  	s6 =	simm.s32 $0x0;
	v14 =	vadd.s32 $0xFFFFFFFF, v14  }
0x32e: {  	v15 =	vmov s6;
	v14 =	vbroadcast v14, $0x0  }
0x32f: {  	v16, _, _ =	vpop (xrf0);
	v15 =	vperm.xlane v13, v15  }
0x330: {  	v14 =	vadd.s32 v16, v14  }
0x331: {  	v16 =	vadd.s32 v7, v15;
	_ =	sdelay $0x1  }
0x332: {  	s10 =	sor.u32 $0x20, s30  }
0x333: {  	v17 =	vor.u32 s10, v4  }
0x334: {  	p0 =	sne.s32 s0, $0x1;
	[tilespmem:v14+s24+$0x0] =	vst.idx.msk vm5, v17  }
.Ltmp66:
0x335: {  	v14 =	vor.u32 $0x800, v7;
	v16 =	vld.idx.msk [tilespmem:v16+s25+$0x0], $0xffff;
	(pc) =	sbr.rel @!p0 .LBB2_75-.Ltmp66, $4  }
0x336: {  	v15 =	vadd.s32 v14, v15  }
0x337: {  	s31 =	sshll.u32 s28, $0x9  }
0x338: {  	s2 =	sshra.s32 s31, $0x2  }
0x339: {  	s6 =	sadd.s32 $0x1A010, s2;
	s2 =	simm.s32 $0x1  }
.LBB2_74:
0x33a: {  	v17 =	vmov s2;
	s2 =	sadd.s32 $0x1, s2;
	[tilespmem:s6+$0xFFFFFFF0] =	vst v16  }
0x33b: {  	v17 =	vperm.xlane v13, v17;
	p0 =	sne.s32 s0, s2;
	v15 =	vld.idx.msk [tilespmem:v15+s25+$0x0], $0xffff;
	_ =	sdelay $0x1  }
0x33c: {  	v16 =	vadd.s32 v7, v17;
	_ =	sdelay $0x3  }
0x33d: {  	[tilespmem:s6+$0x0] =	vst v15  }
0x33e: {  	v16 =	vld.idx.msk [tilespmem:v16+s25+$0x0], $0xffff  }
.Ltmp67:
0x33f: {  	(pc) =	sbr.rel @p0 .LBB2_74-.Ltmp67, $2  }
0x340: {  	v15 =	vadd.s32 v14, v17;
	_ =	sdelay $0x2  }
0x341: {  	s6 =	sadd.s32 $0x80, s6  }
.LBB2_75:
0x342: {  	_ =	sdelay $0x2  }
0x343: {  	[tilespmem:s6+$0xFFFFFFF0] =	vst v16  }
0x344: {  	v13 =	vld.idx.msk [tilespmem:v15+s25+$0x0], $0xffff;
	_ =	sdelay $0x4  }
0x345: {  	s28 =	sadd.s32 s0, s28;
	[tilespmem:s6+$0x0] =	vst v13  }
.LBB2_76:
0x346: {  	v13 =	vmpcnt.ones.xlane vm4;
	_ =	sdelay $0x1  }
0x347: {  	(v2sf) =	vpush v13, $0x0;
	_ =	sdelay $0xe  }
0x348: {  	s0 =	spop (v2sf)  }
0x349: {  	p0 =	slt.s32 s0, $0x1  }
.Ltmp68:
0x34a: {  	_ = 	snop;
	(pc) =	sbr.rel @p0 .LBB2_80-.Ltmp68, $1  }
0x34b: {  	_ =	sdelay $0x3  }
0x34c: {  	p0 =	slt.s32 s28, $0x30  }
0x34d: {  	(ifvalue) =	ssetifvalue @!p0 $0xFFFFFFFF;
	s2 =	simm.s32 @!p0 $0x40  }
0x34e: {  	s6 =	simm.s32 @!p0 $0x1C000;
	s10 =	simm.s32 @!p0 $0x1A000;
	(ifvalue) =	ssetifvalue @!p0 $0xFFFFFFFF  }
0x34f: {  	[hbm4b:s11+s2] =	stream.indirect.scatter @!p0 [tilespmem:s10], [sflag:$0x2], $0x80, s6, s2, $0x40b8;
	[tilespmem:$0x1D100] =	vst v63  }
0x350: {  	s2 =	simm.s32 @!p0 $0x2  }
0x351: {  	_ =	swait.ge @!p0 [sflag:s2], $0x2000  }
0x352: {  	[sflag:s2] =	ssyncset.done @!p0 $0x0  }
0x353: {  	v13 =	vimm.s32 @!p0 $0xFFFFFFFF;
	[sflag:s2] =	ssyncadd.s32 @!p0 $0xFFFFE000  }
0x354: {  	[tilespmem:$0x1C000] =	vst @!p0 v13  }
0x355: {  	[tilespmem:$0x1C010] =	vst @!p0 v13  }
0x356: {  	[tilespmem:$0x1C020] =	vst @!p0 v13  }
0x357: {  	v12 =	vadd.s32 $0xFFFE7980, v12;
	[tilespmem:$0x1C030] =	vst @!p0 v13;
	v13 =	vsel vm4, $0x1, v3  }
0x358: {  	[tilespmem:s23+$0x0] =	vst.msk vm4, v12;
	(xrf0) =	vadd.scan.msk.s32 $0xffff, v13  }
0x359: {  	p0 =	sgt.s32 s28, $0x2F;
	v12 =	vld [tilespmem:$0x1D080]  }
0x35a: {  	s28 =	simm.s32 @p0 $0x0  }
0x35b: {  	v13 =	vmov s28  }
0x35c: {  	s6 =	simm.s32 $0x0;
	v13 =	vadd.s32 $0xFFFFFFFF, v13  }
0x35d: {  	v14 =	vmov s6;
	v13 =	vbroadcast v13, $0x0  }
0x35e: {  	v15, _, _ =	vpop (xrf0);
	v14 =	vperm.xlane v12, v14  }
0x35f: {  	v13 =	vadd.s32 v15, v13  }
0x360: {  	v15 =	vadd.s32 v7, v14;
	_ =	sdelay $0x1  }
0x361: {  	s10 =	sor.u32 $0x30, s30  }
0x362: {  	v16 =	vor.u32 s10, v4  }
0x363: {  	p0 =	sne.s32 s0, $0x1;
	[tilespmem:v13+s24+$0x0] =	vst.idx.msk vm4, v16  }
.Ltmp69:
0x364: {  	v13 =	vor.u32 $0x800, v7;
	v15 =	vld.idx.msk [tilespmem:v15+s25+$0x0], $0xffff;
	(pc) =	sbr.rel @!p0 .LBB2_79-.Ltmp69, $4  }
0x365: {  	v14 =	vadd.s32 v13, v14  }
0x366: {  	s31 =	sshll.u32 s28, $0x9  }
0x367: {  	s2 =	sshra.s32 s31, $0x2  }
0x368: {  	s6 =	sadd.s32 $0x1A010, s2;
	s2 =	simm.s32 $0x1  }
.LBB2_78:
0x369: {  	v16 =	vmov s2;
	s2 =	sadd.s32 $0x1, s2;
	[tilespmem:s6+$0xFFFFFFF0] =	vst v15  }
0x36a: {  	v16 =	vperm.xlane v12, v16;
	p0 =	sne.s32 s0, s2;
	v14 =	vld.idx.msk [tilespmem:v14+s25+$0x0], $0xffff;
	_ =	sdelay $0x1  }
0x36b: {  	v15 =	vadd.s32 v7, v16;
	_ =	sdelay $0x3  }
0x36c: {  	[tilespmem:s6+$0x0] =	vst v14  }
0x36d: {  	v15 =	vld.idx.msk [tilespmem:v15+s25+$0x0], $0xffff  }
.Ltmp70:
0x36e: {  	(pc) =	sbr.rel @p0 .LBB2_78-.Ltmp70, $2  }
0x36f: {  	v14 =	vadd.s32 v13, v16;
	_ =	sdelay $0x2  }
0x370: {  	s6 =	sadd.s32 $0x80, s6  }
.LBB2_79:
0x371: {  	_ =	sdelay $0x2  }
0x372: {  	[tilespmem:s6+$0xFFFFFFF0] =	vst v15  }
0x373: {  	v12 =	vld.idx.msk [tilespmem:v14+s25+$0x0], $0xffff;
	_ =	sdelay $0x4  }
0x374: {  	s28 =	sadd.s32 s0, s28;
	[tilespmem:s6+$0x0] =	vst v12  }
.LBB2_80:
0x375: {  	v12 =	vmpcnt.ones.xlane vm3;
	_ =	sdelay $0x1  }
0x376: {  	(v2sf) =	vpush v12, $0x0;
	_ =	sdelay $0xe  }
0x377: {  	s0 =	spop (v2sf)  }
0x378: {  	p0 =	slt.s32 s0, $0x1  }
.Ltmp71:
0x379: {  	_ = 	snop;
	(pc) =	sbr.rel @p0 .LBB2_84-.Ltmp71, $1  }
0x37a: {  	_ =	sdelay $0x3  }
0x37b: {  	p0 =	slt.s32 s28, $0x30  }
0x37c: {  	(ifvalue) =	ssetifvalue @!p0 $0xFFFFFFFF;
	s2 =	simm.s32 @!p0 $0x40  }
0x37d: {  	s6 =	simm.s32 @!p0 $0x1C000;
	s10 =	simm.s32 @!p0 $0x1A000;
	(ifvalue) =	ssetifvalue @!p0 $0xFFFFFFFF  }
0x37e: {  	[hbm4b:s11+s2] =	stream.indirect.scatter @!p0 [tilespmem:s10], [sflag:$0x2], $0x80, s6, s2, $0x40b8;
	[tilespmem:$0x1D100] =	vst v63  }
0x37f: {  	s2 =	simm.s32 @!p0 $0x2  }
0x380: {  	_ =	swait.ge @!p0 [sflag:s2], $0x2000  }
0x381: {  	[sflag:s2] =	ssyncset.done @!p0 $0x0  }
0x382: {  	v12 =	vimm.s32 @!p0 $0xFFFFFFFF;
	[sflag:s2] =	ssyncadd.s32 @!p0 $0xFFFFE000  }
0x383: {  	[tilespmem:$0x1C000] =	vst @!p0 v12  }
0x384: {  	[tilespmem:$0x1C010] =	vst @!p0 v12  }
0x385: {  	[tilespmem:$0x1C020] =	vst @!p0 v12  }
0x386: {  	v11 =	vadd.s32 $0xFFFE7980, v11;
	[tilespmem:$0x1C030] =	vst @!p0 v12;
	v12 =	vsel vm3, $0x1, v3  }
0x387: {  	[tilespmem:s23+$0x0] =	vst.msk vm3, v11;
	(xrf0) =	vadd.scan.msk.s32 $0xffff, v12  }
0x388: {  	p0 =	sgt.s32 s28, $0x2F;
	v11 =	vld [tilespmem:$0x1D080]  }
0x389: {  	s28 =	simm.s32 @p0 $0x0  }
0x38a: {  	v12 =	vmov s28  }
0x38b: {  	s6 =	simm.s32 $0x0;
	v12 =	vadd.s32 $0xFFFFFFFF, v12  }
0x38c: {  	v13 =	vmov s6;
	v12 =	vbroadcast v12, $0x0  }
0x38d: {  	v14, _, _ =	vpop (xrf0);
	v13 =	vperm.xlane v11, v13  }
0x38e: {  	v12 =	vadd.s32 v14, v12  }
0x38f: {  	v14 =	vadd.s32 v7, v13;
	_ =	sdelay $0x1  }
0x390: {  	s10 =	sor.u32 $0x40, s30  }
0x391: {  	v15 =	vor.u32 s10, v4  }
0x392: {  	p0 =	sne.s32 s0, $0x1;
	[tilespmem:v12+s24+$0x0] =	vst.idx.msk vm3, v15  }
.Ltmp72:
0x393: {  	v12 =	vor.u32 $0x800, v7;
	v14 =	vld.idx.msk [tilespmem:v14+s25+$0x0], $0xffff;
	(pc) =	sbr.rel @!p0 .LBB2_83-.Ltmp72, $4  }
0x394: {  	v13 =	vadd.s32 v12, v13  }
0x395: {  	s31 =	sshll.u32 s28, $0x9  }
0x396: {  	s2 =	sshra.s32 s31, $0x2  }
0x397: {  	s6 =	sadd.s32 $0x1A010, s2;
	s2 =	simm.s32 $0x1  }
.LBB2_82:
0x398: {  	v15 =	vmov s2;
	s2 =	sadd.s32 $0x1, s2;
	[tilespmem:s6+$0xFFFFFFF0] =	vst v14  }
0x399: {  	v15 =	vperm.xlane v11, v15;
	p0 =	sne.s32 s0, s2;
	v13 =	vld.idx.msk [tilespmem:v13+s25+$0x0], $0xffff;
	_ =	sdelay $0x1  }
0x39a: {  	v14 =	vadd.s32 v7, v15;
	_ =	sdelay $0x3  }
0x39b: {  	[tilespmem:s6+$0x0] =	vst v13  }
0x39c: {  	v14 =	vld.idx.msk [tilespmem:v14+s25+$0x0], $0xffff  }
.Ltmp73:
0x39d: {  	(pc) =	sbr.rel @p0 .LBB2_82-.Ltmp73, $2  }
0x39e: {  	v13 =	vadd.s32 v12, v15;
	_ =	sdelay $0x2  }
0x39f: {  	s6 =	sadd.s32 $0x80, s6  }
.LBB2_83:
0x3a0: {  	_ =	sdelay $0x2  }
0x3a1: {  	[tilespmem:s6+$0xFFFFFFF0] =	vst v14  }
0x3a2: {  	v11 =	vld.idx.msk [tilespmem:v13+s25+$0x0], $0xffff;
	_ =	sdelay $0x4  }
0x3a3: {  	s28 =	sadd.s32 s0, s28;
	[tilespmem:s6+$0x0] =	vst v11  }
.LBB2_84:
0x3a4: {  	v11 =	vmpcnt.ones.xlane vm2;
	_ =	sdelay $0x1  }
0x3a5: {  	(v2sf) =	vpush v11, $0x0;
	_ =	sdelay $0xe  }
0x3a6: {  	s0 =	spop (v2sf)  }
0x3a7: {  	p0 =	slt.s32 s0, $0x1  }
.Ltmp74:
0x3a8: {  	_ = 	snop;
	(pc) =	sbr.rel @p0 .LBB2_88-.Ltmp74, $1  }
0x3a9: {  	_ =	sdelay $0x3  }
0x3aa: {  	p0 =	slt.s32 s28, $0x30  }
0x3ab: {  	(ifvalue) =	ssetifvalue @!p0 $0xFFFFFFFF;
	s2 =	simm.s32 @!p0 $0x40  }
0x3ac: {  	s6 =	simm.s32 @!p0 $0x1C000;
	s10 =	simm.s32 @!p0 $0x1A000;
	(ifvalue) =	ssetifvalue @!p0 $0xFFFFFFFF  }
0x3ad: {  	[hbm4b:s11+s2] =	stream.indirect.scatter @!p0 [tilespmem:s10], [sflag:$0x2], $0x80, s6, s2, $0x40b8;
	[tilespmem:$0x1D100] =	vst v63  }
0x3ae: {  	s2 =	simm.s32 @!p0 $0x2  }
0x3af: {  	_ =	swait.ge @!p0 [sflag:s2], $0x2000  }
0x3b0: {  	[sflag:s2] =	ssyncset.done @!p0 $0x0  }
0x3b1: {  	v11 =	vimm.s32 @!p0 $0xFFFFFFFF;
	[sflag:s2] =	ssyncadd.s32 @!p0 $0xFFFFE000  }
0x3b2: {  	[tilespmem:$0x1C000] =	vst @!p0 v11  }
0x3b3: {  	[tilespmem:$0x1C010] =	vst @!p0 v11  }
0x3b4: {  	[tilespmem:$0x1C020] =	vst @!p0 v11  }
0x3b5: {  	v10 =	vadd.s32 $0xFFFE7980, v10;
	[tilespmem:$0x1C030] =	vst @!p0 v11;
	v11 =	vsel vm2, $0x1, v3  }
0x3b6: {  	[tilespmem:s23+$0x0] =	vst.msk vm2, v10;
	(xrf0) =	vadd.scan.msk.s32 $0xffff, v11  }
0x3b7: {  	p0 =	sgt.s32 s28, $0x2F;
	v10 =	vld [tilespmem:$0x1D080]  }
0x3b8: {  	s28 =	simm.s32 @p0 $0x0  }
0x3b9: {  	v11 =	vmov s28  }
0x3ba: {  	s6 =	simm.s32 $0x0;
	v11 =	vadd.s32 $0xFFFFFFFF, v11  }
0x3bb: {  	v12 =	vmov s6;
	v11 =	vbroadcast v11, $0x0  }
0x3bc: {  	v13, _, _ =	vpop (xrf0);
	v12 =	vperm.xlane v10, v12  }
0x3bd: {  	v11 =	vadd.s32 v13, v11  }
0x3be: {  	v13 =	vadd.s32 v7, v12;
	_ =	sdelay $0x1  }
0x3bf: {  	s10 =	sor.u32 $0x50, s30  }
0x3c0: {  	v14 =	vor.u32 s10, v4  }
0x3c1: {  	p0 =	sne.s32 s0, $0x1;
	[tilespmem:v11+s24+$0x0] =	vst.idx.msk vm2, v14  }
.Ltmp75:
0x3c2: {  	v11 =	vor.u32 $0x800, v7;
	v13 =	vld.idx.msk [tilespmem:v13+s25+$0x0], $0xffff;
	(pc) =	sbr.rel @!p0 .LBB2_87-.Ltmp75, $4  }
0x3c3: {  	v12 =	vadd.s32 v11, v12  }
0x3c4: {  	s31 =	sshll.u32 s28, $0x9  }
0x3c5: {  	s2 =	sshra.s32 s31, $0x2  }
0x3c6: {  	s6 =	sadd.s32 $0x1A010, s2;
	s2 =	simm.s32 $0x1  }
.LBB2_86:
0x3c7: {  	v14 =	vmov s2;
	s2 =	sadd.s32 $0x1, s2;
	[tilespmem:s6+$0xFFFFFFF0] =	vst v13  }
0x3c8: {  	v14 =	vperm.xlane v10, v14;
	p0 =	sne.s32 s0, s2;
	v12 =	vld.idx.msk [tilespmem:v12+s25+$0x0], $0xffff;
	_ =	sdelay $0x1  }
0x3c9: {  	v13 =	vadd.s32 v7, v14;
	_ =	sdelay $0x3  }
0x3ca: {  	[tilespmem:s6+$0x0] =	vst v12  }
0x3cb: {  	v13 =	vld.idx.msk [tilespmem:v13+s25+$0x0], $0xffff  }
.Ltmp76:
0x3cc: {  	(pc) =	sbr.rel @p0 .LBB2_86-.Ltmp76, $2  }
0x3cd: {  	v12 =	vadd.s32 v11, v14;
	_ =	sdelay $0x2  }
0x3ce: {  	s6 =	sadd.s32 $0x80, s6  }
.LBB2_87:
0x3cf: {  	_ =	sdelay $0x2  }
0x3d0: {  	[tilespmem:s6+$0xFFFFFFF0] =	vst v13  }
0x3d1: {  	v10 =	vld.idx.msk [tilespmem:v12+s25+$0x0], $0xffff;
	_ =	sdelay $0x4  }
0x3d2: {  	s28 =	sadd.s32 s0, s28;
	[tilespmem:s6+$0x0] =	vst v10  }
.LBB2_88:
0x3d3: {  	v10 =	vmpcnt.ones.xlane vm1;
	_ =	sdelay $0x1  }
0x3d4: {  	(v2sf) =	vpush v10, $0x0;
	_ =	sdelay $0xe  }
0x3d5: {  	s0 =	spop (v2sf)  }
0x3d6: {  	p0 =	slt.s32 s0, $0x1  }
.Ltmp77:
0x3d7: {  	_ = 	snop;
	(pc) =	sbr.rel @p0 .LBB2_92-.Ltmp77, $1  }
0x3d8: {  	_ =	sdelay $0x3  }
0x3d9: {  	p0 =	slt.s32 s28, $0x30  }
0x3da: {  	(ifvalue) =	ssetifvalue @!p0 $0xFFFFFFFF;
	s2 =	simm.s32 @!p0 $0x40  }
0x3db: {  	s6 =	simm.s32 @!p0 $0x1C000;
	s10 =	simm.s32 @!p0 $0x1A000;
	(ifvalue) =	ssetifvalue @!p0 $0xFFFFFFFF  }
0x3dc: {  	[hbm4b:s11+s2] =	stream.indirect.scatter @!p0 [tilespmem:s10], [sflag:$0x2], $0x80, s6, s2, $0x40b8;
	[tilespmem:$0x1D100] =	vst v63  }
0x3dd: {  	s2 =	simm.s32 @!p0 $0x2  }
0x3de: {  	_ =	swait.ge @!p0 [sflag:s2], $0x2000  }
0x3df: {  	[sflag:s2] =	ssyncset.done @!p0 $0x0  }
0x3e0: {  	v10 =	vimm.s32 @!p0 $0xFFFFFFFF;
	[sflag:s2] =	ssyncadd.s32 @!p0 $0xFFFFE000  }
0x3e1: {  	[tilespmem:$0x1C000] =	vst @!p0 v10  }
0x3e2: {  	[tilespmem:$0x1C010] =	vst @!p0 v10  }
0x3e3: {  	[tilespmem:$0x1C020] =	vst @!p0 v10  }
0x3e4: {  	v9 =	vadd.s32 $0xFFFE7980, v9;
	[tilespmem:$0x1C030] =	vst @!p0 v10;
	v10 =	vsel vm1, $0x1, v3  }
0x3e5: {  	[tilespmem:s23+$0x0] =	vst.msk vm1, v9;
	(xrf0) =	vadd.scan.msk.s32 $0xffff, v10  }
0x3e6: {  	p0 =	sgt.s32 s28, $0x2F;
	v9 =	vld [tilespmem:$0x1D080]  }
0x3e7: {  	s28 =	simm.s32 @p0 $0x0  }
0x3e8: {  	v10 =	vmov s28  }
0x3e9: {  	s6 =	simm.s32 $0x0;
	v10 =	vadd.s32 $0xFFFFFFFF, v10  }
0x3ea: {  	v11 =	vmov s6;
	v10 =	vbroadcast v10, $0x0  }
0x3eb: {  	v12, _, _ =	vpop (xrf0);
	v11 =	vperm.xlane v9, v11  }
0x3ec: {  	v10 =	vadd.s32 v12, v10  }
0x3ed: {  	v12 =	vadd.s32 v7, v11;
	_ =	sdelay $0x1  }
0x3ee: {  	s10 =	sor.u32 $0x60, s30  }
0x3ef: {  	v13 =	vor.u32 s10, v4  }
0x3f0: {  	p0 =	sne.s32 s0, $0x1;
	[tilespmem:v10+s24+$0x0] =	vst.idx.msk vm1, v13  }
.Ltmp78:
0x3f1: {  	v10 =	vor.u32 $0x800, v7;
	v12 =	vld.idx.msk [tilespmem:v12+s25+$0x0], $0xffff;
	(pc) =	sbr.rel @!p0 .LBB2_91-.Ltmp78, $4  }
0x3f2: {  	v11 =	vadd.s32 v10, v11  }
0x3f3: {  	s31 =	sshll.u32 s28, $0x9  }
0x3f4: {  	s2 =	sshra.s32 s31, $0x2  }
0x3f5: {  	s6 =	sadd.s32 $0x1A010, s2;
	s2 =	simm.s32 $0x1  }
.LBB2_90:
0x3f6: {  	v13 =	vmov s2;
	s2 =	sadd.s32 $0x1, s2;
	[tilespmem:s6+$0xFFFFFFF0] =	vst v12  }
0x3f7: {  	v13 =	vperm.xlane v9, v13;
	p0 =	sne.s32 s0, s2;
	v11 =	vld.idx.msk [tilespmem:v11+s25+$0x0], $0xffff;
	_ =	sdelay $0x1  }
0x3f8: {  	v12 =	vadd.s32 v7, v13;
	_ =	sdelay $0x3  }
0x3f9: {  	[tilespmem:s6+$0x0] =	vst v11  }
0x3fa: {  	v12 =	vld.idx.msk [tilespmem:v12+s25+$0x0], $0xffff  }
.Ltmp79:
0x3fb: {  	(pc) =	sbr.rel @p0 .LBB2_90-.Ltmp79, $2  }
0x3fc: {  	v11 =	vadd.s32 v10, v13;
	_ =	sdelay $0x2  }
0x3fd: {  	s6 =	sadd.s32 $0x80, s6  }
.LBB2_91:
0x3fe: {  	_ =	sdelay $0x2  }
0x3ff: {  	[tilespmem:s6+$0xFFFFFFF0] =	vst v12  }
0x400: {  	v9 =	vld.idx.msk [tilespmem:v11+s25+$0x0], $0xffff;
	_ =	sdelay $0x4  }
0x401: {  	s28 =	sadd.s32 s0, s28;
	[tilespmem:s6+$0x0] =	vst v9  }
.LBB2_92:
0x402: {  	v9 =	vmpcnt.ones.xlane vm0;
	_ =	sdelay $0x1  }
0x403: {  	(v2sf) =	vpush v9, $0x0;
	_ =	sdelay $0xe  }
0x404: {  	s0 =	spop (v2sf)  }
0x405: {  	p0 =	slt.s32 s0, $0x1  }
.Ltmp80:
0x406: {  	_ = 	snop;
	(pc) =	sbr.rel @p0 .LBB2_96-.Ltmp80, $1  }
0x407: {  	_ =	sdelay $0x3  }
0x408: {  	p0 =	slt.s32 s28, $0x30  }
0x409: {  	(ifvalue) =	ssetifvalue @!p0 $0xFFFFFFFF;
	s2 =	simm.s32 @!p0 $0x40  }
0x40a: {  	s6 =	simm.s32 @!p0 $0x1C000;
	s10 =	simm.s32 @!p0 $0x1A000;
	(ifvalue) =	ssetifvalue @!p0 $0xFFFFFFFF  }
0x40b: {  	[hbm4b:s11+s2] =	stream.indirect.scatter @!p0 [tilespmem:s10], [sflag:$0x2], $0x80, s6, s2, $0x40b8;
	[tilespmem:$0x1D100] =	vst v63  }
0x40c: {  	s2 =	simm.s32 @!p0 $0x2  }
0x40d: {  	_ =	swait.ge @!p0 [sflag:s2], $0x2000  }
0x40e: {  	[sflag:s2] =	ssyncset.done @!p0 $0x0  }
0x40f: {  	v9 =	vimm.s32 @!p0 $0xFFFFFFFF;
	[sflag:s2] =	ssyncadd.s32 @!p0 $0xFFFFE000  }
0x410: {  	[tilespmem:$0x1C000] =	vst @!p0 v9  }
0x411: {  	[tilespmem:$0x1C010] =	vst @!p0 v9  }
0x412: {  	[tilespmem:$0x1C020] =	vst @!p0 v9  }
0x413: {  	v8 =	vadd.s32 $0xFFFE7980, v8;
	[tilespmem:$0x1C030] =	vst @!p0 v9;
	v9 =	vsel vm0, $0x1, v3  }
0x414: {  	[tilespmem:s23+$0x0] =	vst.msk vm0, v8;
	(xrf0) =	vadd.scan.msk.s32 $0xffff, v9  }
0x415: {  	p0 =	sgt.s32 s28, $0x2F;
	v8 =	vld [tilespmem:$0x1D080]  }
0x416: {  	s28 =	simm.s32 @p0 $0x0  }
0x417: {  	v9 =	vmov s28  }
0x418: {  	s10 =	simm.s32 $0x0;
	v9 =	vadd.s32 $0xFFFFFFFF, v9  }
0x419: {  	v10 =	vmov s10;
	v9 =	vbroadcast v9, $0x0  }
0x41a: {  	v11, _, _ =	vpop (xrf0);
	v10 =	vperm.xlane v8, v10  }
0x41b: {  	v9 =	vadd.s32 v11, v9  }
0x41c: {  	v11 =	vadd.s32 v7, v10;
	_ =	sdelay $0x1  }
0x41d: {  	s30 =	sor.u32 $0x70, s30  }
0x41e: {  	v12 =	vor.u32 s30, v4  }
0x41f: {  	p0 =	sne.s32 s0, $0x1;
	[tilespmem:v9+s24+$0x0] =	vst.idx.msk vm0, v12  }
.Ltmp81:
0x420: {  	v9 =	vor.u32 $0x800, v7;
	v11 =	vld.idx.msk [tilespmem:v11+s25+$0x0], $0xffff;
	(pc) =	sbr.rel @!p0 .LBB2_95-.Ltmp81, $4  }
0x421: {  	v10 =	vadd.s32 v9, v10  }
0x422: {  	s31 =	sshll.u32 s28, $0x9  }
0x423: {  	s2 =	sshra.s32 s31, $0x2  }
0x424: {  	s6 =	sadd.s32 $0x1A010, s2;
	s2 =	simm.s32 $0x1  }
.LBB2_94:
0x425: {  	v12 =	vmov s2;
	s2 =	sadd.s32 $0x1, s2;
	[tilespmem:s6+$0xFFFFFFF0] =	vst v11  }
0x426: {  	v12 =	vperm.xlane v8, v12;
	p0 =	sne.s32 s0, s2;
	v10 =	vld.idx.msk [tilespmem:v10+s25+$0x0], $0xffff;
	_ =	sdelay $0x1  }
0x427: {  	v11 =	vadd.s32 v7, v12;
	_ =	sdelay $0x3  }
0x428: {  	[tilespmem:s6+$0x0] =	vst v10  }
0x429: {  	v11 =	vld.idx.msk [tilespmem:v11+s25+$0x0], $0xffff  }
.Ltmp82:
0x42a: {  	(pc) =	sbr.rel @p0 .LBB2_94-.Ltmp82, $2  }
0x42b: {  	v10 =	vadd.s32 v9, v12;
	_ =	sdelay $0x2  }
0x42c: {  	s6 =	sadd.s32 $0x80, s6  }
.Ltmp83:
0x42d: {  	_ = 	snop;
	(pc) =	sbr.rel .LBB2_95-.Ltmp83, $1  }
0x42e: {  	_ =	sdelay $0x3  }
.LBB2_99:
0x42f: {  	_ =	sfence.sel $0x180000  }
0x430: {  	[bflag:$0x0] =	sbarrier.arrive $0xFFFF  }
0x431: {  	_ =	strace $0x90000047  }
0x432: {  	s0 =	stileid.u32;
	[bflag:$0x2] =	sbarrier.arrive $0xFFFF  }
0x433: {  	p0 =	sne.s32 s0, $0x0;
	s0 =	rddreg [dreg:$0x4]  }
0x434: {  	s0 =	sadd.s32 @!p0 $0x100000, s0  }
0x435: {  	[sflag:s0] =	ssyncadd.tile.s32 @!p0 $0x1;
	_ =	shalt  }
.Lfunc_end2:
_tile_overlayer_lowered:
.L_overlay_start_2:
0x436: {  	(tag) =	ssettag $0x2  }
0x437: {  	s0 =	rddreg [dreg:$0x0];
	s2 =	stileid.u32  }
0x438: {  	s1 =	rddreg [dreg:$0x1];
	p0 =	sne.s32 s2, $0x0  }
0x439: {  	s3 =	rddreg [dreg:$0x2];
	[bflag:$0x3] =	sbarrier.arrive $0xFFFF;
	s2 =	simm.s32 @!p0 $0x1C03  }
0x43a: {  	[timem:s3], [sflag:s2] =	dma.local @!p0 [hbm:s0], s1  }
0x43b: {  	s0 =	simm.s32 @!p0 $0x3  }
0x43c: {  	_ =	swait.ge @!p0 [sflag:s0], s1  }
0x43d: {  	s1 =	ssub.s32 @!p0 $0x0, s1;
	[sflag:s0] =	ssyncset.done @!p0 $0x0  }
0x43e: {  	[sflag:s0] =	ssyncadd.s32 @!p0 s1  }
0x43f: {  	[bflag:$0x3] =	sbarrier.arrive $0xFFFF  }
0x440: {  	_ =	shalt  }

</sc_bundles>
